<compile_context>
chip_gen: v7x
topology: tpu7x:2x2x1
jax: 0.10.2.dev20260603
libtpu: 0.0.44.dev20260713+nightly
codegen_flags: <defaults>
</compile_context>

<pallas_src>
import functools

import jax
import jax.numpy as jnp
from jax import lax
from jax.experimental import pallas as pl
from jax.experimental.pallas import tpu as pltpu
from jax.experimental.pallas import tpu_sc as plsc

_N = 10000
_DIN = 128
_DOUT = 160
_NS = 5
_DC = _DOUT // _NS
_E = 100000

_NSUB = 16
_CHUNK = 512
_KIDX = _CHUNK // 128
_BPT = 13
_EPT = _BPT * _CHUNK
_EP = _EPT * _NSUB
_KPT = _BPT * _KIDX
_PASSES = ((0, 2), (2, 2), (4, 1))
_ACC_ROWS = 2 * _N
_SEG = _N // _NSUB


def _mm_body(u_ref, it_ref, w_ref, oa_ref, ob_ref):
    d = pl.program_id(0)
    x = jnp.where(d == 0, it_ref[...], u_ref[...])
    oa_ref[...] = jnp.dot(x, w_ref[:, pl.ds(0, 4 * _DC)],
                          preferred_element_type=jnp.float32
                          ).astype(jnp.bfloat16)
    ob_ref[...] = jnp.dot(x, w_ref[:, pl.ds(4 * _DC, _DC)],
                          preferred_element_type=jnp.float32
                          ).astype(jnp.bfloat16)


def _tables(u, it, w):
    return pl.pallas_call(
        _mm_body,
        grid=(2,),
        in_specs=[
            pl.BlockSpec((_N, _DIN), lambda d: (0, 0)),
            pl.BlockSpec((_N, _DIN), lambda d: (0, 0)),
            pl.BlockSpec((_DIN, _DOUT), lambda d: (0, 0)),
        ],
        out_specs=[
            pl.BlockSpec((_N, 4 * _DC), lambda d: (d, 0)),
            pl.BlockSpec((_N, _DC), lambda d: (d, 0)),
        ],
        out_shape=[
            jax.ShapeDtypeStruct((2 * _N, 4 * _DC), jnp.bfloat16),
            jax.ShapeDtypeStruct((2 * _N, _DC), jnp.bfloat16),
        ],
    )(u, it, w)


def _prep_body(r_ref, c_ref, v_ref, gi_ref, si_ref, va_ref):
    d = pl.program_id(0)
    ii = lax.broadcasted_iota(jnp.int32, (_NS, _EP - _E), 1) % _N
    r = jnp.concatenate([r_ref[...], ii], axis=1)
    c = jnp.concatenate([c_ref[...], ii], axis=1)
    lvl = lax.broadcasted_iota(jnp.int32, (_NS, _EP), 0)
    first = jnp.where(d == 0, c, r)
    second = jnp.where(d == 0, r, c)
    gi = jnp.where(lvl < 4,
                   (d * _N + first) * 4 + lvl,
                   d * _N + first)
    lvl_local = jnp.where(lvl < 2, lvl, jnp.where(lvl < 4, lvl - 2, 0))
    si = lvl_local * _N + second
    gi_ref[...] = gi.reshape(_NS, _EP // 128, 128)[None]
    si_ref[...] = si.reshape(_NS, _EP // 128, 128)[None]
    va_ref[...] = jnp.concatenate(
        [v_ref[...], jnp.zeros((_NS, _EP - _E), jnp.float32)], axis=1)


def _prep(r, c, v):
    idx_shape = jax.ShapeDtypeStruct((2, _NS, _EP // 128, 128), jnp.int32)
    return pl.pallas_call(
        _prep_body,
        grid=(2,),
        in_specs=[
            pl.BlockSpec((_NS, _E), lambda d: (0, 0)),
            pl.BlockSpec((_NS, _E), lambda d: (0, 0)),
            pl.BlockSpec((_NS, _E), lambda d: (0, 0)),
        ],
        out_specs=[
            pl.BlockSpec((1, _NS, _EP // 128, 128), lambda d: (d, 0, 0, 0)),
            pl.BlockSpec((1, _NS, _EP // 128, 128), lambda d: (d, 0, 0, 0)),
            pl.BlockSpec((_NS, _EP), lambda d: (0, 0)),
        ],
        out_shape=[
            idx_shape,
            idx_shape,
            jax.ShapeDtypeStruct((_NS, _EP), jnp.float32),
        ],
    )(r, c, v)


@functools.partial(
    pl.kernel,
    out_type=jax.ShapeDtypeStruct((2, _N, _DOUT), jnp.float32),
    mesh=plsc.VectorSubcoreMesh(core_axis_name="c", subcore_axis_name="s"),
    compiler_params=pltpu.CompilerParams(
        use_tc_tiling_on_sc=False, needs_layout_passes=False),
    scratch_types=[
        pltpu.VMEM((_KPT, 128), jnp.int32),
        pltpu.VMEM((_KPT, 128), jnp.int32),
        pltpu.VMEM((_EPT,), jnp.float32),
        pltpu.VMEM((3 * _CHUNK, _DC), jnp.bfloat16),
        pltpu.VMEM((2 * _CHUNK, _DC), jnp.float32),
        pltpu.VMEM_SHARED((_ACC_ROWS, _DC), jnp.float32),
        pltpu.SemaphoreType.DMA,
        pltpu.SemaphoreType.DMA,
    ],
)
def _sc_aggregate(table_a, table_b, gidx, sidx, vals, zeros, out,
                  gi_v, si_v, vv, rows_bf, rows_f, acc, gsem, ssem):
    d = lax.axis_index("c")
    s = lax.axis_index("s")

    def _bf(buf, j):
        return rows_bf.at[pl.ds(buf * _CHUNK + j * 128, 128)]

    def _f32(buf, j):
        return rows_f.at[pl.ds(buf * _CHUNK + j * 128, 128)]

    def scale(q, bq, fq):
        @plsc.parallel_loop(0, _CHUNK // 16, 1)
        def g_body(g):
            vv16 = vv[pl.ds(q * _CHUNK + g * 16, 16)]
            e0b = bq * _CHUNK + g * 16
            e0f = fq * _CHUNK + g * 16
            for k in range(16):
                v = vv16[k]
                x = rows_bf[e0b + k, pl.ds(0, _DC)]
                lo, hi = plsc.unpack(x, format=plsc.PackFormat.INTERLEAVED)
                rows_f[e0f + k, pl.ds(0, 16)] = lo * v
                rows_f[e0f + k, pl.ds(16, 16)] = hi * v

    def do_level(i, tab):
        pltpu.sync_copy(gidx.at[d, i, pl.ds(s * _KPT, _KPT)], gi_v)
        pltpu.sync_copy(sidx.at[d, i, pl.ds(s * _KPT, _KPT)], si_v)
        pltpu.sync_copy(vals.at[i, pl.ds(s * _EPT, _EPT)], vv)

        def issue_gather(q, buf):
            for j in range(_KIDX):
                pltpu.async_copy(
                    tab.at[gi_v.at[q * _KIDX + j]], _bf(buf, j), gsem)

        def wait_gather(buf):
            for j in range(_KIDX):
                pltpu.make_async_copy(
                    tab.at[gi_v.at[j]], _bf(buf, j), gsem).wait()

        def issue_scatter(q, buf):
            for j in range(_KIDX):
                pltpu.async_copy(
                    _f32(buf, j), acc.at[si_v.at[q * _KIDX + j]],
                    ssem, add=True)

        def wait_scatter(buf):
            for j in range(_KIDX):
                pltpu.make_async_copy(
                    _f32(buf, j), acc.at[si_v.at[j]], ssem).wait()

        issue_gather(0, 0)
        issue_gather(1, 1)

        def slot_body(q, c):
            bq = lax.rem(q, 3)
            fq = lax.rem(q, 2)
            wait_gather(bq)

            @pl.when(q + 2 < _BPT)
            def _():
                issue_gather(q + 2, lax.rem(q + 2, 3))

            scale(q, bq, fq)

            @pl.when(q >= 1)
            def _():
                wait_scatter(lax.rem(q + 1, 2))

            issue_scatter(q, fq)
            return c

        lax.fori_loop(0, _BPT, slot_body, 0)
        wait_scatter(lax.rem(_BPT - 1, 2))

    for base_lvl, nlvl in _PASSES:
        stripe = nlvl * _SEG

        pltpu.sync_copy(zeros.at[pl.ds(0, stripe)],
                        acc.at[pl.ds(s * stripe, stripe)])
        plsc.subcore_barrier()

        if nlvl == 1:
            do_level(base_lvl, table_b)
        else:
            def level_body(l, carry, base_lvl=base_lvl):
                do_level(base_lvl + l, table_a)
                return carry

            lax.fori_loop(0, nlvl, level_body, 0)

        plsc.subcore_barrier()
        for il in range(nlvl):
            pltpu.sync_copy(
                acc.at[pl.ds(il * _N + s * _SEG, _SEG)],
                out.at[d, pl.ds(s * _SEG, _SEG),
                       pl.ds((base_lvl + il) * _DC, _DC)],
            )
        plsc.subcore_barrier()


def kernel(user_inputs, item_inputs, support_rows, support_cols,
           support_vals, weight):
    perm = jnp.arange(_DOUT)
    perm = ((perm // _DC) * _DC + (perm % _DC % 2) * 16 + (perm % _DC) // 2)
    w_perm = weight[:, perm]
    table_a, table_b = _tables(user_inputs, item_inputs, w_perm)
    table_a = table_a.reshape(8 * _N, _DC)
    gidx, sidx, vals = _prep(support_rows, support_cols, support_vals)
    zeros = jnp.zeros((2 * _SEG, _DC), jnp.float32)
    out = _sc_aggregate(table_a, table_b, gidx, sidx, vals, zeros)
    return (out[0], out[1])

# --- scband reference (transcript-rebuilt; emitter-appended) ---
"""Pipeline reference for scband-stack-gcnencoder-74560632259307 (READ-ONLY COPY).

The authoritative reference and input builder live on the scoring server;
editing this copy changes nothing except your own understanding.
"""

import jax, jax.numpy as jnp
import numpy as np

N_USERS = 10000
N_ITEMS = 10000
D_IN = 128
D_OUT = 160
NS = 5
E = 100000


def setup_inputs(seed: int = 0) -> dict:
    key = jax.random.key(seed)
    ks = jax.random.split(key, 6)
    user_inputs = jax.random.normal(ks[0], (N_USERS, D_IN), dtype=jnp.float32)
    item_inputs = jax.random.normal(ks[1], (N_ITEMS, D_IN), dtype=jnp.float32)
    support_rows = jax.random.randint(ks[2], (NS, E), 0, N_USERS, dtype=jnp.int32)
    support_cols = jax.random.randint(ks[3], (NS, E), 0, N_ITEMS, dtype=jnp.int32)
    support_vals = jax.random.uniform(ks[4], (NS, E), dtype=jnp.float32)
    # xavier_uniform init for weight [D_IN, D_OUT]
    limit = float(np.sqrt(6.0 / (D_IN + D_OUT)))
    weight = jax.random.uniform(ks[5], (D_IN, D_OUT), minval=-limit, maxval=limit, dtype=jnp.float32)
    return {
        "user_inputs": user_inputs,
        "item_inputs": item_inputs,
        "support_rows": support_rows,
        "support_cols": support_cols,
        "support_vals": support_vals,
        "weight": weight,
    }


def reference(user_inputs, item_inputs, support_rows, support_cols, support_vals, weight):
    # StackGCNEncoder.forward: split weight into NS chunks along output dim,
    # per rating level i:
    #   tmp_u = user_inputs @ W_i ; tmp_v = item_inputs @ W_i
    #   user_hidden_i = user_support_i (sparse [N_USERS, N_ITEMS]) @ tmp_v
    #   item_hidden_i = item_support_i (sparse [N_ITEMS, N_USERS]) @ tmp_u
    # sparse mm implemented as gather + weighted scatter-add (segment_sum).
    chunk = D_OUT // NS
    user_hidden = []
    item_hidden = []
    for i in range(NS):
        W_i = weight[:, i * chunk:(i + 1) * chunk]
        tmp_u = jnp.matmul(user_inputs, W_i)
        tmp_v = jnp.matmul(item_inputs, W_i)
        r = support_rows[i]
        c = support_cols[i]
        v = support_vals[i]
        # user_support_i @ tmp_v : gather item rows by col idx, scatter-add to user rows
        msgs_v = v[:, None] * jnp.take(tmp_v, c, axis=0)
        uh = jax.ops.segment_sum(msgs_v, r, num_segments=N_USERS)
        # item_support_i (transpose) @ tmp_u : gather user rows, scatter-add to item rows
        msgs_u = v[:, None] * jnp.take(tmp_u, r, axis=0)
        ih = jax.ops.segment_sum(msgs_u, c, num_segments=N_ITEMS)
        user_hidden.append(uh)
        item_hidden.append(ih)
    user_outputs = jnp.concatenate(user_hidden, axis=1)  # identity activation
    item_outputs = jnp.concatenate(item_hidden, axis=1)
    return (user_outputs, item_outputs)

if __name__ == "__main__":
    import jax
    _d = setup_inputs()
    print(jax.jit(kernel)(*tuple(_d.values())))

</pallas_src>

<mosaic_0001>
#map = affine_map<(d0, d1) -> (0, 0)>
#map1 = affine_map<(d0, d1) -> (0, 0, 0, 0)>
#map2 = affine_map<(d0, d1) -> (0, 0, 0)>
module attributes {stable_mosaic.version = 14 : i64} {
  func.func @_sc_aggregate(%arg0: i32, %arg1: i32, %arg2: memref<80000x32xbf16, #tpu.memory_space<hbm>>, %arg3: memref<20000x32xbf16, #tpu.memory_space<hbm>>, %arg4: memref<2x5x832x128xi32, #tpu.memory_space<hbm>>, %arg5: memref<2x5x832x128xi32, #tpu.memory_space<hbm>>, %arg6: memref<5x106496xf32, #tpu.memory_space<hbm>>, %arg7: memref<1250x32xf32, #tpu.memory_space<hbm>>, %arg8: memref<2x10000x160xf32, #tpu.memory_space<hbm>>, %arg9: memref<52x128xi32, #tpu.memory_space<vmem>>, %arg10: memref<52x128xi32, #tpu.memory_space<vmem>>, %arg11: memref<6656xf32, #tpu.memory_space<vmem>>, %arg12: memref<1536x32xbf16, #tpu.memory_space<vmem>>, %arg13: memref<1024x32xf32, #tpu.memory_space<vmem>>, %arg14: memref<20000x32xf32, #tpu.memory_space<vmem_shared>>, %arg15: memref<!tpu.dma_semaphore, #tpu.memory_space<semaphore_mem>>, %arg16: memref<!tpu.dma_semaphore, #tpu.memory_space<semaphore_mem>>) attributes {dimension_semantics = [#tpu.dimension_semantics<core_parallel>, #tpu.dimension_semantics<subcore_parallel>], iteration_bounds = array<i64: 2, 16>, scalar_prefetch = 0 : i64, scratch_operands = 8 : i64, tpu.core_type = #tpu.core_type<sc_vector_subcore>, window_params = [{transform_indices = #map}, {transform_indices = #map}, {transform_indices = #map1}, {transform_indices = #map1}, {transform_indices = #map}, {transform_indices = #map}, {transform_indices = #map2}]} {
    %mul3A = arith.constant 1250 : i32
    %mul3A_0 = arith.muli %arg1, %mul3A : i32
    "tpu.region"() ({
      %run_scoped3A_199 = tpu.sem_alloc : memref<!tpu.dma_semaphore, #tpu.memory_space<semaphore_mem>>
      %dma_start3A_200 = arith.constant 0 : i32
      %dma_start3A_201 = tpu.memref_slice %arg14[%mul3A_0, %dma_start3A_200] : memref<20000x32xf32, #tpu.memory_space<vmem_shared>> -> memref<1250x32xf32, #tpu.memory_space<vmem_shared>>
      %dma_start3A_202 = arith.constant 0 : i32
      %dma_start3A_203 = arith.constant 0 : i32
      %dma_start3A_204 = tpu.memref_slice %arg7[%dma_start3A_202, %dma_start3A_203] : memref<1250x32xf32, #tpu.memory_space<hbm>> -> memref<1250x32xf32, #tpu.memory_space<hbm>>
      tpu.enqueue_dma source(%dma_start3A_204 : memref<1250x32xf32, #tpu.memory_space<hbm>>) target(%dma_start3A_201 : memref<1250x32xf32, #tpu.memory_space<vmem_shared>>) target_semaphore(%run_scoped3A_199 : memref<!tpu.dma_semaphore, #tpu.memory_space<semaphore_mem>>)
      %dma_wait3A_205 = arith.constant 0 : i32
      %dma_wait3A_206 = tpu.memref_slice %arg14[%mul3A_0, %dma_wait3A_205] : memref<20000x32xf32, #tpu.memory_space<vmem_shared>> -> memref<1250x32xf32, #tpu.memory_space<vmem_shared>>
      %dma_wait3A_207 = arith.constant 0 : i32
      %dma_wait3A_208 = arith.constant 0 : i32
      %dma_wait3A_209 = tpu.memref_slice %arg7[%dma_wait3A_207, %dma_wait3A_208] : memref<1250x32xf32, #tpu.memory_space<hbm>> -> memref<1250x32xf32, #tpu.memory_space<hbm>>
      tpu.wait_dma2 semaphore(%run_scoped3A_199 : memref<!tpu.dma_semaphore, #tpu.memory_space<semaphore_mem>>) src(%dma_wait3A_209 : memref<1250x32xf32, #tpu.memory_space<hbm>>) dst(%dma_wait3A_206 : memref<1250x32xf32, #tpu.memory_space<vmem_shared>>)
      tpu.yield
    }) : () -> ()
    %barrier3A = arith.constant 0 : index
    tpu.barrier barrier_id(%barrier3A)
    %scan3A = arith.constant 0 : i32
    %scan3A_1 = arith.constant 0 : i32
    %scan3A_2 = arith.constant 2 : i32
    %scan3A_3 = arith.addi %scan3A_1, %scan3A_2 : i32
    %scan3A_4 = arith.constant 1 : i32
    scf.for %scan3A_199 = %scan3A_1 to %scan3A_3 step %scan3A_4  : i32 {
      %add3A_200 = arith.constant 0 : i32
      %add3A_201 = arith.addi %add3A_200, %scan3A_199 : i32
      %mul3A_202 = arith.constant 52 : i32
      %mul3A_203 = arith.muli %arg1, %mul3A_202 : i32
      "tpu.region"() ({
        %run_scoped3A_349 = tpu.sem_alloc : memref<!tpu.dma_semaphore, #tpu.memory_space<semaphore_mem>>
        %dma_start3A_350 = arith.constant 0 : i32
        %dma_start3A_351 = tpu.memref_slice %arg4[%arg0, %add3A_201, %mul3A_203, %dma_start3A_350] : memref<2x5x832x128xi32, #tpu.memory_space<hbm>> -> memref<1x1x52x128xi32, #tpu.memory_space<hbm>>
        %dma_start3A_352 = tpu.memref_squeeze %dma_start3A_351 : memref<1x1x52x128xi32, #tpu.memory_space<hbm>> -> memref<52x128xi32, #tpu.memory_space<hbm>>
        %dma_start3A_353 = arith.constant 0 : i32
        %dma_start3A_354 = tpu.memref_slice %arg4[%arg0, %add3A_201, %mul3A_203, %dma_start3A_353] : memref<2x5x832x128xi32, #tpu.memory_space<hbm>> -> memref<1x1x52x128xi32, #tpu.memory_space<hbm>>
        %dma_start3A_355 = tpu.memref_squeeze %dma_start3A_354 : memref<1x1x52x128xi32, #tpu.memory_space<hbm>> -> memref<52x128xi32, #tpu.memory_space<hbm>>
        tpu.enqueue_dma source(%dma_start3A_355 : memref<52x128xi32, #tpu.memory_space<hbm>>) target(%arg9 : memref<52x128xi32, #tpu.memory_space<vmem>>) target_semaphore(%run_scoped3A_349 : memref<!tpu.dma_semaphore, #tpu.memory_space<semaphore_mem>>)
        %dma_wait3A_356 = arith.constant 0 : i32
        %dma_wait3A_357 = tpu.memref_slice %arg4[%arg0, %add3A_201, %mul3A_203, %dma_wait3A_356] : memref<2x5x832x128xi32, #tpu.memory_space<hbm>> -> memref<1x1x52x128xi32, #tpu.memory_space<hbm>>
        %dma_wait3A_358 = tpu.memref_squeeze %dma_wait3A_357 : memref<1x1x52x128xi32, #tpu.memory_space<hbm>> -> memref<52x128xi32, #tpu.memory_space<hbm>>
        %dma_wait3A_359 = arith.constant 0 : i32
        %dma_wait3A_360 = tpu.memref_slice %arg4[%arg0, %add3A_201, %mul3A_203, %dma_wait3A_359] : memref<2x5x832x128xi32, #tpu.memory_space<hbm>> -> memref<1x1x52x128xi32, #tpu.memory_space<hbm>>
        %dma_wait3A_361 = tpu.memref_squeeze %dma_wait3A_360 : memref<1x1x52x128xi32, #tpu.memory_space<hbm>> -> memref<52x128xi32, #tpu.memory_space<hbm>>
        tpu.wait_dma2 semaphore(%run_scoped3A_349 : memref<!tpu.dma_semaphore, #tpu.memory_space<semaphore_mem>>) src(%dma_wait3A_361 : memref<52x128xi32, #tpu.memory_space<hbm>>) dst(%arg9 : memref<52x128xi32, #tpu.memory_space<vmem>>)
        tpu.yield
      }) : () -> ()
      %mul3A_204 = arith.constant 52 : i32
      %mul3A_205 = arith.muli %arg1, %mul3A_204 : i32
      "tpu.region"() ({
        %run_scoped3A_349 = tpu.sem_alloc : memref<!tpu.dma_semaphore, #tpu.memory_space<semaphore_mem>>
        %dma_start3A_350 = arith.constant 0 : i32
        %dma_start3A_351 = tpu.memref_slice %arg5[%arg0, %add3A_201, %mul3A_205, %dma_start3A_350] : memref<2x5x832x128xi32, #tpu.memory_space<hbm>> -> memref<1x1x52x128xi32, #tpu.memory_space<hbm>>
        %dma_start3A_352 = tpu.memref_squeeze %dma_start3A_351 : memref<1x1x52x128xi32, #tpu.memory_space<hbm>> -> memref<52x128xi32, #tpu.memory_space<hbm>>
        %dma_start3A_353 = arith.constant 0 : i32
        %dma_start3A_354 = tpu.memref_slice %arg5[%arg0, %add3A_201, %mul3A_205, %dma_start3A_353] : memref<2x5x832x128xi32, #tpu.memory_space<hbm>> -> memref<1x1x52x128xi32, #tpu.memory_space<hbm>>
        %dma_start3A_355 = tpu.memref_squeeze %dma_start3A_354 : memref<1x1x52x128xi32, #tpu.memory_space<hbm>> -> memref<52x128xi32, #tpu.memory_space<hbm>>
        tpu.enqueue_dma source(%dma_start3A_355 : memref<52x128xi32, #tpu.memory_space<hbm>>) target(%arg10 : memref<52x128xi32, #tpu.memory_space<vmem>>) target_semaphore(%run_scoped3A_349 : memref<!tpu.dma_semaphore, #tpu.memory_space<semaphore_mem>>)
        %dma_wait3A_356 = arith.constant 0 : i32
        %dma_wait3A_357 = tpu.memref_slice %arg5[%arg0, %add3A_201, %mul3A_205, %dma_wait3A_356] : memref<2x5x832x128xi32, #tpu.memory_space<hbm>> -> memref<1x1x52x128xi32, #tpu.memory_space<hbm>>
        %dma_wait3A_358 = tpu.memref_squeeze %dma_wait3A_357 : memref<1x1x52x128xi32, #tpu.memory_space<hbm>> -> memref<52x128xi32, #tpu.memory_space<hbm>>
        %dma_wait3A_359 = arith.constant 0 : i32
        %dma_wait3A_360 = tpu.memref_slice %arg5[%arg0, %add3A_201, %mul3A_205, %dma_wait3A_359] : memref<2x5x832x128xi32, #tpu.memory_space<hbm>> -> memref<1x1x52x128xi32, #tpu.memory_space<hbm>>
        %dma_wait3A_361 = tpu.memref_squeeze %dma_wait3A_360 : memref<1x1x52x128xi32, #tpu.memory_space<hbm>> -> memref<52x128xi32, #tpu.memory_space<hbm>>
        tpu.wait_dma2 semaphore(%run_scoped3A_349 : memref<!tpu.dma_semaphore, #tpu.memory_space<semaphore_mem>>) src(%dma_wait3A_361 : memref<52x128xi32, #tpu.memory_space<hbm>>) dst(%arg10 : memref<52x128xi32, #tpu.memory_space<vmem>>)
        tpu.yield
      }) : () -> ()
      %mul3A_206 = arith.constant 6656 : i32
      %mul3A_207 = arith.muli %arg1, %mul3A_206 : i32
      "tpu.region"() ({
        %run_scoped3A_349 = tpu.sem_alloc : memref<!tpu.dma_semaphore, #tpu.memory_space<semaphore_mem>>
        %dma_start3A_350 = tpu.memref_slice %arg6[%add3A_201, %mul3A_207] : memref<5x106496xf32, #tpu.memory_space<hbm>> -> memref<1x6656xf32, #tpu.memory_space<hbm>>
        %dma_start3A_351 = tpu.memref_squeeze %dma_start3A_350 : memref<1x6656xf32, #tpu.memory_space<hbm>> -> memref<6656xf32, #tpu.memory_space<hbm>>
        %dma_start3A_352 = tpu.memref_slice %arg6[%add3A_201, %mul3A_207] : memref<5x106496xf32, #tpu.memory_space<hbm>> -> memref<1x6656xf32, #tpu.memory_space<hbm>>
        %dma_start3A_353 = tpu.memref_squeeze %dma_start3A_352 : memref<1x6656xf32, #tpu.memory_space<hbm>> -> memref<6656xf32, #tpu.memory_space<hbm>>
        tpu.enqueue_dma source(%dma_start3A_353 : memref<6656xf32, #tpu.memory_space<hbm>>) target(%arg11 : memref<6656xf32, #tpu.memory_space<vmem>>) target_semaphore(%run_scoped3A_349 : memref<!tpu.dma_semaphore, #tpu.memory_space<semaphore_mem>>)
        %dma_wait3A_354 = tpu.memref_slice %arg6[%add3A_201, %mul3A_207] : memref<5x106496xf32, #tpu.memory_space<hbm>> -> memref<1x6656xf32, #tpu.memory_space<hbm>>
        %dma_wait3A_355 = tpu.memref_squeeze %dma_wait3A_354 : memref<1x6656xf32, #tpu.memory_space<hbm>> -> memref<6656xf32, #tpu.memory_space<hbm>>
        %dma_wait3A_356 = tpu.memref_slice %arg6[%add3A_201, %mul3A_207] : memref<5x106496xf32, #tpu.memory_space<hbm>> -> memref<1x6656xf32, #tpu.memory_space<hbm>>
        %dma_wait3A_357 = tpu.memref_squeeze %dma_wait3A_356 : memref<1x6656xf32, #tpu.memory_space<hbm>> -> memref<6656xf32, #tpu.memory_space<hbm>>
        tpu.wait_dma2 semaphore(%run_scoped3A_349 : memref<!tpu.dma_semaphore, #tpu.memory_space<semaphore_mem>>) src(%dma_wait3A_357 : memref<6656xf32, #tpu.memory_space<hbm>>) dst(%arg11 : memref<6656xf32, #tpu.memory_space<vmem>>)
        tpu.yield
      }) : () -> ()
      %dma_start3A_208 = arith.constant 0 : i32
      %dma_start3A_209 = arith.constant 0 : i32
      %dma_start3A_210 = arith.constant 0 : i32
      %dma_start3A_211 = tpu.memref_slice %arg12[%dma_start3A_209, %dma_start3A_210] : memref<1536x32xbf16, #tpu.memory_space<vmem>> -> memref<128x32xbf16, #tpu.memory_space<vmem>>
      %dma_start3A_212 = arith.constant 0 : i32
      %dma_start3A_213 = tpu.memref_slice %arg9[%dma_start3A_208, %dma_start3A_212] : memref<52x128xi32, #tpu.memory_space<vmem>> -> memref<1x128xi32, #tpu.memory_space<vmem>>
      %dma_start3A_214 = tpu.memref_squeeze %dma_start3A_213 : memref<1x128xi32, #tpu.memory_space<vmem>> -> memref<128xi32, #tpu.memory_space<vmem>>
      %dma_start3A_215 = arith.constant 0 : i32
      %dma_start3A_216 = arith.constant 0 : i32
      %dma_start3A_217 = tpu.memref_slice %arg2[%dma_start3A_215, %dma_start3A_216] : memref<80000x32xbf16, #tpu.memory_space<hbm>> -> memref<80000x32xbf16, #tpu.memory_space<hbm>>
      tpu.enqueue_indirect_dma source(%dma_start3A_217 : memref<80000x32xbf16, #tpu.memory_space<hbm>>) target(%dma_start3A_211 : memref<128x32xbf16, #tpu.memory_space<vmem>>) offsets(%dma_start3A_214 : memref<128xi32, #tpu.memory_space<vmem>>) semaphore(%arg15 : memref<!tpu.dma_semaphore, #tpu.memory_space<semaphore_mem>>)
      %dma_start3A_218 = arith.constant 1 : i32
      %dma_start3A_219 = arith.constant 128 : i32
      %dma_start3A_220 = arith.constant 0 : i32
      %dma_start3A_221 = tpu.memref_slice %arg12[%dma_start3A_219, %dma_start3A_220] : memref<1536x32xbf16, #tpu.memory_space<vmem>> -> memref<128x32xbf16, #tpu.memory_space<vmem>>
      %dma_start3A_222 = arith.constant 0 : i32
      %dma_start3A_223 = tpu.memref_slice %arg9[%dma_start3A_218, %dma_start3A_222] : memref<52x128xi32, #tpu.memory_space<vmem>> -> memref<1x128xi32, #tpu.memory_space<vmem>>
      %dma_start3A_224 = tpu.memref_squeeze %dma_start3A_223 : memref<1x128xi32, #tpu.memory_space<vmem>> -> memref<128xi32, #tpu.memory_space<vmem>>
      %dma_start3A_225 = arith.constant 0 : i32
      %dma_start3A_226 = arith.constant 0 : i32
      %dma_start3A_227 = tpu.memref_slice %arg2[%dma_start3A_225, %dma_start3A_226] : memref<80000x32xbf16, #tpu.memory_space<hbm>> -> memref<80000x32xbf16, #tpu.memory_space<hbm>>
      tpu.enqueue_indirect_dma source(%dma_start3A_227 : memref<80000x32xbf16, #tpu.memory_space<hbm>>) target(%dma_start3A_221 : memref<128x32xbf16, #tpu.memory_space<vmem>>) offsets(%dma_start3A_224 : memref<128xi32, #tpu.memory_space<vmem>>) semaphore(%arg15 : memref<!tpu.dma_semaphore, #tpu.memory_space<semaphore_mem>>)
      %dma_start3A_228 = arith.constant 2 : i32
      %dma_start3A_229 = arith.constant 256 : i32
      %dma_start3A_230 = arith.constant 0 : i32
      %dma_start3A_231 = tpu.memref_slice %arg12[%dma_start3A_229, %dma_start3A_230] : memref<1536x32xbf16, #tpu.memory_space<vmem>> -> memref<128x32xbf16, #tpu.memory_space<vmem>>
      %dma_start3A_232 = arith.constant 0 : i32
      %dma_start3A_233 = tpu.memref_slice %arg9[%dma_start3A_228, %dma_start3A_232] : memref<52x128xi32, #tpu.memory_space<vmem>> -> memref<1x128xi32, #tpu.memory_space<vmem>>
      %dma_start3A_234 = tpu.memref_squeeze %dma_start3A_233 : memref<1x128xi32, #tpu.memory_space<vmem>> -> memref<128xi32, #tpu.memory_space<vmem>>
      %dma_start3A_235 = arith.constant 0 : i32
      %dma_start3A_236 = arith.constant 0 : i32
      %dma_start3A_237 = tpu.memref_slice %arg2[%dma_start3A_235, %dma_start3A_236] : memref<80000x32xbf16, #tpu.memory_space<hbm>> -> memref<80000x32xbf16, #tpu.memory_space<hbm>>
      tpu.enqueue_indirect_dma source(%dma_start3A_237 : memref<80000x32xbf16, #tpu.memory_space<hbm>>) target(%dma_start3A_231 : memref<128x32xbf16, #tpu.memory_space<vmem>>) offsets(%dma_start3A_234 : memref<128xi32, #tpu.memory_space<vmem>>) semaphore(%arg15 : memref<!tpu.dma_semaphore, #tpu.memory_space<semaphore_mem>>)
      %dma_start3A_238 = arith.constant 3 : i32
      %dma_start3A_239 = arith.constant 384 : i32
      %dma_start3A_240 = arith.constant 0 : i32
      %dma_start3A_241 = tpu.memref_slice %arg12[%dma_start3A_239, %dma_start3A_240] : memref<1536x32xbf16, #tpu.memory_space<vmem>> -> memref<128x32xbf16, #tpu.memory_space<vmem>>
      %dma_start3A_242 = arith.constant 0 : i32
      %dma_start3A_243 = tpu.memref_slice %arg9[%dma_start3A_238, %dma_start3A_242] : memref<52x128xi32, #tpu.memory_space<vmem>> -> memref<1x128xi32, #tpu.memory_space<vmem>>
      %dma_start3A_244 = tpu.memref_squeeze %dma_start3A_243 : memref<1x128xi32, #tpu.memory_space<vmem>> -> memref<128xi32, #tpu.memory_space<vmem>>
      %dma_start3A_245 = arith.constant 0 : i32
      %dma_start3A_246 = arith.constant 0 : i32
      %dma_start3A_247 = tpu.memref_slice %arg2[%dma_start3A_245, %dma_start3A_246] : memref<80000x32xbf16, #tpu.memory_space<hbm>> -> memref<80000x32xbf16, #tpu.memory_space<hbm>>
      tpu.enqueue_indirect_dma source(%dma_start3A_247 : memref<80000x32xbf16, #tpu.memory_space<hbm>>) target(%dma_start3A_241 : memref<128x32xbf16, #tpu.memory_space<vmem>>) offsets(%dma_start3A_244 : memref<128xi32, #tpu.memory_space<vmem>>) semaphore(%arg15 : memref<!tpu.dma_semaphore, #tpu.memory_space<semaphore_mem>>)
      %dma_start3A_248 = arith.constant 4 : i32
      %dma_start3A_249 = arith.constant 512 : i32
      %dma_start3A_250 = arith.constant 0 : i32
      %dma_start3A_251 = tpu.memref_slice %arg12[%dma_start3A_249, %dma_start3A_250] : memref<1536x32xbf16, #tpu.memory_space<vmem>> -> memref<128x32xbf16, #tpu.memory_space<vmem>>
      %dma_start3A_252 = arith.constant 0 : i32
      %dma_start3A_253 = tpu.memref_slice %arg9[%dma_start3A_248, %dma_start3A_252] : memref<52x128xi32, #tpu.memory_space<vmem>> -> memref<1x128xi32, #tpu.memory_space<vmem>>
      %dma_start3A_254 = tpu.memref_squeeze %dma_start3A_253 : memref<1x128xi32, #tpu.memory_space<vmem>> -> memref<128xi32, #tpu.memory_space<vmem>>
      %dma_start3A_255 = arith.constant 0 : i32
      %dma_start3A_256 = arith.constant 0 : i32
      %dma_start3A_257 = tpu.memref_slice %arg2[%dma_start3A_255, %dma_start3A_256] : memref<80000x32xbf16, #tpu.memory_space<hbm>> -> memref<80000x32xbf16, #tpu.memory_space<hbm>>
      tpu.enqueue_indirect_dma source(%dma_start3A_257 : memref<80000x32xbf16, #tpu.memory_space<hbm>>) target(%dma_start3A_251 : memref<128x32xbf16, #tpu.memory_space<vmem>>) offsets(%dma_start3A_254 : memref<128xi32, #tpu.memory_space<vmem>>) semaphore(%arg15 : memref<!tpu.dma_semaphore, #tpu.memory_space<semaphore_mem>>)
      %dma_start3A_258 = arith.constant 5 : i32
      %dma_start3A_259 = arith.constant 640 : i32
      %dma_start3A_260 = arith.constant 0 : i32
      %dma_start3A_261 = tpu.memref_slice %arg12[%dma_start3A_259, %dma_start3A_260] : memref<1536x32xbf16, #tpu.memory_space<vmem>> -> memref<128x32xbf16, #tpu.memory_space<vmem>>
      %dma_start3A_262 = arith.constant 0 : i32
      %dma_start3A_263 = tpu.memref_slice %arg9[%dma_start3A_258, %dma_start3A_262] : memref<52x128xi32, #tpu.memory_space<vmem>> -> memref<1x128xi32, #tpu.memory_space<vmem>>
      %dma_start3A_264 = tpu.memref_squeeze %dma_start3A_263 : memref<1x128xi32, #tpu.memory_space<vmem>> -> memref<128xi32, #tpu.memory_space<vmem>>
      %dma_start3A_265 = arith.constant 0 : i32
      %dma_start3A_266 = arith.constant 0 : i32
      %dma_start3A_267 = tpu.memref_slice %arg2[%dma_start3A_265, %dma_start3A_266] : memref<80000x32xbf16, #tpu.memory_space<hbm>> -> memref<80000x32xbf16, #tpu.memory_space<hbm>>
      tpu.enqueue_indirect_dma source(%dma_start3A_267 : memref<80000x32xbf16, #tpu.memory_space<hbm>>) target(%dma_start3A_261 : memref<128x32xbf16, #tpu.memory_space<vmem>>) offsets(%dma_start3A_264 : memref<128xi32, #tpu.memory_space<vmem>>) semaphore(%arg15 : memref<!tpu.dma_semaphore, #tpu.memory_space<semaphore_mem>>)
      %dma_start3A_268 = arith.constant 6 : i32
      %dma_start3A_269 = arith.constant 768 : i32
      %dma_start3A_270 = arith.constant 0 : i32
      %dma_start3A_271 = tpu.memref_slice %arg12[%dma_start3A_269, %dma_start3A_270] : memref<1536x32xbf16, #tpu.memory_space<vmem>> -> memref<128x32xbf16, #tpu.memory_space<vmem>>
      %dma_start3A_272 = arith.constant 0 : i32
      %dma_start3A_273 = tpu.memref_slice %arg9[%dma_start3A_268, %dma_start3A_272] : memref<52x128xi32, #tpu.memory_space<vmem>> -> memref<1x128xi32, #tpu.memory_space<vmem>>
      %dma_start3A_274 = tpu.memref_squeeze %dma_start3A_273 : memref<1x128xi32, #tpu.memory_space<vmem>> -> memref<128xi32, #tpu.memory_space<vmem>>
      %dma_start3A_275 = arith.constant 0 : i32
      %dma_start3A_276 = arith.constant 0 : i32
      %dma_start3A_277 = tpu.memref_slice %arg2[%dma_start3A_275, %dma_start3A_276] : memref<80000x32xbf16, #tpu.memory_space<hbm>> -> memref<80000x32xbf16, #tpu.memory_space<hbm>>
      tpu.enqueue_indirect_dma source(%dma_start3A_277 : memref<80000x32xbf16, #tpu.memory_space<hbm>>) target(%dma_start3A_271 : memref<128x32xbf16, #tpu.memory_space<vmem>>) offsets(%dma_start3A_274 : memref<128xi32, #tpu.memory_space<vmem>>) semaphore(%arg15 : memref<!tpu.dma_semaphore, #tpu.memory_space<semaphore_mem>>)
      %dma_start3A_278 = arith.constant 7 : i32
      %dma_start3A_279 = arith.constant 896 : i32
      %dma_start3A_280 = arith.constant 0 : i32
      %dma_start3A_281 = tpu.memref_slice %arg12[%dma_start3A_279, %dma_start3A_280] : memref<1536x32xbf16, #tpu.memory_space<vmem>> -> memref<128x32xbf16, #tpu.memory_space<vmem>>
      %dma_start3A_282 = arith.constant 0 : i32
      %dma_start3A_283 = tpu.memref_slice %arg9[%dma_start3A_278, %dma_start3A_282] : memref<52x128xi32, #tpu.memory_space<vmem>> -> memref<1x128xi32, #tpu.memory_space<vmem>>
      %dma_start3A_284 = tpu.memref_squeeze %dma_start3A_283 : memref<1x128xi32, #tpu.memory_space<vmem>> -> memref<128xi32, #tpu.memory_space<vmem>>
      %dma_start3A_285 = arith.constant 0 : i32
      %dma_start3A_286 = arith.constant 0 : i32
      %dma_start3A_287 = tpu.memref_slice %arg2[%dma_start3A_285, %dma_start3A_286] : memref<80000x32xbf16, #tpu.memory_space<hbm>> -> memref<80000x32xbf16, #tpu.memory_space<hbm>>
      tpu.enqueue_indirect_dma source(%dma_start3A_287 : memref<80000x32xbf16, #tpu.memory_space<hbm>>) target(%dma_start3A_281 : memref<128x32xbf16, #tpu.memory_space<vmem>>) offsets(%dma_start3A_284 : memref<128xi32, #tpu.memory_space<vmem>>) semaphore(%arg15 : memref<!tpu.dma_semaphore, #tpu.memory_space<semaphore_mem>>)
      %scan3A_288 = arith.constant 0 : i32
      %scan3A_289 = arith.constant 0 : i32
      %scan3A_290 = arith.constant 13 : i32
      %scan3A_291 = arith.addi %scan3A_289, %scan3A_290 : i32
      %scan3A_292 = arith.constant 1 : i32
      scf.for %scan3A_349 = %scan3A_289 to %scan3A_291 step %scan3A_292  : i32 {
        %rem3A_350 = arith.constant 3 : i32
        %rem3A_351 = arith.remsi %scan3A_349, %rem3A_350 : i32
        %rem3A_352 = arith.constant 2 : i32
        %rem3A_353 = arith.remsi %scan3A_349, %rem3A_352 : i32
        %mul3A_354 = arith.constant 512 : i32
        %mul3A_355 = arith.muli %rem3A_351, %mul3A_354 : i32
        %add3A_356 = arith.constant 0 : i32
        %add3A_357 = arith.addi %mul3A_355, %add3A_356 : i32
        %dma_wait3A_358 = arith.constant 0 : i32
        %dma_wait3A_359 = arith.constant 0 : i32
        %dma_wait3A_360 = tpu.memref_slice %arg12[%add3A_357, %dma_wait3A_359] : memref<1536x32xbf16, #tpu.memory_space<vmem>> -> memref<128x32xbf16, #tpu.memory_space<vmem>>
        %dma_wait3A_361 = arith.constant 0 : i32
        %dma_wait3A_362 = tpu.memref_slice %arg9[%dma_wait3A_358, %dma_wait3A_361] : memref<52x128xi32, #tpu.memory_space<vmem>> -> memref<1x128xi32, #tpu.memory_space<vmem>>
        %dma_wait3A_363 = tpu.memref_squeeze %dma_wait3A_362 : memref<1x128xi32, #tpu.memory_space<vmem>> -> memref<128xi32, #tpu.memory_space<vmem>>
        %dma_wait3A_364 = arith.constant 0 : i32
        %dma_wait3A_365 = arith.constant 0 : i32
        %dma_wait3A_366 = tpu.memref_slice %arg2[%dma_wait3A_364, %dma_wait3A_365] : memref<80000x32xbf16, #tpu.memory_space<hbm>> -> memref<80000x32xbf16, #tpu.memory_space<hbm>>
        tpu.wait_indirect_dma semaphore(%arg15 : memref<!tpu.dma_semaphore, #tpu.memory_space<semaphore_mem>>) src(%dma_wait3A_366 : memref<80000x32xbf16, #tpu.memory_space<hbm>>) dst(%dma_wait3A_360 : memref<128x32xbf16, #tpu.memory_space<vmem>>)
        %mul3A_367 = arith.constant 512 : i32
        %mul3A_368 = arith.muli %rem3A_351, %mul3A_367 : i32
        %add3A_369 = arith.constant 128 : i32
        %add3A_370 = arith.addi %mul3A_368, %add3A_369 : i32
        %dma_wait3A_371 = arith.constant 1 : i32
        %dma_wait3A_372 = arith.constant 0 : i32
        %dma_wait3A_373 = tpu.memref_slice %arg12[%add3A_370, %dma_wait3A_372] : memref<1536x32xbf16, #tpu.memory_space<vmem>> -> memref<128x32xbf16, #tpu.memory_space<vmem>>
        %dma_wait3A_374 = arith.constant 0 : i32
        %dma_wait3A_375 = tpu.memref_slice %arg9[%dma_wait3A_371, %dma_wait3A_374] : memref<52x128xi32, #tpu.memory_space<vmem>> -> memref<1x128xi32, #tpu.memory_space<vmem>>
        %dma_wait3A_376 = tpu.memref_squeeze %dma_wait3A_375 : memref<1x128xi32, #tpu.memory_space<vmem>> -> memref<128xi32, #tpu.memory_space<vmem>>
        %dma_wait3A_377 = arith.constant 0 : i32
        %dma_wait3A_378 = arith.constant 0 : i32
        %dma_wait3A_379 = tpu.memref_slice %arg2[%dma_wait3A_377, %dma_wait3A_378] : memref<80000x32xbf16, #tpu.memory_space<hbm>> -> memref<80000x32xbf16, #tpu.memory_space<hbm>>
        tpu.wait_indirect_dma semaphore(%arg15 : memref<!tpu.dma_semaphore, #tpu.memory_space<semaphore_mem>>) src(%dma_wait3A_379 : memref<80000x32xbf16, #tpu.memory_space<hbm>>) dst(%dma_wait3A_373 : memref<128x32xbf16, #tpu.memory_space<vmem>>)
        %mul3A_380 = arith.constant 512 : i32
        %mul3A_381 = arith.muli %rem3A_351, %mul3A_380 : i32
        %add3A_382 = arith.constant 256 : i32
        %add3A_383 = arith.addi %mul3A_381, %add3A_382 : i32
        %dma_wait3A_384 = arith.constant 2 : i32
        %dma_wait3A_385 = arith.constant 0 : i32
        %dma_wait3A_386 = tpu.memref_slice %arg12[%add3A_383, %dma_wait3A_385] : memref<1536x32xbf16, #tpu.memory_space<vmem>> -> memref<128x32xbf16, #tpu.memory_space<vmem>>
        %dma_wait3A_387 = arith.constant 0 : i32
        %dma_wait3A_388 = tpu.memref_slice %arg9[%dma_wait3A_384, %dma_wait3A_387] : memref<52x128xi32, #tpu.memory_space<vmem>> -> memref<1x128xi32, #tpu.memory_space<vmem>>
        %dma_wait3A_389 = tpu.memref_squeeze %dma_wait3A_388 : memref<1x128xi32, #tpu.memory_space<vmem>> -> memref<128xi32, #tpu.memory_space<vmem>>
        %dma_wait3A_390 = arith.constant 0 : i32
        %dma_wait3A_391 = arith.constant 0 : i32
        %dma_wait3A_392 = tpu.memref_slice %arg2[%dma_wait3A_390, %dma_wait3A_391] : memref<80000x32xbf16, #tpu.memory_space<hbm>> -> memref<80000x32xbf16, #tpu.memory_space<hbm>>
        tpu.wait_indirect_dma semaphore(%arg15 : memref<!tpu.dma_semaphore, #tpu.memory_space<semaphore_mem>>) src(%dma_wait3A_392 : memref<80000x32xbf16, #tpu.memory_space<hbm>>) dst(%dma_wait3A_386 : memref<128x32xbf16, #tpu.memory_space<vmem>>)
        %mul3A_393 = arith.constant 512 : i32
        %mul3A_394 = arith.muli %rem3A_351, %mul3A_393 : i32
        %add3A_395 = arith.constant 384 : i32
        %add3A_396 = arith.addi %mul3A_394, %add3A_395 : i32
        %dma_wait3A_397 = arith.constant 3 : i32
        %dma_wait3A_398 = arith.constant 0 : i32
        %dma_wait3A_399 = tpu.memref_slice %arg12[%add3A_396, %dma_wait3A_398] : memref<1536x32xbf16, #tpu.memory_space<vmem>> -> memref<128x32xbf16, #tpu.memory_space<vmem>>
        %dma_wait3A_400 = arith.constant 0 : i32
        %dma_wait3A_401 = tpu.memref_slice %arg9[%dma_wait3A_397, %dma_wait3A_400] : memref<52x128xi32, #tpu.memory_space<vmem>> -> memref<1x128xi32, #tpu.memory_space<vmem>>
        %dma_wait3A_402 = tpu.memref_squeeze %dma_wait3A_401 : memref<1x128xi32, #tpu.memory_space<vmem>> -> memref<128xi32, #tpu.memory_space<vmem>>
        %dma_wait3A_403 = arith.constant 0 : i32
        %dma_wait3A_404 = arith.constant 0 : i32
        %dma_wait3A_405 = tpu.memref_slice %arg2[%dma_wait3A_403, %dma_wait3A_404] : memref<80000x32xbf16, #tpu.memory_space<hbm>> -> memref<80000x32xbf16, #tpu.memory_space<hbm>>
        tpu.wait_indirect_dma semaphore(%arg15 : memref<!tpu.dma_semaphore, #tpu.memory_space<semaphore_mem>>) src(%dma_wait3A_405 : memref<80000x32xbf16, #tpu.memory_space<hbm>>) dst(%dma_wait3A_399 : memref<128x32xbf16, #tpu.memory_space<vmem>>)
        %add3A_406 = arith.constant 2 : i32
        %add3A_407 = arith.addi %scan3A_349, %add3A_406 : i32
        %lt3A = arith.constant 13 : i32
        %lt3A_408 = arith.cmpi slt, %add3A_407, %lt3A : i32
        %convert_element_type3A = arith.extui %lt3A_408 : i1 to i32
        %cond3A = arith.constant 0 : i32
        %cond3A_409 = arith.cmpi ne, %convert_element_type3A, %cond3A : i32
        scf.if %cond3A_409 {
          %add3A_480 = arith.constant 2 : i32
          %add3A_481 = arith.addi %scan3A_349, %add3A_480 : i32
          %add3A_482 = arith.constant 2 : i32
          %add3A_483 = arith.addi %scan3A_349, %add3A_482 : i32
          %rem3A_484 = arith.constant 3 : i32
          %rem3A_485 = arith.remsi %add3A_483, %rem3A_484 : i32
          %mul3A_486 = arith.constant 4 : i32
          %mul3A_487 = arith.muli %add3A_481, %mul3A_486 : i32
          %add3A_488 = arith.constant 0 : i32
          %add3A_489 = arith.addi %mul3A_487, %add3A_488 : i32
          %mul3A_490 = arith.constant 512 : i32
          %mul3A_491 = arith.muli %rem3A_485, %mul3A_490 : i32
          %add3A_492 = arith.constant 0 : i32
          %add3A_493 = arith.addi %mul3A_491, %add3A_492 : i32
          %dma_start3A_494 = arith.constant 0 : i32
          %dma_start3A_495 = tpu.memref_slice %arg12[%add3A_493, %dma_start3A_494] : memref<1536x32xbf16, #tpu.memory_space<vmem>> -> memref<128x32xbf16, #tpu.memory_space<vmem>>
          %dma_start3A_496 = arith.constant 0 : i32
          %dma_start3A_497 = tpu.memref_slice %arg9[%add3A_489, %dma_start3A_496] : memref<52x128xi32, #tpu.memory_space<vmem>> -> memref<1x128xi32, #tpu.memory_space<vmem>>
          %dma_start3A_498 = tpu.memref_squeeze %dma_start3A_497 : memref<1x128xi32, #tpu.memory_space<vmem>> -> memref<128xi32, #tpu.memory_space<vmem>>
          %dma_start3A_499 = arith.constant 0 : i32
          %dma_start3A_500 = arith.constant 0 : i32
          %dma_start3A_501 = tpu.memref_slice %arg2[%dma_start3A_499, %dma_start3A_500] : memref<80000x32xbf16, #tpu.memory_space<hbm>> -> memref<80000x32xbf16, #tpu.memory_space<hbm>>
          tpu.enqueue_indirect_dma source(%dma_start3A_501 : memref<80000x32xbf16, #tpu.memory_space<hbm>>) target(%dma_start3A_495 : memref<128x32xbf16, #tpu.memory_space<vmem>>) offsets(%dma_start3A_498 : memref<128xi32, #tpu.memory_space<vmem>>) semaphore(%arg15 : memref<!tpu.dma_semaphore, #tpu.memory_space<semaphore_mem>>)
          %mul3A_502 = arith.constant 4 : i32
          %mul3A_503 = arith.muli %add3A_481, %mul3A_502 : i32
          %add3A_504 = arith.constant 1 : i32
          %add3A_505 = arith.addi %mul3A_503, %add3A_504 : i32
          %mul3A_506 = arith.constant 512 : i32
          %mul3A_507 = arith.muli %rem3A_485, %mul3A_506 : i32
          %add3A_508 = arith.constant 128 : i32
          %add3A_509 = arith.addi %mul3A_507, %add3A_508 : i32
          %dma_start3A_510 = arith.constant 0 : i32
          %dma_start3A_511 = tpu.memref_slice %arg12[%add3A_509, %dma_start3A_510] : memref<1536x32xbf16, #tpu.memory_space<vmem>> -> memref<128x32xbf16, #tpu.memory_space<vmem>>
          %dma_start3A_512 = arith.constant 0 : i32
          %dma_start3A_513 = tpu.memref_slice %arg9[%add3A_505, %dma_start3A_512] : memref<52x128xi32, #tpu.memory_space<vmem>> -> memref<1x128xi32, #tpu.memory_space<vmem>>
          %dma_start3A_514 = tpu.memref_squeeze %dma_start3A_513 : memref<1x128xi32, #tpu.memory_space<vmem>> -> memref<128xi32, #tpu.memory_space<vmem>>
          %dma_start3A_515 = arith.constant 0 : i32
          %dma_start3A_516 = arith.constant 0 : i32
          %dma_start3A_517 = tpu.memref_slice %arg2[%dma_start3A_515, %dma_start3A_516] : memref<80000x32xbf16, #tpu.memory_space<hbm>> -> memref<80000x32xbf16, #tpu.memory_space<hbm>>
          tpu.enqueue_indirect_dma source(%dma_start3A_517 : memref<80000x32xbf16, #tpu.memory_space<hbm>>) target(%dma_start3A_511 : memref<128x32xbf16, #tpu.memory_space<vmem>>) offsets(%dma_start3A_514 : memref<128xi32, #tpu.memory_space<vmem>>) semaphore(%arg15 : memref<!tpu.dma_semaphore, #tpu.memory_space<semaphore_mem>>)
          %mul3A_518 = arith.constant 4 : i32
          %mul3A_519 = arith.muli %add3A_481, %mul3A_518 : i32
          %add3A_520 = arith.constant 2 : i32
          %add3A_521 = arith.addi %mul3A_519, %add3A_520 : i32
          %mul3A_522 = arith.constant 512 : i32
          %mul3A_523 = arith.muli %rem3A_485, %mul3A_522 : i32
          %add3A_524 = arith.constant 256 : i32
          %add3A_525 = arith.addi %mul3A_523, %add3A_524 : i32
          %dma_start3A_526 = arith.constant 0 : i32
          %dma_start3A_527 = tpu.memref_slice %arg12[%add3A_525, %dma_start3A_526] : memref<1536x32xbf16, #tpu.memory_space<vmem>> -> memref<128x32xbf16, #tpu.memory_space<vmem>>
          %dma_start3A_528 = arith.constant 0 : i32
          %dma_start3A_529 = tpu.memref_slice %arg9[%add3A_521, %dma_start3A_528] : memref<52x128xi32, #tpu.memory_space<vmem>> -> memref<1x128xi32, #tpu.memory_space<vmem>>
          %dma_start3A_530 = tpu.memref_squeeze %dma_start3A_529 : memref<1x128xi32, #tpu.memory_space<vmem>> -> memref<128xi32, #tpu.memory_space<vmem>>
          %dma_start3A_531 = arith.constant 0 : i32
          %dma_start3A_532 = arith.constant 0 : i32
          %dma_start3A_533 = tpu.memref_slice %arg2[%dma_start3A_531, %dma_start3A_532] : memref<80000x32xbf16, #tpu.memory_space<hbm>> -> memref<80000x32xbf16, #tpu.memory_space<hbm>>
          tpu.enqueue_indirect_dma source(%dma_start3A_533 : memref<80000x32xbf16, #tpu.memory_space<hbm>>) target(%dma_start3A_527 : memref<128x32xbf16, #tpu.memory_space<vmem>>) offsets(%dma_start3A_530 : memref<128xi32, #tpu.memory_space<vmem>>) semaphore(%arg15 : memref<!tpu.dma_semaphore, #tpu.memory_space<semaphore_mem>>)
          %mul3A_534 = arith.constant 4 : i32
          %mul3A_535 = arith.muli %add3A_481, %mul3A_534 : i32
          %add3A_536 = arith.constant 3 : i32
          %add3A_537 = arith.addi %mul3A_535, %add3A_536 : i32
          %mul3A_538 = arith.constant 512 : i32
          %mul3A_539 = arith.muli %rem3A_485, %mul3A_538 : i32
          %add3A_540 = arith.constant 384 : i32
          %add3A_541 = arith.addi %mul3A_539, %add3A_540 : i32
          %dma_start3A_542 = arith.constant 0 : i32
          %dma_start3A_543 = tpu.memref_slice %arg12[%add3A_541, %dma_start3A_542] : memref<1536x32xbf16, #tpu.memory_space<vmem>> -> memref<128x32xbf16, #tpu.memory_space<vmem>>
          %dma_start3A_544 = arith.constant 0 : i32
          %dma_start3A_545 = tpu.memref_slice %arg9[%add3A_537, %dma_start3A_544] : memref<52x128xi32, #tpu.memory_space<vmem>> -> memref<1x128xi32, #tpu.memory_space<vmem>>
          %dma_start3A_546 = tpu.memref_squeeze %dma_start3A_545 : memref<1x128xi32, #tpu.memory_space<vmem>> -> memref<128xi32, #tpu.memory_space<vmem>>
          %dma_start3A_547 = arith.constant 0 : i32
          %dma_start3A_548 = arith.constant 0 : i32
          %dma_start3A_549 = tpu.memref_slice %arg2[%dma_start3A_547, %dma_start3A_548] : memref<80000x32xbf16, #tpu.memory_space<hbm>> -> memref<80000x32xbf16, #tpu.memory_space<hbm>>
          tpu.enqueue_indirect_dma source(%dma_start3A_549 : memref<80000x32xbf16, #tpu.memory_space<hbm>>) target(%dma_start3A_543 : memref<128x32xbf16, #tpu.memory_space<vmem>>) offsets(%dma_start3A_546 : memref<128xi32, #tpu.memory_space<vmem>>) semaphore(%arg15 : memref<!tpu.dma_semaphore, #tpu.memory_space<semaphore_mem>>)
        } else {
        }
        %parallel_loop3A = arith.constant 0 : i32
        %parallel_loop3A_410 = arith.constant 32 : i32
        %parallel_loop3A_411 = arith.constant 1 : i32
        scf.for %parallel_loop3A_480 = %parallel_loop3A to %parallel_loop3A_410 step %parallel_loop3A_411  : i32 {
          %parallel_loop3A_481 = arith.constant 512 : i32
          %parallel_loop3A_482 = arith.muli %scan3A_349, %parallel_loop3A_481 : i32
          %parallel_loop3A_483 = arith.constant 16 : i32
          %parallel_loop3A_484 = arith.muli %parallel_loop3A_480, %parallel_loop3A_483 : i32
          %parallel_loop3A_485 = arith.addi %parallel_loop3A_482, %parallel_loop3A_484 : i32
          %parallel_loop3A_486 = arith.index_cast %parallel_loop3A_485 : i32 to index
          %parallel_loop3A_487 = tpu.vector_load %arg11[%parallel_loop3A_486] {strides = array<i32>} : memref<6656xf32, #tpu.memory_space<vmem>>, vector<16xf32>,
          %parallel_loop3A_488 = arith.constant 512 : i32
          %parallel_loop3A_489 = arith.muli %rem3A_351, %parallel_loop3A_488 : i32
          %parallel_loop3A_490 = arith.constant 16 : i32
          %parallel_loop3A_491 = arith.muli %parallel_loop3A_480, %parallel_loop3A_490 : i32
          %parallel_loop3A_492 = arith.addi %parallel_loop3A_489, %parallel_loop3A_491 : i32
          %parallel_loop3A_493 = arith.constant 512 : i32
          %parallel_loop3A_494 = arith.muli %rem3A_353, %parallel_loop3A_493 : i32
          %parallel_loop3A_495 = arith.constant 16 : i32
          %parallel_loop3A_496 = arith.muli %parallel_loop3A_480, %parallel_loop3A_495 : i32
          %parallel_loop3A_497 = arith.addi %parallel_loop3A_494, %parallel_loop3A_496 : i32
          %parallel_loop3A_498 = vector.extract_strided_slice %parallel_loop3A_487 {offsets = [0], sizes = [1], strides = [1]} : vector<16xf32> to vector<1xf32>
          %parallel_loop3A_499 = vector.extract %parallel_loop3A_498[0] : f32 from vector<1xf32>
          %parallel_loop3A_500 = arith.constant 0 : i32
          %parallel_loop3A_501 = arith.addi %parallel_loop3A_492, %parallel_loop3A_500 : i32
          %parallel_loop3A_502 = arith.index_cast %parallel_loop3A_501 : i32 to index
          %parallel_loop3A_503 = arith.constant 0 : index
          %parallel_loop3A_504 = tpu.vector_load %arg12[%parallel_loop3A_502, %parallel_loop3A_503] {strides = array<i32>} : memref<1536x32xbf16, #tpu.memory_space<vmem>>, vector<32xbf16>,
          %parallel_loop3A_505 = tpu.unpack_subelements %parallel_loop3A_504, 0 {pack_format = #tpu.pack_format<interleaved>} : vector<32xbf16> -> vector<16xf32>
          %parallel_loop3A_506 = tpu.unpack_subelements %parallel_loop3A_504, 1 {pack_format = #tpu.pack_format<interleaved>} : vector<32xbf16> -> vector<16xf32>
          %parallel_loop3A_507 = vector.broadcast %parallel_loop3A_499 : f32 to vector<16xf32>
          %parallel_loop3A_508 = arith.mulf %parallel_loop3A_505, %parallel_loop3A_507 : vector<16xf32>
          %parallel_loop3A_509 = arith.constant 0 : i32
          %parallel_loop3A_510 = arith.addi %parallel_loop3A_497, %parallel_loop3A_509 : i32
          %parallel_loop3A_511 = arith.index_cast %parallel_loop3A_510 : i32 to index
          %parallel_loop3A_512 = arith.constant 0 : index
          %parallel_loop3A_513 = tpu.vector_load %arg13[%parallel_loop3A_511, %parallel_loop3A_512] {strides = array<i32>} : memref<1024x32xf32, #tpu.memory_space<vmem>>, vector<16xf32>,
          tpu.vector_store %arg13[%parallel_loop3A_511, %parallel_loop3A_512], %parallel_loop3A_508 {strides = array<i32>} : memref<1024x32xf32, #tpu.memory_space<vmem>>, vector<16xf32>,
          %parallel_loop3A_514 = vector.broadcast %parallel_loop3A_499 : f32 to vector<16xf32>
          %parallel_loop3A_515 = arith.mulf %parallel_loop3A_506, %parallel_loop3A_514 : vector<16xf32>
          %parallel_loop3A_516 = arith.constant 0 : i32
          %parallel_loop3A_517 = arith.addi %parallel_loop3A_497, %parallel_loop3A_516 : i32
          %parallel_loop3A_518 = arith.index_cast %parallel_loop3A_517 : i32 to index
          %parallel_loop3A_519 = arith.constant 16 : index
          %parallel_loop3A_520 = tpu.vector_load %arg13[%parallel_loop3A_518, %parallel_loop3A_519] {strides = array<i32>} : memref<1024x32xf32, #tpu.memory_space<vmem>>, vector<16xf32>,
          tpu.vector_store %arg13[%parallel_loop3A_518, %parallel_loop3A_519], %parallel_loop3A_515 {strides = array<i32>} : memref<1024x32xf32, #tpu.memory_space<vmem>>, vector<16xf32>,
          %parallel_loop3A_521 = vector.extract_strided_slice %parallel_loop3A_487 {offsets = [1], sizes = [1], strides = [1]} : vector<16xf32> to vector<1xf32>
          %parallel_loop3A_522 = vector.extract %parallel_loop3A_521[0] : f32 from vector<1xf32>
          %parallel_loop3A_523 = arith.constant 1 : i32
          %parallel_loop3A_524 = arith.addi %parallel_loop3A_492, %parallel_loop3A_523 : i32
          %parallel_loop3A_525 = arith.index_cast %parallel_loop3A_524 : i32 to index
          %parallel_loop3A_526 = arith.constant 0 : index
          %parallel_loop3A_527 = tpu.vector_load %arg12[%parallel_loop3A_525, %parallel_loop3A_526] {strides = array<i32>} : memref<1536x32xbf16, #tpu.memory_space<vmem>>, vector<32xbf16>,
          %parallel_loop3A_528 = tpu.unpack_subelements %parallel_loop3A_527, 0 {pack_format = #tpu.pack_format<interleaved>} : vector<32xbf16> -> vector<16xf32>
          %parallel_loop3A_529 = tpu.unpack_subelements %parallel_loop3A_527, 1 {pack_format = #tpu.pack_format<interleaved>} : vector<32xbf16> -> vector<16xf32>
          %parallel_loop3A_530 = vector.broadcast %parallel_loop3A_522 : f32 to vector<16xf32>
          %parallel_loop3A_531 = arith.mulf %parallel_loop3A_528, %parallel_loop3A_530 : vector<16xf32>
          %parallel_loop3A_532 = arith.constant 1 : i32
          %parallel_loop3A_533 = arith.addi %parallel_loop3A_497, %parallel_loop3A_532 : i32
          %parallel_loop3A_534 = arith.index_cast %parallel_loop3A_533 : i32 to index
          %parallel_loop3A_535 = arith.constant 0 : index
          %parallel_loop3A_536 = tpu.vector_load %arg13[%parallel_loop3A_534, %parallel_loop3A_535] {strides = array<i32>} : memref<1024x32xf32, #tpu.memory_space<vmem>>, vector<16xf32>,
          tpu.vector_store %arg13[%parallel_loop3A_534, %parallel_loop3A_535], %parallel_loop3A_531 {strides = array<i32>} : memref<1024x32xf32, #tpu.memory_space<vmem>>, vector<16xf32>,
          %parallel_loop3A_537 = vector.broadcast %parallel_loop3A_522 : f32 to vector<16xf32>
          %parallel_loop3A_538 = arith.mulf %parallel_loop3A_529, %parallel_loop3A_537 : vector<16xf32>
          %parallel_loop3A_539 = arith.constant 1 : i32
          %parallel_loop3A_540 = arith.addi %parallel_loop3A_497, %parallel_loop3A_539 : i32
          %parallel_loop3A_541 = arith.index_cast %parallel_loop3A_540 : i32 to index
          %parallel_loop3A_542 = arith.constant 16 : index
          %parallel_loop3A_543 = tpu.vector_load %arg13[%parallel_loop3A_541, %parallel_loop3A_542] {strides = array<i32>} : memref<1024x32xf32, #tpu.memory_space<vmem>>, vector<16xf32>,
          tpu.vector_store %arg13[%parallel_loop3A_541, %parallel_loop3A_542], %parallel_loop3A_538 {strides = array<i32>} : memref<1024x32xf32, #tpu.memory_space<vmem>>, vector<16xf32>,
          %parallel_loop3A_544 = vector.extract_strided_slice %parallel_loop3A_487 {offsets = [2], sizes = [1], strides = [1]} : vector<16xf32> to vector<1xf32>
          %parallel_loop3A_545 = vector.extract %parallel_loop3A_544[0] : f32 from vector<1xf32>
          %parallel_loop3A_546 = arith.constant 2 : i32
          %parallel_loop3A_547 = arith.addi %parallel_loop3A_492, %parallel_loop3A_546 : i32
          %parallel_loop3A_548 = arith.index_cast %parallel_loop3A_547 : i32 to index
          %parallel_loop3A_549 = arith.constant 0 : index
          %parallel_loop3A_550 = tpu.vector_load %arg12[%parallel_loop3A_548, %parallel_loop3A_549] {strides = array<i32>} : memref<1536x32xbf16, #tpu.memory_space<vmem>>, vector<32xbf16>,
          %parallel_loop3A_551 = tpu.unpack_subelements %parallel_loop3A_550, 0 {pack_format = #tpu.pack_format<interleaved>} : vector<32xbf16> -> vector<16xf32>
          %parallel_loop3A_552 = tpu.unpack_subelements %parallel_loop3A_550, 1 {pack_format = #tpu.pack_format<interleaved>} : vector<32xbf16> -> vector<16xf32>
          %parallel_loop3A_553 = vector.broadcast %parallel_loop3A_545 : f32 to vector<16xf32>
          %parallel_loop3A_554 = arith.mulf %parallel_loop3A_551, %parallel_loop3A_553 : vector<16xf32>
          %parallel_loop3A_555 = arith.constant 2 : i32
          %parallel_loop3A_556 = arith.addi %parallel_loop3A_497, %parallel_loop3A_555 : i32
          %parallel_loop3A_557 = arith.index_cast %parallel_loop3A_556 : i32 to index
          %parallel_loop3A_558 = arith.constant 0 : index
          %parallel_loop3A_559 = tpu.vector_load %arg13[%parallel_loop3A_557, %parallel_loop3A_558] {strides = array<i32>} : memref<1024x32xf32, #tpu.memory_space<vmem>>, vector<16xf32>,
          tpu.vector_store %arg13[%parallel_loop3A_557, %parallel_loop3A_558], %parallel_loop3A_554 {strides = array<i32>} : memref<1024x32xf32, #tpu.memory_space<vmem>>, vector<16xf32>,
          %parallel_loop3A_560 = vector.broadcast %parallel_loop3A_545 : f32 to vector<16xf32>
          %parallel_loop3A_561 = arith.mulf %parallel_loop3A_552, %parallel_loop3A_560 : vector<16xf32>
          %parallel_loop3A_562 = arith.constant 2 : i32
          %parallel_loop3A_563 = arith.addi %parallel_loop3A_497, %parallel_loop3A_562 : i32
          %parallel_loop3A_564 = arith.index_cast %parallel_loop3A_563 : i32 to index
          %parallel_loop3A_565 = arith.constant 16 : index
          %parallel_loop3A_566 = tpu.vector_load %arg13[%parallel_loop3A_564, %parallel_loop3A_565] {strides = array<i32>} : memref<1024x32xf32, #tpu.memory_space<vmem>>, vector<16xf32>,
          tpu.vector_store %arg13[%parallel_loop3A_564, %parallel_loop3A_565], %parallel_loop3A_561 {strides = array<i32>} : memref<1024x32xf32, #tpu.memory_space<vmem>>, vector<16xf32>,
          %parallel_loop3A_567 = vector.extract_strided_slice %parallel_loop3A_487 {offsets = [3], sizes = [1], strides = [1]} : vector<16xf32> to vector<1xf32>
          %parallel_loop3A_568 = vector.extract %parallel_loop3A_567[0] : f32 from vector<1xf32>
          %parallel_loop3A_569 = arith.constant 3 : i32
          %parallel_loop3A_570 = arith.addi %parallel_loop3A_492, %parallel_loop3A_569 : i32
          %parallel_loop3A_571 = arith.index_cast %parallel_loop3A_570 : i32 to index
          %parallel_loop3A_572 = arith.constant 0 : index
          %parallel_loop3A_573 = tpu.vector_load %arg12[%parallel_loop3A_571, %parallel_loop3A_572] {strides = array<i32>} : memref<1536x32xbf16, #tpu.memory_space<vmem>>, vector<32xbf16>,
          %parallel_loop3A_574 = tpu.unpack_subelements %parallel_loop3A_573, 0 {pack_format = #tpu.pack_format<interleaved>} : vector<32xbf16> -> vector<16xf32>
          %parallel_loop3A_575 = tpu.unpack_subelements %parallel_loop3A_573, 1 {pack_format = #tpu.pack_format<interleaved>} : vector<32xbf16> -> vector<16xf32>
          %parallel_loop3A_576 = vector.broadcast %parallel_loop3A_568 : f32 to vector<16xf32>
          %parallel_loop3A_577 = arith.mulf %parallel_loop3A_574, %parallel_loop3A_576 : vector<16xf32>
          %parallel_loop3A_578 = arith.constant 3 : i32
          %parallel_loop3A_579 = arith.addi %parallel_loop3A_497, %parallel_loop3A_578 : i32
          %parallel_loop3A_580 = arith.index_cast %parallel_loop3A_579 : i32 to index
          %parallel_loop3A_581 = arith.constant 0 : index
          %parallel_loop3A_582 = tpu.vector_load %arg13[%parallel_loop3A_580, %parallel_loop3A_581] {strides = array<i32>} : memref<1024x32xf32, #tpu.memory_space<vmem>>, vector<16xf32>,
          tpu.vector_store %arg13[%parallel_loop3A_580, %parallel_loop3A_581], %parallel_loop3A_577 {strides = array<i32>} : memref<1024x32xf32, #tpu.memory_space<vmem>>, vector<16xf32>,
          %parallel_loop3A_583 = vector.broadcast %parallel_loop3A_568 : f32 to vector<16xf32>
          %parallel_loop3A_584 = arith.mulf %parallel_loop3A_575, %parallel_loop3A_583 : vector<16xf32>
          %parallel_loop3A_585 = arith.constant 3 : i32
          %parallel_loop3A_586 = arith.addi %parallel_loop3A_497, %parallel_loop3A_585 : i32
          %parallel_loop3A_587 = arith.index_cast %parallel_loop3A_586 : i32 to index
          %parallel_loop3A_588 = arith.constant 16 : index
          %parallel_loop3A_589 = tpu.vector_load %arg13[%parallel_loop3A_587, %parallel_loop3A_588] {strides = array<i32>} : memref<1024x32xf32, #tpu.memory_space<vmem>>, vector<16xf32>,
          tpu.vector_store %arg13[%parallel_loop3A_587, %parallel_loop3A_588], %parallel_loop3A_584 {strides = array<i32>} : memref<1024x32xf32, #tpu.memory_space<vmem>>, vector<16xf32>,
          %parallel_loop3A_590 = vector.extract_strided_slice %parallel_loop3A_487 {offsets = [4], sizes = [1], strides = [1]} : vector<16xf32> to vector<1xf32>
          %parallel_loop3A_591 = vector.extract %parallel_loop3A_590[0] : f32 from vector<1xf32>
          %parallel_loop3A_592 = arith.constant 4 : i32
          %parallel_loop3A_593 = arith.addi %parallel_loop3A_492, %parallel_loop3A_592 : i32
          %parallel_loop3A_594 = arith.index_cast %parallel_loop3A_593 : i32 to index
          %parallel_loop3A_595 = arith.constant 0 : index
          %parallel_loop3A_596 = tpu.vector_load %arg12[%parallel_loop3A_594, %parallel_loop3A_595] {strides = array<i32>} : memref<1536x32xbf16, #tpu.memory_space<vmem>>, vector<32xbf16>,
          %parallel_loop3A_597 = tpu.unpack_subelements %parallel_loop3A_596, 0 {pack_format = #tpu.pack_format<interleaved>} : vector<32xbf16> -> vector<16xf32>
          %parallel_loop3A_598 = tpu.unpack_subelements %parallel_loop3A_596, 1 {pack_format = #tpu.pack_format<interleaved>} : vector<32xbf16> -> vector<16xf32>
          %parallel_loop3A_599 = vector.broadcast %parallel_loop3A_591 : f32 to vector<16xf32>
          %parallel_loop3A_600 = arith.mulf %parallel_loop3A_597, %parallel_loop3A_599 : vector<16xf32>
          %parallel_loop3A_601 = arith.constant 4 : i32
          %parallel_loop3A_602 = arith.addi %parallel_loop3A_497, %parallel_loop3A_601 : i32
          %parallel_loop3A_603 = arith.index_cast %parallel_loop3A_602 : i32 to index
          %parallel_loop3A_604 = arith.constant 0 : index
          %parallel_loop3A_605 = tpu.vector_load %arg13[%parallel_loop3A_603, %parallel_loop3A_604] {strides = array<i32>} : memref<1024x32xf32, #tpu.memory_space<vmem>>, vector<16xf32>,
          tpu.vector_store %arg13[%parallel_loop3A_603, %parallel_loop3A_604], %parallel_loop3A_600 {strides = array<i32>} : memref<1024x32xf32, #tpu.memory_space<vmem>>, vector<16xf32>,
          %parallel_loop3A_606 = vector.broadcast %parallel_loop3A_591 : f32 to vector<16xf32>
          %parallel_loop3A_607 = arith.mulf %parallel_loop3A_598, %parallel_loop3A_606 : vector<16xf32>
          %parallel_loop3A_608 = arith.constant 4 : i32
          %parallel_loop3A_609 = arith.addi %parallel_loop3A_497, %parallel_loop3A_608 : i32
          %parallel_loop3A_610 = arith.index_cast %parallel_loop3A_609 : i32 to index
          %parallel_loop3A_611 = arith.constant 16 : index
          %parallel_loop3A_612 = tpu.vector_load %arg13[%parallel_loop3A_610, %parallel_loop3A_611] {strides = array<i32>} : memref<1024x32xf32, #tpu.memory_space<vmem>>, vector<16xf32>,
          tpu.vector_store %arg13[%parallel_loop3A_610, %parallel_loop3A_611], %parallel_loop3A_607 {strides = array<i32>} : memref<1024x32xf32, #tpu.memory_space<vmem>>, vector<16xf32>,
          %parallel_loop3A_613 = vector.extract_strided_slice %parallel_loop3A_487 {offsets = [5], sizes = [1], strides = [1]} : vector<16xf32> to vector<1xf32>
          %parallel_loop3A_614 = vector.extract %parallel_loop3A_613[0] : f32 from vector<1xf32>
          %parallel_loop3A_615 = arith.constant 5 : i32
          %parallel_loop3A_616 = arith.addi %parallel_loop3A_492, %parallel_loop3A_615 : i32
          %parallel_loop3A_617 = arith.index_cast %parallel_loop3A_616 : i32 to index
          %parallel_loop3A_618 = arith.constant 0 : index
          %parallel_loop3A_619 = tpu.vector_load %arg12[%parallel_loop3A_617, %parallel_loop3A_618] {strides = array<i32>} : memref<1536x32xbf16, #tpu.memory_space<vmem>>, vector<32xbf16>,
          %parallel_loop3A_620 = tpu.unpack_subelements %parallel_loop3A_619, 0 {pack_format = #tpu.pack_format<interleaved>} : vector<32xbf16> -> vector<16xf32>
          %parallel_loop3A_621 = tpu.unpack_subelements %parallel_loop3A_619, 1 {pack_format = #tpu.pack_format<interleaved>} : vector<32xbf16> -> vector<16xf32>
          %parallel_loop3A_622 = vector.broadcast %parallel_loop3A_614 : f32 to vector<16xf32>
          %parallel_loop3A_623 = arith.mulf %parallel_loop3A_620, %parallel_loop3A_622 : vector<16xf32>
          %parallel_loop3A_624 = arith.constant 5 : i32
          %parallel_loop3A_625 = arith.addi %parallel_loop3A_497, %parallel_loop3A_624 : i32
          %parallel_loop3A_626 = arith.index_cast %parallel_loop3A_625 : i32 to index
          %parallel_loop3A_627 = arith.constant 0 : index
          %parallel_loop3A_628 = tpu.vector_load %arg13[%parallel_loop3A_626, %parallel_loop3A_627] {strides = array<i32>} : memref<1024x32xf32, #tpu.memory_space<vmem>>, vector<16xf32>,
          tpu.vector_store %arg13[%parallel_loop3A_626, %parallel_loop3A_627], %parallel_loop3A_623 {strides = array<i32>} : memref<1024x32xf32, #tpu.memory_space<vmem>>, vector<16xf32>,
          %parallel_loop3A_629 = vector.broadcast %parallel_loop3A_614 : f32 to vector<16xf32>
          %parallel_loop3A_630 = arith.mulf %parallel_loop3A_621, %parallel_loop3A_629 : vector<16xf32>
          %parallel_loop3A_631 = arith.constant 5 : i32
          %parallel_loop3A_632 = arith.addi %parallel_loop3A_497, %parallel_loop3A_631 : i32
          %parallel_loop3A_633 = arith.index_cast %parallel_loop3A_632 : i32 to index
          %parallel_loop3A_634 = arith.constant 16 : index
          %parallel_loop3A_635 = tpu.vector_load %arg13[%parallel_loop3A_633, %parallel_loop3A_634] {strides = array<i32>} : memref<1024x32xf32, #tpu.memory_space<vmem>>, vector<16xf32>,
          tpu.vector_store %arg13[%parallel_loop3A_633, %parallel_loop3A_634], %parallel_loop3A_630 {strides = array<i32>} : memref<1024x32xf32, #tpu.memory_space<vmem>>, vector<16xf32>,
          %parallel_loop3A_636 = vector.extract_strided_slice %parallel_loop3A_487 {offsets = [6], sizes = [1], strides = [1]} : vector<16xf32> to vector<1xf32>
          %parallel_loop3A_637 = vector.extract %parallel_loop3A_636[0] : f32 from vector<1xf32>
          %parallel_loop3A_638 = arith.constant 6 : i32
          %parallel_loop3A_639 = arith.addi %parallel_loop3A_492, %parallel_loop3A_638 : i32
          %parallel_loop3A_640 = arith.index_cast %parallel_loop3A_639 : i32 to index
          %parallel_loop3A_641 = arith.constant 0 : index
          %parallel_loop3A_642 = tpu.vector_load %arg12[%parallel_loop3A_640, %parallel_loop3A_641] {strides = array<i32>} : memref<1536x32xbf16, #tpu.memory_space<vmem>>, vector<32xbf16>,
          %parallel_loop3A_643 = tpu.unpack_subelements %parallel_loop3A_642, 0 {pack_format = #tpu.pack_format<interleaved>} : vector<32xbf16> -> vector<16xf32>
          %parallel_loop3A_644 = tpu.unpack_subelements %parallel_loop3A_642, 1 {pack_format = #tpu.pack_format<interleaved>} : vector<32xbf16> -> vector<16xf32>
          %parallel_loop3A_645 = vector.broadcast %parallel_loop3A_637 : f32 to vector<16xf32>
          %parallel_loop3A_646 = arith.mulf %parallel_loop3A_643, %parallel_loop3A_645 : vector<16xf32>
          %parallel_loop3A_647 = arith.constant 6 : i32
          %parallel_loop3A_648 = arith.addi %parallel_loop3A_497, %parallel_loop3A_647 : i32
          %parallel_loop3A_649 = arith.index_cast %parallel_loop3A_648 : i32 to index
          %parallel_loop3A_650 = arith.constant 0 : index
          %parallel_loop3A_651 = tpu.vector_load %arg13[%parallel_loop3A_649, %parallel_loop3A_650] {strides = array<i32>} : memref<1024x32xf32, #tpu.memory_space<vmem>>, vector<16xf32>,
          tpu.vector_store %arg13[%parallel_loop3A_649, %parallel_loop3A_650], %parallel_loop3A_646 {strides = array<i32>} : memref<1024x32xf32, #tpu.memory_space<vmem>>, vector<16xf32>,
          %parallel_loop3A_652 = vector.broadcast %parallel_loop3A_637 : f32 to vector<16xf32>
          %parallel_loop3A_653 = arith.mulf %parallel_loop3A_644, %parallel_loop3A_652 : vector<16xf32>
          %parallel_loop3A_654 = arith.constant 6 : i32
          %parallel_loop3A_655 = arith.addi %parallel_loop3A_497, %parallel_loop3A_654 : i32
          %parallel_loop3A_656 = arith.index_cast %parallel_loop3A_655 : i32 to index
          %parallel_loop3A_657 = arith.constant 16 : index
          %parallel_loop3A_658 = tpu.vector_load %arg13[%parallel_loop3A_656, %parallel_loop3A_657] {strides = array<i32>} : memref<1024x32xf32, #tpu.memory_space<vmem>>, vector<16xf32>,
          tpu.vector_store %arg13[%parallel_loop3A_656, %parallel_loop3A_657], %parallel_loop3A_653 {strides = array<i32>} : memref<1024x32xf32, #tpu.memory_space<vmem>>, vector<16xf32>,
          %parallel_loop3A_659 = vector.extract_strided_slice %parallel_loop3A_487 {offsets = [7], sizes = [1], strides = [1]} : vector<16xf32> to vector<1xf32>
          %parallel_loop3A_660 = vector.extract %parallel_loop3A_659[0] : f32 from vector<1xf32>
          %parallel_loop3A_661 = arith.constant 7 : i32
          %parallel_loop3A_662 = arith.addi %parallel_loop3A_492, %parallel_loop3A_661 : i32
          %parallel_loop3A_663 = arith.index_cast %parallel_loop3A_662 : i32 to index
          %parallel_loop3A_664 = arith.constant 0 : index
          %parallel_loop3A_665 = tpu.vector_load %arg12[%parallel_loop3A_663, %parallel_loop3A_664] {strides = array<i32>} : memref<1536x32xbf16, #tpu.memory_space<vmem>>, vector<32xbf16>,
          %parallel_loop3A_666 = tpu.unpack_subelements %parallel_loop3A_665, 0 {pack_format = #tpu.pack_format<interleaved>} : vector<32xbf16> -> vector<16xf32>
          %parallel_loop3A_667 = tpu.unpack_subelements %parallel_loop3A_665, 1 {pack_format = #tpu.pack_format<interleaved>} : vector<32xbf16> -> vector<16xf32>
          %parallel_loop3A_668 = vector.broadcast %parallel_loop3A_660 : f32 to vector<16xf32>
          %parallel_loop3A_669 = arith.mulf %parallel_loop3A_666, %parallel_loop3A_668 : vector<16xf32>
          %parallel_loop3A_670 = arith.constant 7 : i32
          %parallel_loop3A_671 = arith.addi %parallel_loop3A_497, %parallel_loop3A_670 : i32
          %parallel_loop3A_672 = arith.index_cast %parallel_loop3A_671 : i32 to index
          %parallel_loop3A_673 = arith.constant 0 : index
          %parallel_loop3A_674 = tpu.vector_load %arg13[%parallel_loop3A_672, %parallel_loop3A_673] {strides = array<i32>} : memref<1024x32xf32, #tpu.memory_space<vmem>>, vector<16xf32>,
          tpu.vector_store %arg13[%parallel_loop3A_672, %parallel_loop3A_673], %parallel_loop3A_669 {strides = array<i32>} : memref<1024x32xf32, #tpu.memory_space<vmem>>, vector<16xf32>,
          %parallel_loop3A_675 = vector.broadcast %parallel_loop3A_660 : f32 to vector<16xf32>
          %parallel_loop3A_676 = arith.mulf %parallel_loop3A_667, %parallel_loop3A_675 : vector<16xf32>
          %parallel_loop3A_677 = arith.constant 7 : i32
          %parallel_loop3A_678 = arith.addi %parallel_loop3A_497, %parallel_loop3A_677 : i32
          %parallel_loop3A_679 = arith.index_cast %parallel_loop3A_678 : i32 to index
          %parallel_loop3A_680 = arith.constant 16 : index
          %parallel_loop3A_681 = tpu.vector_load %arg13[%parallel_loop3A_679, %parallel_loop3A_680] {strides = array<i32>} : memref<1024x32xf32, #tpu.memory_space<vmem>>, vector<16xf32>,
          tpu.vector_store %arg13[%parallel_loop3A_679, %parallel_loop3A_680], %parallel_loop3A_676 {strides = array<i32>} : memref<1024x32xf32, #tpu.memory_space<vmem>>, vector<16xf32>,
          %parallel_loop3A_682 = vector.extract_strided_slice %parallel_loop3A_487 {offsets = [8], sizes = [1], strides = [1]} : vector<16xf32> to vector<1xf32>
          %parallel_loop3A_683 = vector.extract %parallel_loop3A_682[0] : f32 from vector<1xf32>
          %parallel_loop3A_684 = arith.constant 8 : i32
          %parallel_loop3A_685 = arith.addi %parallel_loop3A_492, %parallel_loop3A_684 : i32
          %parallel_loop3A_686 = arith.index_cast %parallel_loop3A_685 : i32 to index
          %parallel_loop3A_687 = arith.constant 0 : index
          %parallel_loop3A_688 = tpu.vector_load %arg12[%parallel_loop3A_686, %parallel_loop3A_687] {strides = array<i32>} : memref<1536x32xbf16, #tpu.memory_space<vmem>>, vector<32xbf16>,
          %parallel_loop3A_689 = tpu.unpack_subelements %parallel_loop3A_688, 0 {pack_format = #tpu.pack_format<interleaved>} : vector<32xbf16> -> vector<16xf32>
          %parallel_loop3A_690 = tpu.unpack_subelements %parallel_loop3A_688, 1 {pack_format = #tpu.pack_format<interleaved>} : vector<32xbf16> -> vector<16xf32>
          %parallel_loop3A_691 = vector.broadcast %parallel_loop3A_683 : f32 to vector<16xf32>
          %parallel_loop3A_692 = arith.mulf %parallel_loop3A_689, %parallel_loop3A_691 : vector<16xf32>
          %parallel_loop3A_693 = arith.constant 8 : i32
          %parallel_loop3A_694 = arith.addi %parallel_loop3A_497, %parallel_loop3A_693 : i32
          %parallel_loop3A_695 = arith.index_cast %parallel_loop3A_694 : i32 to index
          %parallel_loop3A_696 = arith.constant 0 : index
          %parallel_loop3A_697 = tpu.vector_load %arg13[%parallel_loop3A_695, %parallel_loop3A_696] {strides = array<i32>} : memref<1024x32xf32, #tpu.memory_space<vmem>>, vector<16xf32>,
          tpu.vector_store %arg13[%parallel_loop3A_695, %parallel_loop3A_696], %parallel_loop3A_692 {strides = array<i32>} : memref<1024x32xf32, #tpu.memory_space<vmem>>, vector<16xf32>,
          %parallel_loop3A_698 = vector.broadcast %parallel_loop3A_683 : f32 to vector<16xf32>
          %parallel_loop3A_699 = arith.mulf %parallel_loop3A_690, %parallel_loop3A_698 : vector<16xf32>
          %parallel_loop3A_700 = arith.constant 8 : i32
          %parallel_loop3A_701 = arith.addi %parallel_loop3A_497, %parallel_loop3A_700 : i32
          %parallel_loop3A_702 = arith.index_cast %parallel_loop3A_701 : i32 to index
          %parallel_loop3A_703 = arith.constant 16 : index
          %parallel_loop3A_704 = tpu.vector_load %arg13[%parallel_loop3A_702, %parallel_loop3A_703] {strides = array<i32>} : memref<1024x32xf32, #tpu.memory_space<vmem>>, vector<16xf32>,
          tpu.vector_store %arg13[%parallel_loop3A_702, %parallel_loop3A_703], %parallel_loop3A_699 {strides = array<i32>} : memref<1024x32xf32, #tpu.memory_space<vmem>>, vector<16xf32>,
          %parallel_loop3A_705 = vector.extract_strided_slice %parallel_loop3A_487 {offsets = [9], sizes = [1], strides = [1]} : vector<16xf32> to vector<1xf32>
          %parallel_loop3A_706 = vector.extract %parallel_loop3A_705[0] : f32 from vector<1xf32>
          %parallel_loop3A_707 = arith.constant 9 : i32
          %parallel_loop3A_708 = arith.addi %parallel_loop3A_492, %parallel_loop3A_707 : i32
          %parallel_loop3A_709 = arith.index_cast %parallel_loop3A_708 : i32 to index
          %parallel_loop3A_710 = arith.constant 0 : index
          %parallel_loop3A_711 = tpu.vector_load %arg12[%parallel_loop3A_709, %parallel_loop3A_710] {strides = array<i32>} : memref<1536x32xbf16, #tpu.memory_space<vmem>>, vector<32xbf16>,
          %parallel_loop3A_712 = tpu.unpack_subelements %parallel_loop3A_711, 0 {pack_format = #tpu.pack_format<interleaved>} : vector<32xbf16> -> vector<16xf32>
          %parallel_loop3A_713 = tpu.unpack_subelements %parallel_loop3A_711, 1 {pack_format = #tpu.pack_format<interleaved>} : vector<32xbf16> -> vector<16xf32>
          %parallel_loop3A_714 = vector.broadcast %parallel_loop3A_706 : f32 to vector<16xf32>
          %parallel_loop3A_715 = arith.mulf %parallel_loop3A_712, %parallel_loop3A_714 : vector<16xf32>
          %parallel_loop3A_716 = arith.constant 9 : i32
          %parallel_loop3A_717 = arith.addi %parallel_loop3A_497, %parallel_loop3A_716 : i32
          %parallel_loop3A_718 = arith.index_cast %parallel_loop3A_717 : i32 to index
          %parallel_loop3A_719 = arith.constant 0 : index
          %parallel_loop3A_720 = tpu.vector_load %arg13[%parallel_loop3A_718, %parallel_loop3A_719] {strides = array<i32>} : memref<1024x32xf32, #tpu.memory_space<vmem>>, vector<16xf32>,
          tpu.vector_store %arg13[%parallel_loop3A_718, %parallel_loop3A_719], %parallel_loop3A_715 {strides = array<i32>} : memref<1024x32xf32, #tpu.memory_space<vmem>>, vector<16xf32>,
          %parallel_loop3A_721 = vector.broadcast %parallel_loop3A_706 : f32 to vector<16xf32>
          %parallel_loop3A_722 = arith.mulf %parallel_loop3A_713, %parallel_loop3A_721 : vector<16xf32>
          %parallel_loop3A_723 = arith.constant 9 : i32
          %parallel_loop3A_724 = arith.addi %parallel_loop3A_497, %parallel_loop3A_723 : i32
          %parallel_loop3A_725 = arith.index_cast %parallel_loop3A_724 : i32 to index
          %parallel_loop3A_726 = arith.constant 16 : index
          %parallel_loop3A_727 = tpu.vector_load %arg13[%parallel_loop3A_725, %parallel_loop3A_726] {strides = array<i32>} : memref<1024x32xf32, #tpu.memory_space<vmem>>, vector<16xf32>,
          tpu.vector_store %arg13[%parallel_loop3A_725, %parallel_loop3A_726], %parallel_loop3A_722 {strides = array<i32>} : memref<1024x32xf32, #tpu.memory_space<vmem>>, vector<16xf32>,
          %parallel_loop3A_728 = vector.extract_strided_slice %parallel_loop3A_487 {offsets = [10], sizes = [1], strides = [1]} : vector<16xf32> to vector<1xf32>
          %parallel_loop3A_729 = vector.extract %parallel_loop3A_728[0] : f32 from vector<1xf32>
          %parallel_loop3A_730 = arith.constant 10 : i32
          %parallel_loop3A_731 = arith.addi %parallel_loop3A_492, %parallel_loop3A_730 : i32
          %parallel_loop3A_732 = arith.index_cast %parallel_loop3A_731 : i32 to index
          %parallel_loop3A_733 = arith.constant 0 : index
          %parallel_loop3A_734 = tpu.vector_load %arg12[%parallel_loop3A_732, %parallel_loop3A_733] {strides = array<i32>} : memref<1536x32xbf16, #tpu.memory_space<vmem>>, vector<32xbf16>,
          %parallel_loop3A_735 = tpu.unpack_subelements %parallel_loop3A_734, 0 {pack_format = #tpu.pack_format<interleaved>} : vector<32xbf16> -> vector<16xf32>
          %parallel_loop3A_736 = tpu.unpack_subelements %parallel_loop3A_734, 1 {pack_format = #tpu.pack_format<interleaved>} : vector<32xbf16> -> vector<16xf32>
          %parallel_loop3A_737 = vector.broadcast %parallel_loop3A_729 : f32 to vector<16xf32>
          %parallel_loop3A_738 = arith.mulf %parallel_loop3A_735, %parallel_loop3A_737 : vector<16xf32>
          %parallel_loop3A_739 = arith.constant 10 : i32
          %parallel_loop3A_740 = arith.addi %parallel_loop3A_497, %parallel_loop3A_739 : i32
          %parallel_loop3A_741 = arith.index_cast %parallel_loop3A_740 : i32 to index
          %parallel_loop3A_742 = arith.constant 0 : index
          %parallel_loop3A_743 = tpu.vector_load %arg13[%parallel_loop3A_741, %parallel_loop3A_742] {strides = array<i32>} : memref<1024x32xf32, #tpu.memory_space<vmem>>, vector<16xf32>,
          tpu.vector_store %arg13[%parallel_loop3A_741, %parallel_loop3A_742], %parallel_loop3A_738 {strides = array<i32>} : memref<1024x32xf32, #tpu.memory_space<vmem>>, vector<16xf32>,
          %parallel_loop3A_744 = vector.broadcast %parallel_loop3A_729 : f32 to vector<16xf32>
          %parallel_loop3A_745 = arith.mulf %parallel_loop3A_736, %parallel_loop3A_744 : vector<16xf32>
          %parallel_loop3A_746 = arith.constant 10 : i32
          %parallel_loop3A_747 = arith.addi %parallel_loop3A_497, %parallel_loop3A_746 : i32
          %parallel_loop3A_748 = arith.index_cast %parallel_loop3A_747 : i32 to index
          %parallel_loop3A_749 = arith.constant 16 : index
          %parallel_loop3A_750 = tpu.vector_load %arg13[%parallel_loop3A_748, %parallel_loop3A_749] {strides = array<i32>} : memref<1024x32xf32, #tpu.memory_space<vmem>>, vector<16xf32>,
          tpu.vector_store %arg13[%parallel_loop3A_748, %parallel_loop3A_749], %parallel_loop3A_745 {strides = array<i32>} : memref<1024x32xf32, #tpu.memory_space<vmem>>, vector<16xf32>,
          %parallel_loop3A_751 = vector.extract_strided_slice %parallel_loop3A_487 {offsets = [11], sizes = [1], strides = [1]} : vector<16xf32> to vector<1xf32>
          %parallel_loop3A_752 = vector.extract %parallel_loop3A_751[0] : f32 from vector<1xf32>
          %parallel_loop3A_753 = arith.constant 11 : i32
          %parallel_loop3A_754 = arith.addi %parallel_loop3A_492, %parallel_loop3A_753 : i32
          %parallel_loop3A_755 = arith.index_cast %parallel_loop3A_754 : i32 to index
          %parallel_loop3A_756 = arith.constant 0 : index
          %parallel_loop3A_757 = tpu.vector_load %arg12[%parallel_loop3A_755, %parallel_loop3A_756] {strides = array<i32>} : memref<1536x32xbf16, #tpu.memory_space<vmem>>, vector<32xbf16>,
          %parallel_loop3A_758 = tpu.unpack_subelements %parallel_loop3A_757, 0 {pack_format = #tpu.pack_format<interleaved>} : vector<32xbf16> -> vector<16xf32>
          %parallel_loop3A_759 = tpu.unpack_subelements %parallel_loop3A_757, 1 {pack_format = #tpu.pack_format<interleaved>} : vector<32xbf16> -> vector<16xf32>
          %parallel_loop3A_760 = vector.broadcast %parallel_loop3A_752 : f32 to vector<16xf32>
          %parallel_loop3A_761 = arith.mulf %parallel_loop3A_758, %parallel_loop3A_760 : vector<16xf32>
          %parallel_loop3A_762 = arith.constant 11 : i32
          %parallel_loop3A_763 = arith.addi %parallel_loop3A_497, %parallel_loop3A_762 : i32
          %parallel_loop3A_764 = arith.index_cast %parallel_loop3A_763 : i32 to index
          %parallel_loop3A_765 = arith.constant 0 : index
          %parallel_loop3A_766 = tpu.vector_load %arg13[%parallel_loop3A_764, %parallel_loop3A_765] {strides = array<i32>} : memref<1024x32xf32, #tpu.memory_space<vmem>>, vector<16xf32>,
          tpu.vector_store %arg13[%parallel_loop3A_764, %parallel_loop3A_765], %parallel_loop3A_761 {strides = array<i32>} : memref<1024x32xf32, #tpu.memory_space<vmem>>, vector<16xf32>,
          %parallel_loop3A_767 = vector.broadcast %parallel_loop3A_752 : f32 to vector<16xf32>
          %parallel_loop3A_768 = arith.mulf %parallel_loop3A_759, %parallel_loop3A_767 : vector<16xf32>
          %parallel_loop3A_769 = arith.constant 11 : i32
          %parallel_loop3A_770 = arith.addi %parallel_loop3A_497, %parallel_loop3A_769 : i32
          %parallel_loop3A_771 = arith.index_cast %parallel_loop3A_770 : i32 to index
          %parallel_loop3A_772 = arith.constant 16 : index
          %parallel_loop3A_773 = tpu.vector_load %arg13[%parallel_loop3A_771, %parallel_loop3A_772] {strides = array<i32>} : memref<1024x32xf32, #tpu.memory_space<vmem>>, vector<16xf32>,
          tpu.vector_store %arg13[%parallel_loop3A_771, %parallel_loop3A_772], %parallel_loop3A_768 {strides = array<i32>} : memref<1024x32xf32, #tpu.memory_space<vmem>>, vector<16xf32>,
          %parallel_loop3A_774 = vector.extract_strided_slice %parallel_loop3A_487 {offsets = [12], sizes = [1], strides = [1]} : vector<16xf32> to vector<1xf32>
          %parallel_loop3A_775 = vector.extract %parallel_loop3A_774[0] : f32 from vector<1xf32>
          %parallel_loop3A_776 = arith.constant 12 : i32
          %parallel_loop3A_777 = arith.addi %parallel_loop3A_492, %parallel_loop3A_776 : i32
          %parallel_loop3A_778 = arith.index_cast %parallel_loop3A_777 : i32 to index
          %parallel_loop3A_779 = arith.constant 0 : index
          %parallel_loop3A_780 = tpu.vector_load %arg12[%parallel_loop3A_778, %parallel_loop3A_779] {strides = array<i32>} : memref<1536x32xbf16, #tpu.memory_space<vmem>>, vector<32xbf16>,
          %parallel_loop3A_781 = tpu.unpack_subelements %parallel_loop3A_780, 0 {pack_format = #tpu.pack_format<interleaved>} : vector<32xbf16> -> vector<16xf32>
          %parallel_loop3A_782 = tpu.unpack_subelements %parallel_loop3A_780, 1 {pack_format = #tpu.pack_format<interleaved>} : vector<32xbf16> -> vector<16xf32>
          %parallel_loop3A_783 = vector.broadcast %parallel_loop3A_775 : f32 to vector<16xf32>
          %parallel_loop3A_784 = arith.mulf %parallel_loop3A_781, %parallel_loop3A_783 : vector<16xf32>
          %parallel_loop3A_785 = arith.constant 12 : i32
          %parallel_loop3A_786 = arith.addi %parallel_loop3A_497, %parallel_loop3A_785 : i32
          %parallel_loop3A_787 = arith.index_cast %parallel_loop3A_786 : i32 to index
          %parallel_loop3A_788 = arith.constant 0 : index
          %parallel_loop3A_789 = tpu.vector_load %arg13[%parallel_loop3A_787, %parallel_loop3A_788] {strides = array<i32>} : memref<1024x32xf32, #tpu.memory_space<vmem>>, vector<16xf32>,
          tpu.vector_store %arg13[%parallel_loop3A_787, %parallel_loop3A_788], %parallel_loop3A_784 {strides = array<i32>} : memref<1024x32xf32, #tpu.memory_space<vmem>>, vector<16xf32>,
          %parallel_loop3A_790 = vector.broadcast %parallel_loop3A_775 : f32 to vector<16xf32>
          %parallel_loop3A_791 = arith.mulf %parallel_loop3A_782, %parallel_loop3A_790 : vector<16xf32>
          %parallel_loop3A_792 = arith.constant 12 : i32
          %parallel_loop3A_793 = arith.addi %parallel_loop3A_497, %parallel_loop3A_792 : i32
          %parallel_loop3A_794 = arith.index_cast %parallel_loop3A_793 : i32 to index
          %parallel_loop3A_795 = arith.constant 16 : index
          %parallel_loop3A_796 = tpu.vector_load %arg13[%parallel_loop3A_794, %parallel_loop3A_795] {strides = array<i32>} : memref<1024x32xf32, #tpu.memory_space<vmem>>, vector<16xf32>,
          tpu.vector_store %arg13[%parallel_loop3A_794, %parallel_loop3A_795], %parallel_loop3A_791 {strides = array<i32>} : memref<1024x32xf32, #tpu.memory_space<vmem>>, vector<16xf32>,
          %parallel_loop3A_797 = vector.extract_strided_slice %parallel_loop3A_487 {offsets = [13], sizes = [1], strides = [1]} : vector<16xf32> to vector<1xf32>
          %parallel_loop3A_798 = vector.extract %parallel_loop3A_797[0] : f32 from vector<1xf32>
          %parallel_loop3A_799 = arith.constant 13 : i32
          %parallel_loop3A_800 = arith.addi %parallel_loop3A_492, %parallel_loop3A_799 : i32
          %parallel_loop3A_801 = arith.index_cast %parallel_loop3A_800 : i32 to index
          %parallel_loop3A_802 = arith.constant 0 : index
          %parallel_loop3A_803 = tpu.vector_load %arg12[%parallel_loop3A_801, %parallel_loop3A_802] {strides = array<i32>} : memref<1536x32xbf16, #tpu.memory_space<vmem>>, vector<32xbf16>,
          %parallel_loop3A_804 = tpu.unpack_subelements %parallel_loop3A_803, 0 {pack_format = #tpu.pack_format<interleaved>} : vector<32xbf16> -> vector<16xf32>
          %parallel_loop3A_805 = tpu.unpack_subelements %parallel_loop3A_803, 1 {pack_format = #tpu.pack_format<interleaved>} : vector<32xbf16> -> vector<16xf32>
          %parallel_loop3A_806 = vector.broadcast %parallel_loop3A_798 : f32 to vector<16xf32>
          %parallel_loop3A_807 = arith.mulf %parallel_loop3A_804, %parallel_loop3A_806 : vector<16xf32>
          %parallel_loop3A_808 = arith.constant 13 : i32
          %parallel_loop3A_809 = arith.addi %parallel_loop3A_497, %parallel_loop3A_808 : i32
          %parallel_loop3A_810 = arith.index_cast %parallel_loop3A_809 : i32 to index
          %parallel_loop3A_811 = arith.constant 0 : index
          %parallel_loop3A_812 = tpu.vector_load %arg13[%parallel_loop3A_810, %parallel_loop3A_811] {strides = array<i32>} : memref<1024x32xf32, #tpu.memory_space<vmem>>, vector<16xf32>,
          tpu.vector_store %arg13[%parallel_loop3A_810, %parallel_loop3A_811], %parallel_loop3A_807 {strides = array<i32>} : memref<1024x32xf32, #tpu.memory_space<vmem>>, vector<16xf32>,
          %parallel_loop3A_813 = vector.broadcast %parallel_loop3A_798 : f32 to vector<16xf32>
          %parallel_loop3A_814 = arith.mulf %parallel_loop3A_805, %parallel_loop3A_813 : vector<16xf32>
          %parallel_loop3A_815 = arith.constant 13 : i32
          %parallel_loop3A_816 = arith.addi %parallel_loop3A_497, %parallel_loop3A_815 : i32
          %parallel_loop3A_817 = arith.index_cast %parallel_loop3A_816 : i32 to index
          %parallel_loop3A_818 = arith.constant 16 : index
          %parallel_loop3A_819 = tpu.vector_load %arg13[%parallel_loop3A_817, %parallel_loop3A_818] {strides = array<i32>} : memref<1024x32xf32, #tpu.memory_space<vmem>>, vector<16xf32>,
          tpu.vector_store %arg13[%parallel_loop3A_817, %parallel_loop3A_818], %parallel_loop3A_814 {strides = array<i32>} : memref<1024x32xf32, #tpu.memory_space<vmem>>, vector<16xf32>,
          %parallel_loop3A_820 = vector.extract_strided_slice %parallel_loop3A_487 {offsets = [14], sizes = [1], strides = [1]} : vector<16xf32> to vector<1xf32>
          %parallel_loop3A_821 = vector.extract %parallel_loop3A_820[0] : f32 from vector<1xf32>
          %parallel_loop3A_822 = arith.constant 14 : i32
          %parallel_loop3A_823 = arith.addi %parallel_loop3A_492, %parallel_loop3A_822 : i32
          %parallel_loop3A_824 = arith.index_cast %parallel_loop3A_823 : i32 to index
          %parallel_loop3A_825 = arith.constant 0 : index
          %parallel_loop3A_826 = tpu.vector_load %arg12[%parallel_loop3A_824, %parallel_loop3A_825] {strides = array<i32>} : memref<1536x32xbf16, #tpu.memory_space<vmem>>, vector<32xbf16>,
          %parallel_loop3A_827 = tpu.unpack_subelements %parallel_loop3A_826, 0 {pack_format = #tpu.pack_format<interleaved>} : vector<32xbf16> -> vector<16xf32>
          %parallel_loop3A_828 = tpu.unpack_subelements %parallel_loop3A_826, 1 {pack_format = #tpu.pack_format<interleaved>} : vector<32xbf16> -> vector<16xf32>
          %parallel_loop3A_829 = vector.broadcast %parallel_loop3A_821 : f32 to vector<16xf32>
          %parallel_loop3A_830 = arith.mulf %parallel_loop3A_827, %parallel_loop3A_829 : vector<16xf32>
          %parallel_loop3A_831 = arith.constant 14 : i32
          %parallel_loop3A_832 = arith.addi %parallel_loop3A_497, %parallel_loop3A_831 : i32
          %parallel_loop3A_833 = arith.index_cast %parallel_loop3A_832 : i32 to index
          %parallel_loop3A_834 = arith.constant 0 : index
          %parallel_loop3A_835 = tpu.vector_load %arg13[%parallel_loop3A_833, %parallel_loop3A_834] {strides = array<i32>} : memref<1024x32xf32, #tpu.memory_space<vmem>>, vector<16xf32>,
          tpu.vector_store %arg13[%parallel_loop3A_833, %parallel_loop3A_834], %parallel_loop3A_830 {strides = array<i32>} : memref<1024x32xf32, #tpu.memory_space<vmem>>, vector<16xf32>,
          %parallel_loop3A_836 = vector.broadcast %parallel_loop3A_821 : f32 to vector<16xf32>
          %parallel_loop3A_837 = arith.mulf %parallel_loop3A_828, %parallel_loop3A_836 : vector<16xf32>
          %parallel_loop3A_838 = arith.constant 14 : i32
          %parallel_loop3A_839 = arith.addi %parallel_loop3A_497, %parallel_loop3A_838 : i32
          %parallel_loop3A_840 = arith.index_cast %parallel_loop3A_839 : i32 to index
          %parallel_loop3A_841 = arith.constant 16 : index
          %parallel_loop3A_842 = tpu.vector_load %arg13[%parallel_loop3A_840, %parallel_loop3A_841] {strides = array<i32>} : memref<1024x32xf32, #tpu.memory_space<vmem>>, vector<16xf32>,
          tpu.vector_store %arg13[%parallel_loop3A_840, %parallel_loop3A_841], %parallel_loop3A_837 {strides = array<i32>} : memref<1024x32xf32, #tpu.memory_space<vmem>>, vector<16xf32>,
          %parallel_loop3A_843 = vector.extract_strided_slice %parallel_loop3A_487 {offsets = [15], sizes = [1], strides = [1]} : vector<16xf32> to vector<1xf32>
          %parallel_loop3A_844 = vector.extract %parallel_loop3A_843[0] : f32 from vector<1xf32>
          %parallel_loop3A_845 = arith.constant 15 : i32
          %parallel_loop3A_846 = arith.addi %parallel_loop3A_492, %parallel_loop3A_845 : i32
          %parallel_loop3A_847 = arith.index_cast %parallel_loop3A_846 : i32 to index
          %parallel_loop3A_848 = arith.constant 0 : index
          %parallel_loop3A_849 = tpu.vector_load %arg12[%parallel_loop3A_847, %parallel_loop3A_848] {strides = array<i32>} : memref<1536x32xbf16, #tpu.memory_space<vmem>>, vector<32xbf16>,
          %parallel_loop3A_850 = tpu.unpack_subelements %parallel_loop3A_849, 0 {pack_format = #tpu.pack_format<interleaved>} : vector<32xbf16> -> vector<16xf32>
          %parallel_loop3A_851 = tpu.unpack_subelements %parallel_loop3A_849, 1 {pack_format = #tpu.pack_format<interleaved>} : vector<32xbf16> -> vector<16xf32>
          %parallel_loop3A_852 = vector.broadcast %parallel_loop3A_844 : f32 to vector<16xf32>
          %parallel_loop3A_853 = arith.mulf %parallel_loop3A_850, %parallel_loop3A_852 : vector<16xf32>
          %parallel_loop3A_854 = arith.constant 15 : i32
          %parallel_loop3A_855 = arith.addi %parallel_loop3A_497, %parallel_loop3A_854 : i32
          %parallel_loop3A_856 = arith.index_cast %parallel_loop3A_855 : i32 to index
          %parallel_loop3A_857 = arith.constant 0 : index
          %parallel_loop3A_858 = tpu.vector_load %arg13[%parallel_loop3A_856, %parallel_loop3A_857] {strides = array<i32>} : memref<1024x32xf32, #tpu.memory_space<vmem>>, vector<16xf32>,
          tpu.vector_store %arg13[%parallel_loop3A_856, %parallel_loop3A_857], %parallel_loop3A_853 {strides = array<i32>} : memref<1024x32xf32, #tpu.memory_space<vmem>>, vector<16xf32>,
          %parallel_loop3A_859 = vector.broadcast %parallel_loop3A_844 : f32 to vector<16xf32>
          %parallel_loop3A_860 = arith.mulf %parallel_loop3A_851, %parallel_loop3A_859 : vector<16xf32>
          %parallel_loop3A_861 = arith.constant 15 : i32
          %parallel_loop3A_862 = arith.addi %parallel_loop3A_497, %parallel_loop3A_861 : i32
          %parallel_loop3A_863 = arith.index_cast %parallel_loop3A_862 : i32 to index
          %parallel_loop3A_864 = arith.constant 16 : index
          %parallel_loop3A_865 = tpu.vector_load %arg13[%parallel_loop3A_863, %parallel_loop3A_864] {strides = array<i32>} : memref<1024x32xf32, #tpu.memory_space<vmem>>, vector<16xf32>,
          tpu.vector_store %arg13[%parallel_loop3A_863, %parallel_loop3A_864], %parallel_loop3A_860 {strides = array<i32>} : memref<1024x32xf32, #tpu.memory_space<vmem>>, vector<16xf32>,
        } {sc.loop_unroll_factor = 1 : i64, sc.parallel_access}
        %ge3A = arith.constant 1 : i32
        %ge3A_412 = arith.cmpi sge, %scan3A_349, %ge3A : i32
        %convert_element_type3A_413 = arith.extui %ge3A_412 : i1 to i32
        %cond3A_414 = arith.constant 0 : i32
        %cond3A_415 = arith.cmpi ne, %convert_element_type3A_413, %cond3A_414 : i32
        scf.if %cond3A_415 {
          %add3A_480 = arith.constant 1 : i32
          %add3A_481 = arith.addi %scan3A_349, %add3A_480 : i32
          %rem3A_482 = arith.constant 2 : i32
          %rem3A_483 = arith.remsi %add3A_481, %rem3A_482 : i32
          %mul3A_484 = arith.constant 512 : i32
          %mul3A_485 = arith.muli %rem3A_483, %mul3A_484 : i32
          %add3A_486 = arith.constant 0 : i32
          %add3A_487 = arith.addi %mul3A_485, %add3A_486 : i32
          %dma_wait3A_488 = arith.constant 0 : i32
          %dma_wait3A_489 = arith.constant 0 : i32
          %dma_wait3A_490 = tpu.memref_slice %arg13[%add3A_487, %dma_wait3A_489] : memref<1024x32xf32, #tpu.memory_space<vmem>> -> memref<128x32xf32, #tpu.memory_space<vmem>>
          %dma_wait3A_491 = arith.constant 0 : i32
          %dma_wait3A_492 = tpu.memref_slice %arg10[%dma_wait3A_488, %dma_wait3A_491] : memref<52x128xi32, #tpu.memory_space<vmem>> -> memref<1x128xi32, #tpu.memory_space<vmem>>
          %dma_wait3A_493 = tpu.memref_squeeze %dma_wait3A_492 : memref<1x128xi32, #tpu.memory_space<vmem>> -> memref<128xi32, #tpu.memory_space<vmem>>
          %dma_wait3A_494 = arith.constant 0 : i32
          %dma_wait3A_495 = arith.constant 0 : i32
          %dma_wait3A_496 = tpu.memref_slice %arg14[%dma_wait3A_494, %dma_wait3A_495] : memref<20000x32xf32, #tpu.memory_space<vmem_shared>> -> memref<20000x32xf32, #tpu.memory_space<vmem_shared>>
          tpu.wait_indirect_dma semaphore(%arg16 : memref<!tpu.dma_semaphore, #tpu.memory_space<semaphore_mem>>) src(%dma_wait3A_490 : memref<128x32xf32, #tpu.memory_space<vmem>>) dst(%dma_wait3A_496 : memref<20000x32xf32, #tpu.memory_space<vmem_shared>>)
          %mul3A_497 = arith.constant 512 : i32
          %mul3A_498 = arith.muli %rem3A_483, %mul3A_497 : i32
          %add3A_499 = arith.constant 128 : i32
          %add3A_500 = arith.addi %mul3A_498, %add3A_499 : i32
          %dma_wait3A_501 = arith.constant 1 : i32
          %dma_wait3A_502 = arith.constant 0 : i32
          %dma_wait3A_503 = tpu.memref_slice %arg13[%add3A_500, %dma_wait3A_502] : memref<1024x32xf32, #tpu.memory_space<vmem>> -> memref<128x32xf32, #tpu.memory_space<vmem>>
          %dma_wait3A_504 = arith.constant 0 : i32
          %dma_wait3A_505 = tpu.memref_slice %arg10[%dma_wait3A_501, %dma_wait3A_504] : memref<52x128xi32, #tpu.memory_space<vmem>> -> memref<1x128xi32, #tpu.memory_space<vmem>>
          %dma_wait3A_506 = tpu.memref_squeeze %dma_wait3A_505 : memref<1x128xi32, #tpu.memory_space<vmem>> -> memref<128xi32, #tpu.memory_space<vmem>>
          %dma_wait3A_507 = arith.constant 0 : i32
          %dma_wait3A_508 = arith.constant 0 : i32
          %dma_wait3A_509 = tpu.memref_slice %arg14[%dma_wait3A_507, %dma_wait3A_508] : memref<20000x32xf32, #tpu.memory_space<vmem_shared>> -> memref<20000x32xf32, #tpu.memory_space<vmem_shared>>
          tpu.wait_indirect_dma semaphore(%arg16 : memref<!tpu.dma_semaphore, #tpu.memory_space<semaphore_mem>>) src(%dma_wait3A_503 : memref<128x32xf32, #tpu.memory_space<vmem>>) dst(%dma_wait3A_509 : memref<20000x32xf32, #tpu.memory_space<vmem_shared>>)
          %mul3A_510 = arith.constant 512 : i32
          %mul3A_511 = arith.muli %rem3A_483, %mul3A_510 : i32
          %add3A_512 = arith.constant 256 : i32
          %add3A_513 = arith.addi %mul3A_511, %add3A_512 : i32
          %dma_wait3A_514 = arith.constant 2 : i32
          %dma_wait3A_515 = arith.constant 0 : i32
          %dma_wait3A_516 = tpu.memref_slice %arg13[%add3A_513, %dma_wait3A_515] : memref<1024x32xf32, #tpu.memory_space<vmem>> -> memref<128x32xf32, #tpu.memory_space<vmem>>
          %dma_wait3A_517 = arith.constant 0 : i32
          %dma_wait3A_518 = tpu.memref_slice %arg10[%dma_wait3A_514, %dma_wait3A_517] : memref<52x128xi32, #tpu.memory_space<vmem>> -> memref<1x128xi32, #tpu.memory_space<vmem>>
          %dma_wait3A_519 = tpu.memref_squeeze %dma_wait3A_518 : memref<1x128xi32, #tpu.memory_space<vmem>> -> memref<128xi32, #tpu.memory_space<vmem>>
          %dma_wait3A_520 = arith.constant 0 : i32
          %dma_wait3A_521 = arith.constant 0 : i32
          %dma_wait3A_522 = tpu.memref_slice %arg14[%dma_wait3A_520, %dma_wait3A_521] : memref<20000x32xf32, #tpu.memory_space<vmem_shared>> -> memref<20000x32xf32, #tpu.memory_space<vmem_shared>>
          tpu.wait_indirect_dma semaphore(%arg16 : memref<!tpu.dma_semaphore, #tpu.memory_space<semaphore_mem>>) src(%dma_wait3A_516 : memref<128x32xf32, #tpu.memory_space<vmem>>) dst(%dma_wait3A_522 : memref<20000x32xf32, #tpu.memory_space<vmem_shared>>)
          %mul3A_523 = arith.constant 512 : i32
          %mul3A_524 = arith.muli %rem3A_483, %mul3A_523 : i32
          %add3A_525 = arith.constant 384 : i32
          %add3A_526 = arith.addi %mul3A_524, %add3A_525 : i32
          %dma_wait3A_527 = arith.constant 3 : i32
          %dma_wait3A_528 = arith.constant 0 : i32
          %dma_wait3A_529 = tpu.memref_slice %arg13[%add3A_526, %dma_wait3A_528] : memref<1024x32xf32, #tpu.memory_space<vmem>> -> memref<128x32xf32, #tpu.memory_space<vmem>>
          %dma_wait3A_530 = arith.constant 0 : i32
          %dma_wait3A_531 = tpu.memref_slice %arg10[%dma_wait3A_527, %dma_wait3A_530] : memref<52x128xi32, #tpu.memory_space<vmem>> -> memref<1x128xi32, #tpu.memory_space<vmem>>
          %dma_wait3A_532 = tpu.memref_squeeze %dma_wait3A_531 : memref<1x128xi32, #tpu.memory_space<vmem>> -> memref<128xi32, #tpu.memory_space<vmem>>
          %dma_wait3A_533 = arith.constant 0 : i32
          %dma_wait3A_534 = arith.constant 0 : i32
          %dma_wait3A_535 = tpu.memref_slice %arg14[%dma_wait3A_533, %dma_wait3A_534] : memref<20000x32xf32, #tpu.memory_space<vmem_shared>> -> memref<20000x32xf32, #tpu.memory_space<vmem_shared>>
          tpu.wait_indirect_dma semaphore(%arg16 : memref<!tpu.dma_semaphore, #tpu.memory_space<semaphore_mem>>) src(%dma_wait3A_529 : memref<128x32xf32, #tpu.memory_space<vmem>>) dst(%dma_wait3A_535 : memref<20000x32xf32, #tpu.memory_space<vmem_shared>>)
        } else {
        }
        %mul3A_416 = arith.constant 512 : i32
        %mul3A_417 = arith.muli %rem3A_353, %mul3A_416 : i32
        %add3A_418 = arith.constant 0 : i32
        %add3A_419 = arith.addi %mul3A_417, %add3A_418 : i32
        %mul3A_420 = arith.constant 4 : i32
        %mul3A_421 = arith.muli %scan3A_349, %mul3A_420 : i32
        %add3A_422 = arith.constant 0 : i32
        %add3A_423 = arith.addi %mul3A_421, %add3A_422 : i32
        %dma_start3A_424 = arith.constant 0 : i32
        %dma_start3A_425 = tpu.memref_slice %arg13[%add3A_419, %dma_start3A_424] : memref<1024x32xf32, #tpu.memory_space<vmem>> -> memref<128x32xf32, #tpu.memory_space<vmem>>
        %dma_start3A_426 = arith.constant 0 : i32
        %dma_start3A_427 = tpu.memref_slice %arg10[%add3A_423, %dma_start3A_426] : memref<52x128xi32, #tpu.memory_space<vmem>> -> memref<1x128xi32, #tpu.memory_space<vmem>>
        %dma_start3A_428 = tpu.memref_squeeze %dma_start3A_427 : memref<1x128xi32, #tpu.memory_space<vmem>> -> memref<128xi32, #tpu.memory_space<vmem>>
        %dma_start3A_429 = arith.constant 0 : i32
        %dma_start3A_430 = arith.constant 0 : i32
        %dma_start3A_431 = tpu.memref_slice %arg14[%dma_start3A_429, %dma_start3A_430] : memref<20000x32xf32, #tpu.memory_space<vmem_shared>> -> memref<20000x32xf32, #tpu.memory_space<vmem_shared>>
        tpu.enqueue_indirect_dma source(%dma_start3A_425 : memref<128x32xf32, #tpu.memory_space<vmem>>) target(%dma_start3A_431 : memref<20000x32xf32, #tpu.memory_space<vmem_shared>>) offsets(%dma_start3A_428 : memref<128xi32, #tpu.memory_space<vmem>>) semaphore(%arg16 : memref<!tpu.dma_semaphore, #tpu.memory_space<semaphore_mem>>) {add = true}
        %mul3A_432 = arith.constant 512 : i32
        %mul3A_433 = arith.muli %rem3A_353, %mul3A_432 : i32
        %add3A_434 = arith.constant 128 : i32
        %add3A_435 = arith.addi %mul3A_433, %add3A_434 : i32
        %mul3A_436 = arith.constant 4 : i32
        %mul3A_437 = arith.muli %scan3A_349, %mul3A_436 : i32
        %add3A_438 = arith.constant 1 : i32
        %add3A_439 = arith.addi %mul3A_437, %add3A_438 : i32
        %dma_start3A_440 = arith.constant 0 : i32
        %dma_start3A_441 = tpu.memref_slice %arg13[%add3A_435, %dma_start3A_440] : memref<1024x32xf32, #tpu.memory_space<vmem>> -> memref<128x32xf32, #tpu.memory_space<vmem>>
        %dma_start3A_442 = arith.constant 0 : i32
        %dma_start3A_443 = tpu.memref_slice %arg10[%add3A_439, %dma_start3A_442] : memref<52x128xi32, #tpu.memory_space<vmem>> -> memref<1x128xi32, #tpu.memory_space<vmem>>
        %dma_start3A_444 = tpu.memref_squeeze %dma_start3A_443 : memref<1x128xi32, #tpu.memory_space<vmem>> -> memref<128xi32, #tpu.memory_space<vmem>>
        %dma_start3A_445 = arith.constant 0 : i32
        %dma_start3A_446 = arith.constant 0 : i32
        %dma_start3A_447 = tpu.memref_slice %arg14[%dma_start3A_445, %dma_start3A_446] : memref<20000x32xf32, #tpu.memory_space<vmem_shared>> -> memref<20000x32xf32, #tpu.memory_space<vmem_shared>>
        tpu.enqueue_indirect_dma source(%dma_start3A_441 : memref<128x32xf32, #tpu.memory_space<vmem>>) target(%dma_start3A_447 : memref<20000x32xf32, #tpu.memory_space<vmem_shared>>) offsets(%dma_start3A_444 : memref<128xi32, #tpu.memory_space<vmem>>) semaphore(%arg16 : memref<!tpu.dma_semaphore, #tpu.memory_space<semaphore_mem>>) {add = true}
        %mul3A_448 = arith.constant 512 : i32
        %mul3A_449 = arith.muli %rem3A_353, %mul3A_448 : i32
        %add3A_450 = arith.constant 256 : i32
        %add3A_451 = arith.addi %mul3A_449, %add3A_450 : i32
        %mul3A_452 = arith.constant 4 : i32
        %mul3A_453 = arith.muli %scan3A_349, %mul3A_452 : i32
        %add3A_454 = arith.constant 2 : i32
        %add3A_455 = arith.addi %mul3A_453, %add3A_454 : i32
        %dma_start3A_456 = arith.constant 0 : i32
        %dma_start3A_457 = tpu.memref_slice %arg13[%add3A_451, %dma_start3A_456] : memref<1024x32xf32, #tpu.memory_space<vmem>> -> memref<128x32xf32, #tpu.memory_space<vmem>>
        %dma_start3A_458 = arith.constant 0 : i32
        %dma_start3A_459 = tpu.memref_slice %arg10[%add3A_455, %dma_start3A_458] : memref<52x128xi32, #tpu.memory_space<vmem>> -> memref<1x128xi32, #tpu.memory_space<vmem>>
        %dma_start3A_460 = tpu.memref_squeeze %dma_start3A_459 : memref<1x128xi32, #tpu.memory_space<vmem>> -> memref<128xi32, #tpu.memory_space<vmem>>
        %dma_start3A_461 = arith.constant 0 : i32
        %dma_start3A_462 = arith.constant 0 : i32
        %dma_start3A_463 = tpu.memref_slice %arg14[%dma_start3A_461, %dma_start3A_462] : memref<20000x32xf32, #tpu.memory_space<vmem_shared>> -> memref<20000x32xf32, #tpu.memory_space<vmem_shared>>
        tpu.enqueue_indirect_dma source(%dma_start3A_457 : memref<128x32xf32, #tpu.memory_space<vmem>>) target(%dma_start3A_463 : memref<20000x32xf32, #tpu.memory_space<vmem_shared>>) offsets(%dma_start3A_460 : memref<128xi32, #tpu.memory_space<vmem>>) semaphore(%arg16 : memref<!tpu.dma_semaphore, #tpu.memory_space<semaphore_mem>>) {add = true}
        %mul3A_464 = arith.constant 512 : i32
        %mul3A_465 = arith.muli %rem3A_353, %mul3A_464 : i32
        %add3A_466 = arith.constant 384 : i32
        %add3A_467 = arith.addi %mul3A_465, %add3A_466 : i32
        %mul3A_468 = arith.constant 4 : i32
        %mul3A_469 = arith.muli %scan3A_349, %mul3A_468 : i32
        %add3A_470 = arith.constant 3 : i32
        %add3A_471 = arith.addi %mul3A_469, %add3A_470 : i32
        %dma_start3A_472 = arith.constant 0 : i32
        %dma_start3A_473 = tpu.memref_slice %arg13[%add3A_467, %dma_start3A_472] : memref<1024x32xf32, #tpu.memory_space<vmem>> -> memref<128x32xf32, #tpu.memory_space<vmem>>
        %dma_start3A_474 = arith.constant 0 : i32
        %dma_start3A_475 = tpu.memref_slice %arg10[%add3A_471, %dma_start3A_474] : memref<52x128xi32, #tpu.memory_space<vmem>> -> memref<1x128xi32, #tpu.memory_space<vmem>>
        %dma_start3A_476 = tpu.memref_squeeze %dma_start3A_475 : memref<1x128xi32, #tpu.memory_space<vmem>> -> memref<128xi32, #tpu.memory_space<vmem>>
        %dma_start3A_477 = arith.constant 0 : i32
        %dma_start3A_478 = arith.constant 0 : i32
        %dma_start3A_479 = tpu.memref_slice %arg14[%dma_start3A_477, %dma_start3A_478] : memref<20000x32xf32, #tpu.memory_space<vmem_shared>> -> memref<20000x32xf32, #tpu.memory_space<vmem_shared>>
        tpu.enqueue_indirect_dma source(%dma_start3A_473 : memref<128x32xf32, #tpu.memory_space<vmem>>) target(%dma_start3A_479 : memref<20000x32xf32, #tpu.memory_space<vmem_shared>>) offsets(%dma_start3A_476 : memref<128xi32, #tpu.memory_space<vmem>>) semaphore(%arg16 : memref<!tpu.dma_semaphore, #tpu.memory_space<semaphore_mem>>) {add = true}
      }
      %scan3A_293 = arith.constant 13 : i32
      %rem3A_294 = arith.constant 12 : i32
      %rem3A_295 = arith.constant 2 : i32
      %rem3A_296 = arith.remsi %rem3A_294, %rem3A_295 : i32
      %mul3A_297 = arith.constant 512 : i32
      %mul3A_298 = arith.muli %rem3A_296, %mul3A_297 : i32
      %add3A_299 = arith.constant 0 : i32
      %add3A_300 = arith.addi %mul3A_298, %add3A_299 : i32
      %dma_wait3A_301 = arith.constant 0 : i32
      %dma_wait3A_302 = arith.constant 0 : i32
      %dma_wait3A_303 = tpu.memref_slice %arg13[%add3A_300, %dma_wait3A_302] : memref<1024x32xf32, #tpu.memory_space<vmem>> -> memref<128x32xf32, #tpu.memory_space<vmem>>
      %dma_wait3A_304 = arith.constant 0 : i32
      %dma_wait3A_305 = tpu.memref_slice %arg10[%dma_wait3A_301, %dma_wait3A_304] : memref<52x128xi32, #tpu.memory_space<vmem>> -> memref<1x128xi32, #tpu.memory_space<vmem>>
      %dma_wait3A_306 = tpu.memref_squeeze %dma_wait3A_305 : memref<1x128xi32, #tpu.memory_space<vmem>> -> memref<128xi32, #tpu.memory_space<vmem>>
      %dma_wait3A_307 = arith.constant 0 : i32
      %dma_wait3A_308 = arith.constant 0 : i32
      %dma_wait3A_309 = tpu.memref_slice %arg14[%dma_wait3A_307, %dma_wait3A_308] : memref<20000x32xf32, #tpu.memory_space<vmem_shared>> -> memref<20000x32xf32, #tpu.memory_space<vmem_shared>>
      tpu.wait_indirect_dma semaphore(%arg16 : memref<!tpu.dma_semaphore, #tpu.memory_space<semaphore_mem>>) src(%dma_wait3A_303 : memref<128x32xf32, #tpu.memory_space<vmem>>) dst(%dma_wait3A_309 : memref<20000x32xf32, #tpu.memory_space<vmem_shared>>)
      %mul3A_310 = arith.constant 512 : i32
      %mul3A_311 = arith.muli %rem3A_296, %mul3A_310 : i32
      %add3A_312 = arith.constant 128 : i32
      %add3A_313 = arith.addi %mul3A_311, %add3A_312 : i32
      %dma_wait3A_314 = arith.constant 1 : i32
      %dma_wait3A_315 = arith.constant 0 : i32
      %dma_wait3A_316 = tpu.memref_slice %arg13[%add3A_313, %dma_wait3A_315] : memref<1024x32xf32, #tpu.memory_space<vmem>> -> memref<128x32xf32, #tpu.memory_space<vmem>>
      %dma_wait3A_317 = arith.constant 0 : i32
      %dma_wait3A_318 = tpu.memref_slice %arg10[%dma_wait3A_314, %dma_wait3A_317] : memref<52x128xi32, #tpu.memory_space<vmem>> -> memref<1x128xi32, #tpu.memory_space<vmem>>
      %dma_wait3A_319 = tpu.memref_squeeze %dma_wait3A_318 : memref<1x128xi32, #tpu.memory_space<vmem>> -> memref<128xi32, #tpu.memory_space<vmem>>
      %dma_wait3A_320 = arith.constant 0 : i32
      %dma_wait3A_321 = arith.constant 0 : i32
      %dma_wait3A_322 = tpu.memref_slice %arg14[%dma_wait3A_320, %dma_wait3A_321] : memref<20000x32xf32, #tpu.memory_space<vmem_shared>> -> memref<20000x32xf32, #tpu.memory_space<vmem_shared>>
      tpu.wait_indirect_dma semaphore(%arg16 : memref<!tpu.dma_semaphore, #tpu.memory_space<semaphore_mem>>) src(%dma_wait3A_316 : memref<128x32xf32, #tpu.memory_space<vmem>>) dst(%dma_wait3A_322 : memref<20000x32xf32, #tpu.memory_space<vmem_shared>>)
      %mul3A_323 = arith.constant 512 : i32
      %mul3A_324 = arith.muli %rem3A_296, %mul3A_323 : i32
      %add3A_325 = arith.constant 256 : i32
      %add3A_326 = arith.addi %mul3A_324, %add3A_325 : i32
      %dma_wait3A_327 = arith.constant 2 : i32
      %dma_wait3A_328 = arith.constant 0 : i32
      %dma_wait3A_329 = tpu.memref_slice %arg13[%add3A_326, %dma_wait3A_328] : memref<1024x32xf32, #tpu.memory_space<vmem>> -> memref<128x32xf32, #tpu.memory_space<vmem>>
      %dma_wait3A_330 = arith.constant 0 : i32
      %dma_wait3A_331 = tpu.memref_slice %arg10[%dma_wait3A_327, %dma_wait3A_330] : memref<52x128xi32, #tpu.memory_space<vmem>> -> memref<1x128xi32, #tpu.memory_space<vmem>>
      %dma_wait3A_332 = tpu.memref_squeeze %dma_wait3A_331 : memref<1x128xi32, #tpu.memory_space<vmem>> -> memref<128xi32, #tpu.memory_space<vmem>>
      %dma_wait3A_333 = arith.constant 0 : i32
      %dma_wait3A_334 = arith.constant 0 : i32
      %dma_wait3A_335 = tpu.memref_slice %arg14[%dma_wait3A_333, %dma_wait3A_334] : memref<20000x32xf32, #tpu.memory_space<vmem_shared>> -> memref<20000x32xf32, #tpu.memory_space<vmem_shared>>
      tpu.wait_indirect_dma semaphore(%arg16 : memref<!tpu.dma_semaphore, #tpu.memory_space<semaphore_mem>>) src(%dma_wait3A_329 : memref<128x32xf32, #tpu.memory_space<vmem>>) dst(%dma_wait3A_335 : memref<20000x32xf32, #tpu.memory_space<vmem_shared>>)
      %mul3A_336 = arith.constant 512 : i32
      %mul3A_337 = arith.muli %rem3A_296, %mul3A_336 : i32
      %add3A_338 = arith.constant 384 : i32
      %add3A_339 = arith.addi %mul3A_337, %add3A_338 : i32
      %dma_wait3A_340 = arith.constant 3 : i32
      %dma_wait3A_341 = arith.constant 0 : i32
      %dma_wait3A_342 = tpu.memref_slice %arg13[%add3A_339, %dma_wait3A_341] : memref<1024x32xf32, #tpu.memory_space<vmem>> -> memref<128x32xf32, #tpu.memory_space<vmem>>
      %dma_wait3A_343 = arith.constant 0 : i32
      %dma_wait3A_344 = tpu.memref_slice %arg10[%dma_wait3A_340, %dma_wait3A_343] : memref<52x128xi32, #tpu.memory_space<vmem>> -> memref<1x128xi32, #tpu.memory_space<vmem>>
      %dma_wait3A_345 = tpu.memref_squeeze %dma_wait3A_344 : memref<1x128xi32, #tpu.memory_space<vmem>> -> memref<128xi32, #tpu.memory_space<vmem>>
      %dma_wait3A_346 = arith.constant 0 : i32
      %dma_wait3A_347 = arith.constant 0 : i32
      %dma_wait3A_348 = tpu.memref_slice %arg14[%dma_wait3A_346, %dma_wait3A_347] : memref<20000x32xf32, #tpu.memory_space<vmem_shared>> -> memref<20000x32xf32, #tpu.memory_space<vmem_shared>>
      tpu.wait_indirect_dma semaphore(%arg16 : memref<!tpu.dma_semaphore, #tpu.memory_space<semaphore_mem>>) src(%dma_wait3A_342 : memref<128x32xf32, #tpu.memory_space<vmem>>) dst(%dma_wait3A_348 : memref<20000x32xf32, #tpu.memory_space<vmem_shared>>)
    }
    %scan3A_5 = arith.constant 2 : i32
    %barrier3A_6 = arith.constant 0 : index
    tpu.barrier barrier_id(%barrier3A_6)
    %mul3A_7 = arith.constant 625 : i32
    %mul3A_8 = arith.muli %arg1, %mul3A_7 : i32
    %add3A = arith.constant 0 : i32
    %add3A_9 = arith.addi %add3A, %mul3A_8 : i32
    %mul3A_10 = arith.constant 625 : i32
    %mul3A_11 = arith.muli %arg1, %mul3A_10 : i32
    "tpu.region"() ({
      %run_scoped3A_199 = tpu.sem_alloc : memref<!tpu.dma_semaphore, #tpu.memory_space<semaphore_mem>>
      %dma_start3A_200 = arith.constant 0 : i32
      %dma_start3A_201 = tpu.memref_slice %arg8[%arg0, %mul3A_11, %dma_start3A_200] : memref<2x10000x160xf32, #tpu.memory_space<hbm>> -> memref<1x625x32xf32, #tpu.memory_space<hbm>>
      %dma_start3A_202 = tpu.memref_squeeze %dma_start3A_201 : memref<1x625x32xf32, #tpu.memory_space<hbm>> -> memref<625x32xf32, #tpu.memory_space<hbm>>
      %dma_start3A_203 = arith.constant 0 : i32
      %dma_start3A_204 = tpu.memref_slice %arg14[%add3A_9, %dma_start3A_203] : memref<20000x32xf32, #tpu.memory_space<vmem_shared>> -> memref<625x32xf32, #tpu.memory_space<vmem_shared>>
      tpu.enqueue_dma source(%dma_start3A_204 : memref<625x32xf32, #tpu.memory_space<vmem_shared>>) target(%dma_start3A_202 : memref<625x32xf32, #tpu.memory_space<hbm>>) target_semaphore(%run_scoped3A_199 : memref<!tpu.dma_semaphore, #tpu.memory_space<semaphore_mem>>)
      %dma_wait3A_205 = arith.constant 0 : i32
      %dma_wait3A_206 = tpu.memref_slice %arg8[%arg0, %mul3A_11, %dma_wait3A_205] : memref<2x10000x160xf32, #tpu.memory_space<hbm>> -> memref<1x625x32xf32, #tpu.memory_space<hbm>>
      %dma_wait3A_207 = tpu.memref_squeeze %dma_wait3A_206 : memref<1x625x32xf32, #tpu.memory_space<hbm>> -> memref<625x32xf32, #tpu.memory_space<hbm>>
      %dma_wait3A_208 = arith.constant 0 : i32
      %dma_wait3A_209 = tpu.memref_slice %arg14[%add3A_9, %dma_wait3A_208] : memref<20000x32xf32, #tpu.memory_space<vmem_shared>> -> memref<625x32xf32, #tpu.memory_space<vmem_shared>>
      tpu.wait_dma2 semaphore(%run_scoped3A_199 : memref<!tpu.dma_semaphore, #tpu.memory_space<semaphore_mem>>) src(%dma_wait3A_209 : memref<625x32xf32, #tpu.memory_space<vmem_shared>>) dst(%dma_wait3A_207 : memref<625x32xf32, #tpu.memory_space<hbm>>)
      tpu.yield
    }) : () -> ()
    %mul3A_12 = arith.constant 625 : i32
    %mul3A_13 = arith.muli %arg1, %mul3A_12 : i32
    %add3A_14 = arith.constant 10000 : i32
    %add3A_15 = arith.addi %add3A_14, %mul3A_13 : i32
    %mul3A_16 = arith.constant 625 : i32
    %mul3A_17 = arith.muli %arg1, %mul3A_16 : i32
    "tpu.region"() ({
      %run_scoped3A_199 = tpu.sem_alloc : memref<!tpu.dma_semaphore, #tpu.memory_space<semaphore_mem>>
      %dma_start3A_200 = arith.constant 32 : i32
      %dma_start3A_201 = tpu.memref_slice %arg8[%arg0, %mul3A_17, %dma_start3A_200] : memref<2x10000x160xf32, #tpu.memory_space<hbm>> -> memref<1x625x32xf32, #tpu.memory_space<hbm>>
      %dma_start3A_202 = tpu.memref_squeeze %dma_start3A_201 : memref<1x625x32xf32, #tpu.memory_space<hbm>> -> memref<625x32xf32, #tpu.memory_space<hbm>>
      %dma_start3A_203 = arith.constant 0 : i32
      %dma_start3A_204 = tpu.memref_slice %arg14[%add3A_15, %dma_start3A_203] : memref<20000x32xf32, #tpu.memory_space<vmem_shared>> -> memref<625x32xf32, #tpu.memory_space<vmem_shared>>
      tpu.enqueue_dma source(%dma_start3A_204 : memref<625x32xf32, #tpu.memory_space<vmem_shared>>) target(%dma_start3A_202 : memref<625x32xf32, #tpu.memory_space<hbm>>) target_semaphore(%run_scoped3A_199 : memref<!tpu.dma_semaphore, #tpu.memory_space<semaphore_mem>>)
      %dma_wait3A_205 = arith.constant 32 : i32
      %dma_wait3A_206 = tpu.memref_slice %arg8[%arg0, %mul3A_17, %dma_wait3A_205] : memref<2x10000x160xf32, #tpu.memory_space<hbm>> -> memref<1x625x32xf32, #tpu.memory_space<hbm>>
      %dma_wait3A_207 = tpu.memref_squeeze %dma_wait3A_206 : memref<1x625x32xf32, #tpu.memory_space<hbm>> -> memref<625x32xf32, #tpu.memory_space<hbm>>
      %dma_wait3A_208 = arith.constant 0 : i32
      %dma_wait3A_209 = tpu.memref_slice %arg14[%add3A_15, %dma_wait3A_208] : memref<20000x32xf32, #tpu.memory_space<vmem_shared>> -> memref<625x32xf32, #tpu.memory_space<vmem_shared>>
      tpu.wait_dma2 semaphore(%run_scoped3A_199 : memref<!tpu.dma_semaphore, #tpu.memory_space<semaphore_mem>>) src(%dma_wait3A_209 : memref<625x32xf32, #tpu.memory_space<vmem_shared>>) dst(%dma_wait3A_207 : memref<625x32xf32, #tpu.memory_space<hbm>>)
      tpu.yield
    }) : () -> ()
    %barrier3A_18 = arith.constant 0 : index
    tpu.barrier barrier_id(%barrier3A_18)
    %mul3A_19 = arith.constant 1250 : i32
    %mul3A_20 = arith.muli %arg1, %mul3A_19 : i32
    "tpu.region"() ({
      %run_scoped3A_199 = tpu.sem_alloc : memref<!tpu.dma_semaphore, #tpu.memory_space<semaphore_mem>>
      %dma_start3A_200 = arith.constant 0 : i32
      %dma_start3A_201 = tpu.memref_slice %arg14[%mul3A_20, %dma_start3A_200] : memref<20000x32xf32, #tpu.memory_space<vmem_shared>> -> memref<1250x32xf32, #tpu.memory_space<vmem_shared>>
      %dma_start3A_202 = arith.constant 0 : i32
      %dma_start3A_203 = arith.constant 0 : i32
      %dma_start3A_204 = tpu.memref_slice %arg7[%dma_start3A_202, %dma_start3A_203] : memref<1250x32xf32, #tpu.memory_space<hbm>> -> memref<1250x32xf32, #tpu.memory_space<hbm>>
      tpu.enqueue_dma source(%dma_start3A_204 : memref<1250x32xf32, #tpu.memory_space<hbm>>) target(%dma_start3A_201 : memref<1250x32xf32, #tpu.memory_space<vmem_shared>>) target_semaphore(%run_scoped3A_199 : memref<!tpu.dma_semaphore, #tpu.memory_space<semaphore_mem>>)
      %dma_wait3A_205 = arith.constant 0 : i32
      %dma_wait3A_206 = tpu.memref_slice %arg14[%mul3A_20, %dma_wait3A_205] : memref<20000x32xf32, #tpu.memory_space<vmem_shared>> -> memref<1250x32xf32, #tpu.memory_space<vmem_shared>>
      %dma_wait3A_207 = arith.constant 0 : i32
      %dma_wait3A_208 = arith.constant 0 : i32
      %dma_wait3A_209 = tpu.memref_slice %arg7[%dma_wait3A_207, %dma_wait3A_208] : memref<1250x32xf32, #tpu.memory_space<hbm>> -> memref<1250x32xf32, #tpu.memory_space<hbm>>
      tpu.wait_dma2 semaphore(%run_scoped3A_199 : memref<!tpu.dma_semaphore, #tpu.memory_space<semaphore_mem>>) src(%dma_wait3A_209 : memref<1250x32xf32, #tpu.memory_space<hbm>>) dst(%dma_wait3A_206 : memref<1250x32xf32, #tpu.memory_space<vmem_shared>>)
      tpu.yield
    }) : () -> ()
    %barrier3A_21 = arith.constant 0 : index
    tpu.barrier barrier_id(%barrier3A_21)
    %scan3A_22 = arith.constant 0 : i32
    %scan3A_23 = arith.constant 0 : i32
    %scan3A_24 = arith.constant 2 : i32
    %scan3A_25 = arith.addi %scan3A_23, %scan3A_24 : i32
    %scan3A_26 = arith.constant 1 : i32
    scf.for %scan3A_199 = %scan3A_23 to %scan3A_25 step %scan3A_26  : i32 {
      %add3A_200 = arith.constant 2 : i32
      %add3A_201 = arith.addi %add3A_200, %scan3A_199 : i32
      %mul3A_202 = arith.constant 52 : i32
      %mul3A_203 = arith.muli %arg1, %mul3A_202 : i32
      "tpu.region"() ({
        %run_scoped3A_349 = tpu.sem_alloc : memref<!tpu.dma_semaphore, #tpu.memory_space<semaphore_mem>>
        %dma_start3A_350 = arith.constant 0 : i32
        %dma_start3A_351 = tpu.memref_slice %arg4[%arg0, %add3A_201, %mul3A_203, %dma_start3A_350] : memref<2x5x832x128xi32, #tpu.memory_space<hbm>> -> memref<1x1x52x128xi32, #tpu.memory_space<hbm>>
        %dma_start3A_352 = tpu.memref_squeeze %dma_start3A_351 : memref<1x1x52x128xi32, #tpu.memory_space<hbm>> -> memref<52x128xi32, #tpu.memory_space<hbm>>
        %dma_start3A_353 = arith.constant 0 : i32
        %dma_start3A_354 = tpu.memref_slice %arg4[%arg0, %add3A_201, %mul3A_203, %dma_start3A_353] : memref<2x5x832x128xi32, #tpu.memory_space<hbm>> -> memref<1x1x52x128xi32, #tpu.memory_space<hbm>>
        %dma_start3A_355 = tpu.memref_squeeze %dma_start3A_354 : memref<1x1x52x128xi32, #tpu.memory_space<hbm>> -> memref<52x128xi32, #tpu.memory_space<hbm>>
        tpu.enqueue_dma source(%dma_start3A_355 : memref<52x128xi32, #tpu.memory_space<hbm>>) target(%arg9 : memref<52x128xi32, #tpu.memory_space<vmem>>) target_semaphore(%run_scoped3A_349 : memref<!tpu.dma_semaphore, #tpu.memory_space<semaphore_mem>>)
        %dma_wait3A_356 = arith.constant 0 : i32
        %dma_wait3A_357 = tpu.memref_slice %arg4[%arg0, %add3A_201, %mul3A_203, %dma_wait3A_356] : memref<2x5x832x128xi32, #tpu.memory_space<hbm>> -> memref<1x1x52x128xi32, #tpu.memory_space<hbm>>
        %dma_wait3A_358 = tpu.memref_squeeze %dma_wait3A_357 : memref<1x1x52x128xi32, #tpu.memory_space<hbm>> -> memref<52x128xi32, #tpu.memory_space<hbm>>
        %dma_wait3A_359 = arith.constant 0 : i32
        %dma_wait3A_360 = tpu.memref_slice %arg4[%arg0, %add3A_201, %mul3A_203, %dma_wait3A_359] : memref<2x5x832x128xi32, #tpu.memory_space<hbm>> -> memref<1x1x52x128xi32, #tpu.memory_space<hbm>>
        %dma_wait3A_361 = tpu.memref_squeeze %dma_wait3A_360 : memref<1x1x52x128xi32, #tpu.memory_space<hbm>> -> memref<52x128xi32, #tpu.memory_space<hbm>>
        tpu.wait_dma2 semaphore(%run_scoped3A_349 : memref<!tpu.dma_semaphore, #tpu.memory_space<semaphore_mem>>) src(%dma_wait3A_361 : memref<52x128xi32, #tpu.memory_space<hbm>>) dst(%arg9 : memref<52x128xi32, #tpu.memory_space<vmem>>)
        tpu.yield
      }) : () -> ()
      %mul3A_204 = arith.constant 52 : i32
      %mul3A_205 = arith.muli %arg1, %mul3A_204 : i32
      "tpu.region"() ({
        %run_scoped3A_349 = tpu.sem_alloc : memref<!tpu.dma_semaphore, #tpu.memory_space<semaphore_mem>>
        %dma_start3A_350 = arith.constant 0 : i32
        %dma_start3A_351 = tpu.memref_slice %arg5[%arg0, %add3A_201, %mul3A_205, %dma_start3A_350] : memref<2x5x832x128xi32, #tpu.memory_space<hbm>> -> memref<1x1x52x128xi32, #tpu.memory_space<hbm>>
        %dma_start3A_352 = tpu.memref_squeeze %dma_start3A_351 : memref<1x1x52x128xi32, #tpu.memory_space<hbm>> -> memref<52x128xi32, #tpu.memory_space<hbm>>
        %dma_start3A_353 = arith.constant 0 : i32
        %dma_start3A_354 = tpu.memref_slice %arg5[%arg0, %add3A_201, %mul3A_205, %dma_start3A_353] : memref<2x5x832x128xi32, #tpu.memory_space<hbm>> -> memref<1x1x52x128xi32, #tpu.memory_space<hbm>>
        %dma_start3A_355 = tpu.memref_squeeze %dma_start3A_354 : memref<1x1x52x128xi32, #tpu.memory_space<hbm>> -> memref<52x128xi32, #tpu.memory_space<hbm>>
        tpu.enqueue_dma source(%dma_start3A_355 : memref<52x128xi32, #tpu.memory_space<hbm>>) target(%arg10 : memref<52x128xi32, #tpu.memory_space<vmem>>) target_semaphore(%run_scoped3A_349 : memref<!tpu.dma_semaphore, #tpu.memory_space<semaphore_mem>>)
        %dma_wait3A_356 = arith.constant 0 : i32
        %dma_wait3A_357 = tpu.memref_slice %arg5[%arg0, %add3A_201, %mul3A_205, %dma_wait3A_356] : memref<2x5x832x128xi32, #tpu.memory_space<hbm>> -> memref<1x1x52x128xi32, #tpu.memory_space<hbm>>
        %dma_wait3A_358 = tpu.memref_squeeze %dma_wait3A_357 : memref<1x1x52x128xi32, #tpu.memory_space<hbm>> -> memref<52x128xi32, #tpu.memory_space<hbm>>
        %dma_wait3A_359 = arith.constant 0 : i32
        %dma_wait3A_360 = tpu.memref_slice %arg5[%arg0, %add3A_201, %mul3A_205, %dma_wait3A_359] : memref<2x5x832x128xi32, #tpu.memory_space<hbm>> -> memref<1x1x52x128xi32, #tpu.memory_space<hbm>>
        %dma_wait3A_361 = tpu.memref_squeeze %dma_wait3A_360 : memref<1x1x52x128xi32, #tpu.memory_space<hbm>> -> memref<52x128xi32, #tpu.memory_space<hbm>>
        tpu.wait_dma2 semaphore(%run_scoped3A_349 : memref<!tpu.dma_semaphore, #tpu.memory_space<semaphore_mem>>) src(%dma_wait3A_361 : memref<52x128xi32, #tpu.memory_space<hbm>>) dst(%arg10 : memref<52x128xi32, #tpu.memory_space<vmem>>)
        tpu.yield
      }) : () -> ()
      %mul3A_206 = arith.constant 6656 : i32
      %mul3A_207 = arith.muli %arg1, %mul3A_206 : i32
      "tpu.region"() ({
        %run_scoped3A_349 = tpu.sem_alloc : memref<!tpu.dma_semaphore, #tpu.memory_space<semaphore_mem>>
        %dma_start3A_350 = tpu.memref_slice %arg6[%add3A_201, %mul3A_207] : memref<5x106496xf32, #tpu.memory_space<hbm>> -> memref<1x6656xf32, #tpu.memory_space<hbm>>
        %dma_start3A_351 = tpu.memref_squeeze %dma_start3A_350 : memref<1x6656xf32, #tpu.memory_space<hbm>> -> memref<6656xf32, #tpu.memory_space<hbm>>
        %dma_start3A_352 = tpu.memref_slice %arg6[%add3A_201, %mul3A_207] : memref<5x106496xf32, #tpu.memory_space<hbm>> -> memref<1x6656xf32, #tpu.memory_space<hbm>>
        %dma_start3A_353 = tpu.memref_squeeze %dma_start3A_352 : memref<1x6656xf32, #tpu.memory_space<hbm>> -> memref<6656xf32, #tpu.memory_space<hbm>>
        tpu.enqueue_dma source(%dma_start3A_353 : memref<6656xf32, #tpu.memory_space<hbm>>) target(%arg11 : memref<6656xf32, #tpu.memory_space<vmem>>) target_semaphore(%run_scoped3A_349 : memref<!tpu.dma_semaphore, #tpu.memory_space<semaphore_mem>>)
        %dma_wait3A_354 = tpu.memref_slice %arg6[%add3A_201, %mul3A_207] : memref<5x106496xf32, #tpu.memory_space<hbm>> -> memref<1x6656xf32, #tpu.memory_space<hbm>>
        %dma_wait3A_355 = tpu.memref_squeeze %dma_wait3A_354 : memref<1x6656xf32, #tpu.memory_space<hbm>> -> memref<6656xf32, #tpu.memory_space<hbm>>
        %dma_wait3A_356 = tpu.memref_slice %arg6[%add3A_201, %mul3A_207] : memref<5x106496xf32, #tpu.memory_space<hbm>> -> memref<1x6656xf32, #tpu.memory_space<hbm>>
        %dma_wait3A_357 = tpu.memref_squeeze %dma_wait3A_356 : memref<1x6656xf32, #tpu.memory_space<hbm>> -> memref<6656xf32, #tpu.memory_space<hbm>>
        tpu.wait_dma2 semaphore(%run_scoped3A_349 : memref<!tpu.dma_semaphore, #tpu.memory_space<semaphore_mem>>) src(%dma_wait3A_357 : memref<6656xf32, #tpu.memory_space<hbm>>) dst(%arg11 : memref<6656xf32, #tpu.memory_space<vmem>>)
        tpu.yield
      }) : () -> ()
      %dma_start3A_208 = arith.constant 0 : i32
      %dma_start3A_209 = arith.constant 0 : i32
      %dma_start3A_210 = arith.constant 0 : i32
      %dma_start3A_211 = tpu.memref_slice %arg12[%dma_start3A_209, %dma_start3A_210] : memref<1536x32xbf16, #tpu.memory_space<vmem>> -> memref<128x32xbf16, #tpu.memory_space<vmem>>
      %dma_start3A_212 = arith.constant 0 : i32
      %dma_start3A_213 = tpu.memref_slice %arg9[%dma_start3A_208, %dma_start3A_212] : memref<52x128xi32, #tpu.memory_space<vmem>> -> memref<1x128xi32, #tpu.memory_space<vmem>>
      %dma_start3A_214 = tpu.memref_squeeze %dma_start3A_213 : memref<1x128xi32, #tpu.memory_space<vmem>> -> memref<128xi32, #tpu.memory_space<vmem>>
      %dma_start3A_215 = arith.constant 0 : i32
      %dma_start3A_216 = arith.constant 0 : i32
      %dma_start3A_217 = tpu.memref_slice %arg2[%dma_start3A_215, %dma_start3A_216] : memref<80000x32xbf16, #tpu.memory_space<hbm>> -> memref<80000x32xbf16, #tpu.memory_space<hbm>>
      tpu.enqueue_indirect_dma source(%dma_start3A_217 : memref<80000x32xbf16, #tpu.memory_space<hbm>>) target(%dma_start3A_211 : memref<128x32xbf16, #tpu.memory_space<vmem>>) offsets(%dma_start3A_214 : memref<128xi32, #tpu.memory_space<vmem>>) semaphore(%arg15 : memref<!tpu.dma_semaphore, #tpu.memory_space<semaphore_mem>>)
      %dma_start3A_218 = arith.constant 1 : i32
      %dma_start3A_219 = arith.constant 128 : i32
      %dma_start3A_220 = arith.constant 0 : i32
      %dma_start3A_221 = tpu.memref_slice %arg12[%dma_start3A_219, %dma_start3A_220] : memref<1536x32xbf16, #tpu.memory_space<vmem>> -> memref<128x32xbf16, #tpu.memory_space<vmem>>
      %dma_start3A_222 = arith.constant 0 : i32
      %dma_start3A_223 = tpu.memref_slice %arg9[%dma_start3A_218, %dma_start3A_222] : memref<52x128xi32, #tpu.memory_space<vmem>> -> memref<1x128xi32, #tpu.memory_space<vmem>>
      %dma_start3A_224 = tpu.memref_squeeze %dma_start3A_223 : memref<1x128xi32, #tpu.memory_space<vmem>> -> memref<128xi32, #tpu.memory_space<vmem>>
      %dma_start3A_225 = arith.constant 0 : i32
      %dma_start3A_226 = arith.constant 0 : i32
      %dma_start3A_227 = tpu.memref_slice %arg2[%dma_start3A_225, %dma_start3A_226] : memref<80000x32xbf16, #tpu.memory_space<hbm>> -> memref<80000x32xbf16, #tpu.memory_space<hbm>>
      tpu.enqueue_indirect_dma source(%dma_start3A_227 : memref<80000x32xbf16, #tpu.memory_space<hbm>>) target(%dma_start3A_221 : memref<128x32xbf16, #tpu.memory_space<vmem>>) offsets(%dma_start3A_224 : memref<128xi32, #tpu.memory_space<vmem>>) semaphore(%arg15 : memref<!tpu.dma_semaphore, #tpu.memory_space<semaphore_mem>>)
      %dma_start3A_228 = arith.constant 2 : i32
      %dma_start3A_229 = arith.constant 256 : i32
      %dma_start3A_230 = arith.constant 0 : i32
      %dma_start3A_231 = tpu.memref_slice %arg12[%dma_start3A_229, %dma_start3A_230] : memref<1536x32xbf16, #tpu.memory_space<vmem>> -> memref<128x32xbf16, #tpu.memory_space<vmem>>
      %dma_start3A_232 = arith.constant 0 : i32
      %dma_start3A_233 = tpu.memref_slice %arg9[%dma_start3A_228, %dma_start3A_232] : memref<52x128xi32, #tpu.memory_space<vmem>> -> memref<1x128xi32, #tpu.memory_space<vmem>>
      %dma_start3A_234 = tpu.memref_squeeze %dma_start3A_233 : memref<1x128xi32, #tpu.memory_space<vmem>> -> memref<128xi32, #tpu.memory_space<vmem>>
      %dma_start3A_235 = arith.constant 0 : i32
      %dma_start3A_236 = arith.constant 0 : i32
      %dma_start3A_237 = tpu.memref_slice %arg2[%dma_start3A_235, %dma_start3A_236] : memref<80000x32xbf16, #tpu.memory_space<hbm>> -> memref<80000x32xbf16, #tpu.memory_space<hbm>>
      tpu.enqueue_indirect_dma source(%dma_start3A_237 : memref<80000x32xbf16, #tpu.memory_space<hbm>>) target(%dma_start3A_231 : memref<128x32xbf16, #tpu.memory_space<vmem>>) offsets(%dma_start3A_234 : memref<128xi32, #tpu.memory_space<vmem>>) semaphore(%arg15 : memref<!tpu.dma_semaphore, #tpu.memory_space<semaphore_mem>>)
      %dma_start3A_238 = arith.constant 3 : i32
      %dma_start3A_239 = arith.constant 384 : i32
      %dma_start3A_240 = arith.constant 0 : i32
      %dma_start3A_241 = tpu.memref_slice %arg12[%dma_start3A_239, %dma_start3A_240] : memref<1536x32xbf16, #tpu.memory_space<vmem>> -> memref<128x32xbf16, #tpu.memory_space<vmem>>
      %dma_start3A_242 = arith.constant 0 : i32
      %dma_start3A_243 = tpu.memref_slice %arg9[%dma_start3A_238, %dma_start3A_242] : memref<52x128xi32, #tpu.memory_space<vmem>> -> memref<1x128xi32, #tpu.memory_space<vmem>>
      %dma_start3A_244 = tpu.memref_squeeze %dma_start3A_243 : memref<1x128xi32, #tpu.memory_space<vmem>> -> memref<128xi32, #tpu.memory_space<vmem>>
      %dma_start3A_245 = arith.constant 0 : i32
      %dma_start3A_246 = arith.constant 0 : i32
      %dma_start3A_247 = tpu.memref_slice %arg2[%dma_start3A_245, %dma_start3A_246] : memref<80000x32xbf16, #tpu.memory_space<hbm>> -> memref<80000x32xbf16, #tpu.memory_space<hbm>>
      tpu.enqueue_indirect_dma source(%dma_start3A_247 : memref<80000x32xbf16, #tpu.memory_space<hbm>>) target(%dma_start3A_241 : memref<128x32xbf16, #tpu.memory_space<vmem>>) offsets(%dma_start3A_244 : memref<128xi32, #tpu.memory_space<vmem>>) semaphore(%arg15 : memref<!tpu.dma_semaphore, #tpu.memory_space<semaphore_mem>>)
      %dma_start3A_248 = arith.constant 4 : i32
      %dma_start3A_249 = arith.constant 512 : i32
      %dma_start3A_250 = arith.constant 0 : i32
      %dma_start3A_251 = tpu.memref_slice %arg12[%dma_start3A_249, %dma_start3A_250] : memref<1536x32xbf16, #tpu.memory_space<vmem>> -> memref<128x32xbf16, #tpu.memory_space<vmem>>
      %dma_start3A_252 = arith.constant 0 : i32
      %dma_start3A_253 = tpu.memref_slice %arg9[%dma_start3A_248, %dma_start3A_252] : memref<52x128xi32, #tpu.memory_space<vmem>> -> memref<1x128xi32, #tpu.memory_space<vmem>>
      %dma_start3A_254 = tpu.memref_squeeze %dma_start3A_253 : memref<1x128xi32, #tpu.memory_space<vmem>> -> memref<128xi32, #tpu.memory_space<vmem>>
      %dma_start3A_255 = arith.constant 0 : i32
      %dma_start3A_256 = arith.constant 0 : i32
      %dma_start3A_257 = tpu.memref_slice %arg2[%dma_start3A_255, %dma_start3A_256] : memref<80000x32xbf16, #tpu.memory_space<hbm>> -> memref<80000x32xbf16, #tpu.memory_space<hbm>>
      tpu.enqueue_indirect_dma source(%dma_start3A_257 : memref<80000x32xbf16, #tpu.memory_space<hbm>>) target(%dma_start3A_251 : memref<128x32xbf16, #tpu.memory_space<vmem>>) offsets(%dma_start3A_254 : memref<128xi32, #tpu.memory_space<vmem>>) semaphore(%arg15 : memref<!tpu.dma_semaphore, #tpu.memory_space<semaphore_mem>>)
      %dma_start3A_258 = arith.constant 5 : i32
      %dma_start3A_259 = arith.constant 640 : i32
      %dma_start3A_260 = arith.constant 0 : i32
      %dma_start3A_261 = tpu.memref_slice %arg12[%dma_start3A_259, %dma_start3A_260] : memref<1536x32xbf16, #tpu.memory_space<vmem>> -> memref<128x32xbf16, #tpu.memory_space<vmem>>
      %dma_start3A_262 = arith.constant 0 : i32
      %dma_start3A_263 = tpu.memref_slice %arg9[%dma_start3A_258, %dma_start3A_262] : memref<52x128xi32, #tpu.memory_space<vmem>> -> memref<1x128xi32, #tpu.memory_space<vmem>>
      %dma_start3A_264 = tpu.memref_squeeze %dma_start3A_263 : memref<1x128xi32, #tpu.memory_space<vmem>> -> memref<128xi32, #tpu.memory_space<vmem>>
      %dma_start3A_265 = arith.constant 0 : i32
      %dma_start3A_266 = arith.constant 0 : i32
      %dma_start3A_267 = tpu.memref_slice %arg2[%dma_start3A_265, %dma_start3A_266] : memref<80000x32xbf16, #tpu.memory_space<hbm>> -> memref<80000x32xbf16, #tpu.memory_space<hbm>>
      tpu.enqueue_indirect_dma source(%dma_start3A_267 : memref<80000x32xbf16, #tpu.memory_space<hbm>>) target(%dma_start3A_261 : memref<128x32xbf16, #tpu.memory_space<vmem>>) offsets(%dma_start3A_264 : memref<128xi32, #tpu.memory_space<vmem>>) semaphore(%arg15 : memref<!tpu.dma_semaphore, #tpu.memory_space<semaphore_mem>>)
      %dma_start3A_268 = arith.constant 6 : i32
      %dma_start3A_269 = arith.constant 768 : i32
      %dma_start3A_270 = arith.constant 0 : i32
      %dma_start3A_271 = tpu.memref_slice %arg12[%dma_start3A_269, %dma_start3A_270] : memref<1536x32xbf16, #tpu.memory_space<vmem>> -> memref<128x32xbf16, #tpu.memory_space<vmem>>
      %dma_start3A_272 = arith.constant 0 : i32
      %dma_start3A_273 = tpu.memref_slice %arg9[%dma_start3A_268, %dma_start3A_272] : memref<52x128xi32, #tpu.memory_space<vmem>> -> memref<1x128xi32, #tpu.memory_space<vmem>>
      %dma_start3A_274 = tpu.memref_squeeze %dma_start3A_273 : memref<1x128xi32, #tpu.memory_space<vmem>> -> memref<128xi32, #tpu.memory_space<vmem>>
      %dma_start3A_275 = arith.constant 0 : i32
      %dma_start3A_276 = arith.constant 0 : i32
      %dma_start3A_277 = tpu.memref_slice %arg2[%dma_start3A_275, %dma_start3A_276] : memref<80000x32xbf16, #tpu.memory_space<hbm>> -> memref<80000x32xbf16, #tpu.memory_space<hbm>>
      tpu.enqueue_indirect_dma source(%dma_start3A_277 : memref<80000x32xbf16, #tpu.memory_space<hbm>>) target(%dma_start3A_271 : memref<128x32xbf16, #tpu.memory_space<vmem>>) offsets(%dma_start3A_274 : memref<128xi32, #tpu.memory_space<vmem>>) semaphore(%arg15 : memref<!tpu.dma_semaphore, #tpu.memory_space<semaphore_mem>>)
      %dma_start3A_278 = arith.constant 7 : i32
      %dma_start3A_279 = arith.constant 896 : i32
      %dma_start3A_280 = arith.constant 0 : i32
      %dma_start3A_281 = tpu.memref_slice %arg12[%dma_start3A_279, %dma_start3A_280] : memref<1536x32xbf16, #tpu.memory_space<vmem>> -> memref<128x32xbf16, #tpu.memory_space<vmem>>
      %dma_start3A_282 = arith.constant 0 : i32
      %dma_start3A_283 = tpu.memref_slice %arg9[%dma_start3A_278, %dma_start3A_282] : memref<52x128xi32, #tpu.memory_space<vmem>> -> memref<1x128xi32, #tpu.memory_space<vmem>>
      %dma_start3A_284 = tpu.memref_squeeze %dma_start3A_283 : memref<1x128xi32, #tpu.memory_space<vmem>> -> memref<128xi32, #tpu.memory_space<vmem>>
      %dma_start3A_285 = arith.constant 0 : i32
      %dma_start3A_286 = arith.constant 0 : i32
      %dma_start3A_287 = tpu.memref_slice %arg2[%dma_start3A_285, %dma_start3A_286] : memref<80000x32xbf16, #tpu.memory_space<hbm>> -> memref<80000x32xbf16, #tpu.memory_space<hbm>>
      tpu.enqueue_indirect_dma source(%dma_start3A_287 : memref<80000x32xbf16, #tpu.memory_space<hbm>>) target(%dma_start3A_281 : memref<128x32xbf16, #tpu.memory_space<vmem>>) offsets(%dma_start3A_284 : memref<128xi32, #tpu.memory_space<vmem>>) semaphore(%arg15 : memref<!tpu.dma_semaphore, #tpu.memory_space<semaphore_mem>>)
      %scan3A_288 = arith.constant 0 : i32
      %scan3A_289 = arith.constant 0 : i32
      %scan3A_290 = arith.constant 13 : i32
      %scan3A_291 = arith.addi %scan3A_289, %scan3A_290 : i32
      %scan3A_292 = arith.constant 1 : i32
      scf.for %scan3A_349 = %scan3A_289 to %scan3A_291 step %scan3A_292  : i32 {
        %rem3A_350 = arith.constant 3 : i32
        %rem3A_351 = arith.remsi %scan3A_349, %rem3A_350 : i32
        %rem3A_352 = arith.constant 2 : i32
        %rem3A_353 = arith.remsi %scan3A_349, %rem3A_352 : i32
        %mul3A_354 = arith.constant 512 : i32
        %mul3A_355 = arith.muli %rem3A_351, %mul3A_354 : i32
        %add3A_356 = arith.constant 0 : i32
        %add3A_357 = arith.addi %mul3A_355, %add3A_356 : i32
        %dma_wait3A_358 = arith.constant 0 : i32
        %dma_wait3A_359 = arith.constant 0 : i32
        %dma_wait3A_360 = tpu.memref_slice %arg12[%add3A_357, %dma_wait3A_359] : memref<1536x32xbf16, #tpu.memory_space<vmem>> -> memref<128x32xbf16, #tpu.memory_space<vmem>>
        %dma_wait3A_361 = arith.constant 0 : i32
        %dma_wait3A_362 = tpu.memref_slice %arg9[%dma_wait3A_358, %dma_wait3A_361] : memref<52x128xi32, #tpu.memory_space<vmem>> -> memref<1x128xi32, #tpu.memory_space<vmem>>
        %dma_wait3A_363 = tpu.memref_squeeze %dma_wait3A_362 : memref<1x128xi32, #tpu.memory_space<vmem>> -> memref<128xi32, #tpu.memory_space<vmem>>
        %dma_wait3A_364 = arith.constant 0 : i32
        %dma_wait3A_365 = arith.constant 0 : i32
        %dma_wait3A_366 = tpu.memref_slice %arg2[%dma_wait3A_364, %dma_wait3A_365] : memref<80000x32xbf16, #tpu.memory_space<hbm>> -> memref<80000x32xbf16, #tpu.memory_space<hbm>>
        tpu.wait_indirect_dma semaphore(%arg15 : memref<!tpu.dma_semaphore, #tpu.memory_space<semaphore_mem>>) src(%dma_wait3A_366 : memref<80000x32xbf16, #tpu.memory_space<hbm>>) dst(%dma_wait3A_360 : memref<128x32xbf16, #tpu.memory_space<vmem>>)
        %mul3A_367 = arith.constant 512 : i32
        %mul3A_368 = arith.muli %rem3A_351, %mul3A_367 : i32
        %add3A_369 = arith.constant 128 : i32
        %add3A_370 = arith.addi %mul3A_368, %add3A_369 : i32
        %dma_wait3A_371 = arith.constant 1 : i32
        %dma_wait3A_372 = arith.constant 0 : i32
        %dma_wait3A_373 = tpu.memref_slice %arg12[%add3A_370, %dma_wait3A_372] : memref<1536x32xbf16, #tpu.memory_space<vmem>> -> memref<128x32xbf16, #tpu.memory_space<vmem>>
        %dma_wait3A_374 = arith.constant 0 : i32
        %dma_wait3A_375 = tpu.memref_slice %arg9[%dma_wait3A_371, %dma_wait3A_374] : memref<52x128xi32, #tpu.memory_space<vmem>> -> memref<1x128xi32, #tpu.memory_space<vmem>>
        %dma_wait3A_376 = tpu.memref_squeeze %dma_wait3A_375 : memref<1x128xi32, #tpu.memory_space<vmem>> -> memref<128xi32, #tpu.memory_space<vmem>>
        %dma_wait3A_377 = arith.constant 0 : i32
        %dma_wait3A_378 = arith.constant 0 : i32
        %dma_wait3A_379 = tpu.memref_slice %arg2[%dma_wait3A_377, %dma_wait3A_378] : memref<80000x32xbf16, #tpu.memory_space<hbm>> -> memref<80000x32xbf16, #tpu.memory_space<hbm>>
        tpu.wait_indirect_dma semaphore(%arg15 : memref<!tpu.dma_semaphore, #tpu.memory_space<semaphore_mem>>) src(%dma_wait3A_379 : memref<80000x32xbf16, #tpu.memory_space<hbm>>) dst(%dma_wait3A_373 : memref<128x32xbf16, #tpu.memory_space<vmem>>)
        %mul3A_380 = arith.constant 512 : i32
        %mul3A_381 = arith.muli %rem3A_351, %mul3A_380 : i32
        %add3A_382 = arith.constant 256 : i32
        %add3A_383 = arith.addi %mul3A_381, %add3A_382 : i32
        %dma_wait3A_384 = arith.constant 2 : i32
        %dma_wait3A_385 = arith.constant 0 : i32
        %dma_wait3A_386 = tpu.memref_slice %arg12[%add3A_383, %dma_wait3A_385] : memref<1536x32xbf16, #tpu.memory_space<vmem>> -> memref<128x32xbf16, #tpu.memory_space<vmem>>
        %dma_wait3A_387 = arith.constant 0 : i32
        %dma_wait3A_388 = tpu.memref_slice %arg9[%dma_wait3A_384, %dma_wait3A_387] : memref<52x128xi32, #tpu.memory_space<vmem>> -> memref<1x128xi32, #tpu.memory_space<vmem>>
        %dma_wait3A_389 = tpu.memref_squeeze %dma_wait3A_388 : memref<1x128xi32, #tpu.memory_space<vmem>> -> memref<128xi32, #tpu.memory_space<vmem>>
        %dma_wait3A_390 = arith.constant 0 : i32
        %dma_wait3A_391 = arith.constant 0 : i32
        %dma_wait3A_392 = tpu.memref_slice %arg2[%dma_wait3A_390, %dma_wait3A_391] : memref<80000x32xbf16, #tpu.memory_space<hbm>> -> memref<80000x32xbf16, #tpu.memory_space<hbm>>
        tpu.wait_indirect_dma semaphore(%arg15 : memref<!tpu.dma_semaphore, #tpu.memory_space<semaphore_mem>>) src(%dma_wait3A_392 : memref<80000x32xbf16, #tpu.memory_space<hbm>>) dst(%dma_wait3A_386 : memref<128x32xbf16, #tpu.memory_space<vmem>>)
        %mul3A_393 = arith.constant 512 : i32
        %mul3A_394 = arith.muli %rem3A_351, %mul3A_393 : i32
        %add3A_395 = arith.constant 384 : i32
        %add3A_396 = arith.addi %mul3A_394, %add3A_395 : i32
        %dma_wait3A_397 = arith.constant 3 : i32
        %dma_wait3A_398 = arith.constant 0 : i32
        %dma_wait3A_399 = tpu.memref_slice %arg12[%add3A_396, %dma_wait3A_398] : memref<1536x32xbf16, #tpu.memory_space<vmem>> -> memref<128x32xbf16, #tpu.memory_space<vmem>>
        %dma_wait3A_400 = arith.constant 0 : i32
        %dma_wait3A_401 = tpu.memref_slice %arg9[%dma_wait3A_397, %dma_wait3A_400] : memref<52x128xi32, #tpu.memory_space<vmem>> -> memref<1x128xi32, #tpu.memory_space<vmem>>
        %dma_wait3A_402 = tpu.memref_squeeze %dma_wait3A_401 : memref<1x128xi32, #tpu.memory_space<vmem>> -> memref<128xi32, #tpu.memory_space<vmem>>
        %dma_wait3A_403 = arith.constant 0 : i32
        %dma_wait3A_404 = arith.constant 0 : i32
        %dma_wait3A_405 = tpu.memref_slice %arg2[%dma_wait3A_403, %dma_wait3A_404] : memref<80000x32xbf16, #tpu.memory_space<hbm>> -> memref<80000x32xbf16, #tpu.memory_space<hbm>>
        tpu.wait_indirect_dma semaphore(%arg15 : memref<!tpu.dma_semaphore, #tpu.memory_space<semaphore_mem>>) src(%dma_wait3A_405 : memref<80000x32xbf16, #tpu.memory_space<hbm>>) dst(%dma_wait3A_399 : memref<128x32xbf16, #tpu.memory_space<vmem>>)
        %add3A_406 = arith.constant 2 : i32
        %add3A_407 = arith.addi %scan3A_349, %add3A_406 : i32
        %lt3A = arith.constant 13 : i32
        %lt3A_408 = arith.cmpi slt, %add3A_407, %lt3A : i32
        %convert_element_type3A = arith.extui %lt3A_408 : i1 to i32
        %cond3A = arith.constant 0 : i32
        %cond3A_409 = arith.cmpi ne, %convert_element_type3A, %cond3A : i32
        scf.if %cond3A_409 {
          %add3A_480 = arith.constant 2 : i32
          %add3A_481 = arith.addi %scan3A_349, %add3A_480 : i32
          %add3A_482 = arith.constant 2 : i32
          %add3A_483 = arith.addi %scan3A_349, %add3A_482 : i32
          %rem3A_484 = arith.constant 3 : i32
          %rem3A_485 = arith.remsi %add3A_483, %rem3A_484 : i32
          %mul3A_486 = arith.constant 4 : i32
          %mul3A_487 = arith.muli %add3A_481, %mul3A_486 : i32
          %add3A_488 = arith.constant 0 : i32
          %add3A_489 = arith.addi %mul3A_487, %add3A_488 : i32
          %mul3A_490 = arith.constant 512 : i32
          %mul3A_491 = arith.muli %rem3A_485, %mul3A_490 : i32
          %add3A_492 = arith.constant 0 : i32
          %add3A_493 = arith.addi %mul3A_491, %add3A_492 : i32
          %dma_start3A_494 = arith.constant 0 : i32
          %dma_start3A_495 = tpu.memref_slice %arg12[%add3A_493, %dma_start3A_494] : memref<1536x32xbf16, #tpu.memory_space<vmem>> -> memref<128x32xbf16, #tpu.memory_space<vmem>>
          %dma_start3A_496 = arith.constant 0 : i32
          %dma_start3A_497 = tpu.memref_slice %arg9[%add3A_489, %dma_start3A_496] : memref<52x128xi32, #tpu.memory_space<vmem>> -> memref<1x128xi32, #tpu.memory_space<vmem>>
          %dma_start3A_498 = tpu.memref_squeeze %dma_start3A_497 : memref<1x128xi32, #tpu.memory_space<vmem>> -> memref<128xi32, #tpu.memory_space<vmem>>
          %dma_start3A_499 = arith.constant 0 : i32
          %dma_start3A_500 = arith.constant 0 : i32
          %dma_start3A_501 = tpu.memref_slice %arg2[%dma_start3A_499, %dma_start3A_500] : memref<80000x32xbf16, #tpu.memory_space<hbm>> -> memref<80000x32xbf16, #tpu.memory_space<hbm>>
          tpu.enqueue_indirect_dma source(%dma_start3A_501 : memref<80000x32xbf16, #tpu.memory_space<hbm>>) target(%dma_start3A_495 : memref<128x32xbf16, #tpu.memory_space<vmem>>) offsets(%dma_start3A_498 : memref<128xi32, #tpu.memory_space<vmem>>) semaphore(%arg15 : memref<!tpu.dma_semaphore, #tpu.memory_space<semaphore_mem>>)
          %mul3A_502 = arith.constant 4 : i32
          %mul3A_503 = arith.muli %add3A_481, %mul3A_502 : i32
          %add3A_504 = arith.constant 1 : i32
          %add3A_505 = arith.addi %mul3A_503, %add3A_504 : i32
          %mul3A_506 = arith.constant 512 : i32
          %mul3A_507 = arith.muli %rem3A_485, %mul3A_506 : i32
          %add3A_508 = arith.constant 128 : i32
          %add3A_509 = arith.addi %mul3A_507, %add3A_508 : i32
          %dma_start3A_510 = arith.constant 0 : i32
          %dma_start3A_511 = tpu.memref_slice %arg12[%add3A_509, %dma_start3A_510] : memref<1536x32xbf16, #tpu.memory_space<vmem>> -> memref<128x32xbf16, #tpu.memory_space<vmem>>
          %dma_start3A_512 = arith.constant 0 : i32
          %dma_start3A_513 = tpu.memref_slice %arg9[%add3A_505, %dma_start3A_512] : memref<52x128xi32, #tpu.memory_space<vmem>> -> memref<1x128xi32, #tpu.memory_space<vmem>>
          %dma_start3A_514 = tpu.memref_squeeze %dma_start3A_513 : memref<1x128xi32, #tpu.memory_space<vmem>> -> memref<128xi32, #tpu.memory_space<vmem>>
          %dma_start3A_515 = arith.constant 0 : i32
          %dma_start3A_516 = arith.constant 0 : i32
          %dma_start3A_517 = tpu.memref_slice %arg2[%dma_start3A_515, %dma_start3A_516] : memref<80000x32xbf16, #tpu.memory_space<hbm>> -> memref<80000x32xbf16, #tpu.memory_space<hbm>>
          tpu.enqueue_indirect_dma source(%dma_start3A_517 : memref<80000x32xbf16, #tpu.memory_space<hbm>>) target(%dma_start3A_511 : memref<128x32xbf16, #tpu.memory_space<vmem>>) offsets(%dma_start3A_514 : memref<128xi32, #tpu.memory_space<vmem>>) semaphore(%arg15 : memref<!tpu.dma_semaphore, #tpu.memory_space<semaphore_mem>>)
          %mul3A_518 = arith.constant 4 : i32
          %mul3A_519 = arith.muli %add3A_481, %mul3A_518 : i32
          %add3A_520 = arith.constant 2 : i32
          %add3A_521 = arith.addi %mul3A_519, %add3A_520 : i32
          %mul3A_522 = arith.constant 512 : i32
          %mul3A_523 = arith.muli %rem3A_485, %mul3A_522 : i32
          %add3A_524 = arith.constant 256 : i32
          %add3A_525 = arith.addi %mul3A_523, %add3A_524 : i32
          %dma_start3A_526 = arith.constant 0 : i32
          %dma_start3A_527 = tpu.memref_slice %arg12[%add3A_525, %dma_start3A_526] : memref<1536x32xbf16, #tpu.memory_space<vmem>> -> memref<128x32xbf16, #tpu.memory_space<vmem>>
          %dma_start3A_528 = arith.constant 0 : i32
          %dma_start3A_529 = tpu.memref_slice %arg9[%add3A_521, %dma_start3A_528] : memref<52x128xi32, #tpu.memory_space<vmem>> -> memref<1x128xi32, #tpu.memory_space<vmem>>
          %dma_start3A_530 = tpu.memref_squeeze %dma_start3A_529 : memref<1x128xi32, #tpu.memory_space<vmem>> -> memref<128xi32, #tpu.memory_space<vmem>>
          %dma_start3A_531 = arith.constant 0 : i32
          %dma_start3A_532 = arith.constant 0 : i32
          %dma_start3A_533 = tpu.memref_slice %arg2[%dma_start3A_531, %dma_start3A_532] : memref<80000x32xbf16, #tpu.memory_space<hbm>> -> memref<80000x32xbf16, #tpu.memory_space<hbm>>
          tpu.enqueue_indirect_dma source(%dma_start3A_533 : memref<80000x32xbf16, #tpu.memory_space<hbm>>) target(%dma_start3A_527 : memref<128x32xbf16, #tpu.memory_space<vmem>>) offsets(%dma_start3A_530 : memref<128xi32, #tpu.memory_space<vmem>>) semaphore(%arg15 : memref<!tpu.dma_semaphore, #tpu.memory_space<semaphore_mem>>)
          %mul3A_534 = arith.constant 4 : i32
          %mul3A_535 = arith.muli %add3A_481, %mul3A_534 : i32
          %add3A_536 = arith.constant 3 : i32
          %add3A_537 = arith.addi %mul3A_535, %add3A_536 : i32
          %mul3A_538 = arith.constant 512 : i32
          %mul3A_539 = arith.muli %rem3A_485, %mul3A_538 : i32
          %add3A_540 = arith.constant 384 : i32
          %add3A_541 = arith.addi %mul3A_539, %add3A_540 : i32
          %dma_start3A_542 = arith.constant 0 : i32
          %dma_start3A_543 = tpu.memref_slice %arg12[%add3A_541, %dma_start3A_542] : memref<1536x32xbf16, #tpu.memory_space<vmem>> -> memref<128x32xbf16, #tpu.memory_space<vmem>>
          %dma_start3A_544 = arith.constant 0 : i32
          %dma_start3A_545 = tpu.memref_slice %arg9[%add3A_537, %dma_start3A_544] : memref<52x128xi32, #tpu.memory_space<vmem>> -> memref<1x128xi32, #tpu.memory_space<vmem>>
          %dma_start3A_546 = tpu.memref_squeeze %dma_start3A_545 : memref<1x128xi32, #tpu.memory_space<vmem>> -> memref<128xi32, #tpu.memory_space<vmem>>
          %dma_start3A_547 = arith.constant 0 : i32
          %dma_start3A_548 = arith.constant 0 : i32
          %dma_start3A_549 = tpu.memref_slice %arg2[%dma_start3A_547, %dma_start3A_548] : memref<80000x32xbf16, #tpu.memory_space<hbm>> -> memref<80000x32xbf16, #tpu.memory_space<hbm>>
          tpu.enqueue_indirect_dma source(%dma_start3A_549 : memref<80000x32xbf16, #tpu.memory_space<hbm>>) target(%dma_start3A_543 : memref<128x32xbf16, #tpu.memory_space<vmem>>) offsets(%dma_start3A_546 : memref<128xi32, #tpu.memory_space<vmem>>) semaphore(%arg15 : memref<!tpu.dma_semaphore, #tpu.memory_space<semaphore_mem>>)
        } else {
        }
        %parallel_loop3A = arith.constant 0 : i32
        %parallel_loop3A_410 = arith.constant 32 : i32
        %parallel_loop3A_411 = arith.constant 1 : i32
        scf.for %parallel_loop3A_480 = %parallel_loop3A to %parallel_loop3A_410 step %parallel_loop3A_411  : i32 {
          %parallel_loop3A_481 = arith.constant 512 : i32
          %parallel_loop3A_482 = arith.muli %scan3A_349, %parallel_loop3A_481 : i32
          %parallel_loop3A_483 = arith.constant 16 : i32
          %parallel_loop3A_484 = arith.muli %parallel_loop3A_480, %parallel_loop3A_483 : i32
          %parallel_loop3A_485 = arith.addi %parallel_loop3A_482, %parallel_loop3A_484 : i32
          %parallel_loop3A_486 = arith.index_cast %parallel_loop3A_485 : i32 to index
          %parallel_loop3A_487 = tpu.vector_load %arg11[%parallel_loop3A_486] {strides = array<i32>} : memref<6656xf32, #tpu.memory_space<vmem>>, vector<16xf32>,
          %parallel_loop3A_488 = arith.constant 512 : i32
          %parallel_loop3A_489 = arith.muli %rem3A_351, %parallel_loop3A_488 : i32
          %parallel_loop3A_490 = arith.constant 16 : i32
          %parallel_loop3A_491 = arith.muli %parallel_loop3A_480, %parallel_loop3A_490 : i32
          %parallel_loop3A_492 = arith.addi %parallel_loop3A_489, %parallel_loop3A_491 : i32
          %parallel_loop3A_493 = arith.constant 512 : i32
          %parallel_loop3A_494 = arith.muli %rem3A_353, %parallel_loop3A_493 : i32
          %parallel_loop3A_495 = arith.constant 16 : i32
          %parallel_loop3A_496 = arith.muli %parallel_loop3A_480, %parallel_loop3A_495 : i32
          %parallel_loop3A_497 = arith.addi %parallel_loop3A_494, %parallel_loop3A_496 : i32
          %parallel_loop3A_498 = vector.extract_strided_slice %parallel_loop3A_487 {offsets = [0], sizes = [1], strides = [1]} : vector<16xf32> to vector<1xf32>
          %parallel_loop3A_499 = vector.extract %parallel_loop3A_498[0] : f32 from vector<1xf32>
          %parallel_loop3A_500 = arith.constant 0 : i32
          %parallel_loop3A_501 = arith.addi %parallel_loop3A_492, %parallel_loop3A_500 : i32
          %parallel_loop3A_502 = arith.index_cast %parallel_loop3A_501 : i32 to index
          %parallel_loop3A_503 = arith.constant 0 : index
          %parallel_loop3A_504 = tpu.vector_load %arg12[%parallel_loop3A_502, %parallel_loop3A_503] {strides = array<i32>} : memref<1536x32xbf16, #tpu.memory_space<vmem>>, vector<32xbf16>,
          %parallel_loop3A_505 = tpu.unpack_subelements %parallel_loop3A_504, 0 {pack_format = #tpu.pack_format<interleaved>} : vector<32xbf16> -> vector<16xf32>
          %parallel_loop3A_506 = tpu.unpack_subelements %parallel_loop3A_504, 1 {pack_format = #tpu.pack_format<interleaved>} : vector<32xbf16> -> vector<16xf32>
          %parallel_loop3A_507 = vector.broadcast %parallel_loop3A_499 : f32 to vector<16xf32>
          %parallel_loop3A_508 = arith.mulf %parallel_loop3A_505, %parallel_loop3A_507 : vector<16xf32>
          %parallel_loop3A_509 = arith.constant 0 : i32
          %parallel_loop3A_510 = arith.addi %parallel_loop3A_497, %parallel_loop3A_509 : i32
          %parallel_loop3A_511 = arith.index_cast %parallel_loop3A_510 : i32 to index
          %parallel_loop3A_512 = arith.constant 0 : index
          %parallel_loop3A_513 = tpu.vector_load %arg13[%parallel_loop3A_511, %parallel_loop3A_512] {strides = array<i32>} : memref<1024x32xf32, #tpu.memory_space<vmem>>, vector<16xf32>,
          tpu.vector_store %arg13[%parallel_loop3A_511, %parallel_loop3A_512], %parallel_loop3A_508 {strides = array<i32>} : memref<1024x32xf32, #tpu.memory_space<vmem>>, vector<16xf32>,
          %parallel_loop3A_514 = vector.broadcast %parallel_loop3A_499 : f32 to vector<16xf32>
          %parallel_loop3A_515 = arith.mulf %parallel_loop3A_506, %parallel_loop3A_514 : vector<16xf32>
          %parallel_loop3A_516 = arith.constant 0 : i32
          %parallel_loop3A_517 = arith.addi %parallel_loop3A_497, %parallel_loop3A_516 : i32
          %parallel_loop3A_518 = arith.index_cast %parallel_loop3A_517 : i32 to index
          %parallel_loop3A_519 = arith.constant 16 : index
          %parallel_loop3A_520 = tpu.vector_load %arg13[%parallel_loop3A_518, %parallel_loop3A_519] {strides = array<i32>} : memref<1024x32xf32, #tpu.memory_space<vmem>>, vector<16xf32>,
          tpu.vector_store %arg13[%parallel_loop3A_518, %parallel_loop3A_519], %parallel_loop3A_515 {strides = array<i32>} : memref<1024x32xf32, #tpu.memory_space<vmem>>, vector<16xf32>,
          %parallel_loop3A_521 = vector.extract_strided_slice %parallel_loop3A_487 {offsets = [1], sizes = [1], strides = [1]} : vector<16xf32> to vector<1xf32>
          %parallel_loop3A_522 = vector.extract %parallel_loop3A_521[0] : f32 from vector<1xf32>
          %parallel_loop3A_523 = arith.constant 1 : i32
          %parallel_loop3A_524 = arith.addi %parallel_loop3A_492, %parallel_loop3A_523 : i32
          %parallel_loop3A_525 = arith.index_cast %parallel_loop3A_524 : i32 to index
          %parallel_loop3A_526 = arith.constant 0 : index
          %parallel_loop3A_527 = tpu.vector_load %arg12[%parallel_loop3A_525, %parallel_loop3A_526] {strides = array<i32>} : memref<1536x32xbf16, #tpu.memory_space<vmem>>, vector<32xbf16>,
          %parallel_loop3A_528 = tpu.unpack_subelements %parallel_loop3A_527, 0 {pack_format = #tpu.pack_format<interleaved>} : vector<32xbf16> -> vector<16xf32>
          %parallel_loop3A_529 = tpu.unpack_subelements %parallel_loop3A_527, 1 {pack_format = #tpu.pack_format<interleaved>} : vector<32xbf16> -> vector<16xf32>
          %parallel_loop3A_530 = vector.broadcast %parallel_loop3A_522 : f32 to vector<16xf32>
          %parallel_loop3A_531 = arith.mulf %parallel_loop3A_528, %parallel_loop3A_530 : vector<16xf32>
          %parallel_loop3A_532 = arith.constant 1 : i32
          %parallel_loop3A_533 = arith.addi %parallel_loop3A_497, %parallel_loop3A_532 : i32
          %parallel_loop3A_534 = arith.index_cast %parallel_loop3A_533 : i32 to index
          %parallel_loop3A_535 = arith.constant 0 : index
          %parallel_loop3A_536 = tpu.vector_load %arg13[%parallel_loop3A_534, %parallel_loop3A_535] {strides = array<i32>} : memref<1024x32xf32, #tpu.memory_space<vmem>>, vector<16xf32>,
          tpu.vector_store %arg13[%parallel_loop3A_534, %parallel_loop3A_535], %parallel_loop3A_531 {strides = array<i32>} : memref<1024x32xf32, #tpu.memory_space<vmem>>, vector<16xf32>,
          %parallel_loop3A_537 = vector.broadcast %parallel_loop3A_522 : f32 to vector<16xf32>
          %parallel_loop3A_538 = arith.mulf %parallel_loop3A_529, %parallel_loop3A_537 : vector<16xf32>
          %parallel_loop3A_539 = arith.constant 1 : i32
          %parallel_loop3A_540 = arith.addi %parallel_loop3A_497, %parallel_loop3A_539 : i32
          %parallel_loop3A_541 = arith.index_cast %parallel_loop3A_540 : i32 to index
          %parallel_loop3A_542 = arith.constant 16 : index
          %parallel_loop3A_543 = tpu.vector_load %arg13[%parallel_loop3A_541, %parallel_loop3A_542] {strides = array<i32>} : memref<1024x32xf32, #tpu.memory_space<vmem>>, vector<16xf32>,
          tpu.vector_store %arg13[%parallel_loop3A_541, %parallel_loop3A_542], %parallel_loop3A_538 {strides = array<i32>} : memref<1024x32xf32, #tpu.memory_space<vmem>>, vector<16xf32>,
          %parallel_loop3A_544 = vector.extract_strided_slice %parallel_loop3A_487 {offsets = [2], sizes = [1], strides = [1]} : vector<16xf32> to vector<1xf32>
          %parallel_loop3A_545 = vector.extract %parallel_loop3A_544[0] : f32 from vector<1xf32>
          %parallel_loop3A_546 = arith.constant 2 : i32
          %parallel_loop3A_547 = arith.addi %parallel_loop3A_492, %parallel_loop3A_546 : i32
          %parallel_loop3A_548 = arith.index_cast %parallel_loop3A_547 : i32 to index
          %parallel_loop3A_549 = arith.constant 0 : index
          %parallel_loop3A_550 = tpu.vector_load %arg12[%parallel_loop3A_548, %parallel_loop3A_549] {strides = array<i32>} : memref<1536x32xbf16, #tpu.memory_space<vmem>>, vector<32xbf16>,
          %parallel_loop3A_551 = tpu.unpack_subelements %parallel_loop3A_550, 0 {pack_format = #tpu.pack_format<interleaved>} : vector<32xbf16> -> vector<16xf32>
          %parallel_loop3A_552 = tpu.unpack_subelements %parallel_loop3A_550, 1 {pack_format = #tpu.pack_format<interleaved>} : vector<32xbf16> -> vector<16xf32>
          %parallel_loop3A_553 = vector.broadcast %parallel_loop3A_545 : f32 to vector<16xf32>
          %parallel_loop3A_554 = arith.mulf %parallel_loop3A_551, %parallel_loop3A_553 : vector<16xf32>
          %parallel_loop3A_555 = arith.constant 2 : i32
          %parallel_loop3A_556 = arith.addi %parallel_loop3A_497, %parallel_loop3A_555 : i32
          %parallel_loop3A_557 = arith.index_cast %parallel_loop3A_556 : i32 to index
          %parallel_loop3A_558 = arith.constant 0 : index
          %parallel_loop3A_559 = tpu.vector_load %arg13[%parallel_loop3A_557, %parallel_loop3A_558] {strides = array<i32>} : memref<1024x32xf32, #tpu.memory_space<vmem>>, vector<16xf32>,
          tpu.vector_store %arg13[%parallel_loop3A_557, %parallel_loop3A_558], %parallel_loop3A_554 {strides = array<i32>} : memref<1024x32xf32, #tpu.memory_space<vmem>>, vector<16xf32>,
          %parallel_loop3A_560 = vector.broadcast %parallel_loop3A_545 : f32 to vector<16xf32>
          %parallel_loop3A_561 = arith.mulf %parallel_loop3A_552, %parallel_loop3A_560 : vector<16xf32>
          %parallel_loop3A_562 = arith.constant 2 : i32
          %parallel_loop3A_563 = arith.addi %parallel_loop3A_497, %parallel_loop3A_562 : i32
          %parallel_loop3A_564 = arith.index_cast %parallel_loop3A_563 : i32 to index
          %parallel_loop3A_565 = arith.constant 16 : index
          %parallel_loop3A_566 = tpu.vector_load %arg13[%parallel_loop3A_564, %parallel_loop3A_565] {strides = array<i32>} : memref<1024x32xf32, #tpu.memory_space<vmem>>, vector<16xf32>,
          tpu.vector_store %arg13[%parallel_loop3A_564, %parallel_loop3A_565], %parallel_loop3A_561 {strides = array<i32>} : memref<1024x32xf32, #tpu.memory_space<vmem>>, vector<16xf32>,
          %parallel_loop3A_567 = vector.extract_strided_slice %parallel_loop3A_487 {offsets = [3], sizes = [1], strides = [1]} : vector<16xf32> to vector<1xf32>
          %parallel_loop3A_568 = vector.extract %parallel_loop3A_567[0] : f32 from vector<1xf32>
          %parallel_loop3A_569 = arith.constant 3 : i32
          %parallel_loop3A_570 = arith.addi %parallel_loop3A_492, %parallel_loop3A_569 : i32
          %parallel_loop3A_571 = arith.index_cast %parallel_loop3A_570 : i32 to index
          %parallel_loop3A_572 = arith.constant 0 : index
          %parallel_loop3A_573 = tpu.vector_load %arg12[%parallel_loop3A_571, %parallel_loop3A_572] {strides = array<i32>} : memref<1536x32xbf16, #tpu.memory_space<vmem>>, vector<32xbf16>,
          %parallel_loop3A_574 = tpu.unpack_subelements %parallel_loop3A_573, 0 {pack_format = #tpu.pack_format<interleaved>} : vector<32xbf16> -> vector<16xf32>
          %parallel_loop3A_575 = tpu.unpack_subelements %parallel_loop3A_573, 1 {pack_format = #tpu.pack_format<interleaved>} : vector<32xbf16> -> vector<16xf32>
          %parallel_loop3A_576 = vector.broadcast %parallel_loop3A_568 : f32 to vector<16xf32>
          %parallel_loop3A_577 = arith.mulf %parallel_loop3A_574, %parallel_loop3A_576 : vector<16xf32>
          %parallel_loop3A_578 = arith.constant 3 : i32
          %parallel_loop3A_579 = arith.addi %parallel_loop3A_497, %parallel_loop3A_578 : i32
          %parallel_loop3A_580 = arith.index_cast %parallel_loop3A_579 : i32 to index
          %parallel_loop3A_581 = arith.constant 0 : index
          %parallel_loop3A_582 = tpu.vector_load %arg13[%parallel_loop3A_580, %parallel_loop3A_581] {strides = array<i32>} : memref<1024x32xf32, #tpu.memory_space<vmem>>, vector<16xf32>,
          tpu.vector_store %arg13[%parallel_loop3A_580, %parallel_loop3A_581], %parallel_loop3A_577 {strides = array<i32>} : memref<1024x32xf32, #tpu.memory_space<vmem>>, vector<16xf32>,
          %parallel_loop3A_583 = vector.broadcast %parallel_loop3A_568 : f32 to vector<16xf32>
          %parallel_loop3A_584 = arith.mulf %parallel_loop3A_575, %parallel_loop3A_583 : vector<16xf32>
          %parallel_loop3A_585 = arith.constant 3 : i32
          %parallel_loop3A_586 = arith.addi %parallel_loop3A_497, %parallel_loop3A_585 : i32
          %parallel_loop3A_587 = arith.index_cast %parallel_loop3A_586 : i32 to index
          %parallel_loop3A_588 = arith.constant 16 : index
          %parallel_loop3A_589 = tpu.vector_load %arg13[%parallel_loop3A_587, %parallel_loop3A_588] {strides = array<i32>} : memref<1024x32xf32, #tpu.memory_space<vmem>>, vector<16xf32>,
          tpu.vector_store %arg13[%parallel_loop3A_587, %parallel_loop3A_588], %parallel_loop3A_584 {strides = array<i32>} : memref<1024x32xf32, #tpu.memory_space<vmem>>, vector<16xf32>,
          %parallel_loop3A_590 = vector.extract_strided_slice %parallel_loop3A_487 {offsets = [4], sizes = [1], strides = [1]} : vector<16xf32> to vector<1xf32>
          %parallel_loop3A_591 = vector.extract %parallel_loop3A_590[0] : f32 from vector<1xf32>
          %parallel_loop3A_592 = arith.constant 4 : i32
          %parallel_loop3A_593 = arith.addi %parallel_loop3A_492, %parallel_loop3A_592 : i32
          %parallel_loop3A_594 = arith.index_cast %parallel_loop3A_593 : i32 to index
          %parallel_loop3A_595 = arith.constant 0 : index
          %parallel_loop3A_596 = tpu.vector_load %arg12[%parallel_loop3A_594, %parallel_loop3A_595] {strides = array<i32>} : memref<1536x32xbf16, #tpu.memory_space<vmem>>, vector<32xbf16>,
          %parallel_loop3A_597 = tpu.unpack_subelements %parallel_loop3A_596, 0 {pack_format = #tpu.pack_format<interleaved>} : vector<32xbf16> -> vector<16xf32>
          %parallel_loop3A_598 = tpu.unpack_subelements %parallel_loop3A_596, 1 {pack_format = #tpu.pack_format<interleaved>} : vector<32xbf16> -> vector<16xf32>
          %parallel_loop3A_599 = vector.broadcast %parallel_loop3A_591 : f32 to vector<16xf32>
          %parallel_loop3A_600 = arith.mulf %parallel_loop3A_597, %parallel_loop3A_599 : vector<16xf32>
          %parallel_loop3A_601 = arith.constant 4 : i32
          %parallel_loop3A_602 = arith.addi %parallel_loop3A_497, %parallel_loop3A_601 : i32
          %parallel_loop3A_603 = arith.index_cast %parallel_loop3A_602 : i32 to index
          %parallel_loop3A_604 = arith.constant 0 : index
          %parallel_loop3A_605 = tpu.vector_load %arg13[%parallel_loop3A_603, %parallel_loop3A_604] {strides = array<i32>} : memref<1024x32xf32, #tpu.memory_space<vmem>>, vector<16xf32>,
          tpu.vector_store %arg13[%parallel_loop3A_603, %parallel_loop3A_604], %parallel_loop3A_600 {strides = array<i32>} : memref<1024x32xf32, #tpu.memory_space<vmem>>, vector<16xf32>,
          %parallel_loop3A_606 = vector.broadcast %parallel_loop3A_591 : f32 to vector<16xf32>
          %parallel_loop3A_607 = arith.mulf %parallel_loop3A_598, %parallel_loop3A_606 : vector<16xf32>
          %parallel_loop3A_608 = arith.constant 4 : i32
          %parallel_loop3A_609 = arith.addi %parallel_loop3A_497, %parallel_loop3A_608 : i32
          %parallel_loop3A_610 = arith.index_cast %parallel_loop3A_609 : i32 to index
          %parallel_loop3A_611 = arith.constant 16 : index
          %parallel_loop3A_612 = tpu.vector_load %arg13[%parallel_loop3A_610, %parallel_loop3A_611] {strides = array<i32>} : memref<1024x32xf32, #tpu.memory_space<vmem>>, vector<16xf32>,
          tpu.vector_store %arg13[%parallel_loop3A_610, %parallel_loop3A_611], %parallel_loop3A_607 {strides = array<i32>} : memref<1024x32xf32, #tpu.memory_space<vmem>>, vector<16xf32>,
          %parallel_loop3A_613 = vector.extract_strided_slice %parallel_loop3A_487 {offsets = [5], sizes = [1], strides = [1]} : vector<16xf32> to vector<1xf32>
          %parallel_loop3A_614 = vector.extract %parallel_loop3A_613[0] : f32 from vector<1xf32>
          %parallel_loop3A_615 = arith.constant 5 : i32
          %parallel_loop3A_616 = arith.addi %parallel_loop3A_492, %parallel_loop3A_615 : i32
          %parallel_loop3A_617 = arith.index_cast %parallel_loop3A_616 : i32 to index
          %parallel_loop3A_618 = arith.constant 0 : index
          %parallel_loop3A_619 = tpu.vector_load %arg12[%parallel_loop3A_617, %parallel_loop3A_618] {strides = array<i32>} : memref<1536x32xbf16, #tpu.memory_space<vmem>>, vector<32xbf16>,
          %parallel_loop3A_620 = tpu.unpack_subelements %parallel_loop3A_619, 0 {pack_format = #tpu.pack_format<interleaved>} : vector<32xbf16> -> vector<16xf32>
          %parallel_loop3A_621 = tpu.unpack_subelements %parallel_loop3A_619, 1 {pack_format = #tpu.pack_format<interleaved>} : vector<32xbf16> -> vector<16xf32>
          %parallel_loop3A_622 = vector.broadcast %parallel_loop3A_614 : f32 to vector<16xf32>
          %parallel_loop3A_623 = arith.mulf %parallel_loop3A_620, %parallel_loop3A_622 : vector<16xf32>
          %parallel_loop3A_624 = arith.constant 5 : i32
          %parallel_loop3A_625 = arith.addi %parallel_loop3A_497, %parallel_loop3A_624 : i32
          %parallel_loop3A_626 = arith.index_cast %parallel_loop3A_625 : i32 to index
          %parallel_loop3A_627 = arith.constant 0 : index
          %parallel_loop3A_628 = tpu.vector_load %arg13[%parallel_loop3A_626, %parallel_loop3A_627] {strides = array<i32>} : memref<1024x32xf32, #tpu.memory_space<vmem>>, vector<16xf32>,
          tpu.vector_store %arg13[%parallel_loop3A_626, %parallel_loop3A_627], %parallel_loop3A_623 {strides = array<i32>} : memref<1024x32xf32, #tpu.memory_space<vmem>>, vector<16xf32>,
          %parallel_loop3A_629 = vector.broadcast %parallel_loop3A_614 : f32 to vector<16xf32>
          %parallel_loop3A_630 = arith.mulf %parallel_loop3A_621, %parallel_loop3A_629 : vector<16xf32>
          %parallel_loop3A_631 = arith.constant 5 : i32
          %parallel_loop3A_632 = arith.addi %parallel_loop3A_497, %parallel_loop3A_631 : i32
          %parallel_loop3A_633 = arith.index_cast %parallel_loop3A_632 : i32 to index
          %parallel_loop3A_634 = arith.constant 16 : index
          %parallel_loop3A_635 = tpu.vector_load %arg13[%parallel_loop3A_633, %parallel_loop3A_634] {strides = array<i32>} : memref<1024x32xf32, #tpu.memory_space<vmem>>, vector<16xf32>,
          tpu.vector_store %arg13[%parallel_loop3A_633, %parallel_loop3A_634], %parallel_loop3A_630 {strides = array<i32>} : memref<1024x32xf32, #tpu.memory_space<vmem>>, vector<16xf32>,
          %parallel_loop3A_636 = vector.extract_strided_slice %parallel_loop3A_487 {offsets = [6], sizes = [1], strides = [1]} : vector<16xf32> to vector<1xf32>
          %parallel_loop3A_637 = vector.extract %parallel_loop3A_636[0] : f32 from vector<1xf32>
          %parallel_loop3A_638 = arith.constant 6 : i32
          %parallel_loop3A_639 = arith.addi %parallel_loop3A_492, %parallel_loop3A_638 : i32
          %parallel_loop3A_640 = arith.index_cast %parallel_loop3A_639 : i32 to index
          %parallel_loop3A_641 = arith.constant 0 : index
          %parallel_loop3A_642 = tpu.vector_load %arg12[%parallel_loop3A_640, %parallel_loop3A_641] {strides = array<i32>} : memref<1536x32xbf16, #tpu.memory_space<vmem>>, vector<32xbf16>,
          %parallel_loop3A_643 = tpu.unpack_subelements %parallel_loop3A_642, 0 {pack_format = #tpu.pack_format<interleaved>} : vector<32xbf16> -> vector<16xf32>
          %parallel_loop3A_644 = tpu.unpack_subelements %parallel_loop3A_642, 1 {pack_format = #tpu.pack_format<interleaved>} : vector<32xbf16> -> vector<16xf32>
          %parallel_loop3A_645 = vector.broadcast %parallel_loop3A_637 : f32 to vector<16xf32>
          %parallel_loop3A_646 = arith.mulf %parallel_loop3A_643, %parallel_loop3A_645 : vector<16xf32>
          %parallel_loop3A_647 = arith.constant 6 : i32
          %parallel_loop3A_648 = arith.addi %parallel_loop3A_497, %parallel_loop3A_647 : i32
          %parallel_loop3A_649 = arith.index_cast %parallel_loop3A_648 : i32 to index
          %parallel_loop3A_650 = arith.constant 0 : index
          %parallel_loop3A_651 = tpu.vector_load %arg13[%parallel_loop3A_649, %parallel_loop3A_650] {strides = array<i32>} : memref<1024x32xf32, #tpu.memory_space<vmem>>, vector<16xf32>,
          tpu.vector_store %arg13[%parallel_loop3A_649, %parallel_loop3A_650], %parallel_loop3A_646 {strides = array<i32>} : memref<1024x32xf32, #tpu.memory_space<vmem>>, vector<16xf32>,
          %parallel_loop3A_652 = vector.broadcast %parallel_loop3A_637 : f32 to vector<16xf32>
          %parallel_loop3A_653 = arith.mulf %parallel_loop3A_644, %parallel_loop3A_652 : vector<16xf32>
          %parallel_loop3A_654 = arith.constant 6 : i32
          %parallel_loop3A_655 = arith.addi %parallel_loop3A_497, %parallel_loop3A_654 : i32
          %parallel_loop3A_656 = arith.index_cast %parallel_loop3A_655 : i32 to index
          %parallel_loop3A_657 = arith.constant 16 : index
          %parallel_loop3A_658 = tpu.vector_load %arg13[%parallel_loop3A_656, %parallel_loop3A_657] {strides = array<i32>} : memref<1024x32xf32, #tpu.memory_space<vmem>>, vector<16xf32>,
          tpu.vector_store %arg13[%parallel_loop3A_656, %parallel_loop3A_657], %parallel_loop3A_653 {strides = array<i32>} : memref<1024x32xf32, #tpu.memory_space<vmem>>, vector<16xf32>,
          %parallel_loop3A_659 = vector.extract_strided_slice %parallel_loop3A_487 {offsets = [7], sizes = [1], strides = [1]} : vector<16xf32> to vector<1xf32>
          %parallel_loop3A_660 = vector.extract %parallel_loop3A_659[0] : f32 from vector<1xf32>
          %parallel_loop3A_661 = arith.constant 7 : i32
          %parallel_loop3A_662 = arith.addi %parallel_loop3A_492, %parallel_loop3A_661 : i32
          %parallel_loop3A_663 = arith.index_cast %parallel_loop3A_662 : i32 to index
          %parallel_loop3A_664 = arith.constant 0 : index
          %parallel_loop3A_665 = tpu.vector_load %arg12[%parallel_loop3A_663, %parallel_loop3A_664] {strides = array<i32>} : memref<1536x32xbf16, #tpu.memory_space<vmem>>, vector<32xbf16>,
          %parallel_loop3A_666 = tpu.unpack_subelements %parallel_loop3A_665, 0 {pack_format = #tpu.pack_format<interleaved>} : vector<32xbf16> -> vector<16xf32>
          %parallel_loop3A_667 = tpu.unpack_subelements %parallel_loop3A_665, 1 {pack_format = #tpu.pack_format<interleaved>} : vector<32xbf16> -> vector<16xf32>
          %parallel_loop3A_668 = vector.broadcast %parallel_loop3A_660 : f32 to vector<16xf32>
          %parallel_loop3A_669 = arith.mulf %parallel_loop3A_666, %parallel_loop3A_668 : vector<16xf32>
          %parallel_loop3A_670 = arith.constant 7 : i32
          %parallel_loop3A_671 = arith.addi %parallel_loop3A_497, %parallel_loop3A_670 : i32
          %parallel_loop3A_672 = arith.index_cast %parallel_loop3A_671 : i32 to index
          %parallel_loop3A_673 = arith.constant 0 : index
          %parallel_loop3A_674 = tpu.vector_load %arg13[%parallel_loop3A_672, %parallel_loop3A_673] {strides = array<i32>} : memref<1024x32xf32, #tpu.memory_space<vmem>>, vector<16xf32>,
          tpu.vector_store %arg13[%parallel_loop3A_672, %parallel_loop3A_673], %parallel_loop3A_669 {strides = array<i32>} : memref<1024x32xf32, #tpu.memory_space<vmem>>, vector<16xf32>,
          %parallel_loop3A_675 = vector.broadcast %parallel_loop3A_660 : f32 to vector<16xf32>
          %parallel_loop3A_676 = arith.mulf %parallel_loop3A_667, %parallel_loop3A_675 : vector<16xf32>
          %parallel_loop3A_677 = arith.constant 7 : i32
          %parallel_loop3A_678 = arith.addi %parallel_loop3A_497, %parallel_loop3A_677 : i32
          %parallel_loop3A_679 = arith.index_cast %parallel_loop3A_678 : i32 to index
          %parallel_loop3A_680 = arith.constant 16 : index
          %parallel_loop3A_681 = tpu.vector_load %arg13[%parallel_loop3A_679, %parallel_loop3A_680] {strides = array<i32>} : memref<1024x32xf32, #tpu.memory_space<vmem>>, vector<16xf32>,
          tpu.vector_store %arg13[%parallel_loop3A_679, %parallel_loop3A_680], %parallel_loop3A_676 {strides = array<i32>} : memref<1024x32xf32, #tpu.memory_space<vmem>>, vector<16xf32>,
          %parallel_loop3A_682 = vector.extract_strided_slice %parallel_loop3A_487 {offsets = [8], sizes = [1], strides = [1]} : vector<16xf32> to vector<1xf32>
          %parallel_loop3A_683 = vector.extract %parallel_loop3A_682[0] : f32 from vector<1xf32>
          %parallel_loop3A_684 = arith.constant 8 : i32
          %parallel_loop3A_685 = arith.addi %parallel_loop3A_492, %parallel_loop3A_684 : i32
          %parallel_loop3A_686 = arith.index_cast %parallel_loop3A_685 : i32 to index
          %parallel_loop3A_687 = arith.constant 0 : index
          %parallel_loop3A_688 = tpu.vector_load %arg12[%parallel_loop3A_686, %parallel_loop3A_687] {strides = array<i32>} : memref<1536x32xbf16, #tpu.memory_space<vmem>>, vector<32xbf16>,
          %parallel_loop3A_689 = tpu.unpack_subelements %parallel_loop3A_688, 0 {pack_format = #tpu.pack_format<interleaved>} : vector<32xbf16> -> vector<16xf32>
          %parallel_loop3A_690 = tpu.unpack_subelements %parallel_loop3A_688, 1 {pack_format = #tpu.pack_format<interleaved>} : vector<32xbf16> -> vector<16xf32>
          %parallel_loop3A_691 = vector.broadcast %parallel_loop3A_683 : f32 to vector<16xf32>
          %parallel_loop3A_692 = arith.mulf %parallel_loop3A_689, %parallel_loop3A_691 : vector<16xf32>
          %parallel_loop3A_693 = arith.constant 8 : i32
          %parallel_loop3A_694 = arith.addi %parallel_loop3A_497, %parallel_loop3A_693 : i32
          %parallel_loop3A_695 = arith.index_cast %parallel_loop3A_694 : i32 to index
          %parallel_loop3A_696 = arith.constant 0 : index
          %parallel_loop3A_697 = tpu.vector_load %arg13[%parallel_loop3A_695, %parallel_loop3A_696] {strides = array<i32>} : memref<1024x32xf32, #tpu.memory_space<vmem>>, vector<16xf32>,
          tpu.vector_store %arg13[%parallel_loop3A_695, %parallel_loop3A_696], %parallel_loop3A_692 {strides = array<i32>} : memref<1024x32xf32, #tpu.memory_space<vmem>>, vector<16xf32>,
          %parallel_loop3A_698 = vector.broadcast %parallel_loop3A_683 : f32 to vector<16xf32>
          %parallel_loop3A_699 = arith.mulf %parallel_loop3A_690, %parallel_loop3A_698 : vector<16xf32>
          %parallel_loop3A_700 = arith.constant 8 : i32
          %parallel_loop3A_701 = arith.addi %parallel_loop3A_497, %parallel_loop3A_700 : i32
          %parallel_loop3A_702 = arith.index_cast %parallel_loop3A_701 : i32 to index
          %parallel_loop3A_703 = arith.constant 16 : index
          %parallel_loop3A_704 = tpu.vector_load %arg13[%parallel_loop3A_702, %parallel_loop3A_703] {strides = array<i32>} : memref<1024x32xf32, #tpu.memory_space<vmem>>, vector<16xf32>,
          tpu.vector_store %arg13[%parallel_loop3A_702, %parallel_loop3A_703], %parallel_loop3A_699 {strides = array<i32>} : memref<1024x32xf32, #tpu.memory_space<vmem>>, vector<16xf32>,
          %parallel_loop3A_705 = vector.extract_strided_slice %parallel_loop3A_487 {offsets = [9], sizes = [1], strides = [1]} : vector<16xf32> to vector<1xf32>
          %parallel_loop3A_706 = vector.extract %parallel_loop3A_705[0] : f32 from vector<1xf32>
          %parallel_loop3A_707 = arith.constant 9 : i32
          %parallel_loop3A_708 = arith.addi %parallel_loop3A_492, %parallel_loop3A_707 : i32
          %parallel_loop3A_709 = arith.index_cast %parallel_loop3A_708 : i32 to index
          %parallel_loop3A_710 = arith.constant 0 : index
          %parallel_loop3A_711 = tpu.vector_load %arg12[%parallel_loop3A_709, %parallel_loop3A_710] {strides = array<i32>} : memref<1536x32xbf16, #tpu.memory_space<vmem>>, vector<32xbf16>,
          %parallel_loop3A_712 = tpu.unpack_subelements %parallel_loop3A_711, 0 {pack_format = #tpu.pack_format<interleaved>} : vector<32xbf16> -> vector<16xf32>
          %parallel_loop3A_713 = tpu.unpack_subelements %parallel_loop3A_711, 1 {pack_format = #tpu.pack_format<interleaved>} : vector<32xbf16> -> vector<16xf32>
          %parallel_loop3A_714 = vector.broadcast %parallel_loop3A_706 : f32 to vector<16xf32>
          %parallel_loop3A_715 = arith.mulf %parallel_loop3A_712, %parallel_loop3A_714 : vector<16xf32>
          %parallel_loop3A_716 = arith.constant 9 : i32
          %parallel_loop3A_717 = arith.addi %parallel_loop3A_497, %parallel_loop3A_716 : i32
          %parallel_loop3A_718 = arith.index_cast %parallel_loop3A_717 : i32 to index
          %parallel_loop3A_719 = arith.constant 0 : index
          %parallel_loop3A_720 = tpu.vector_load %arg13[%parallel_loop3A_718, %parallel_loop3A_719] {strides = array<i32>} : memref<1024x32xf32, #tpu.memory_space<vmem>>, vector<16xf32>,
          tpu.vector_store %arg13[%parallel_loop3A_718, %parallel_loop3A_719], %parallel_loop3A_715 {strides = array<i32>} : memref<1024x32xf32, #tpu.memory_space<vmem>>, vector<16xf32>,
          %parallel_loop3A_721 = vector.broadcast %parallel_loop3A_706 : f32 to vector<16xf32>
          %parallel_loop3A_722 = arith.mulf %parallel_loop3A_713, %parallel_loop3A_721 : vector<16xf32>
          %parallel_loop3A_723 = arith.constant 9 : i32
          %parallel_loop3A_724 = arith.addi %parallel_loop3A_497, %parallel_loop3A_723 : i32
          %parallel_loop3A_725 = arith.index_cast %parallel_loop3A_724 : i32 to index
          %parallel_loop3A_726 = arith.constant 16 : index
          %parallel_loop3A_727 = tpu.vector_load %arg13[%parallel_loop3A_725, %parallel_loop3A_726] {strides = array<i32>} : memref<1024x32xf32, #tpu.memory_space<vmem>>, vector<16xf32>,
          tpu.vector_store %arg13[%parallel_loop3A_725, %parallel_loop3A_726], %parallel_loop3A_722 {strides = array<i32>} : memref<1024x32xf32, #tpu.memory_space<vmem>>, vector<16xf32>,
          %parallel_loop3A_728 = vector.extract_strided_slice %parallel_loop3A_487 {offsets = [10], sizes = [1], strides = [1]} : vector<16xf32> to vector<1xf32>
          %parallel_loop3A_729 = vector.extract %parallel_loop3A_728[0] : f32 from vector<1xf32>
          %parallel_loop3A_730 = arith.constant 10 : i32
          %parallel_loop3A_731 = arith.addi %parallel_loop3A_492, %parallel_loop3A_730 : i32
          %parallel_loop3A_732 = arith.index_cast %parallel_loop3A_731 : i32 to index
          %parallel_loop3A_733 = arith.constant 0 : index
          %parallel_loop3A_734 = tpu.vector_load %arg12[%parallel_loop3A_732, %parallel_loop3A_733] {strides = array<i32>} : memref<1536x32xbf16, #tpu.memory_space<vmem>>, vector<32xbf16>,
          %parallel_loop3A_735 = tpu.unpack_subelements %parallel_loop3A_734, 0 {pack_format = #tpu.pack_format<interleaved>} : vector<32xbf16> -> vector<16xf32>
          %parallel_loop3A_736 = tpu.unpack_subelements %parallel_loop3A_734, 1 {pack_format = #tpu.pack_format<interleaved>} : vector<32xbf16> -> vector<16xf32>
          %parallel_loop3A_737 = vector.broadcast %parallel_loop3A_729 : f32 to vector<16xf32>
          %parallel_loop3A_738 = arith.mulf %parallel_loop3A_735, %parallel_loop3A_737 : vector<16xf32>
          %parallel_loop3A_739 = arith.constant 10 : i32
          %parallel_loop3A_740 = arith.addi %parallel_loop3A_497, %parallel_loop3A_739 : i32
          %parallel_loop3A_741 = arith.index_cast %parallel_loop3A_740 : i32 to index
          %parallel_loop3A_742 = arith.constant 0 : index
          %parallel_loop3A_743 = tpu.vector_load %arg13[%parallel_loop3A_741, %parallel_loop3A_742] {strides = array<i32>} : memref<1024x32xf32, #tpu.memory_space<vmem>>, vector<16xf32>,
          tpu.vector_store %arg13[%parallel_loop3A_741, %parallel_loop3A_742], %parallel_loop3A_738 {strides = array<i32>} : memref<1024x32xf32, #tpu.memory_space<vmem>>, vector<16xf32>,
          %parallel_loop3A_744 = vector.broadcast %parallel_loop3A_729 : f32 to vector<16xf32>
          %parallel_loop3A_745 = arith.mulf %parallel_loop3A_736, %parallel_loop3A_744 : vector<16xf32>
          %parallel_loop3A_746 = arith.constant 10 : i32
          %parallel_loop3A_747 = arith.addi %parallel_loop3A_497, %parallel_loop3A_746 : i32
          %parallel_loop3A_748 = arith.index_cast %parallel_loop3A_747 : i32 to index
          %parallel_loop3A_749 = arith.constant 16 : index
          %parallel_loop3A_750 = tpu.vector_load %arg13[%parallel_loop3A_748, %parallel_loop3A_749] {strides = array<i32>} : memref<1024x32xf32, #tpu.memory_space<vmem>>, vector<16xf32>,
          tpu.vector_store %arg13[%parallel_loop3A_748, %parallel_loop3A_749], %parallel_loop3A_745 {strides = array<i32>} : memref<1024x32xf32, #tpu.memory_space<vmem>>, vector<16xf32>,
          %parallel_loop3A_751 = vector.extract_strided_slice %parallel_loop3A_487 {offsets = [11], sizes = [1], strides = [1]} : vector<16xf32> to vector<1xf32>
          %parallel_loop3A_752 = vector.extract %parallel_loop3A_751[0] : f32 from vector<1xf32>
          %parallel_loop3A_753 = arith.constant 11 : i32
          %parallel_loop3A_754 = arith.addi %parallel_loop3A_492, %parallel_loop3A_753 : i32
          %parallel_loop3A_755 = arith.index_cast %parallel_loop3A_754 : i32 to index
          %parallel_loop3A_756 = arith.constant 0 : index
          %parallel_loop3A_757 = tpu.vector_load %arg12[%parallel_loop3A_755, %parallel_loop3A_756] {strides = array<i32>} : memref<1536x32xbf16, #tpu.memory_space<vmem>>, vector<32xbf16>,
          %parallel_loop3A_758 = tpu.unpack_subelements %parallel_loop3A_757, 0 {pack_format = #tpu.pack_format<interleaved>} : vector<32xbf16> -> vector<16xf32>
          %parallel_loop3A_759 = tpu.unpack_subelements %parallel_loop3A_757, 1 {pack_format = #tpu.pack_format<interleaved>} : vector<32xbf16> -> vector<16xf32>
          %parallel_loop3A_760 = vector.broadcast %parallel_loop3A_752 : f32 to vector<16xf32>
          %parallel_loop3A_761 = arith.mulf %parallel_loop3A_758, %parallel_loop3A_760 : vector<16xf32>
          %parallel_loop3A_762 = arith.constant 11 : i32
          %parallel_loop3A_763 = arith.addi %parallel_loop3A_497, %parallel_loop3A_762 : i32
          %parallel_loop3A_764 = arith.index_cast %parallel_loop3A_763 : i32 to index
          %parallel_loop3A_765 = arith.constant 0 : index
          %parallel_loop3A_766 = tpu.vector_load %arg13[%parallel_loop3A_764, %parallel_loop3A_765] {strides = array<i32>} : memref<1024x32xf32, #tpu.memory_space<vmem>>, vector<16xf32>,
          tpu.vector_store %arg13[%parallel_loop3A_764, %parallel_loop3A_765], %parallel_loop3A_761 {strides = array<i32>} : memref<1024x32xf32, #tpu.memory_space<vmem>>, vector<16xf32>,
          %parallel_loop3A_767 = vector.broadcast %parallel_loop3A_752 : f32 to vector<16xf32>
          %parallel_loop3A_768 = arith.mulf %parallel_loop3A_759, %parallel_loop3A_767 : vector<16xf32>
          %parallel_loop3A_769 = arith.constant 11 : i32
          %parallel_loop3A_770 = arith.addi %parallel_loop3A_497, %parallel_loop3A_769 : i32
          %parallel_loop3A_771 = arith.index_cast %parallel_loop3A_770 : i32 to index
          %parallel_loop3A_772 = arith.constant 16 : index
          %parallel_loop3A_773 = tpu.vector_load %arg13[%parallel_loop3A_771, %parallel_loop3A_772] {strides = array<i32>} : memref<1024x32xf32, #tpu.memory_space<vmem>>, vector<16xf32>,
          tpu.vector_store %arg13[%parallel_loop3A_771, %parallel_loop3A_772], %parallel_loop3A_768 {strides = array<i32>} : memref<1024x32xf32, #tpu.memory_space<vmem>>, vector<16xf32>,
          %parallel_loop3A_774 = vector.extract_strided_slice %parallel_loop3A_487 {offsets = [12], sizes = [1], strides = [1]} : vector<16xf32> to vector<1xf32>
          %parallel_loop3A_775 = vector.extract %parallel_loop3A_774[0] : f32 from vector<1xf32>
          %parallel_loop3A_776 = arith.constant 12 : i32
          %parallel_loop3A_777 = arith.addi %parallel_loop3A_492, %parallel_loop3A_776 : i32
          %parallel_loop3A_778 = arith.index_cast %parallel_loop3A_777 : i32 to index
          %parallel_loop3A_779 = arith.constant 0 : index
          %parallel_loop3A_780 = tpu.vector_load %arg12[%parallel_loop3A_778, %parallel_loop3A_779] {strides = array<i32>} : memref<1536x32xbf16, #tpu.memory_space<vmem>>, vector<32xbf16>,
          %parallel_loop3A_781 = tpu.unpack_subelements %parallel_loop3A_780, 0 {pack_format = #tpu.pack_format<interleaved>} : vector<32xbf16> -> vector<16xf32>
          %parallel_loop3A_782 = tpu.unpack_subelements %parallel_loop3A_780, 1 {pack_format = #tpu.pack_format<interleaved>} : vector<32xbf16> -> vector<16xf32>
          %parallel_loop3A_783 = vector.broadcast %parallel_loop3A_775 : f32 to vector<16xf32>
          %parallel_loop3A_784 = arith.mulf %parallel_loop3A_781, %parallel_loop3A_783 : vector<16xf32>
          %parallel_loop3A_785 = arith.constant 12 : i32
          %parallel_loop3A_786 = arith.addi %parallel_loop3A_497, %parallel_loop3A_785 : i32
          %parallel_loop3A_787 = arith.index_cast %parallel_loop3A_786 : i32 to index
          %parallel_loop3A_788 = arith.constant 0 : index
          %parallel_loop3A_789 = tpu.vector_load %arg13[%parallel_loop3A_787, %parallel_loop3A_788] {strides = array<i32>} : memref<1024x32xf32, #tpu.memory_space<vmem>>, vector<16xf32>,
          tpu.vector_store %arg13[%parallel_loop3A_787, %parallel_loop3A_788], %parallel_loop3A_784 {strides = array<i32>} : memref<1024x32xf32, #tpu.memory_space<vmem>>, vector<16xf32>,
          %parallel_loop3A_790 = vector.broadcast %parallel_loop3A_775 : f32 to vector<16xf32>
          %parallel_loop3A_791 = arith.mulf %parallel_loop3A_782, %parallel_loop3A_790 : vector<16xf32>
          %parallel_loop3A_792 = arith.constant 12 : i32
          %parallel_loop3A_793 = arith.addi %parallel_loop3A_497, %parallel_loop3A_792 : i32
          %parallel_loop3A_794 = arith.index_cast %parallel_loop3A_793 : i32 to index
          %parallel_loop3A_795 = arith.constant 16 : index
          %parallel_loop3A_796 = tpu.vector_load %arg13[%parallel_loop3A_794, %parallel_loop3A_795] {strides = array<i32>} : memref<1024x32xf32, #tpu.memory_space<vmem>>, vector<16xf32>,
          tpu.vector_store %arg13[%parallel_loop3A_794, %parallel_loop3A_795], %parallel_loop3A_791 {strides = array<i32>} : memref<1024x32xf32, #tpu.memory_space<vmem>>, vector<16xf32>,
          %parallel_loop3A_797 = vector.extract_strided_slice %parallel_loop3A_487 {offsets = [13], sizes = [1], strides = [1]} : vector<16xf32> to vector<1xf32>
          %parallel_loop3A_798 = vector.extract %parallel_loop3A_797[0] : f32 from vector<1xf32>
          %parallel_loop3A_799 = arith.constant 13 : i32
          %parallel_loop3A_800 = arith.addi %parallel_loop3A_492, %parallel_loop3A_799 : i32
          %parallel_loop3A_801 = arith.index_cast %parallel_loop3A_800 : i32 to index
          %parallel_loop3A_802 = arith.constant 0 : index
          %parallel_loop3A_803 = tpu.vector_load %arg12[%parallel_loop3A_801, %parallel_loop3A_802] {strides = array<i32>} : memref<1536x32xbf16, #tpu.memory_space<vmem>>, vector<32xbf16>,
          %parallel_loop3A_804 = tpu.unpack_subelements %parallel_loop3A_803, 0 {pack_format = #tpu.pack_format<interleaved>} : vector<32xbf16> -> vector<16xf32>
          %parallel_loop3A_805 = tpu.unpack_subelements %parallel_loop3A_803, 1 {pack_format = #tpu.pack_format<interleaved>} : vector<32xbf16> -> vector<16xf32>
          %parallel_loop3A_806 = vector.broadcast %parallel_loop3A_798 : f32 to vector<16xf32>
          %parallel_loop3A_807 = arith.mulf %parallel_loop3A_804, %parallel_loop3A_806 : vector<16xf32>
          %parallel_loop3A_808 = arith.constant 13 : i32
          %parallel_loop3A_809 = arith.addi %parallel_loop3A_497, %parallel_loop3A_808 : i32
          %parallel_loop3A_810 = arith.index_cast %parallel_loop3A_809 : i32 to index
          %parallel_loop3A_811 = arith.constant 0 : index
          %parallel_loop3A_812 = tpu.vector_load %arg13[%parallel_loop3A_810, %parallel_loop3A_811] {strides = array<i32>} : memref<1024x32xf32, #tpu.memory_space<vmem>>, vector<16xf32>,
          tpu.vector_store %arg13[%parallel_loop3A_810, %parallel_loop3A_811], %parallel_loop3A_807 {strides = array<i32>} : memref<1024x32xf32, #tpu.memory_space<vmem>>, vector<16xf32>,
          %parallel_loop3A_813 = vector.broadcast %parallel_loop3A_798 : f32 to vector<16xf32>
          %parallel_loop3A_814 = arith.mulf %parallel_loop3A_805, %parallel_loop3A_813 : vector<16xf32>
          %parallel_loop3A_815 = arith.constant 13 : i32
          %parallel_loop3A_816 = arith.addi %parallel_loop3A_497, %parallel_loop3A_815 : i32
          %parallel_loop3A_817 = arith.index_cast %parallel_loop3A_816 : i32 to index
          %parallel_loop3A_818 = arith.constant 16 : index
          %parallel_loop3A_819 = tpu.vector_load %arg13[%parallel_loop3A_817, %parallel_loop3A_818] {strides = array<i32>} : memref<1024x32xf32, #tpu.memory_space<vmem>>, vector<16xf32>,
          tpu.vector_store %arg13[%parallel_loop3A_817, %parallel_loop3A_818], %parallel_loop3A_814 {strides = array<i32>} : memref<1024x32xf32, #tpu.memory_space<vmem>>, vector<16xf32>,
          %parallel_loop3A_820 = vector.extract_strided_slice %parallel_loop3A_487 {offsets = [14], sizes = [1], strides = [1]} : vector<16xf32> to vector<1xf32>
          %parallel_loop3A_821 = vector.extract %parallel_loop3A_820[0] : f32 from vector<1xf32>
          %parallel_loop3A_822 = arith.constant 14 : i32
          %parallel_loop3A_823 = arith.addi %parallel_loop3A_492, %parallel_loop3A_822 : i32
          %parallel_loop3A_824 = arith.index_cast %parallel_loop3A_823 : i32 to index
          %parallel_loop3A_825 = arith.constant 0 : index
          %parallel_loop3A_826 = tpu.vector_load %arg12[%parallel_loop3A_824, %parallel_loop3A_825] {strides = array<i32>} : memref<1536x32xbf16, #tpu.memory_space<vmem>>, vector<32xbf16>,
          %parallel_loop3A_827 = tpu.unpack_subelements %parallel_loop3A_826, 0 {pack_format = #tpu.pack_format<interleaved>} : vector<32xbf16> -> vector<16xf32>
          %parallel_loop3A_828 = tpu.unpack_subelements %parallel_loop3A_826, 1 {pack_format = #tpu.pack_format<interleaved>} : vector<32xbf16> -> vector<16xf32>
          %parallel_loop3A_829 = vector.broadcast %parallel_loop3A_821 : f32 to vector<16xf32>
          %parallel_loop3A_830 = arith.mulf %parallel_loop3A_827, %parallel_loop3A_829 : vector<16xf32>
          %parallel_loop3A_831 = arith.constant 14 : i32
          %parallel_loop3A_832 = arith.addi %parallel_loop3A_497, %parallel_loop3A_831 : i32
          %parallel_loop3A_833 = arith.index_cast %parallel_loop3A_832 : i32 to index
          %parallel_loop3A_834 = arith.constant 0 : index
          %parallel_loop3A_835 = tpu.vector_load %arg13[%parallel_loop3A_833, %parallel_loop3A_834] {strides = array<i32>} : memref<1024x32xf32, #tpu.memory_space<vmem>>, vector<16xf32>,
          tpu.vector_store %arg13[%parallel_loop3A_833, %parallel_loop3A_834], %parallel_loop3A_830 {strides = array<i32>} : memref<1024x32xf32, #tpu.memory_space<vmem>>, vector<16xf32>,
          %parallel_loop3A_836 = vector.broadcast %parallel_loop3A_821 : f32 to vector<16xf32>
          %parallel_loop3A_837 = arith.mulf %parallel_loop3A_828, %parallel_loop3A_836 : vector<16xf32>
          %parallel_loop3A_838 = arith.constant 14 : i32
          %parallel_loop3A_839 = arith.addi %parallel_loop3A_497, %parallel_loop3A_838 : i32
          %parallel_loop3A_840 = arith.index_cast %parallel_loop3A_839 : i32 to index
          %parallel_loop3A_841 = arith.constant 16 : index
          %parallel_loop3A_842 = tpu.vector_load %arg13[%parallel_loop3A_840, %parallel_loop3A_841] {strides = array<i32>} : memref<1024x32xf32, #tpu.memory_space<vmem>>, vector<16xf32>,
          tpu.vector_store %arg13[%parallel_loop3A_840, %parallel_loop3A_841], %parallel_loop3A_837 {strides = array<i32>} : memref<1024x32xf32, #tpu.memory_space<vmem>>, vector<16xf32>,
          %parallel_loop3A_843 = vector.extract_strided_slice %parallel_loop3A_487 {offsets = [15], sizes = [1], strides = [1]} : vector<16xf32> to vector<1xf32>
          %parallel_loop3A_844 = vector.extract %parallel_loop3A_843[0] : f32 from vector<1xf32>
          %parallel_loop3A_845 = arith.constant 15 : i32
          %parallel_loop3A_846 = arith.addi %parallel_loop3A_492, %parallel_loop3A_845 : i32
          %parallel_loop3A_847 = arith.index_cast %parallel_loop3A_846 : i32 to index
          %parallel_loop3A_848 = arith.constant 0 : index
          %parallel_loop3A_849 = tpu.vector_load %arg12[%parallel_loop3A_847, %parallel_loop3A_848] {strides = array<i32>} : memref<1536x32xbf16, #tpu.memory_space<vmem>>, vector<32xbf16>,
          %parallel_loop3A_850 = tpu.unpack_subelements %parallel_loop3A_849, 0 {pack_format = #tpu.pack_format<interleaved>} : vector<32xbf16> -> vector<16xf32>
          %parallel_loop3A_851 = tpu.unpack_subelements %parallel_loop3A_849, 1 {pack_format = #tpu.pack_format<interleaved>} : vector<32xbf16> -> vector<16xf32>
          %parallel_loop3A_852 = vector.broadcast %parallel_loop3A_844 : f32 to vector<16xf32>
          %parallel_loop3A_853 = arith.mulf %parallel_loop3A_850, %parallel_loop3A_852 : vector<16xf32>
          %parallel_loop3A_854 = arith.constant 15 : i32
          %parallel_loop3A_855 = arith.addi %parallel_loop3A_497, %parallel_loop3A_854 : i32
          %parallel_loop3A_856 = arith.index_cast %parallel_loop3A_855 : i32 to index
          %parallel_loop3A_857 = arith.constant 0 : index
          %parallel_loop3A_858 = tpu.vector_load %arg13[%parallel_loop3A_856, %parallel_loop3A_857] {strides = array<i32>} : memref<1024x32xf32, #tpu.memory_space<vmem>>, vector<16xf32>,
          tpu.vector_store %arg13[%parallel_loop3A_856, %parallel_loop3A_857], %parallel_loop3A_853 {strides = array<i32>} : memref<1024x32xf32, #tpu.memory_space<vmem>>, vector<16xf32>,
          %parallel_loop3A_859 = vector.broadcast %parallel_loop3A_844 : f32 to vector<16xf32>
          %parallel_loop3A_860 = arith.mulf %parallel_loop3A_851, %parallel_loop3A_859 : vector<16xf32>
          %parallel_loop3A_861 = arith.constant 15 : i32
          %parallel_loop3A_862 = arith.addi %parallel_loop3A_497, %parallel_loop3A_861 : i32
          %parallel_loop3A_863 = arith.index_cast %parallel_loop3A_862 : i32 to index
          %parallel_loop3A_864 = arith.constant 16 : index
          %parallel_loop3A_865 = tpu.vector_load %arg13[%parallel_loop3A_863, %parallel_loop3A_864] {strides = array<i32>} : memref<1024x32xf32, #tpu.memory_space<vmem>>, vector<16xf32>,
          tpu.vector_store %arg13[%parallel_loop3A_863, %parallel_loop3A_864], %parallel_loop3A_860 {strides = array<i32>} : memref<1024x32xf32, #tpu.memory_space<vmem>>, vector<16xf32>,
        } {sc.loop_unroll_factor = 1 : i64, sc.parallel_access}
        %ge3A = arith.constant 1 : i32
        %ge3A_412 = arith.cmpi sge, %scan3A_349, %ge3A : i32
        %convert_element_type3A_413 = arith.extui %ge3A_412 : i1 to i32
        %cond3A_414 = arith.constant 0 : i32
        %cond3A_415 = arith.cmpi ne, %convert_element_type3A_413, %cond3A_414 : i32
        scf.if %cond3A_415 {
          %add3A_480 = arith.constant 1 : i32
          %add3A_481 = arith.addi %scan3A_349, %add3A_480 : i32
          %rem3A_482 = arith.constant 2 : i32
          %rem3A_483 = arith.remsi %add3A_481, %rem3A_482 : i32
          %mul3A_484 = arith.constant 512 : i32
          %mul3A_485 = arith.muli %rem3A_483, %mul3A_484 : i32
          %add3A_486 = arith.constant 0 : i32
          %add3A_487 = arith.addi %mul3A_485, %add3A_486 : i32
          %dma_wait3A_488 = arith.constant 0 : i32
          %dma_wait3A_489 = arith.constant 0 : i32
          %dma_wait3A_490 = tpu.memref_slice %arg13[%add3A_487, %dma_wait3A_489] : memref<1024x32xf32, #tpu.memory_space<vmem>> -> memref<128x32xf32, #tpu.memory_space<vmem>>
          %dma_wait3A_491 = arith.constant 0 : i32
          %dma_wait3A_492 = tpu.memref_slice %arg10[%dma_wait3A_488, %dma_wait3A_491] : memref<52x128xi32, #tpu.memory_space<vmem>> -> memref<1x128xi32, #tpu.memory_space<vmem>>
          %dma_wait3A_493 = tpu.memref_squeeze %dma_wait3A_492 : memref<1x128xi32, #tpu.memory_space<vmem>> -> memref<128xi32, #tpu.memory_space<vmem>>
          %dma_wait3A_494 = arith.constant 0 : i32
          %dma_wait3A_495 = arith.constant 0 : i32
          %dma_wait3A_496 = tpu.memref_slice %arg14[%dma_wait3A_494, %dma_wait3A_495] : memref<20000x32xf32, #tpu.memory_space<vmem_shared>> -> memref<20000x32xf32, #tpu.memory_space<vmem_shared>>
          tpu.wait_indirect_dma semaphore(%arg16 : memref<!tpu.dma_semaphore, #tpu.memory_space<semaphore_mem>>) src(%dma_wait3A_490 : memref<128x32xf32, #tpu.memory_space<vmem>>) dst(%dma_wait3A_496 : memref<20000x32xf32, #tpu.memory_space<vmem_shared>>)
          %mul3A_497 = arith.constant 512 : i32
          %mul3A_498 = arith.muli %rem3A_483, %mul3A_497 : i32
          %add3A_499 = arith.constant 128 : i32
          %add3A_500 = arith.addi %mul3A_498, %add3A_499 : i32
          %dma_wait3A_501 = arith.constant 1 : i32
          %dma_wait3A_502 = arith.constant 0 : i32
          %dma_wait3A_503 = tpu.memref_slice %arg13[%add3A_500, %dma_wait3A_502] : memref<1024x32xf32, #tpu.memory_space<vmem>> -> memref<128x32xf32, #tpu.memory_space<vmem>>
          %dma_wait3A_504 = arith.constant 0 : i32
          %dma_wait3A_505 = tpu.memref_slice %arg10[%dma_wait3A_501, %dma_wait3A_504] : memref<52x128xi32, #tpu.memory_space<vmem>> -> memref<1x128xi32, #tpu.memory_space<vmem>>
          %dma_wait3A_506 = tpu.memref_squeeze %dma_wait3A_505 : memref<1x128xi32, #tpu.memory_space<vmem>> -> memref<128xi32, #tpu.memory_space<vmem>>
          %dma_wait3A_507 = arith.constant 0 : i32
          %dma_wait3A_508 = arith.constant 0 : i32
          %dma_wait3A_509 = tpu.memref_slice %arg14[%dma_wait3A_507, %dma_wait3A_508] : memref<20000x32xf32, #tpu.memory_space<vmem_shared>> -> memref<20000x32xf32, #tpu.memory_space<vmem_shared>>
          tpu.wait_indirect_dma semaphore(%arg16 : memref<!tpu.dma_semaphore, #tpu.memory_space<semaphore_mem>>) src(%dma_wait3A_503 : memref<128x32xf32, #tpu.memory_space<vmem>>) dst(%dma_wait3A_509 : memref<20000x32xf32, #tpu.memory_space<vmem_shared>>)
          %mul3A_510 = arith.constant 512 : i32
          %mul3A_511 = arith.muli %rem3A_483, %mul3A_510 : i32
          %add3A_512 = arith.constant 256 : i32
          %add3A_513 = arith.addi %mul3A_511, %add3A_512 : i32
          %dma_wait3A_514 = arith.constant 2 : i32
          %dma_wait3A_515 = arith.constant 0 : i32
          %dma_wait3A_516 = tpu.memref_slice %arg13[%add3A_513, %dma_wait3A_515] : memref<1024x32xf32, #tpu.memory_space<vmem>> -> memref<128x32xf32, #tpu.memory_space<vmem>>
          %dma_wait3A_517 = arith.constant 0 : i32
          %dma_wait3A_518 = tpu.memref_slice %arg10[%dma_wait3A_514, %dma_wait3A_517] : memref<52x128xi32, #tpu.memory_space<vmem>> -> memref<1x128xi32, #tpu.memory_space<vmem>>
          %dma_wait3A_519 = tpu.memref_squeeze %dma_wait3A_518 : memref<1x128xi32, #tpu.memory_space<vmem>> -> memref<128xi32, #tpu.memory_space<vmem>>
          %dma_wait3A_520 = arith.constant 0 : i32
          %dma_wait3A_521 = arith.constant 0 : i32
          %dma_wait3A_522 = tpu.memref_slice %arg14[%dma_wait3A_520, %dma_wait3A_521] : memref<20000x32xf32, #tpu.memory_space<vmem_shared>> -> memref<20000x32xf32, #tpu.memory_space<vmem_shared>>
          tpu.wait_indirect_dma semaphore(%arg16 : memref<!tpu.dma_semaphore, #tpu.memory_space<semaphore_mem>>) src(%dma_wait3A_516 : memref<128x32xf32, #tpu.memory_space<vmem>>) dst(%dma_wait3A_522 : memref<20000x32xf32, #tpu.memory_space<vmem_shared>>)
          %mul3A_523 = arith.constant 512 : i32
          %mul3A_524 = arith.muli %rem3A_483, %mul3A_523 : i32
          %add3A_525 = arith.constant 384 : i32
          %add3A_526 = arith.addi %mul3A_524, %add3A_525 : i32
          %dma_wait3A_527 = arith.constant 3 : i32
          %dma_wait3A_528 = arith.constant 0 : i32
          %dma_wait3A_529 = tpu.memref_slice %arg13[%add3A_526, %dma_wait3A_528] : memref<1024x32xf32, #tpu.memory_space<vmem>> -> memref<128x32xf32, #tpu.memory_space<vmem>>
          %dma_wait3A_530 = arith.constant 0 : i32
          %dma_wait3A_531 = tpu.memref_slice %arg10[%dma_wait3A_527, %dma_wait3A_530] : memref<52x128xi32, #tpu.memory_space<vmem>> -> memref<1x128xi32, #tpu.memory_space<vmem>>
          %dma_wait3A_532 = tpu.memref_squeeze %dma_wait3A_531 : memref<1x128xi32, #tpu.memory_space<vmem>> -> memref<128xi32, #tpu.memory_space<vmem>>
          %dma_wait3A_533 = arith.constant 0 : i32
          %dma_wait3A_534 = arith.constant 0 : i32
          %dma_wait3A_535 = tpu.memref_slice %arg14[%dma_wait3A_533, %dma_wait3A_534] : memref<20000x32xf32, #tpu.memory_space<vmem_shared>> -> memref<20000x32xf32, #tpu.memory_space<vmem_shared>>
          tpu.wait_indirect_dma semaphore(%arg16 : memref<!tpu.dma_semaphore, #tpu.memory_space<semaphore_mem>>) src(%dma_wait3A_529 : memref<128x32xf32, #tpu.memory_space<vmem>>) dst(%dma_wait3A_535 : memref<20000x32xf32, #tpu.memory_space<vmem_shared>>)
        } else {
        }
        %mul3A_416 = arith.constant 512 : i32
        %mul3A_417 = arith.muli %rem3A_353, %mul3A_416 : i32
        %add3A_418 = arith.constant 0 : i32
        %add3A_419 = arith.addi %mul3A_417, %add3A_418 : i32
        %mul3A_420 = arith.constant 4 : i32
        %mul3A_421 = arith.muli %scan3A_349, %mul3A_420 : i32
        %add3A_422 = arith.constant 0 : i32
        %add3A_423 = arith.addi %mul3A_421, %add3A_422 : i32
        %dma_start3A_424 = arith.constant 0 : i32
        %dma_start3A_425 = tpu.memref_slice %arg13[%add3A_419, %dma_start3A_424] : memref<1024x32xf32, #tpu.memory_space<vmem>> -> memref<128x32xf32, #tpu.memory_space<vmem>>
        %dma_start3A_426 = arith.constant 0 : i32
        %dma_start3A_427 = tpu.memref_slice %arg10[%add3A_423, %dma_start3A_426] : memref<52x128xi32, #tpu.memory_space<vmem>> -> memref<1x128xi32, #tpu.memory_space<vmem>>
        %dma_start3A_428 = tpu.memref_squeeze %dma_start3A_427 : memref<1x128xi32, #tpu.memory_space<vmem>> -> memref<128xi32, #tpu.memory_space<vmem>>
        %dma_start3A_429 = arith.constant 0 : i32
        %dma_start3A_430 = arith.constant 0 : i32
        %dma_start3A_431 = tpu.memref_slice %arg14[%dma_start3A_429, %dma_start3A_430] : memref<20000x32xf32, #tpu.memory_space<vmem_shared>> -> memref<20000x32xf32, #tpu.memory_space<vmem_shared>>
        tpu.enqueue_indirect_dma source(%dma_start3A_425 : memref<128x32xf32, #tpu.memory_space<vmem>>) target(%dma_start3A_431 : memref<20000x32xf32, #tpu.memory_space<vmem_shared>>) offsets(%dma_start3A_428 : memref<128xi32, #tpu.memory_space<vmem>>) semaphore(%arg16 : memref<!tpu.dma_semaphore, #tpu.memory_space<semaphore_mem>>) {add = true}
        %mul3A_432 = arith.constant 512 : i32
        %mul3A_433 = arith.muli %rem3A_353, %mul3A_432 : i32
        %add3A_434 = arith.constant 128 : i32
        %add3A_435 = arith.addi %mul3A_433, %add3A_434 : i32
        %mul3A_436 = arith.constant 4 : i32
        %mul3A_437 = arith.muli %scan3A_349, %mul3A_436 : i32
        %add3A_438 = arith.constant 1 : i32
        %add3A_439 = arith.addi %mul3A_437, %add3A_438 : i32
        %dma_start3A_440 = arith.constant 0 : i32
        %dma_start3A_441 = tpu.memref_slice %arg13[%add3A_435, %dma_start3A_440] : memref<1024x32xf32, #tpu.memory_space<vmem>> -> memref<128x32xf32, #tpu.memory_space<vmem>>
        %dma_start3A_442 = arith.constant 0 : i32
        %dma_start3A_443 = tpu.memref_slice %arg10[%add3A_439, %dma_start3A_442] : memref<52x128xi32, #tpu.memory_space<vmem>> -> memref<1x128xi32, #tpu.memory_space<vmem>>
        %dma_start3A_444 = tpu.memref_squeeze %dma_start3A_443 : memref<1x128xi32, #tpu.memory_space<vmem>> -> memref<128xi32, #tpu.memory_space<vmem>>
        %dma_start3A_445 = arith.constant 0 : i32
        %dma_start3A_446 = arith.constant 0 : i32
        %dma_start3A_447 = tpu.memref_slice %arg14[%dma_start3A_445, %dma_start3A_446] : memref<20000x32xf32, #tpu.memory_space<vmem_shared>> -> memref<20000x32xf32, #tpu.memory_space<vmem_shared>>
        tpu.enqueue_indirect_dma source(%dma_start3A_441 : memref<128x32xf32, #tpu.memory_space<vmem>>) target(%dma_start3A_447 : memref<20000x32xf32, #tpu.memory_space<vmem_shared>>) offsets(%dma_start3A_444 : memref<128xi32, #tpu.memory_space<vmem>>) semaphore(%arg16 : memref<!tpu.dma_semaphore, #tpu.memory_space<semaphore_mem>>) {add = true}
        %mul3A_448 = arith.constant 512 : i32
        %mul3A_449 = arith.muli %rem3A_353, %mul3A_448 : i32
        %add3A_450 = arith.constant 256 : i32
        %add3A_451 = arith.addi %mul3A_449, %add3A_450 : i32
        %mul3A_452 = arith.constant 4 : i32
        %mul3A_453 = arith.muli %scan3A_349, %mul3A_452 : i32
        %add3A_454 = arith.constant 2 : i32
        %add3A_455 = arith.addi %mul3A_453, %add3A_454 : i32
        %dma_start3A_456 = arith.constant 0 : i32
        %dma_start3A_457 = tpu.memref_slice %arg13[%add3A_451, %dma_start3A_456] : memref<1024x32xf32, #tpu.memory_space<vmem>> -> memref<128x32xf32, #tpu.memory_space<vmem>>
        %dma_start3A_458 = arith.constant 0 : i32
        %dma_start3A_459 = tpu.memref_slice %arg10[%add3A_455, %dma_start3A_458] : memref<52x128xi32, #tpu.memory_space<vmem>> -> memref<1x128xi32, #tpu.memory_space<vmem>>
        %dma_start3A_460 = tpu.memref_squeeze %dma_start3A_459 : memref<1x128xi32, #tpu.memory_space<vmem>> -> memref<128xi32, #tpu.memory_space<vmem>>
        %dma_start3A_461 = arith.constant 0 : i32
        %dma_start3A_462 = arith.constant 0 : i32
        %dma_start3A_463 = tpu.memref_slice %arg14[%dma_start3A_461, %dma_start3A_462] : memref<20000x32xf32, #tpu.memory_space<vmem_shared>> -> memref<20000x32xf32, #tpu.memory_space<vmem_shared>>
        tpu.enqueue_indirect_dma source(%dma_start3A_457 : memref<128x32xf32, #tpu.memory_space<vmem>>) target(%dma_start3A_463 : memref<20000x32xf32, #tpu.memory_space<vmem_shared>>) offsets(%dma_start3A_460 : memref<128xi32, #tpu.memory_space<vmem>>) semaphore(%arg16 : memref<!tpu.dma_semaphore, #tpu.memory_space<semaphore_mem>>) {add = true}
        %mul3A_464 = arith.constant 512 : i32
        %mul3A_465 = arith.muli %rem3A_353, %mul3A_464 : i32
        %add3A_466 = arith.constant 384 : i32
        %add3A_467 = arith.addi %mul3A_465, %add3A_466 : i32
        %mul3A_468 = arith.constant 4 : i32
        %mul3A_469 = arith.muli %scan3A_349, %mul3A_468 : i32
        %add3A_470 = arith.constant 3 : i32
        %add3A_471 = arith.addi %mul3A_469, %add3A_470 : i32
        %dma_start3A_472 = arith.constant 0 : i32
        %dma_start3A_473 = tpu.memref_slice %arg13[%add3A_467, %dma_start3A_472] : memref<1024x32xf32, #tpu.memory_space<vmem>> -> memref<128x32xf32, #tpu.memory_space<vmem>>
        %dma_start3A_474 = arith.constant 0 : i32
        %dma_start3A_475 = tpu.memref_slice %arg10[%add3A_471, %dma_start3A_474] : memref<52x128xi32, #tpu.memory_space<vmem>> -> memref<1x128xi32, #tpu.memory_space<vmem>>
        %dma_start3A_476 = tpu.memref_squeeze %dma_start3A_475 : memref<1x128xi32, #tpu.memory_space<vmem>> -> memref<128xi32, #tpu.memory_space<vmem>>
        %dma_start3A_477 = arith.constant 0 : i32
        %dma_start3A_478 = arith.constant 0 : i32
        %dma_start3A_479 = tpu.memref_slice %arg14[%dma_start3A_477, %dma_start3A_478] : memref<20000x32xf32, #tpu.memory_space<vmem_shared>> -> memref<20000x32xf32, #tpu.memory_space<vmem_shared>>
        tpu.enqueue_indirect_dma source(%dma_start3A_473 : memref<128x32xf32, #tpu.memory_space<vmem>>) target(%dma_start3A_479 : memref<20000x32xf32, #tpu.memory_space<vmem_shared>>) offsets(%dma_start3A_476 : memref<128xi32, #tpu.memory_space<vmem>>) semaphore(%arg16 : memref<!tpu.dma_semaphore, #tpu.memory_space<semaphore_mem>>) {add = true}
      }
      %scan3A_293 = arith.constant 13 : i32
      %rem3A_294 = arith.constant 12 : i32
      %rem3A_295 = arith.constant 2 : i32
      %rem3A_296 = arith.remsi %rem3A_294, %rem3A_295 : i32
      %mul3A_297 = arith.constant 512 : i32
      %mul3A_298 = arith.muli %rem3A_296, %mul3A_297 : i32
      %add3A_299 = arith.constant 0 : i32
      %add3A_300 = arith.addi %mul3A_298, %add3A_299 : i32
      %dma_wait3A_301 = arith.constant 0 : i32
      %dma_wait3A_302 = arith.constant 0 : i32
      %dma_wait3A_303 = tpu.memref_slice %arg13[%add3A_300, %dma_wait3A_302] : memref<1024x32xf32, #tpu.memory_space<vmem>> -> memref<128x32xf32, #tpu.memory_space<vmem>>
      %dma_wait3A_304 = arith.constant 0 : i32
      %dma_wait3A_305 = tpu.memref_slice %arg10[%dma_wait3A_301, %dma_wait3A_304] : memref<52x128xi32, #tpu.memory_space<vmem>> -> memref<1x128xi32, #tpu.memory_space<vmem>>
      %dma_wait3A_306 = tpu.memref_squeeze %dma_wait3A_305 : memref<1x128xi32, #tpu.memory_space<vmem>> -> memref<128xi32, #tpu.memory_space<vmem>>
      %dma_wait3A_307 = arith.constant 0 : i32
      %dma_wait3A_308 = arith.constant 0 : i32
      %dma_wait3A_309 = tpu.memref_slice %arg14[%dma_wait3A_307, %dma_wait3A_308] : memref<20000x32xf32, #tpu.memory_space<vmem_shared>> -> memref<20000x32xf32, #tpu.memory_space<vmem_shared>>
      tpu.wait_indirect_dma semaphore(%arg16 : memref<!tpu.dma_semaphore, #tpu.memory_space<semaphore_mem>>) src(%dma_wait3A_303 : memref<128x32xf32, #tpu.memory_space<vmem>>) dst(%dma_wait3A_309 : memref<20000x32xf32, #tpu.memory_space<vmem_shared>>)
      %mul3A_310 = arith.constant 512 : i32
      %mul3A_311 = arith.muli %rem3A_296, %mul3A_310 : i32
      %add3A_312 = arith.constant 128 : i32
      %add3A_313 = arith.addi %mul3A_311, %add3A_312 : i32
      %dma_wait3A_314 = arith.constant 1 : i32
      %dma_wait3A_315 = arith.constant 0 : i32
      %dma_wait3A_316 = tpu.memref_slice %arg13[%add3A_313, %dma_wait3A_315] : memref<1024x32xf32, #tpu.memory_space<vmem>> -> memref<128x32xf32, #tpu.memory_space<vmem>>
      %dma_wait3A_317 = arith.constant 0 : i32
      %dma_wait3A_318 = tpu.memref_slice %arg10[%dma_wait3A_314, %dma_wait3A_317] : memref<52x128xi32, #tpu.memory_space<vmem>> -> memref<1x128xi32, #tpu.memory_space<vmem>>
      %dma_wait3A_319 = tpu.memref_squeeze %dma_wait3A_318 : memref<1x128xi32, #tpu.memory_space<vmem>> -> memref<128xi32, #tpu.memory_space<vmem>>
      %dma_wait3A_320 = arith.constant 0 : i32
      %dma_wait3A_321 = arith.constant 0 : i32
      %dma_wait3A_322 = tpu.memref_slice %arg14[%dma_wait3A_320, %dma_wait3A_321] : memref<20000x32xf32, #tpu.memory_space<vmem_shared>> -> memref<20000x32xf32, #tpu.memory_space<vmem_shared>>
      tpu.wait_indirect_dma semaphore(%arg16 : memref<!tpu.dma_semaphore, #tpu.memory_space<semaphore_mem>>) src(%dma_wait3A_316 : memref<128x32xf32, #tpu.memory_space<vmem>>) dst(%dma_wait3A_322 : memref<20000x32xf32, #tpu.memory_space<vmem_shared>>)
      %mul3A_323 = arith.constant 512 : i32
      %mul3A_324 = arith.muli %rem3A_296, %mul3A_323 : i32
      %add3A_325 = arith.constant 256 : i32
      %add3A_326 = arith.addi %mul3A_324, %add3A_325 : i32
      %dma_wait3A_327 = arith.constant 2 : i32
      %dma_wait3A_328 = arith.constant 0 : i32
      %dma_wait3A_329 = tpu.memref_slice %arg13[%add3A_326, %dma_wait3A_328] : memref<1024x32xf32, #tpu.memory_space<vmem>> -> memref<128x32xf32, #tpu.memory_space<vmem>>
      %dma_wait3A_330 = arith.constant 0 : i32
      %dma_wait3A_331 = tpu.memref_slice %arg10[%dma_wait3A_327, %dma_wait3A_330] : memref<52x128xi32, #tpu.memory_space<vmem>> -> memref<1x128xi32, #tpu.memory_space<vmem>>
      %dma_wait3A_332 = tpu.memref_squeeze %dma_wait3A_331 : memref<1x128xi32, #tpu.memory_space<vmem>> -> memref<128xi32, #tpu.memory_space<vmem>>
      %dma_wait3A_333 = arith.constant 0 : i32
      %dma_wait3A_334 = arith.constant 0 : i32
      %dma_wait3A_335 = tpu.memref_slice %arg14[%dma_wait3A_333, %dma_wait3A_334] : memref<20000x32xf32, #tpu.memory_space<vmem_shared>> -> memref<20000x32xf32, #tpu.memory_space<vmem_shared>>
      tpu.wait_indirect_dma semaphore(%arg16 : memref<!tpu.dma_semaphore, #tpu.memory_space<semaphore_mem>>) src(%dma_wait3A_329 : memref<128x32xf32, #tpu.memory_space<vmem>>) dst(%dma_wait3A_335 : memref<20000x32xf32, #tpu.memory_space<vmem_shared>>)
      %mul3A_336 = arith.constant 512 : i32
      %mul3A_337 = arith.muli %rem3A_296, %mul3A_336 : i32
      %add3A_338 = arith.constant 384 : i32
      %add3A_339 = arith.addi %mul3A_337, %add3A_338 : i32
      %dma_wait3A_340 = arith.constant 3 : i32
      %dma_wait3A_341 = arith.constant 0 : i32
      %dma_wait3A_342 = tpu.memref_slice %arg13[%add3A_339, %dma_wait3A_341] : memref<1024x32xf32, #tpu.memory_space<vmem>> -> memref<128x32xf32, #tpu.memory_space<vmem>>
      %dma_wait3A_343 = arith.constant 0 : i32
      %dma_wait3A_344 = tpu.memref_slice %arg10[%dma_wait3A_340, %dma_wait3A_343] : memref<52x128xi32, #tpu.memory_space<vmem>> -> memref<1x128xi32, #tpu.memory_space<vmem>>
      %dma_wait3A_345 = tpu.memref_squeeze %dma_wait3A_344 : memref<1x128xi32, #tpu.memory_space<vmem>> -> memref<128xi32, #tpu.memory_space<vmem>>
      %dma_wait3A_346 = arith.constant 0 : i32
      %dma_wait3A_347 = arith.constant 0 : i32
      %dma_wait3A_348 = tpu.memref_slice %arg14[%dma_wait3A_346, %dma_wait3A_347] : memref<20000x32xf32, #tpu.memory_space<vmem_shared>> -> memref<20000x32xf32, #tpu.memory_space<vmem_shared>>
      tpu.wait_indirect_dma semaphore(%arg16 : memref<!tpu.dma_semaphore, #tpu.memory_space<semaphore_mem>>) src(%dma_wait3A_342 : memref<128x32xf32, #tpu.memory_space<vmem>>) dst(%dma_wait3A_348 : memref<20000x32xf32, #tpu.memory_space<vmem_shared>>)
    }
    %scan3A_27 = arith.constant 2 : i32
    %barrier3A_28 = arith.constant 0 : index
    tpu.barrier barrier_id(%barrier3A_28)
    %mul3A_29 = arith.constant 625 : i32
    %mul3A_30 = arith.muli %arg1, %mul3A_29 : i32
    %add3A_31 = arith.constant 0 : i32
    %add3A_32 = arith.addi %add3A_31, %mul3A_30 : i32
    %mul3A_33 = arith.constant 625 : i32
    %mul3A_34 = arith.muli %arg1, %mul3A_33 : i32
    "tpu.region"() ({
      %run_scoped3A_199 = tpu.sem_alloc : memref<!tpu.dma_semaphore, #tpu.memory_space<semaphore_mem>>
      %dma_start3A_200 = arith.constant 64 : i32
      %dma_start3A_201 = tpu.memref_slice %arg8[%arg0, %mul3A_34, %dma_start3A_200] : memref<2x10000x160xf32, #tpu.memory_space<hbm>> -> memref<1x625x32xf32, #tpu.memory_space<hbm>>
      %dma_start3A_202 = tpu.memref_squeeze %dma_start3A_201 : memref<1x625x32xf32, #tpu.memory_space<hbm>> -> memref<625x32xf32, #tpu.memory_space<hbm>>
      %dma_start3A_203 = arith.constant 0 : i32
      %dma_start3A_204 = tpu.memref_slice %arg14[%add3A_32, %dma_start3A_203] : memref<20000x32xf32, #tpu.memory_space<vmem_shared>> -> memref<625x32xf32, #tpu.memory_space<vmem_shared>>
      tpu.enqueue_dma source(%dma_start3A_204 : memref<625x32xf32, #tpu.memory_space<vmem_shared>>) target(%dma_start3A_202 : memref<625x32xf32, #tpu.memory_space<hbm>>) target_semaphore(%run_scoped3A_199 : memref<!tpu.dma_semaphore, #tpu.memory_space<semaphore_mem>>)
      %dma_wait3A_205 = arith.constant 64 : i32
      %dma_wait3A_206 = tpu.memref_slice %arg8[%arg0, %mul3A_34, %dma_wait3A_205] : memref<2x10000x160xf32, #tpu.memory_space<hbm>> -> memref<1x625x32xf32, #tpu.memory_space<hbm>>
      %dma_wait3A_207 = tpu.memref_squeeze %dma_wait3A_206 : memref<1x625x32xf32, #tpu.memory_space<hbm>> -> memref<625x32xf32, #tpu.memory_space<hbm>>
      %dma_wait3A_208 = arith.constant 0 : i32
      %dma_wait3A_209 = tpu.memref_slice %arg14[%add3A_32, %dma_wait3A_208] : memref<20000x32xf32, #tpu.memory_space<vmem_shared>> -> memref<625x32xf32, #tpu.memory_space<vmem_shared>>
      tpu.wait_dma2 semaphore(%run_scoped3A_199 : memref<!tpu.dma_semaphore, #tpu.memory_space<semaphore_mem>>) src(%dma_wait3A_209 : memref<625x32xf32, #tpu.memory_space<vmem_shared>>) dst(%dma_wait3A_207 : memref<625x32xf32, #tpu.memory_space<hbm>>)
      tpu.yield
    }) : () -> ()
    %mul3A_35 = arith.constant 625 : i32
    %mul3A_36 = arith.muli %arg1, %mul3A_35 : i32
    %add3A_37 = arith.constant 10000 : i32
    %add3A_38 = arith.addi %add3A_37, %mul3A_36 : i32
    %mul3A_39 = arith.constant 625 : i32
    %mul3A_40 = arith.muli %arg1, %mul3A_39 : i32
    "tpu.region"() ({
      %run_scoped3A_199 = tpu.sem_alloc : memref<!tpu.dma_semaphore, #tpu.memory_space<semaphore_mem>>
      %dma_start3A_200 = arith.constant 96 : i32
      %dma_start3A_201 = tpu.memref_slice %arg8[%arg0, %mul3A_40, %dma_start3A_200] : memref<2x10000x160xf32, #tpu.memory_space<hbm>> -> memref<1x625x32xf32, #tpu.memory_space<hbm>>
      %dma_start3A_202 = tpu.memref_squeeze %dma_start3A_201 : memref<1x625x32xf32, #tpu.memory_space<hbm>> -> memref<625x32xf32, #tpu.memory_space<hbm>>
      %dma_start3A_203 = arith.constant 0 : i32
      %dma_start3A_204 = tpu.memref_slice %arg14[%add3A_38, %dma_start3A_203] : memref<20000x32xf32, #tpu.memory_space<vmem_shared>> -> memref<625x32xf32, #tpu.memory_space<vmem_shared>>
      tpu.enqueue_dma source(%dma_start3A_204 : memref<625x32xf32, #tpu.memory_space<vmem_shared>>) target(%dma_start3A_202 : memref<625x32xf32, #tpu.memory_space<hbm>>) target_semaphore(%run_scoped3A_199 : memref<!tpu.dma_semaphore, #tpu.memory_space<semaphore_mem>>)
      %dma_wait3A_205 = arith.constant 96 : i32
      %dma_wait3A_206 = tpu.memref_slice %arg8[%arg0, %mul3A_40, %dma_wait3A_205] : memref<2x10000x160xf32, #tpu.memory_space<hbm>> -> memref<1x625x32xf32, #tpu.memory_space<hbm>>
      %dma_wait3A_207 = tpu.memref_squeeze %dma_wait3A_206 : memref<1x625x32xf32, #tpu.memory_space<hbm>> -> memref<625x32xf32, #tpu.memory_space<hbm>>
      %dma_wait3A_208 = arith.constant 0 : i32
      %dma_wait3A_209 = tpu.memref_slice %arg14[%add3A_38, %dma_wait3A_208] : memref<20000x32xf32, #tpu.memory_space<vmem_shared>> -> memref<625x32xf32, #tpu.memory_space<vmem_shared>>
      tpu.wait_dma2 semaphore(%run_scoped3A_199 : memref<!tpu.dma_semaphore, #tpu.memory_space<semaphore_mem>>) src(%dma_wait3A_209 : memref<625x32xf32, #tpu.memory_space<vmem_shared>>) dst(%dma_wait3A_207 : memref<625x32xf32, #tpu.memory_space<hbm>>)
      tpu.yield
    }) : () -> ()
    %barrier3A_41 = arith.constant 0 : index
    tpu.barrier barrier_id(%barrier3A_41)
    %mul3A_42 = arith.constant 625 : i32
    %mul3A_43 = arith.muli %arg1, %mul3A_42 : i32
    "tpu.region"() ({
      %run_scoped3A_199 = tpu.sem_alloc : memref<!tpu.dma_semaphore, #tpu.memory_space<semaphore_mem>>
      %dma_start3A_200 = arith.constant 0 : i32
      %dma_start3A_201 = tpu.memref_slice %arg14[%mul3A_43, %dma_start3A_200] : memref<20000x32xf32, #tpu.memory_space<vmem_shared>> -> memref<625x32xf32, #tpu.memory_space<vmem_shared>>
      %dma_start3A_202 = arith.constant 0 : i32
      %dma_start3A_203 = arith.constant 0 : i32
      %dma_start3A_204 = tpu.memref_slice %arg7[%dma_start3A_202, %dma_start3A_203] : memref<1250x32xf32, #tpu.memory_space<hbm>> -> memref<625x32xf32, #tpu.memory_space<hbm>>
      tpu.enqueue_dma source(%dma_start3A_204 : memref<625x32xf32, #tpu.memory_space<hbm>>) target(%dma_start3A_201 : memref<625x32xf32, #tpu.memory_space<vmem_shared>>) target_semaphore(%run_scoped3A_199 : memref<!tpu.dma_semaphore, #tpu.memory_space<semaphore_mem>>)
      %dma_wait3A_205 = arith.constant 0 : i32
      %dma_wait3A_206 = tpu.memref_slice %arg14[%mul3A_43, %dma_wait3A_205] : memref<20000x32xf32, #tpu.memory_space<vmem_shared>> -> memref<625x32xf32, #tpu.memory_space<vmem_shared>>
      %dma_wait3A_207 = arith.constant 0 : i32
      %dma_wait3A_208 = arith.constant 0 : i32
      %dma_wait3A_209 = tpu.memref_slice %arg7[%dma_wait3A_207, %dma_wait3A_208] : memref<1250x32xf32, #tpu.memory_space<hbm>> -> memref<625x32xf32, #tpu.memory_space<hbm>>
      tpu.wait_dma2 semaphore(%run_scoped3A_199 : memref<!tpu.dma_semaphore, #tpu.memory_space<semaphore_mem>>) src(%dma_wait3A_209 : memref<625x32xf32, #tpu.memory_space<hbm>>) dst(%dma_wait3A_206 : memref<625x32xf32, #tpu.memory_space<vmem_shared>>)
      tpu.yield
    }) : () -> ()
    %barrier3A_44 = arith.constant 0 : index
    tpu.barrier barrier_id(%barrier3A_44)
    %mul3A_45 = arith.constant 52 : i32
    %mul3A_46 = arith.muli %arg1, %mul3A_45 : i32
    %run_scoped3A = arith.constant 4 : i32
    "tpu.region"() ({
      %run_scoped3A_199 = tpu.sem_alloc : memref<!tpu.dma_semaphore, #tpu.memory_space<semaphore_mem>>
      %dma_start3A_200 = arith.constant 0 : i32
      %dma_start3A_201 = tpu.memref_slice %arg4[%arg0, %run_scoped3A, %mul3A_46, %dma_start3A_200] : memref<2x5x832x128xi32, #tpu.memory_space<hbm>> -> memref<1x1x52x128xi32, #tpu.memory_space<hbm>>
      %dma_start3A_202 = tpu.memref_squeeze %dma_start3A_201 : memref<1x1x52x128xi32, #tpu.memory_space<hbm>> -> memref<52x128xi32, #tpu.memory_space<hbm>>
      %dma_start3A_203 = arith.constant 0 : i32
      %dma_start3A_204 = tpu.memref_slice %arg4[%arg0, %run_scoped3A, %mul3A_46, %dma_start3A_203] : memref<2x5x832x128xi32, #tpu.memory_space<hbm>> -> memref<1x1x52x128xi32, #tpu.memory_space<hbm>>
      %dma_start3A_205 = tpu.memref_squeeze %dma_start3A_204 : memref<1x1x52x128xi32, #tpu.memory_space<hbm>> -> memref<52x128xi32, #tpu.memory_space<hbm>>
      tpu.enqueue_dma source(%dma_start3A_205 : memref<52x128xi32, #tpu.memory_space<hbm>>) target(%arg9 : memref<52x128xi32, #tpu.memory_space<vmem>>) target_semaphore(%run_scoped3A_199 : memref<!tpu.dma_semaphore, #tpu.memory_space<semaphore_mem>>)
      %dma_wait3A_206 = arith.constant 0 : i32
      %dma_wait3A_207 = tpu.memref_slice %arg4[%arg0, %run_scoped3A, %mul3A_46, %dma_wait3A_206] : memref<2x5x832x128xi32, #tpu.memory_space<hbm>> -> memref<1x1x52x128xi32, #tpu.memory_space<hbm>>
      %dma_wait3A_208 = tpu.memref_squeeze %dma_wait3A_207 : memref<1x1x52x128xi32, #tpu.memory_space<hbm>> -> memref<52x128xi32, #tpu.memory_space<hbm>>
      %dma_wait3A_209 = arith.constant 0 : i32
      %dma_wait3A_210 = tpu.memref_slice %arg4[%arg0, %run_scoped3A, %mul3A_46, %dma_wait3A_209] : memref<2x5x832x128xi32, #tpu.memory_space<hbm>> -> memref<1x1x52x128xi32, #tpu.memory_space<hbm>>
      %dma_wait3A_211 = tpu.memref_squeeze %dma_wait3A_210 : memref<1x1x52x128xi32, #tpu.memory_space<hbm>> -> memref<52x128xi32, #tpu.memory_space<hbm>>
      tpu.wait_dma2 semaphore(%run_scoped3A_199 : memref<!tpu.dma_semaphore, #tpu.memory_space<semaphore_mem>>) src(%dma_wait3A_211 : memref<52x128xi32, #tpu.memory_space<hbm>>) dst(%arg9 : memref<52x128xi32, #tpu.memory_space<vmem>>)
      tpu.yield
    }) : () -> ()
    %mul3A_47 = arith.constant 52 : i32
    %mul3A_48 = arith.muli %arg1, %mul3A_47 : i32
    %run_scoped3A_49 = arith.constant 4 : i32
    "tpu.region"() ({
      %run_scoped3A_199 = tpu.sem_alloc : memref<!tpu.dma_semaphore, #tpu.memory_space<semaphore_mem>>
      %dma_start3A_200 = arith.constant 0 : i32
      %dma_start3A_201 = tpu.memref_slice %arg5[%arg0, %run_scoped3A_49, %mul3A_48, %dma_start3A_200] : memref<2x5x832x128xi32, #tpu.memory_space<hbm>> -> memref<1x1x52x128xi32, #tpu.memory_space<hbm>>
      %dma_start3A_202 = tpu.memref_squeeze %dma_start3A_201 : memref<1x1x52x128xi32, #tpu.memory_space<hbm>> -> memref<52x128xi32, #tpu.memory_space<hbm>>
      %dma_start3A_203 = arith.constant 0 : i32
      %dma_start3A_204 = tpu.memref_slice %arg5[%arg0, %run_scoped3A_49, %mul3A_48, %dma_start3A_203] : memref<2x5x832x128xi32, #tpu.memory_space<hbm>> -> memref<1x1x52x128xi32, #tpu.memory_space<hbm>>
      %dma_start3A_205 = tpu.memref_squeeze %dma_start3A_204 : memref<1x1x52x128xi32, #tpu.memory_space<hbm>> -> memref<52x128xi32, #tpu.memory_space<hbm>>
      tpu.enqueue_dma source(%dma_start3A_205 : memref<52x128xi32, #tpu.memory_space<hbm>>) target(%arg10 : memref<52x128xi32, #tpu.memory_space<vmem>>) target_semaphore(%run_scoped3A_199 : memref<!tpu.dma_semaphore, #tpu.memory_space<semaphore_mem>>)
      %dma_wait3A_206 = arith.constant 0 : i32
      %dma_wait3A_207 = tpu.memref_slice %arg5[%arg0, %run_scoped3A_49, %mul3A_48, %dma_wait3A_206] : memref<2x5x832x128xi32, #tpu.memory_space<hbm>> -> memref<1x1x52x128xi32, #tpu.memory_space<hbm>>
      %dma_wait3A_208 = tpu.memref_squeeze %dma_wait3A_207 : memref<1x1x52x128xi32, #tpu.memory_space<hbm>> -> memref<52x128xi32, #tpu.memory_space<hbm>>
      %dma_wait3A_209 = arith.constant 0 : i32
      %dma_wait3A_210 = tpu.memref_slice %arg5[%arg0, %run_scoped3A_49, %mul3A_48, %dma_wait3A_209] : memref<2x5x832x128xi32, #tpu.memory_space<hbm>> -> memref<1x1x52x128xi32, #tpu.memory_space<hbm>>
      %dma_wait3A_211 = tpu.memref_squeeze %dma_wait3A_210 : memref<1x1x52x128xi32, #tpu.memory_space<hbm>> -> memref<52x128xi32, #tpu.memory_space<hbm>>
      tpu.wait_dma2 semaphore(%run_scoped3A_199 : memref<!tpu.dma_semaphore, #tpu.memory_space<semaphore_mem>>) src(%dma_wait3A_211 : memref<52x128xi32, #tpu.memory_space<hbm>>) dst(%arg10 : memref<52x128xi32, #tpu.memory_space<vmem>>)
      tpu.yield
    }) : () -> ()
    %mul3A_50 = arith.constant 6656 : i32
    %mul3A_51 = arith.muli %arg1, %mul3A_50 : i32
    %run_scoped3A_52 = arith.constant 4 : i32
    "tpu.region"() ({
      %run_scoped3A_199 = tpu.sem_alloc : memref<!tpu.dma_semaphore, #tpu.memory_space<semaphore_mem>>
      %dma_start3A_200 = tpu.memref_slice %arg6[%run_scoped3A_52, %mul3A_51] : memref<5x106496xf32, #tpu.memory_space<hbm>> -> memref<1x6656xf32, #tpu.memory_space<hbm>>
      %dma_start3A_201 = tpu.memref_squeeze %dma_start3A_200 : memref<1x6656xf32, #tpu.memory_space<hbm>> -> memref<6656xf32, #tpu.memory_space<hbm>>
      %dma_start3A_202 = tpu.memref_slice %arg6[%run_scoped3A_52, %mul3A_51] : memref<5x106496xf32, #tpu.memory_space<hbm>> -> memref<1x6656xf32, #tpu.memory_space<hbm>>
      %dma_start3A_203 = tpu.memref_squeeze %dma_start3A_202 : memref<1x6656xf32, #tpu.memory_space<hbm>> -> memref<6656xf32, #tpu.memory_space<hbm>>
      tpu.enqueue_dma source(%dma_start3A_203 : memref<6656xf32, #tpu.memory_space<hbm>>) target(%arg11 : memref<6656xf32, #tpu.memory_space<vmem>>) target_semaphore(%run_scoped3A_199 : memref<!tpu.dma_semaphore, #tpu.memory_space<semaphore_mem>>)
      %dma_wait3A_204 = tpu.memref_slice %arg6[%run_scoped3A_52, %mul3A_51] : memref<5x106496xf32, #tpu.memory_space<hbm>> -> memref<1x6656xf32, #tpu.memory_space<hbm>>
      %dma_wait3A_205 = tpu.memref_squeeze %dma_wait3A_204 : memref<1x6656xf32, #tpu.memory_space<hbm>> -> memref<6656xf32, #tpu.memory_space<hbm>>
      %dma_wait3A_206 = tpu.memref_slice %arg6[%run_scoped3A_52, %mul3A_51] : memref<5x106496xf32, #tpu.memory_space<hbm>> -> memref<1x6656xf32, #tpu.memory_space<hbm>>
      %dma_wait3A_207 = tpu.memref_squeeze %dma_wait3A_206 : memref<1x6656xf32, #tpu.memory_space<hbm>> -> memref<6656xf32, #tpu.memory_space<hbm>>
      tpu.wait_dma2 semaphore(%run_scoped3A_199 : memref<!tpu.dma_semaphore, #tpu.memory_space<semaphore_mem>>) src(%dma_wait3A_207 : memref<6656xf32, #tpu.memory_space<hbm>>) dst(%arg11 : memref<6656xf32, #tpu.memory_space<vmem>>)
      tpu.yield
    }) : () -> ()
    %dma_start3A = arith.constant 0 : i32
    %dma_start3A_53 = arith.constant 0 : i32
    %dma_start3A_54 = arith.constant 0 : i32
    %dma_start3A_55 = tpu.memref_slice %arg12[%dma_start3A_53, %dma_start3A_54] : memref<1536x32xbf16, #tpu.memory_space<vmem>> -> memref<128x32xbf16, #tpu.memory_space<vmem>>
    %dma_start3A_56 = arith.constant 0 : i32
    %dma_start3A_57 = tpu.memref_slice %arg9[%dma_start3A, %dma_start3A_56] : memref<52x128xi32, #tpu.memory_space<vmem>> -> memref<1x128xi32, #tpu.memory_space<vmem>>
    %dma_start3A_58 = tpu.memref_squeeze %dma_start3A_57 : memref<1x128xi32, #tpu.memory_space<vmem>> -> memref<128xi32, #tpu.memory_space<vmem>>
    %dma_start3A_59 = arith.constant 0 : i32
    %dma_start3A_60 = arith.constant 0 : i32
    %dma_start3A_61 = tpu.memref_slice %arg3[%dma_start3A_59, %dma_start3A_60] : memref<20000x32xbf16, #tpu.memory_space<hbm>> -> memref<20000x32xbf16, #tpu.memory_space<hbm>>
    tpu.enqueue_indirect_dma source(%dma_start3A_61 : memref<20000x32xbf16, #tpu.memory_space<hbm>>) target(%dma_start3A_55 : memref<128x32xbf16, #tpu.memory_space<vmem>>) offsets(%dma_start3A_58 : memref<128xi32, #tpu.memory_space<vmem>>) semaphore(%arg15 : memref<!tpu.dma_semaphore, #tpu.memory_space<semaphore_mem>>)
    %dma_start3A_62 = arith.constant 1 : i32
    %dma_start3A_63 = arith.constant 128 : i32
    %dma_start3A_64 = arith.constant 0 : i32
    %dma_start3A_65 = tpu.memref_slice %arg12[%dma_start3A_63, %dma_start3A_64] : memref<1536x32xbf16, #tpu.memory_space<vmem>> -> memref<128x32xbf16, #tpu.memory_space<vmem>>
    %dma_start3A_66 = arith.constant 0 : i32
    %dma_start3A_67 = tpu.memref_slice %arg9[%dma_start3A_62, %dma_start3A_66] : memref<52x128xi32, #tpu.memory_space<vmem>> -> memref<1x128xi32, #tpu.memory_space<vmem>>
    %dma_start3A_68 = tpu.memref_squeeze %dma_start3A_67 : memref<1x128xi32, #tpu.memory_space<vmem>> -> memref<128xi32, #tpu.memory_space<vmem>>
    %dma_start3A_69 = arith.constant 0 : i32
    %dma_start3A_70 = arith.constant 0 : i32
    %dma_start3A_71 = tpu.memref_slice %arg3[%dma_start3A_69, %dma_start3A_70] : memref<20000x32xbf16, #tpu.memory_space<hbm>> -> memref<20000x32xbf16, #tpu.memory_space<hbm>>
    tpu.enqueue_indirect_dma source(%dma_start3A_71 : memref<20000x32xbf16, #tpu.memory_space<hbm>>) target(%dma_start3A_65 : memref<128x32xbf16, #tpu.memory_space<vmem>>) offsets(%dma_start3A_68 : memref<128xi32, #tpu.memory_space<vmem>>) semaphore(%arg15 : memref<!tpu.dma_semaphore, #tpu.memory_space<semaphore_mem>>)
    %dma_start3A_72 = arith.constant 2 : i32
    %dma_start3A_73 = arith.constant 256 : i32
    %dma_start3A_74 = arith.constant 0 : i32
    %dma_start3A_75 = tpu.memref_slice %arg12[%dma_start3A_73, %dma_start3A_74] : memref<1536x32xbf16, #tpu.memory_space<vmem>> -> memref<128x32xbf16, #tpu.memory_space<vmem>>
    %dma_start3A_76 = arith.constant 0 : i32
    %dma_start3A_77 = tpu.memref_slice %arg9[%dma_start3A_72, %dma_start3A_76] : memref<52x128xi32, #tpu.memory_space<vmem>> -> memref<1x128xi32, #tpu.memory_space<vmem>>
    %dma_start3A_78 = tpu.memref_squeeze %dma_start3A_77 : memref<1x128xi32, #tpu.memory_space<vmem>> -> memref<128xi32, #tpu.memory_space<vmem>>
    %dma_start3A_79 = arith.constant 0 : i32
    %dma_start3A_80 = arith.constant 0 : i32
    %dma_start3A_81 = tpu.memref_slice %arg3[%dma_start3A_79, %dma_start3A_80] : memref<20000x32xbf16, #tpu.memory_space<hbm>> -> memref<20000x32xbf16, #tpu.memory_space<hbm>>
    tpu.enqueue_indirect_dma source(%dma_start3A_81 : memref<20000x32xbf16, #tpu.memory_space<hbm>>) target(%dma_start3A_75 : memref<128x32xbf16, #tpu.memory_space<vmem>>) offsets(%dma_start3A_78 : memref<128xi32, #tpu.memory_space<vmem>>) semaphore(%arg15 : memref<!tpu.dma_semaphore, #tpu.memory_space<semaphore_mem>>)
    %dma_start3A_82 = arith.constant 3 : i32
    %dma_start3A_83 = arith.constant 384 : i32
    %dma_start3A_84 = arith.constant 0 : i32
    %dma_start3A_85 = tpu.memref_slice %arg12[%dma_start3A_83, %dma_start3A_84] : memref<1536x32xbf16, #tpu.memory_space<vmem>> -> memref<128x32xbf16, #tpu.memory_space<vmem>>
    %dma_start3A_86 = arith.constant 0 : i32
    %dma_start3A_87 = tpu.memref_slice %arg9[%dma_start3A_82, %dma_start3A_86] : memref<52x128xi32, #tpu.memory_space<vmem>> -> memref<1x128xi32, #tpu.memory_space<vmem>>
    %dma_start3A_88 = tpu.memref_squeeze %dma_start3A_87 : memref<1x128xi32, #tpu.memory_space<vmem>> -> memref<128xi32, #tpu.memory_space<vmem>>
    %dma_start3A_89 = arith.constant 0 : i32
    %dma_start3A_90 = arith.constant 0 : i32
    %dma_start3A_91 = tpu.memref_slice %arg3[%dma_start3A_89, %dma_start3A_90] : memref<20000x32xbf16, #tpu.memory_space<hbm>> -> memref<20000x32xbf16, #tpu.memory_space<hbm>>
    tpu.enqueue_indirect_dma source(%dma_start3A_91 : memref<20000x32xbf16, #tpu.memory_space<hbm>>) target(%dma_start3A_85 : memref<128x32xbf16, #tpu.memory_space<vmem>>) offsets(%dma_start3A_88 : memref<128xi32, #tpu.memory_space<vmem>>) semaphore(%arg15 : memref<!tpu.dma_semaphore, #tpu.memory_space<semaphore_mem>>)
    %dma_start3A_92 = arith.constant 4 : i32
    %dma_start3A_93 = arith.constant 512 : i32
    %dma_start3A_94 = arith.constant 0 : i32
    %dma_start3A_95 = tpu.memref_slice %arg12[%dma_start3A_93, %dma_start3A_94] : memref<1536x32xbf16, #tpu.memory_space<vmem>> -> memref<128x32xbf16, #tpu.memory_space<vmem>>
    %dma_start3A_96 = arith.constant 0 : i32
    %dma_start3A_97 = tpu.memref_slice %arg9[%dma_start3A_92, %dma_start3A_96] : memref<52x128xi32, #tpu.memory_space<vmem>> -> memref<1x128xi32, #tpu.memory_space<vmem>>
    %dma_start3A_98 = tpu.memref_squeeze %dma_start3A_97 : memref<1x128xi32, #tpu.memory_space<vmem>> -> memref<128xi32, #tpu.memory_space<vmem>>
    %dma_start3A_99 = arith.constant 0 : i32
    %dma_start3A_100 = arith.constant 0 : i32
    %dma_start3A_101 = tpu.memref_slice %arg3[%dma_start3A_99, %dma_start3A_100] : memref<20000x32xbf16, #tpu.memory_space<hbm>> -> memref<20000x32xbf16, #tpu.memory_space<hbm>>
    tpu.enqueue_indirect_dma source(%dma_start3A_101 : memref<20000x32xbf16, #tpu.memory_space<hbm>>) target(%dma_start3A_95 : memref<128x32xbf16, #tpu.memory_space<vmem>>) offsets(%dma_start3A_98 : memref<128xi32, #tpu.memory_space<vmem>>) semaphore(%arg15 : memref<!tpu.dma_semaphore, #tpu.memory_space<semaphore_mem>>)
    %dma_start3A_102 = arith.constant 5 : i32
    %dma_start3A_103 = arith.constant 640 : i32
    %dma_start3A_104 = arith.constant 0 : i32
    %dma_start3A_105 = tpu.memref_slice %arg12[%dma_start3A_103, %dma_start3A_104] : memref<1536x32xbf16, #tpu.memory_space<vmem>> -> memref<128x32xbf16, #tpu.memory_space<vmem>>
    %dma_start3A_106 = arith.constant 0 : i32
    %dma_start3A_107 = tpu.memref_slice %arg9[%dma_start3A_102, %dma_start3A_106] : memref<52x128xi32, #tpu.memory_space<vmem>> -> memref<1x128xi32, #tpu.memory_space<vmem>>
    %dma_start3A_108 = tpu.memref_squeeze %dma_start3A_107 : memref<1x128xi32, #tpu.memory_space<vmem>> -> memref<128xi32, #tpu.memory_space<vmem>>
    %dma_start3A_109 = arith.constant 0 : i32
    %dma_start3A_110 = arith.constant 0 : i32
    %dma_start3A_111 = tpu.memref_slice %arg3[%dma_start3A_109, %dma_start3A_110] : memref<20000x32xbf16, #tpu.memory_space<hbm>> -> memref<20000x32xbf16, #tpu.memory_space<hbm>>
    tpu.enqueue_indirect_dma source(%dma_start3A_111 : memref<20000x32xbf16, #tpu.memory_space<hbm>>) target(%dma_start3A_105 : memref<128x32xbf16, #tpu.memory_space<vmem>>) offsets(%dma_start3A_108 : memref<128xi32, #tpu.memory_space<vmem>>) semaphore(%arg15 : memref<!tpu.dma_semaphore, #tpu.memory_space<semaphore_mem>>)
    %dma_start3A_112 = arith.constant 6 : i32
    %dma_start3A_113 = arith.constant 768 : i32
    %dma_start3A_114 = arith.constant 0 : i32
    %dma_start3A_115 = tpu.memref_slice %arg12[%dma_start3A_113, %dma_start3A_114] : memref<1536x32xbf16, #tpu.memory_space<vmem>> -> memref<128x32xbf16, #tpu.memory_space<vmem>>
    %dma_start3A_116 = arith.constant 0 : i32
    %dma_start3A_117 = tpu.memref_slice %arg9[%dma_start3A_112, %dma_start3A_116] : memref<52x128xi32, #tpu.memory_space<vmem>> -> memref<1x128xi32, #tpu.memory_space<vmem>>
    %dma_start3A_118 = tpu.memref_squeeze %dma_start3A_117 : memref<1x128xi32, #tpu.memory_space<vmem>> -> memref<128xi32, #tpu.memory_space<vmem>>
    %dma_start3A_119 = arith.constant 0 : i32
    %dma_start3A_120 = arith.constant 0 : i32
    %dma_start3A_121 = tpu.memref_slice %arg3[%dma_start3A_119, %dma_start3A_120] : memref<20000x32xbf16, #tpu.memory_space<hbm>> -> memref<20000x32xbf16, #tpu.memory_space<hbm>>
    tpu.enqueue_indirect_dma source(%dma_start3A_121 : memref<20000x32xbf16, #tpu.memory_space<hbm>>) target(%dma_start3A_115 : memref<128x32xbf16, #tpu.memory_space<vmem>>) offsets(%dma_start3A_118 : memref<128xi32, #tpu.memory_space<vmem>>) semaphore(%arg15 : memref<!tpu.dma_semaphore, #tpu.memory_space<semaphore_mem>>)
    %dma_start3A_122 = arith.constant 7 : i32
    %dma_start3A_123 = arith.constant 896 : i32
    %dma_start3A_124 = arith.constant 0 : i32
    %dma_start3A_125 = tpu.memref_slice %arg12[%dma_start3A_123, %dma_start3A_124] : memref<1536x32xbf16, #tpu.memory_space<vmem>> -> memref<128x32xbf16, #tpu.memory_space<vmem>>
    %dma_start3A_126 = arith.constant 0 : i32
    %dma_start3A_127 = tpu.memref_slice %arg9[%dma_start3A_122, %dma_start3A_126] : memref<52x128xi32, #tpu.memory_space<vmem>> -> memref<1x128xi32, #tpu.memory_space<vmem>>
    %dma_start3A_128 = tpu.memref_squeeze %dma_start3A_127 : memref<1x128xi32, #tpu.memory_space<vmem>> -> memref<128xi32, #tpu.memory_space<vmem>>
    %dma_start3A_129 = arith.constant 0 : i32
    %dma_start3A_130 = arith.constant 0 : i32
    %dma_start3A_131 = tpu.memref_slice %arg3[%dma_start3A_129, %dma_start3A_130] : memref<20000x32xbf16, #tpu.memory_space<hbm>> -> memref<20000x32xbf16, #tpu.memory_space<hbm>>
    tpu.enqueue_indirect_dma source(%dma_start3A_131 : memref<20000x32xbf16, #tpu.memory_space<hbm>>) target(%dma_start3A_125 : memref<128x32xbf16, #tpu.memory_space<vmem>>) offsets(%dma_start3A_128 : memref<128xi32, #tpu.memory_space<vmem>>) semaphore(%arg15 : memref<!tpu.dma_semaphore, #tpu.memory_space<semaphore_mem>>)
    %scan3A_132 = arith.constant 0 : i32
    %scan3A_133 = arith.constant 0 : i32
    %scan3A_134 = arith.constant 13 : i32
    %scan3A_135 = arith.addi %scan3A_133, %scan3A_134 : i32
    %scan3A_136 = arith.constant 1 : i32
    scf.for %scan3A_199 = %scan3A_133 to %scan3A_135 step %scan3A_136  : i32 {
      %rem3A_200 = arith.constant 3 : i32
      %rem3A_201 = arith.remsi %scan3A_199, %rem3A_200 : i32
      %rem3A_202 = arith.constant 2 : i32
      %rem3A_203 = arith.remsi %scan3A_199, %rem3A_202 : i32
      %mul3A_204 = arith.constant 512 : i32
      %mul3A_205 = arith.muli %rem3A_201, %mul3A_204 : i32
      %add3A_206 = arith.constant 0 : i32
      %add3A_207 = arith.addi %mul3A_205, %add3A_206 : i32
      %dma_wait3A_208 = arith.constant 0 : i32
      %dma_wait3A_209 = arith.constant 0 : i32
      %dma_wait3A_210 = tpu.memref_slice %arg12[%add3A_207, %dma_wait3A_209] : memref<1536x32xbf16, #tpu.memory_space<vmem>> -> memref<128x32xbf16, #tpu.memory_space<vmem>>
      %dma_wait3A_211 = arith.constant 0 : i32
      %dma_wait3A_212 = tpu.memref_slice %arg9[%dma_wait3A_208, %dma_wait3A_211] : memref<52x128xi32, #tpu.memory_space<vmem>> -> memref<1x128xi32, #tpu.memory_space<vmem>>
      %dma_wait3A_213 = tpu.memref_squeeze %dma_wait3A_212 : memref<1x128xi32, #tpu.memory_space<vmem>> -> memref<128xi32, #tpu.memory_space<vmem>>
      %dma_wait3A_214 = arith.constant 0 : i32
      %dma_wait3A_215 = arith.constant 0 : i32
      %dma_wait3A_216 = tpu.memref_slice %arg3[%dma_wait3A_214, %dma_wait3A_215] : memref<20000x32xbf16, #tpu.memory_space<hbm>> -> memref<20000x32xbf16, #tpu.memory_space<hbm>>
      tpu.wait_indirect_dma semaphore(%arg15 : memref<!tpu.dma_semaphore, #tpu.memory_space<semaphore_mem>>) src(%dma_wait3A_216 : memref<20000x32xbf16, #tpu.memory_space<hbm>>) dst(%dma_wait3A_210 : memref<128x32xbf16, #tpu.memory_space<vmem>>)
      %mul3A_217 = arith.constant 512 : i32
      %mul3A_218 = arith.muli %rem3A_201, %mul3A_217 : i32
      %add3A_219 = arith.constant 128 : i32
      %add3A_220 = arith.addi %mul3A_218, %add3A_219 : i32
      %dma_wait3A_221 = arith.constant 1 : i32
      %dma_wait3A_222 = arith.constant 0 : i32
      %dma_wait3A_223 = tpu.memref_slice %arg12[%add3A_220, %dma_wait3A_222] : memref<1536x32xbf16, #tpu.memory_space<vmem>> -> memref<128x32xbf16, #tpu.memory_space<vmem>>
      %dma_wait3A_224 = arith.constant 0 : i32
      %dma_wait3A_225 = tpu.memref_slice %arg9[%dma_wait3A_221, %dma_wait3A_224] : memref<52x128xi32, #tpu.memory_space<vmem>> -> memref<1x128xi32, #tpu.memory_space<vmem>>
      %dma_wait3A_226 = tpu.memref_squeeze %dma_wait3A_225 : memref<1x128xi32, #tpu.memory_space<vmem>> -> memref<128xi32, #tpu.memory_space<vmem>>
      %dma_wait3A_227 = arith.constant 0 : i32
      %dma_wait3A_228 = arith.constant 0 : i32
      %dma_wait3A_229 = tpu.memref_slice %arg3[%dma_wait3A_227, %dma_wait3A_228] : memref<20000x32xbf16, #tpu.memory_space<hbm>> -> memref<20000x32xbf16, #tpu.memory_space<hbm>>
      tpu.wait_indirect_dma semaphore(%arg15 : memref<!tpu.dma_semaphore, #tpu.memory_space<semaphore_mem>>) src(%dma_wait3A_229 : memref<20000x32xbf16, #tpu.memory_space<hbm>>) dst(%dma_wait3A_223 : memref<128x32xbf16, #tpu.memory_space<vmem>>)
      %mul3A_230 = arith.constant 512 : i32
      %mul3A_231 = arith.muli %rem3A_201, %mul3A_230 : i32
      %add3A_232 = arith.constant 256 : i32
      %add3A_233 = arith.addi %mul3A_231, %add3A_232 : i32
      %dma_wait3A_234 = arith.constant 2 : i32
      %dma_wait3A_235 = arith.constant 0 : i32
      %dma_wait3A_236 = tpu.memref_slice %arg12[%add3A_233, %dma_wait3A_235] : memref<1536x32xbf16, #tpu.memory_space<vmem>> -> memref<128x32xbf16, #tpu.memory_space<vmem>>
      %dma_wait3A_237 = arith.constant 0 : i32
      %dma_wait3A_238 = tpu.memref_slice %arg9[%dma_wait3A_234, %dma_wait3A_237] : memref<52x128xi32, #tpu.memory_space<vmem>> -> memref<1x128xi32, #tpu.memory_space<vmem>>
      %dma_wait3A_239 = tpu.memref_squeeze %dma_wait3A_238 : memref<1x128xi32, #tpu.memory_space<vmem>> -> memref<128xi32, #tpu.memory_space<vmem>>
      %dma_wait3A_240 = arith.constant 0 : i32
      %dma_wait3A_241 = arith.constant 0 : i32
      %dma_wait3A_242 = tpu.memref_slice %arg3[%dma_wait3A_240, %dma_wait3A_241] : memref<20000x32xbf16, #tpu.memory_space<hbm>> -> memref<20000x32xbf16, #tpu.memory_space<hbm>>
      tpu.wait_indirect_dma semaphore(%arg15 : memref<!tpu.dma_semaphore, #tpu.memory_space<semaphore_mem>>) src(%dma_wait3A_242 : memref<20000x32xbf16, #tpu.memory_space<hbm>>) dst(%dma_wait3A_236 : memref<128x32xbf16, #tpu.memory_space<vmem>>)
      %mul3A_243 = arith.constant 512 : i32
      %mul3A_244 = arith.muli %rem3A_201, %mul3A_243 : i32
      %add3A_245 = arith.constant 384 : i32
      %add3A_246 = arith.addi %mul3A_244, %add3A_245 : i32
      %dma_wait3A_247 = arith.constant 3 : i32
      %dma_wait3A_248 = arith.constant 0 : i32
      %dma_wait3A_249 = tpu.memref_slice %arg12[%add3A_246, %dma_wait3A_248] : memref<1536x32xbf16, #tpu.memory_space<vmem>> -> memref<128x32xbf16, #tpu.memory_space<vmem>>
      %dma_wait3A_250 = arith.constant 0 : i32
      %dma_wait3A_251 = tpu.memref_slice %arg9[%dma_wait3A_247, %dma_wait3A_250] : memref<52x128xi32, #tpu.memory_space<vmem>> -> memref<1x128xi32, #tpu.memory_space<vmem>>
      %dma_wait3A_252 = tpu.memref_squeeze %dma_wait3A_251 : memref<1x128xi32, #tpu.memory_space<vmem>> -> memref<128xi32, #tpu.memory_space<vmem>>
      %dma_wait3A_253 = arith.constant 0 : i32
      %dma_wait3A_254 = arith.constant 0 : i32
      %dma_wait3A_255 = tpu.memref_slice %arg3[%dma_wait3A_253, %dma_wait3A_254] : memref<20000x32xbf16, #tpu.memory_space<hbm>> -> memref<20000x32xbf16, #tpu.memory_space<hbm>>
      tpu.wait_indirect_dma semaphore(%arg15 : memref<!tpu.dma_semaphore, #tpu.memory_space<semaphore_mem>>) src(%dma_wait3A_255 : memref<20000x32xbf16, #tpu.memory_space<hbm>>) dst(%dma_wait3A_249 : memref<128x32xbf16, #tpu.memory_space<vmem>>)
      %add3A_256 = arith.constant 2 : i32
      %add3A_257 = arith.addi %scan3A_199, %add3A_256 : i32
      %lt3A = arith.constant 13 : i32
      %lt3A_258 = arith.cmpi slt, %add3A_257, %lt3A : i32
      %convert_element_type3A = arith.extui %lt3A_258 : i1 to i32
      %cond3A = arith.constant 0 : i32
      %cond3A_259 = arith.cmpi ne, %convert_element_type3A, %cond3A : i32
      scf.if %cond3A_259 {
        %add3A_330 = arith.constant 2 : i32
        %add3A_331 = arith.addi %scan3A_199, %add3A_330 : i32
        %add3A_332 = arith.constant 2 : i32
        %add3A_333 = arith.addi %scan3A_199, %add3A_332 : i32
        %rem3A_334 = arith.constant 3 : i32
        %rem3A_335 = arith.remsi %add3A_333, %rem3A_334 : i32
        %mul3A_336 = arith.constant 4 : i32
        %mul3A_337 = arith.muli %add3A_331, %mul3A_336 : i32
        %add3A_338 = arith.constant 0 : i32
        %add3A_339 = arith.addi %mul3A_337, %add3A_338 : i32
        %mul3A_340 = arith.constant 512 : i32
        %mul3A_341 = arith.muli %rem3A_335, %mul3A_340 : i32
        %add3A_342 = arith.constant 0 : i32
        %add3A_343 = arith.addi %mul3A_341, %add3A_342 : i32
        %dma_start3A_344 = arith.constant 0 : i32
        %dma_start3A_345 = tpu.memref_slice %arg12[%add3A_343, %dma_start3A_344] : memref<1536x32xbf16, #tpu.memory_space<vmem>> -> memref<128x32xbf16, #tpu.memory_space<vmem>>
        %dma_start3A_346 = arith.constant 0 : i32
        %dma_start3A_347 = tpu.memref_slice %arg9[%add3A_339, %dma_start3A_346] : memref<52x128xi32, #tpu.memory_space<vmem>> -> memref<1x128xi32, #tpu.memory_space<vmem>>
        %dma_start3A_348 = tpu.memref_squeeze %dma_start3A_347 : memref<1x128xi32, #tpu.memory_space<vmem>> -> memref<128xi32, #tpu.memory_space<vmem>>
        %dma_start3A_349 = arith.constant 0 : i32
        %dma_start3A_350 = arith.constant 0 : i32
        %dma_start3A_351 = tpu.memref_slice %arg3[%dma_start3A_349, %dma_start3A_350] : memref<20000x32xbf16, #tpu.memory_space<hbm>> -> memref<20000x32xbf16, #tpu.memory_space<hbm>>
        tpu.enqueue_indirect_dma source(%dma_start3A_351 : memref<20000x32xbf16, #tpu.memory_space<hbm>>) target(%dma_start3A_345 : memref<128x32xbf16, #tpu.memory_space<vmem>>) offsets(%dma_start3A_348 : memref<128xi32, #tpu.memory_space<vmem>>) semaphore(%arg15 : memref<!tpu.dma_semaphore, #tpu.memory_space<semaphore_mem>>)
        %mul3A_352 = arith.constant 4 : i32
        %mul3A_353 = arith.muli %add3A_331, %mul3A_352 : i32
        %add3A_354 = arith.constant 1 : i32
        %add3A_355 = arith.addi %mul3A_353, %add3A_354 : i32
        %mul3A_356 = arith.constant 512 : i32
        %mul3A_357 = arith.muli %rem3A_335, %mul3A_356 : i32
        %add3A_358 = arith.constant 128 : i32
        %add3A_359 = arith.addi %mul3A_357, %add3A_358 : i32
        %dma_start3A_360 = arith.constant 0 : i32
        %dma_start3A_361 = tpu.memref_slice %arg12[%add3A_359, %dma_start3A_360] : memref<1536x32xbf16, #tpu.memory_space<vmem>> -> memref<128x32xbf16, #tpu.memory_space<vmem>>
        %dma_start3A_362 = arith.constant 0 : i32
        %dma_start3A_363 = tpu.memref_slice %arg9[%add3A_355, %dma_start3A_362] : memref<52x128xi32, #tpu.memory_space<vmem>> -> memref<1x128xi32, #tpu.memory_space<vmem>>
        %dma_start3A_364 = tpu.memref_squeeze %dma_start3A_363 : memref<1x128xi32, #tpu.memory_space<vmem>> -> memref<128xi32, #tpu.memory_space<vmem>>
        %dma_start3A_365 = arith.constant 0 : i32
        %dma_start3A_366 = arith.constant 0 : i32
        %dma_start3A_367 = tpu.memref_slice %arg3[%dma_start3A_365, %dma_start3A_366] : memref<20000x32xbf16, #tpu.memory_space<hbm>> -> memref<20000x32xbf16, #tpu.memory_space<hbm>>
        tpu.enqueue_indirect_dma source(%dma_start3A_367 : memref<20000x32xbf16, #tpu.memory_space<hbm>>) target(%dma_start3A_361 : memref<128x32xbf16, #tpu.memory_space<vmem>>) offsets(%dma_start3A_364 : memref<128xi32, #tpu.memory_space<vmem>>) semaphore(%arg15 : memref<!tpu.dma_semaphore, #tpu.memory_space<semaphore_mem>>)
        %mul3A_368 = arith.constant 4 : i32
        %mul3A_369 = arith.muli %add3A_331, %mul3A_368 : i32
        %add3A_370 = arith.constant 2 : i32
        %add3A_371 = arith.addi %mul3A_369, %add3A_370 : i32
        %mul3A_372 = arith.constant 512 : i32
        %mul3A_373 = arith.muli %rem3A_335, %mul3A_372 : i32
        %add3A_374 = arith.constant 256 : i32
        %add3A_375 = arith.addi %mul3A_373, %add3A_374 : i32
        %dma_start3A_376 = arith.constant 0 : i32
        %dma_start3A_377 = tpu.memref_slice %arg12[%add3A_375, %dma_start3A_376] : memref<1536x32xbf16, #tpu.memory_space<vmem>> -> memref<128x32xbf16, #tpu.memory_space<vmem>>
        %dma_start3A_378 = arith.constant 0 : i32
        %dma_start3A_379 = tpu.memref_slice %arg9[%add3A_371, %dma_start3A_378] : memref<52x128xi32, #tpu.memory_space<vmem>> -> memref<1x128xi32, #tpu.memory_space<vmem>>
        %dma_start3A_380 = tpu.memref_squeeze %dma_start3A_379 : memref<1x128xi32, #tpu.memory_space<vmem>> -> memref<128xi32, #tpu.memory_space<vmem>>
        %dma_start3A_381 = arith.constant 0 : i32
        %dma_start3A_382 = arith.constant 0 : i32
        %dma_start3A_383 = tpu.memref_slice %arg3[%dma_start3A_381, %dma_start3A_382] : memref<20000x32xbf16, #tpu.memory_space<hbm>> -> memref<20000x32xbf16, #tpu.memory_space<hbm>>
        tpu.enqueue_indirect_dma source(%dma_start3A_383 : memref<20000x32xbf16, #tpu.memory_space<hbm>>) target(%dma_start3A_377 : memref<128x32xbf16, #tpu.memory_space<vmem>>) offsets(%dma_start3A_380 : memref<128xi32, #tpu.memory_space<vmem>>) semaphore(%arg15 : memref<!tpu.dma_semaphore, #tpu.memory_space<semaphore_mem>>)
        %mul3A_384 = arith.constant 4 : i32
        %mul3A_385 = arith.muli %add3A_331, %mul3A_384 : i32
        %add3A_386 = arith.constant 3 : i32
        %add3A_387 = arith.addi %mul3A_385, %add3A_386 : i32
        %mul3A_388 = arith.constant 512 : i32
        %mul3A_389 = arith.muli %rem3A_335, %mul3A_388 : i32
        %add3A_390 = arith.constant 384 : i32
        %add3A_391 = arith.addi %mul3A_389, %add3A_390 : i32
        %dma_start3A_392 = arith.constant 0 : i32
        %dma_start3A_393 = tpu.memref_slice %arg12[%add3A_391, %dma_start3A_392] : memref<1536x32xbf16, #tpu.memory_space<vmem>> -> memref<128x32xbf16, #tpu.memory_space<vmem>>
        %dma_start3A_394 = arith.constant 0 : i32
        %dma_start3A_395 = tpu.memref_slice %arg9[%add3A_387, %dma_start3A_394] : memref<52x128xi32, #tpu.memory_space<vmem>> -> memref<1x128xi32, #tpu.memory_space<vmem>>
        %dma_start3A_396 = tpu.memref_squeeze %dma_start3A_395 : memref<1x128xi32, #tpu.memory_space<vmem>> -> memref<128xi32, #tpu.memory_space<vmem>>
        %dma_start3A_397 = arith.constant 0 : i32
        %dma_start3A_398 = arith.constant 0 : i32
        %dma_start3A_399 = tpu.memref_slice %arg3[%dma_start3A_397, %dma_start3A_398] : memref<20000x32xbf16, #tpu.memory_space<hbm>> -> memref<20000x32xbf16, #tpu.memory_space<hbm>>
        tpu.enqueue_indirect_dma source(%dma_start3A_399 : memref<20000x32xbf16, #tpu.memory_space<hbm>>) target(%dma_start3A_393 : memref<128x32xbf16, #tpu.memory_space<vmem>>) offsets(%dma_start3A_396 : memref<128xi32, #tpu.memory_space<vmem>>) semaphore(%arg15 : memref<!tpu.dma_semaphore, #tpu.memory_space<semaphore_mem>>)
      } else {
      }
      %parallel_loop3A = arith.constant 0 : i32
      %parallel_loop3A_260 = arith.constant 32 : i32
      %parallel_loop3A_261 = arith.constant 1 : i32
      scf.for %parallel_loop3A_330 = %parallel_loop3A to %parallel_loop3A_260 step %parallel_loop3A_261  : i32 {
        %parallel_loop3A_331 = arith.constant 512 : i32
        %parallel_loop3A_332 = arith.muli %scan3A_199, %parallel_loop3A_331 : i32
        %parallel_loop3A_333 = arith.constant 16 : i32
        %parallel_loop3A_334 = arith.muli %parallel_loop3A_330, %parallel_loop3A_333 : i32
        %parallel_loop3A_335 = arith.addi %parallel_loop3A_332, %parallel_loop3A_334 : i32
        %parallel_loop3A_336 = arith.index_cast %parallel_loop3A_335 : i32 to index
        %parallel_loop3A_337 = tpu.vector_load %arg11[%parallel_loop3A_336] {strides = array<i32>} : memref<6656xf32, #tpu.memory_space<vmem>>, vector<16xf32>,
        %parallel_loop3A_338 = arith.constant 512 : i32
        %parallel_loop3A_339 = arith.muli %rem3A_201, %parallel_loop3A_338 : i32
        %parallel_loop3A_340 = arith.constant 16 : i32
        %parallel_loop3A_341 = arith.muli %parallel_loop3A_330, %parallel_loop3A_340 : i32
        %parallel_loop3A_342 = arith.addi %parallel_loop3A_339, %parallel_loop3A_341 : i32
        %parallel_loop3A_343 = arith.constant 512 : i32
        %parallel_loop3A_344 = arith.muli %rem3A_203, %parallel_loop3A_343 : i32
        %parallel_loop3A_345 = arith.constant 16 : i32
        %parallel_loop3A_346 = arith.muli %parallel_loop3A_330, %parallel_loop3A_345 : i32
        %parallel_loop3A_347 = arith.addi %parallel_loop3A_344, %parallel_loop3A_346 : i32
        %parallel_loop3A_348 = vector.extract_strided_slice %parallel_loop3A_337 {offsets = [0], sizes = [1], strides = [1]} : vector<16xf32> to vector<1xf32>
        %parallel_loop3A_349 = vector.extract %parallel_loop3A_348[0] : f32 from vector<1xf32>
        %parallel_loop3A_350 = arith.constant 0 : i32
        %parallel_loop3A_351 = arith.addi %parallel_loop3A_342, %parallel_loop3A_350 : i32
        %parallel_loop3A_352 = arith.index_cast %parallel_loop3A_351 : i32 to index
        %parallel_loop3A_353 = arith.constant 0 : index
        %parallel_loop3A_354 = tpu.vector_load %arg12[%parallel_loop3A_352, %parallel_loop3A_353] {strides = array<i32>} : memref<1536x32xbf16, #tpu.memory_space<vmem>>, vector<32xbf16>,
        %parallel_loop3A_355 = tpu.unpack_subelements %parallel_loop3A_354, 0 {pack_format = #tpu.pack_format<interleaved>} : vector<32xbf16> -> vector<16xf32>
        %parallel_loop3A_356 = tpu.unpack_subelements %parallel_loop3A_354, 1 {pack_format = #tpu.pack_format<interleaved>} : vector<32xbf16> -> vector<16xf32>
        %parallel_loop3A_357 = vector.broadcast %parallel_loop3A_349 : f32 to vector<16xf32>
        %parallel_loop3A_358 = arith.mulf %parallel_loop3A_355, %parallel_loop3A_357 : vector<16xf32>
        %parallel_loop3A_359 = arith.constant 0 : i32
        %parallel_loop3A_360 = arith.addi %parallel_loop3A_347, %parallel_loop3A_359 : i32
        %parallel_loop3A_361 = arith.index_cast %parallel_loop3A_360 : i32 to index
        %parallel_loop3A_362 = arith.constant 0 : index
        %parallel_loop3A_363 = tpu.vector_load %arg13[%parallel_loop3A_361, %parallel_loop3A_362] {strides = array<i32>} : memref<1024x32xf32, #tpu.memory_space<vmem>>, vector<16xf32>,
        tpu.vector_store %arg13[%parallel_loop3A_361, %parallel_loop3A_362], %parallel_loop3A_358 {strides = array<i32>} : memref<1024x32xf32, #tpu.memory_space<vmem>>, vector<16xf32>,
        %parallel_loop3A_364 = vector.broadcast %parallel_loop3A_349 : f32 to vector<16xf32>
        %parallel_loop3A_365 = arith.mulf %parallel_loop3A_356, %parallel_loop3A_364 : vector<16xf32>
        %parallel_loop3A_366 = arith.constant 0 : i32
        %parallel_loop3A_367 = arith.addi %parallel_loop3A_347, %parallel_loop3A_366 : i32
        %parallel_loop3A_368 = arith.index_cast %parallel_loop3A_367 : i32 to index
        %parallel_loop3A_369 = arith.constant 16 : index
        %parallel_loop3A_370 = tpu.vector_load %arg13[%parallel_loop3A_368, %parallel_loop3A_369] {strides = array<i32>} : memref<1024x32xf32, #tpu.memory_space<vmem>>, vector<16xf32>,
        tpu.vector_store %arg13[%parallel_loop3A_368, %parallel_loop3A_369], %parallel_loop3A_365 {strides = array<i32>} : memref<1024x32xf32, #tpu.memory_space<vmem>>, vector<16xf32>,
        %parallel_loop3A_371 = vector.extract_strided_slice %parallel_loop3A_337 {offsets = [1], sizes = [1], strides = [1]} : vector<16xf32> to vector<1xf32>
        %parallel_loop3A_372 = vector.extract %parallel_loop3A_371[0] : f32 from vector<1xf32>
        %parallel_loop3A_373 = arith.constant 1 : i32
        %parallel_loop3A_374 = arith.addi %parallel_loop3A_342, %parallel_loop3A_373 : i32
        %parallel_loop3A_375 = arith.index_cast %parallel_loop3A_374 : i32 to index
        %parallel_loop3A_376 = arith.constant 0 : index
        %parallel_loop3A_377 = tpu.vector_load %arg12[%parallel_loop3A_375, %parallel_loop3A_376] {strides = array<i32>} : memref<1536x32xbf16, #tpu.memory_space<vmem>>, vector<32xbf16>,
        %parallel_loop3A_378 = tpu.unpack_subelements %parallel_loop3A_377, 0 {pack_format = #tpu.pack_format<interleaved>} : vector<32xbf16> -> vector<16xf32>
        %parallel_loop3A_379 = tpu.unpack_subelements %parallel_loop3A_377, 1 {pack_format = #tpu.pack_format<interleaved>} : vector<32xbf16> -> vector<16xf32>
        %parallel_loop3A_380 = vector.broadcast %parallel_loop3A_372 : f32 to vector<16xf32>
        %parallel_loop3A_381 = arith.mulf %parallel_loop3A_378, %parallel_loop3A_380 : vector<16xf32>
        %parallel_loop3A_382 = arith.constant 1 : i32
        %parallel_loop3A_383 = arith.addi %parallel_loop3A_347, %parallel_loop3A_382 : i32
        %parallel_loop3A_384 = arith.index_cast %parallel_loop3A_383 : i32 to index
        %parallel_loop3A_385 = arith.constant 0 : index
        %parallel_loop3A_386 = tpu.vector_load %arg13[%parallel_loop3A_384, %parallel_loop3A_385] {strides = array<i32>} : memref<1024x32xf32, #tpu.memory_space<vmem>>, vector<16xf32>,
        tpu.vector_store %arg13[%parallel_loop3A_384, %parallel_loop3A_385], %parallel_loop3A_381 {strides = array<i32>} : memref<1024x32xf32, #tpu.memory_space<vmem>>, vector<16xf32>,
        %parallel_loop3A_387 = vector.broadcast %parallel_loop3A_372 : f32 to vector<16xf32>
        %parallel_loop3A_388 = arith.mulf %parallel_loop3A_379, %parallel_loop3A_387 : vector<16xf32>
        %parallel_loop3A_389 = arith.constant 1 : i32
        %parallel_loop3A_390 = arith.addi %parallel_loop3A_347, %parallel_loop3A_389 : i32
        %parallel_loop3A_391 = arith.index_cast %parallel_loop3A_390 : i32 to index
        %parallel_loop3A_392 = arith.constant 16 : index
        %parallel_loop3A_393 = tpu.vector_load %arg13[%parallel_loop3A_391, %parallel_loop3A_392] {strides = array<i32>} : memref<1024x32xf32, #tpu.memory_space<vmem>>, vector<16xf32>,
        tpu.vector_store %arg13[%parallel_loop3A_391, %parallel_loop3A_392], %parallel_loop3A_388 {strides = array<i32>} : memref<1024x32xf32, #tpu.memory_space<vmem>>, vector<16xf32>,
        %parallel_loop3A_394 = vector.extract_strided_slice %parallel_loop3A_337 {offsets = [2], sizes = [1], strides = [1]} : vector<16xf32> to vector<1xf32>
        %parallel_loop3A_395 = vector.extract %parallel_loop3A_394[0] : f32 from vector<1xf32>
        %parallel_loop3A_396 = arith.constant 2 : i32
        %parallel_loop3A_397 = arith.addi %parallel_loop3A_342, %parallel_loop3A_396 : i32
        %parallel_loop3A_398 = arith.index_cast %parallel_loop3A_397 : i32 to index
        %parallel_loop3A_399 = arith.constant 0 : index
        %parallel_loop3A_400 = tpu.vector_load %arg12[%parallel_loop3A_398, %parallel_loop3A_399] {strides = array<i32>} : memref<1536x32xbf16, #tpu.memory_space<vmem>>, vector<32xbf16>,
        %parallel_loop3A_401 = tpu.unpack_subelements %parallel_loop3A_400, 0 {pack_format = #tpu.pack_format<interleaved>} : vector<32xbf16> -> vector<16xf32>
        %parallel_loop3A_402 = tpu.unpack_subelements %parallel_loop3A_400, 1 {pack_format = #tpu.pack_format<interleaved>} : vector<32xbf16> -> vector<16xf32>
        %parallel_loop3A_403 = vector.broadcast %parallel_loop3A_395 : f32 to vector<16xf32>
        %parallel_loop3A_404 = arith.mulf %parallel_loop3A_401, %parallel_loop3A_403 : vector<16xf32>
        %parallel_loop3A_405 = arith.constant 2 : i32
        %parallel_loop3A_406 = arith.addi %parallel_loop3A_347, %parallel_loop3A_405 : i32
        %parallel_loop3A_407 = arith.index_cast %parallel_loop3A_406 : i32 to index
        %parallel_loop3A_408 = arith.constant 0 : index
        %parallel_loop3A_409 = tpu.vector_load %arg13[%parallel_loop3A_407, %parallel_loop3A_408] {strides = array<i32>} : memref<1024x32xf32, #tpu.memory_space<vmem>>, vector<16xf32>,
        tpu.vector_store %arg13[%parallel_loop3A_407, %parallel_loop3A_408], %parallel_loop3A_404 {strides = array<i32>} : memref<1024x32xf32, #tpu.memory_space<vmem>>, vector<16xf32>,
        %parallel_loop3A_410 = vector.broadcast %parallel_loop3A_395 : f32 to vector<16xf32>
        %parallel_loop3A_411 = arith.mulf %parallel_loop3A_402, %parallel_loop3A_410 : vector<16xf32>
        %parallel_loop3A_412 = arith.constant 2 : i32
        %parallel_loop3A_413 = arith.addi %parallel_loop3A_347, %parallel_loop3A_412 : i32
        %parallel_loop3A_414 = arith.index_cast %parallel_loop3A_413 : i32 to index
        %parallel_loop3A_415 = arith.constant 16 : index
        %parallel_loop3A_416 = tpu.vector_load %arg13[%parallel_loop3A_414, %parallel_loop3A_415] {strides = array<i32>} : memref<1024x32xf32, #tpu.memory_space<vmem>>, vector<16xf32>,
        tpu.vector_store %arg13[%parallel_loop3A_414, %parallel_loop3A_415], %parallel_loop3A_411 {strides = array<i32>} : memref<1024x32xf32, #tpu.memory_space<vmem>>, vector<16xf32>,
        %parallel_loop3A_417 = vector.extract_strided_slice %parallel_loop3A_337 {offsets = [3], sizes = [1], strides = [1]} : vector<16xf32> to vector<1xf32>
        %parallel_loop3A_418 = vector.extract %parallel_loop3A_417[0] : f32 from vector<1xf32>
        %parallel_loop3A_419 = arith.constant 3 : i32
        %parallel_loop3A_420 = arith.addi %parallel_loop3A_342, %parallel_loop3A_419 : i32
        %parallel_loop3A_421 = arith.index_cast %parallel_loop3A_420 : i32 to index
        %parallel_loop3A_422 = arith.constant 0 : index
        %parallel_loop3A_423 = tpu.vector_load %arg12[%parallel_loop3A_421, %parallel_loop3A_422] {strides = array<i32>} : memref<1536x32xbf16, #tpu.memory_space<vmem>>, vector<32xbf16>,
        %parallel_loop3A_424 = tpu.unpack_subelements %parallel_loop3A_423, 0 {pack_format = #tpu.pack_format<interleaved>} : vector<32xbf16> -> vector<16xf32>
        %parallel_loop3A_425 = tpu.unpack_subelements %parallel_loop3A_423, 1 {pack_format = #tpu.pack_format<interleaved>} : vector<32xbf16> -> vector<16xf32>
        %parallel_loop3A_426 = vector.broadcast %parallel_loop3A_418 : f32 to vector<16xf32>
        %parallel_loop3A_427 = arith.mulf %parallel_loop3A_424, %parallel_loop3A_426 : vector<16xf32>
        %parallel_loop3A_428 = arith.constant 3 : i32
        %parallel_loop3A_429 = arith.addi %parallel_loop3A_347, %parallel_loop3A_428 : i32
        %parallel_loop3A_430 = arith.index_cast %parallel_loop3A_429 : i32 to index
        %parallel_loop3A_431 = arith.constant 0 : index
        %parallel_loop3A_432 = tpu.vector_load %arg13[%parallel_loop3A_430, %parallel_loop3A_431] {strides = array<i32>} : memref<1024x32xf32, #tpu.memory_space<vmem>>, vector<16xf32>,
        tpu.vector_store %arg13[%parallel_loop3A_430, %parallel_loop3A_431], %parallel_loop3A_427 {strides = array<i32>} : memref<1024x32xf32, #tpu.memory_space<vmem>>, vector<16xf32>,
        %parallel_loop3A_433 = vector.broadcast %parallel_loop3A_418 : f32 to vector<16xf32>
        %parallel_loop3A_434 = arith.mulf %parallel_loop3A_425, %parallel_loop3A_433 : vector<16xf32>
        %parallel_loop3A_435 = arith.constant 3 : i32
        %parallel_loop3A_436 = arith.addi %parallel_loop3A_347, %parallel_loop3A_435 : i32
        %parallel_loop3A_437 = arith.index_cast %parallel_loop3A_436 : i32 to index
        %parallel_loop3A_438 = arith.constant 16 : index
        %parallel_loop3A_439 = tpu.vector_load %arg13[%parallel_loop3A_437, %parallel_loop3A_438] {strides = array<i32>} : memref<1024x32xf32, #tpu.memory_space<vmem>>, vector<16xf32>,
        tpu.vector_store %arg13[%parallel_loop3A_437, %parallel_loop3A_438], %parallel_loop3A_434 {strides = array<i32>} : memref<1024x32xf32, #tpu.memory_space<vmem>>, vector<16xf32>,
        %parallel_loop3A_440 = vector.extract_strided_slice %parallel_loop3A_337 {offsets = [4], sizes = [1], strides = [1]} : vector<16xf32> to vector<1xf32>
        %parallel_loop3A_441 = vector.extract %parallel_loop3A_440[0] : f32 from vector<1xf32>
        %parallel_loop3A_442 = arith.constant 4 : i32
        %parallel_loop3A_443 = arith.addi %parallel_loop3A_342, %parallel_loop3A_442 : i32
        %parallel_loop3A_444 = arith.index_cast %parallel_loop3A_443 : i32 to index
        %parallel_loop3A_445 = arith.constant 0 : index
        %parallel_loop3A_446 = tpu.vector_load %arg12[%parallel_loop3A_444, %parallel_loop3A_445] {strides = array<i32>} : memref<1536x32xbf16, #tpu.memory_space<vmem>>, vector<32xbf16>,
        %parallel_loop3A_447 = tpu.unpack_subelements %parallel_loop3A_446, 0 {pack_format = #tpu.pack_format<interleaved>} : vector<32xbf16> -> vector<16xf32>
        %parallel_loop3A_448 = tpu.unpack_subelements %parallel_loop3A_446, 1 {pack_format = #tpu.pack_format<interleaved>} : vector<32xbf16> -> vector<16xf32>
        %parallel_loop3A_449 = vector.broadcast %parallel_loop3A_441 : f32 to vector<16xf32>
        %parallel_loop3A_450 = arith.mulf %parallel_loop3A_447, %parallel_loop3A_449 : vector<16xf32>
        %parallel_loop3A_451 = arith.constant 4 : i32
        %parallel_loop3A_452 = arith.addi %parallel_loop3A_347, %parallel_loop3A_451 : i32
        %parallel_loop3A_453 = arith.index_cast %parallel_loop3A_452 : i32 to index
        %parallel_loop3A_454 = arith.constant 0 : index
        %parallel_loop3A_455 = tpu.vector_load %arg13[%parallel_loop3A_453, %parallel_loop3A_454] {strides = array<i32>} : memref<1024x32xf32, #tpu.memory_space<vmem>>, vector<16xf32>,
        tpu.vector_store %arg13[%parallel_loop3A_453, %parallel_loop3A_454], %parallel_loop3A_450 {strides = array<i32>} : memref<1024x32xf32, #tpu.memory_space<vmem>>, vector<16xf32>,
        %parallel_loop3A_456 = vector.broadcast %parallel_loop3A_441 : f32 to vector<16xf32>
        %parallel_loop3A_457 = arith.mulf %parallel_loop3A_448, %parallel_loop3A_456 : vector<16xf32>
        %parallel_loop3A_458 = arith.constant 4 : i32
        %parallel_loop3A_459 = arith.addi %parallel_loop3A_347, %parallel_loop3A_458 : i32
        %parallel_loop3A_460 = arith.index_cast %parallel_loop3A_459 : i32 to index
        %parallel_loop3A_461 = arith.constant 16 : index
        %parallel_loop3A_462 = tpu.vector_load %arg13[%parallel_loop3A_460, %parallel_loop3A_461] {strides = array<i32>} : memref<1024x32xf32, #tpu.memory_space<vmem>>, vector<16xf32>,
        tpu.vector_store %arg13[%parallel_loop3A_460, %parallel_loop3A_461], %parallel_loop3A_457 {strides = array<i32>} : memref<1024x32xf32, #tpu.memory_space<vmem>>, vector<16xf32>,
        %parallel_loop3A_463 = vector.extract_strided_slice %parallel_loop3A_337 {offsets = [5], sizes = [1], strides = [1]} : vector<16xf32> to vector<1xf32>
        %parallel_loop3A_464 = vector.extract %parallel_loop3A_463[0] : f32 from vector<1xf32>
        %parallel_loop3A_465 = arith.constant 5 : i32
        %parallel_loop3A_466 = arith.addi %parallel_loop3A_342, %parallel_loop3A_465 : i32
        %parallel_loop3A_467 = arith.index_cast %parallel_loop3A_466 : i32 to index
        %parallel_loop3A_468 = arith.constant 0 : index
        %parallel_loop3A_469 = tpu.vector_load %arg12[%parallel_loop3A_467, %parallel_loop3A_468] {strides = array<i32>} : memref<1536x32xbf16, #tpu.memory_space<vmem>>, vector<32xbf16>,
        %parallel_loop3A_470 = tpu.unpack_subelements %parallel_loop3A_469, 0 {pack_format = #tpu.pack_format<interleaved>} : vector<32xbf16> -> vector<16xf32>
        %parallel_loop3A_471 = tpu.unpack_subelements %parallel_loop3A_469, 1 {pack_format = #tpu.pack_format<interleaved>} : vector<32xbf16> -> vector<16xf32>
        %parallel_loop3A_472 = vector.broadcast %parallel_loop3A_464 : f32 to vector<16xf32>
        %parallel_loop3A_473 = arith.mulf %parallel_loop3A_470, %parallel_loop3A_472 : vector<16xf32>
        %parallel_loop3A_474 = arith.constant 5 : i32
        %parallel_loop3A_475 = arith.addi %parallel_loop3A_347, %parallel_loop3A_474 : i32
        %parallel_loop3A_476 = arith.index_cast %parallel_loop3A_475 : i32 to index
        %parallel_loop3A_477 = arith.constant 0 : index
        %parallel_loop3A_478 = tpu.vector_load %arg13[%parallel_loop3A_476, %parallel_loop3A_477] {strides = array<i32>} : memref<1024x32xf32, #tpu.memory_space<vmem>>, vector<16xf32>,
        tpu.vector_store %arg13[%parallel_loop3A_476, %parallel_loop3A_477], %parallel_loop3A_473 {strides = array<i32>} : memref<1024x32xf32, #tpu.memory_space<vmem>>, vector<16xf32>,
        %parallel_loop3A_479 = vector.broadcast %parallel_loop3A_464 : f32 to vector<16xf32>
        %parallel_loop3A_480 = arith.mulf %parallel_loop3A_471, %parallel_loop3A_479 : vector<16xf32>
        %parallel_loop3A_481 = arith.constant 5 : i32
        %parallel_loop3A_482 = arith.addi %parallel_loop3A_347, %parallel_loop3A_481 : i32
        %parallel_loop3A_483 = arith.index_cast %parallel_loop3A_482 : i32 to index
        %parallel_loop3A_484 = arith.constant 16 : index
        %parallel_loop3A_485 = tpu.vector_load %arg13[%parallel_loop3A_483, %parallel_loop3A_484] {strides = array<i32>} : memref<1024x32xf32, #tpu.memory_space<vmem>>, vector<16xf32>,
        tpu.vector_store %arg13[%parallel_loop3A_483, %parallel_loop3A_484], %parallel_loop3A_480 {strides = array<i32>} : memref<1024x32xf32, #tpu.memory_space<vmem>>, vector<16xf32>,
        %parallel_loop3A_486 = vector.extract_strided_slice %parallel_loop3A_337 {offsets = [6], sizes = [1], strides = [1]} : vector<16xf32> to vector<1xf32>
        %parallel_loop3A_487 = vector.extract %parallel_loop3A_486[0] : f32 from vector<1xf32>
        %parallel_loop3A_488 = arith.constant 6 : i32
        %parallel_loop3A_489 = arith.addi %parallel_loop3A_342, %parallel_loop3A_488 : i32
        %parallel_loop3A_490 = arith.index_cast %parallel_loop3A_489 : i32 to index
        %parallel_loop3A_491 = arith.constant 0 : index
        %parallel_loop3A_492 = tpu.vector_load %arg12[%parallel_loop3A_490, %parallel_loop3A_491] {strides = array<i32>} : memref<1536x32xbf16, #tpu.memory_space<vmem>>, vector<32xbf16>,
        %parallel_loop3A_493 = tpu.unpack_subelements %parallel_loop3A_492, 0 {pack_format = #tpu.pack_format<interleaved>} : vector<32xbf16> -> vector<16xf32>
        %parallel_loop3A_494 = tpu.unpack_subelements %parallel_loop3A_492, 1 {pack_format = #tpu.pack_format<interleaved>} : vector<32xbf16> -> vector<16xf32>
        %parallel_loop3A_495 = vector.broadcast %parallel_loop3A_487 : f32 to vector<16xf32>
        %parallel_loop3A_496 = arith.mulf %parallel_loop3A_493, %parallel_loop3A_495 : vector<16xf32>
        %parallel_loop3A_497 = arith.constant 6 : i32
        %parallel_loop3A_498 = arith.addi %parallel_loop3A_347, %parallel_loop3A_497 : i32
        %parallel_loop3A_499 = arith.index_cast %parallel_loop3A_498 : i32 to index
        %parallel_loop3A_500 = arith.constant 0 : index
        %parallel_loop3A_501 = tpu.vector_load %arg13[%parallel_loop3A_499, %parallel_loop3A_500] {strides = array<i32>} : memref<1024x32xf32, #tpu.memory_space<vmem>>, vector<16xf32>,
        tpu.vector_store %arg13[%parallel_loop3A_499, %parallel_loop3A_500], %parallel_loop3A_496 {strides = array<i32>} : memref<1024x32xf32, #tpu.memory_space<vmem>>, vector<16xf32>,
        %parallel_loop3A_502 = vector.broadcast %parallel_loop3A_487 : f32 to vector<16xf32>
        %parallel_loop3A_503 = arith.mulf %parallel_loop3A_494, %parallel_loop3A_502 : vector<16xf32>
        %parallel_loop3A_504 = arith.constant 6 : i32
        %parallel_loop3A_505 = arith.addi %parallel_loop3A_347, %parallel_loop3A_504 : i32
        %parallel_loop3A_506 = arith.index_cast %parallel_loop3A_505 : i32 to index
        %parallel_loop3A_507 = arith.constant 16 : index
        %parallel_loop3A_508 = tpu.vector_load %arg13[%parallel_loop3A_506, %parallel_loop3A_507] {strides = array<i32>} : memref<1024x32xf32, #tpu.memory_space<vmem>>, vector<16xf32>,
        tpu.vector_store %arg13[%parallel_loop3A_506, %parallel_loop3A_507], %parallel_loop3A_503 {strides = array<i32>} : memref<1024x32xf32, #tpu.memory_space<vmem>>, vector<16xf32>,
        %parallel_loop3A_509 = vector.extract_strided_slice %parallel_loop3A_337 {offsets = [7], sizes = [1], strides = [1]} : vector<16xf32> to vector<1xf32>
        %parallel_loop3A_510 = vector.extract %parallel_loop3A_509[0] : f32 from vector<1xf32>
        %parallel_loop3A_511 = arith.constant 7 : i32
        %parallel_loop3A_512 = arith.addi %parallel_loop3A_342, %parallel_loop3A_511 : i32
        %parallel_loop3A_513 = arith.index_cast %parallel_loop3A_512 : i32 to index
        %parallel_loop3A_514 = arith.constant 0 : index
        %parallel_loop3A_515 = tpu.vector_load %arg12[%parallel_loop3A_513, %parallel_loop3A_514] {strides = array<i32>} : memref<1536x32xbf16, #tpu.memory_space<vmem>>, vector<32xbf16>,
        %parallel_loop3A_516 = tpu.unpack_subelements %parallel_loop3A_515, 0 {pack_format = #tpu.pack_format<interleaved>} : vector<32xbf16> -> vector<16xf32>
        %parallel_loop3A_517 = tpu.unpack_subelements %parallel_loop3A_515, 1 {pack_format = #tpu.pack_format<interleaved>} : vector<32xbf16> -> vector<16xf32>
        %parallel_loop3A_518 = vector.broadcast %parallel_loop3A_510 : f32 to vector<16xf32>
        %parallel_loop3A_519 = arith.mulf %parallel_loop3A_516, %parallel_loop3A_518 : vector<16xf32>
        %parallel_loop3A_520 = arith.constant 7 : i32
        %parallel_loop3A_521 = arith.addi %parallel_loop3A_347, %parallel_loop3A_520 : i32
        %parallel_loop3A_522 = arith.index_cast %parallel_loop3A_521 : i32 to index
        %parallel_loop3A_523 = arith.constant 0 : index
        %parallel_loop3A_524 = tpu.vector_load %arg13[%parallel_loop3A_522, %parallel_loop3A_523] {strides = array<i32>} : memref<1024x32xf32, #tpu.memory_space<vmem>>, vector<16xf32>,
        tpu.vector_store %arg13[%parallel_loop3A_522, %parallel_loop3A_523], %parallel_loop3A_519 {strides = array<i32>} : memref<1024x32xf32, #tpu.memory_space<vmem>>, vector<16xf32>,
        %parallel_loop3A_525 = vector.broadcast %parallel_loop3A_510 : f32 to vector<16xf32>
        %parallel_loop3A_526 = arith.mulf %parallel_loop3A_517, %parallel_loop3A_525 : vector<16xf32>
        %parallel_loop3A_527 = arith.constant 7 : i32
        %parallel_loop3A_528 = arith.addi %parallel_loop3A_347, %parallel_loop3A_527 : i32
        %parallel_loop3A_529 = arith.index_cast %parallel_loop3A_528 : i32 to index
        %parallel_loop3A_530 = arith.constant 16 : index
        %parallel_loop3A_531 = tpu.vector_load %arg13[%parallel_loop3A_529, %parallel_loop3A_530] {strides = array<i32>} : memref<1024x32xf32, #tpu.memory_space<vmem>>, vector<16xf32>,
        tpu.vector_store %arg13[%parallel_loop3A_529, %parallel_loop3A_530], %parallel_loop3A_526 {strides = array<i32>} : memref<1024x32xf32, #tpu.memory_space<vmem>>, vector<16xf32>,
        %parallel_loop3A_532 = vector.extract_strided_slice %parallel_loop3A_337 {offsets = [8], sizes = [1], strides = [1]} : vector<16xf32> to vector<1xf32>
        %parallel_loop3A_533 = vector.extract %parallel_loop3A_532[0] : f32 from vector<1xf32>
        %parallel_loop3A_534 = arith.constant 8 : i32
        %parallel_loop3A_535 = arith.addi %parallel_loop3A_342, %parallel_loop3A_534 : i32
        %parallel_loop3A_536 = arith.index_cast %parallel_loop3A_535 : i32 to index
        %parallel_loop3A_537 = arith.constant 0 : index
        %parallel_loop3A_538 = tpu.vector_load %arg12[%parallel_loop3A_536, %parallel_loop3A_537] {strides = array<i32>} : memref<1536x32xbf16, #tpu.memory_space<vmem>>, vector<32xbf16>,
        %parallel_loop3A_539 = tpu.unpack_subelements %parallel_loop3A_538, 0 {pack_format = #tpu.pack_format<interleaved>} : vector<32xbf16> -> vector<16xf32>
        %parallel_loop3A_540 = tpu.unpack_subelements %parallel_loop3A_538, 1 {pack_format = #tpu.pack_format<interleaved>} : vector<32xbf16> -> vector<16xf32>
        %parallel_loop3A_541 = vector.broadcast %parallel_loop3A_533 : f32 to vector<16xf32>
        %parallel_loop3A_542 = arith.mulf %parallel_loop3A_539, %parallel_loop3A_541 : vector<16xf32>
        %parallel_loop3A_543 = arith.constant 8 : i32
        %parallel_loop3A_544 = arith.addi %parallel_loop3A_347, %parallel_loop3A_543 : i32
        %parallel_loop3A_545 = arith.index_cast %parallel_loop3A_544 : i32 to index
        %parallel_loop3A_546 = arith.constant 0 : index
        %parallel_loop3A_547 = tpu.vector_load %arg13[%parallel_loop3A_545, %parallel_loop3A_546] {strides = array<i32>} : memref<1024x32xf32, #tpu.memory_space<vmem>>, vector<16xf32>,
        tpu.vector_store %arg13[%parallel_loop3A_545, %parallel_loop3A_546], %parallel_loop3A_542 {strides = array<i32>} : memref<1024x32xf32, #tpu.memory_space<vmem>>, vector<16xf32>,
        %parallel_loop3A_548 = vector.broadcast %parallel_loop3A_533 : f32 to vector<16xf32>
        %parallel_loop3A_549 = arith.mulf %parallel_loop3A_540, %parallel_loop3A_548 : vector<16xf32>
        %parallel_loop3A_550 = arith.constant 8 : i32
        %parallel_loop3A_551 = arith.addi %parallel_loop3A_347, %parallel_loop3A_550 : i32
        %parallel_loop3A_552 = arith.index_cast %parallel_loop3A_551 : i32 to index
        %parallel_loop3A_553 = arith.constant 16 : index
        %parallel_loop3A_554 = tpu.vector_load %arg13[%parallel_loop3A_552, %parallel_loop3A_553] {strides = array<i32>} : memref<1024x32xf32, #tpu.memory_space<vmem>>, vector<16xf32>,
        tpu.vector_store %arg13[%parallel_loop3A_552, %parallel_loop3A_553], %parallel_loop3A_549 {strides = array<i32>} : memref<1024x32xf32, #tpu.memory_space<vmem>>, vector<16xf32>,
        %parallel_loop3A_555 = vector.extract_strided_slice %parallel_loop3A_337 {offsets = [9], sizes = [1], strides = [1]} : vector<16xf32> to vector<1xf32>
        %parallel_loop3A_556 = vector.extract %parallel_loop3A_555[0] : f32 from vector<1xf32>
        %parallel_loop3A_557 = arith.constant 9 : i32
        %parallel_loop3A_558 = arith.addi %parallel_loop3A_342, %parallel_loop3A_557 : i32
        %parallel_loop3A_559 = arith.index_cast %parallel_loop3A_558 : i32 to index
        %parallel_loop3A_560 = arith.constant 0 : index
        %parallel_loop3A_561 = tpu.vector_load %arg12[%parallel_loop3A_559, %parallel_loop3A_560] {strides = array<i32>} : memref<1536x32xbf16, #tpu.memory_space<vmem>>, vector<32xbf16>,
        %parallel_loop3A_562 = tpu.unpack_subelements %parallel_loop3A_561, 0 {pack_format = #tpu.pack_format<interleaved>} : vector<32xbf16> -> vector<16xf32>
        %parallel_loop3A_563 = tpu.unpack_subelements %parallel_loop3A_561, 1 {pack_format = #tpu.pack_format<interleaved>} : vector<32xbf16> -> vector<16xf32>
        %parallel_loop3A_564 = vector.broadcast %parallel_loop3A_556 : f32 to vector<16xf32>
        %parallel_loop3A_565 = arith.mulf %parallel_loop3A_562, %parallel_loop3A_564 : vector<16xf32>
        %parallel_loop3A_566 = arith.constant 9 : i32
        %parallel_loop3A_567 = arith.addi %parallel_loop3A_347, %parallel_loop3A_566 : i32
        %parallel_loop3A_568 = arith.index_cast %parallel_loop3A_567 : i32 to index
        %parallel_loop3A_569 = arith.constant 0 : index
        %parallel_loop3A_570 = tpu.vector_load %arg13[%parallel_loop3A_568, %parallel_loop3A_569] {strides = array<i32>} : memref<1024x32xf32, #tpu.memory_space<vmem>>, vector<16xf32>,
        tpu.vector_store %arg13[%parallel_loop3A_568, %parallel_loop3A_569], %parallel_loop3A_565 {strides = array<i32>} : memref<1024x32xf32, #tpu.memory_space<vmem>>, vector<16xf32>,
        %parallel_loop3A_571 = vector.broadcast %parallel_loop3A_556 : f32 to vector<16xf32>
        %parallel_loop3A_572 = arith.mulf %parallel_loop3A_563, %parallel_loop3A_571 : vector<16xf32>
        %parallel_loop3A_573 = arith.constant 9 : i32
        %parallel_loop3A_574 = arith.addi %parallel_loop3A_347, %parallel_loop3A_573 : i32
        %parallel_loop3A_575 = arith.index_cast %parallel_loop3A_574 : i32 to index
        %parallel_loop3A_576 = arith.constant 16 : index
        %parallel_loop3A_577 = tpu.vector_load %arg13[%parallel_loop3A_575, %parallel_loop3A_576] {strides = array<i32>} : memref<1024x32xf32, #tpu.memory_space<vmem>>, vector<16xf32>,
        tpu.vector_store %arg13[%parallel_loop3A_575, %parallel_loop3A_576], %parallel_loop3A_572 {strides = array<i32>} : memref<1024x32xf32, #tpu.memory_space<vmem>>, vector<16xf32>,
        %parallel_loop3A_578 = vector.extract_strided_slice %parallel_loop3A_337 {offsets = [10], sizes = [1], strides = [1]} : vector<16xf32> to vector<1xf32>
        %parallel_loop3A_579 = vector.extract %parallel_loop3A_578[0] : f32 from vector<1xf32>
        %parallel_loop3A_580 = arith.constant 10 : i32
        %parallel_loop3A_581 = arith.addi %parallel_loop3A_342, %parallel_loop3A_580 : i32
        %parallel_loop3A_582 = arith.index_cast %parallel_loop3A_581 : i32 to index
        %parallel_loop3A_583 = arith.constant 0 : index
        %parallel_loop3A_584 = tpu.vector_load %arg12[%parallel_loop3A_582, %parallel_loop3A_583] {strides = array<i32>} : memref<1536x32xbf16, #tpu.memory_space<vmem>>, vector<32xbf16>,
        %parallel_loop3A_585 = tpu.unpack_subelements %parallel_loop3A_584, 0 {pack_format = #tpu.pack_format<interleaved>} : vector<32xbf16> -> vector<16xf32>
        %parallel_loop3A_586 = tpu.unpack_subelements %parallel_loop3A_584, 1 {pack_format = #tpu.pack_format<interleaved>} : vector<32xbf16> -> vector<16xf32>
        %parallel_loop3A_587 = vector.broadcast %parallel_loop3A_579 : f32 to vector<16xf32>
        %parallel_loop3A_588 = arith.mulf %parallel_loop3A_585, %parallel_loop3A_587 : vector<16xf32>
        %parallel_loop3A_589 = arith.constant 10 : i32
        %parallel_loop3A_590 = arith.addi %parallel_loop3A_347, %parallel_loop3A_589 : i32
        %parallel_loop3A_591 = arith.index_cast %parallel_loop3A_590 : i32 to index
        %parallel_loop3A_592 = arith.constant 0 : index
        %parallel_loop3A_593 = tpu.vector_load %arg13[%parallel_loop3A_591, %parallel_loop3A_592] {strides = array<i32>} : memref<1024x32xf32, #tpu.memory_space<vmem>>, vector<16xf32>,
        tpu.vector_store %arg13[%parallel_loop3A_591, %parallel_loop3A_592], %parallel_loop3A_588 {strides = array<i32>} : memref<1024x32xf32, #tpu.memory_space<vmem>>, vector<16xf32>,
        %parallel_loop3A_594 = vector.broadcast %parallel_loop3A_579 : f32 to vector<16xf32>
        %parallel_loop3A_595 = arith.mulf %parallel_loop3A_586, %parallel_loop3A_594 : vector<16xf32>
        %parallel_loop3A_596 = arith.constant 10 : i32
        %parallel_loop3A_597 = arith.addi %parallel_loop3A_347, %parallel_loop3A_596 : i32
        %parallel_loop3A_598 = arith.index_cast %parallel_loop3A_597 : i32 to index
        %parallel_loop3A_599 = arith.constant 16 : index
        %parallel_loop3A_600 = tpu.vector_load %arg13[%parallel_loop3A_598, %parallel_loop3A_599] {strides = array<i32>} : memref<1024x32xf32, #tpu.memory_space<vmem>>, vector<16xf32>,
        tpu.vector_store %arg13[%parallel_loop3A_598, %parallel_loop3A_599], %parallel_loop3A_595 {strides = array<i32>} : memref<1024x32xf32, #tpu.memory_space<vmem>>, vector<16xf32>,
        %parallel_loop3A_601 = vector.extract_strided_slice %parallel_loop3A_337 {offsets = [11], sizes = [1], strides = [1]} : vector<16xf32> to vector<1xf32>
        %parallel_loop3A_602 = vector.extract %parallel_loop3A_601[0] : f32 from vector<1xf32>
        %parallel_loop3A_603 = arith.constant 11 : i32
        %parallel_loop3A_604 = arith.addi %parallel_loop3A_342, %parallel_loop3A_603 : i32
        %parallel_loop3A_605 = arith.index_cast %parallel_loop3A_604 : i32 to index
        %parallel_loop3A_606 = arith.constant 0 : index
        %parallel_loop3A_607 = tpu.vector_load %arg12[%parallel_loop3A_605, %parallel_loop3A_606] {strides = array<i32>} : memref<1536x32xbf16, #tpu.memory_space<vmem>>, vector<32xbf16>,
        %parallel_loop3A_608 = tpu.unpack_subelements %parallel_loop3A_607, 0 {pack_format = #tpu.pack_format<interleaved>} : vector<32xbf16> -> vector<16xf32>
        %parallel_loop3A_609 = tpu.unpack_subelements %parallel_loop3A_607, 1 {pack_format = #tpu.pack_format<interleaved>} : vector<32xbf16> -> vector<16xf32>
        %parallel_loop3A_610 = vector.broadcast %parallel_loop3A_602 : f32 to vector<16xf32>
        %parallel_loop3A_611 = arith.mulf %parallel_loop3A_608, %parallel_loop3A_610 : vector<16xf32>
        %parallel_loop3A_612 = arith.constant 11 : i32
        %parallel_loop3A_613 = arith.addi %parallel_loop3A_347, %parallel_loop3A_612 : i32
        %parallel_loop3A_614 = arith.index_cast %parallel_loop3A_613 : i32 to index
        %parallel_loop3A_615 = arith.constant 0 : index
        %parallel_loop3A_616 = tpu.vector_load %arg13[%parallel_loop3A_614, %parallel_loop3A_615] {strides = array<i32>} : memref<1024x32xf32, #tpu.memory_space<vmem>>, vector<16xf32>,
        tpu.vector_store %arg13[%parallel_loop3A_614, %parallel_loop3A_615], %parallel_loop3A_611 {strides = array<i32>} : memref<1024x32xf32, #tpu.memory_space<vmem>>, vector<16xf32>,
        %parallel_loop3A_617 = vector.broadcast %parallel_loop3A_602 : f32 to vector<16xf32>
        %parallel_loop3A_618 = arith.mulf %parallel_loop3A_609, %parallel_loop3A_617 : vector<16xf32>
        %parallel_loop3A_619 = arith.constant 11 : i32
        %parallel_loop3A_620 = arith.addi %parallel_loop3A_347, %parallel_loop3A_619 : i32
        %parallel_loop3A_621 = arith.index_cast %parallel_loop3A_620 : i32 to index
        %parallel_loop3A_622 = arith.constant 16 : index
        %parallel_loop3A_623 = tpu.vector_load %arg13[%parallel_loop3A_621, %parallel_loop3A_622] {strides = array<i32>} : memref<1024x32xf32, #tpu.memory_space<vmem>>, vector<16xf32>,
        tpu.vector_store %arg13[%parallel_loop3A_621, %parallel_loop3A_622], %parallel_loop3A_618 {strides = array<i32>} : memref<1024x32xf32, #tpu.memory_space<vmem>>, vector<16xf32>,
        %parallel_loop3A_624 = vector.extract_strided_slice %parallel_loop3A_337 {offsets = [12], sizes = [1], strides = [1]} : vector<16xf32> to vector<1xf32>
        %parallel_loop3A_625 = vector.extract %parallel_loop3A_624[0] : f32 from vector<1xf32>
        %parallel_loop3A_626 = arith.constant 12 : i32
        %parallel_loop3A_627 = arith.addi %parallel_loop3A_342, %parallel_loop3A_626 : i32
        %parallel_loop3A_628 = arith.index_cast %parallel_loop3A_627 : i32 to index
        %parallel_loop3A_629 = arith.constant 0 : index
        %parallel_loop3A_630 = tpu.vector_load %arg12[%parallel_loop3A_628, %parallel_loop3A_629] {strides = array<i32>} : memref<1536x32xbf16, #tpu.memory_space<vmem>>, vector<32xbf16>,
        %parallel_loop3A_631 = tpu.unpack_subelements %parallel_loop3A_630, 0 {pack_format = #tpu.pack_format<interleaved>} : vector<32xbf16> -> vector<16xf32>
        %parallel_loop3A_632 = tpu.unpack_subelements %parallel_loop3A_630, 1 {pack_format = #tpu.pack_format<interleaved>} : vector<32xbf16> -> vector<16xf32>
        %parallel_loop3A_633 = vector.broadcast %parallel_loop3A_625 : f32 to vector<16xf32>
        %parallel_loop3A_634 = arith.mulf %parallel_loop3A_631, %parallel_loop3A_633 : vector<16xf32>
        %parallel_loop3A_635 = arith.constant 12 : i32
        %parallel_loop3A_636 = arith.addi %parallel_loop3A_347, %parallel_loop3A_635 : i32
        %parallel_loop3A_637 = arith.index_cast %parallel_loop3A_636 : i32 to index
        %parallel_loop3A_638 = arith.constant 0 : index
        %parallel_loop3A_639 = tpu.vector_load %arg13[%parallel_loop3A_637, %parallel_loop3A_638] {strides = array<i32>} : memref<1024x32xf32, #tpu.memory_space<vmem>>, vector<16xf32>,
        tpu.vector_store %arg13[%parallel_loop3A_637, %parallel_loop3A_638], %parallel_loop3A_634 {strides = array<i32>} : memref<1024x32xf32, #tpu.memory_space<vmem>>, vector<16xf32>,
        %parallel_loop3A_640 = vector.broadcast %parallel_loop3A_625 : f32 to vector<16xf32>
        %parallel_loop3A_641 = arith.mulf %parallel_loop3A_632, %parallel_loop3A_640 : vector<16xf32>
        %parallel_loop3A_642 = arith.constant 12 : i32
        %parallel_loop3A_643 = arith.addi %parallel_loop3A_347, %parallel_loop3A_642 : i32
        %parallel_loop3A_644 = arith.index_cast %parallel_loop3A_643 : i32 to index
        %parallel_loop3A_645 = arith.constant 16 : index
        %parallel_loop3A_646 = tpu.vector_load %arg13[%parallel_loop3A_644, %parallel_loop3A_645] {strides = array<i32>} : memref<1024x32xf32, #tpu.memory_space<vmem>>, vector<16xf32>,
        tpu.vector_store %arg13[%parallel_loop3A_644, %parallel_loop3A_645], %parallel_loop3A_641 {strides = array<i32>} : memref<1024x32xf32, #tpu.memory_space<vmem>>, vector<16xf32>,
        %parallel_loop3A_647 = vector.extract_strided_slice %parallel_loop3A_337 {offsets = [13], sizes = [1], strides = [1]} : vector<16xf32> to vector<1xf32>
        %parallel_loop3A_648 = vector.extract %parallel_loop3A_647[0] : f32 from vector<1xf32>
        %parallel_loop3A_649 = arith.constant 13 : i32
        %parallel_loop3A_650 = arith.addi %parallel_loop3A_342, %parallel_loop3A_649 : i32
        %parallel_loop3A_651 = arith.index_cast %parallel_loop3A_650 : i32 to index
        %parallel_loop3A_652 = arith.constant 0 : index
        %parallel_loop3A_653 = tpu.vector_load %arg12[%parallel_loop3A_651, %parallel_loop3A_652] {strides = array<i32>} : memref<1536x32xbf16, #tpu.memory_space<vmem>>, vector<32xbf16>,
        %parallel_loop3A_654 = tpu.unpack_subelements %parallel_loop3A_653, 0 {pack_format = #tpu.pack_format<interleaved>} : vector<32xbf16> -> vector<16xf32>
        %parallel_loop3A_655 = tpu.unpack_subelements %parallel_loop3A_653, 1 {pack_format = #tpu.pack_format<interleaved>} : vector<32xbf16> -> vector<16xf32>
        %parallel_loop3A_656 = vector.broadcast %parallel_loop3A_648 : f32 to vector<16xf32>
        %parallel_loop3A_657 = arith.mulf %parallel_loop3A_654, %parallel_loop3A_656 : vector<16xf32>
        %parallel_loop3A_658 = arith.constant 13 : i32
        %parallel_loop3A_659 = arith.addi %parallel_loop3A_347, %parallel_loop3A_658 : i32
        %parallel_loop3A_660 = arith.index_cast %parallel_loop3A_659 : i32 to index
        %parallel_loop3A_661 = arith.constant 0 : index
        %parallel_loop3A_662 = tpu.vector_load %arg13[%parallel_loop3A_660, %parallel_loop3A_661] {strides = array<i32>} : memref<1024x32xf32, #tpu.memory_space<vmem>>, vector<16xf32>,
        tpu.vector_store %arg13[%parallel_loop3A_660, %parallel_loop3A_661], %parallel_loop3A_657 {strides = array<i32>} : memref<1024x32xf32, #tpu.memory_space<vmem>>, vector<16xf32>,
        %parallel_loop3A_663 = vector.broadcast %parallel_loop3A_648 : f32 to vector<16xf32>
        %parallel_loop3A_664 = arith.mulf %parallel_loop3A_655, %parallel_loop3A_663 : vector<16xf32>
        %parallel_loop3A_665 = arith.constant 13 : i32
        %parallel_loop3A_666 = arith.addi %parallel_loop3A_347, %parallel_loop3A_665 : i32
        %parallel_loop3A_667 = arith.index_cast %parallel_loop3A_666 : i32 to index
        %parallel_loop3A_668 = arith.constant 16 : index
        %parallel_loop3A_669 = tpu.vector_load %arg13[%parallel_loop3A_667, %parallel_loop3A_668] {strides = array<i32>} : memref<1024x32xf32, #tpu.memory_space<vmem>>, vector<16xf32>,
        tpu.vector_store %arg13[%parallel_loop3A_667, %parallel_loop3A_668], %parallel_loop3A_664 {strides = array<i32>} : memref<1024x32xf32, #tpu.memory_space<vmem>>, vector<16xf32>,
        %parallel_loop3A_670 = vector.extract_strided_slice %parallel_loop3A_337 {offsets = [14], sizes = [1], strides = [1]} : vector<16xf32> to vector<1xf32>
        %parallel_loop3A_671 = vector.extract %parallel_loop3A_670[0] : f32 from vector<1xf32>
        %parallel_loop3A_672 = arith.constant 14 : i32
        %parallel_loop3A_673 = arith.addi %parallel_loop3A_342, %parallel_loop3A_672 : i32
        %parallel_loop3A_674 = arith.index_cast %parallel_loop3A_673 : i32 to index
        %parallel_loop3A_675 = arith.constant 0 : index
        %parallel_loop3A_676 = tpu.vector_load %arg12[%parallel_loop3A_674, %parallel_loop3A_675] {strides = array<i32>} : memref<1536x32xbf16, #tpu.memory_space<vmem>>, vector<32xbf16>,
        %parallel_loop3A_677 = tpu.unpack_subelements %parallel_loop3A_676, 0 {pack_format = #tpu.pack_format<interleaved>} : vector<32xbf16> -> vector<16xf32>
        %parallel_loop3A_678 = tpu.unpack_subelements %parallel_loop3A_676, 1 {pack_format = #tpu.pack_format<interleaved>} : vector<32xbf16> -> vector<16xf32>
        %parallel_loop3A_679 = vector.broadcast %parallel_loop3A_671 : f32 to vector<16xf32>
        %parallel_loop3A_680 = arith.mulf %parallel_loop3A_677, %parallel_loop3A_679 : vector<16xf32>
        %parallel_loop3A_681 = arith.constant 14 : i32
        %parallel_loop3A_682 = arith.addi %parallel_loop3A_347, %parallel_loop3A_681 : i32
        %parallel_loop3A_683 = arith.index_cast %parallel_loop3A_682 : i32 to index
        %parallel_loop3A_684 = arith.constant 0 : index
        %parallel_loop3A_685 = tpu.vector_load %arg13[%parallel_loop3A_683, %parallel_loop3A_684] {strides = array<i32>} : memref<1024x32xf32, #tpu.memory_space<vmem>>, vector<16xf32>,
        tpu.vector_store %arg13[%parallel_loop3A_683, %parallel_loop3A_684], %parallel_loop3A_680 {strides = array<i32>} : memref<1024x32xf32, #tpu.memory_space<vmem>>, vector<16xf32>,
        %parallel_loop3A_686 = vector.broadcast %parallel_loop3A_671 : f32 to vector<16xf32>
        %parallel_loop3A_687 = arith.mulf %parallel_loop3A_678, %parallel_loop3A_686 : vector<16xf32>
        %parallel_loop3A_688 = arith.constant 14 : i32
        %parallel_loop3A_689 = arith.addi %parallel_loop3A_347, %parallel_loop3A_688 : i32
        %parallel_loop3A_690 = arith.index_cast %parallel_loop3A_689 : i32 to index
        %parallel_loop3A_691 = arith.constant 16 : index
        %parallel_loop3A_692 = tpu.vector_load %arg13[%parallel_loop3A_690, %parallel_loop3A_691] {strides = array<i32>} : memref<1024x32xf32, #tpu.memory_space<vmem>>, vector<16xf32>,
        tpu.vector_store %arg13[%parallel_loop3A_690, %parallel_loop3A_691], %parallel_loop3A_687 {strides = array<i32>} : memref<1024x32xf32, #tpu.memory_space<vmem>>, vector<16xf32>,
        %parallel_loop3A_693 = vector.extract_strided_slice %parallel_loop3A_337 {offsets = [15], sizes = [1], strides = [1]} : vector<16xf32> to vector<1xf32>
        %parallel_loop3A_694 = vector.extract %parallel_loop3A_693[0] : f32 from vector<1xf32>
        %parallel_loop3A_695 = arith.constant 15 : i32
        %parallel_loop3A_696 = arith.addi %parallel_loop3A_342, %parallel_loop3A_695 : i32
        %parallel_loop3A_697 = arith.index_cast %parallel_loop3A_696 : i32 to index
        %parallel_loop3A_698 = arith.constant 0 : index
        %parallel_loop3A_699 = tpu.vector_load %arg12[%parallel_loop3A_697, %parallel_loop3A_698] {strides = array<i32>} : memref<1536x32xbf16, #tpu.memory_space<vmem>>, vector<32xbf16>,
        %parallel_loop3A_700 = tpu.unpack_subelements %parallel_loop3A_699, 0 {pack_format = #tpu.pack_format<interleaved>} : vector<32xbf16> -> vector<16xf32>
        %parallel_loop3A_701 = tpu.unpack_subelements %parallel_loop3A_699, 1 {pack_format = #tpu.pack_format<interleaved>} : vector<32xbf16> -> vector<16xf32>
        %parallel_loop3A_702 = vector.broadcast %parallel_loop3A_694 : f32 to vector<16xf32>
        %parallel_loop3A_703 = arith.mulf %parallel_loop3A_700, %parallel_loop3A_702 : vector<16xf32>
        %parallel_loop3A_704 = arith.constant 15 : i32
        %parallel_loop3A_705 = arith.addi %parallel_loop3A_347, %parallel_loop3A_704 : i32
        %parallel_loop3A_706 = arith.index_cast %parallel_loop3A_705 : i32 to index
        %parallel_loop3A_707 = arith.constant 0 : index
        %parallel_loop3A_708 = tpu.vector_load %arg13[%parallel_loop3A_706, %parallel_loop3A_707] {strides = array<i32>} : memref<1024x32xf32, #tpu.memory_space<vmem>>, vector<16xf32>,
        tpu.vector_store %arg13[%parallel_loop3A_706, %parallel_loop3A_707], %parallel_loop3A_703 {strides = array<i32>} : memref<1024x32xf32, #tpu.memory_space<vmem>>, vector<16xf32>,
        %parallel_loop3A_709 = vector.broadcast %parallel_loop3A_694 : f32 to vector<16xf32>
        %parallel_loop3A_710 = arith.mulf %parallel_loop3A_701, %parallel_loop3A_709 : vector<16xf32>
        %parallel_loop3A_711 = arith.constant 15 : i32
        %parallel_loop3A_712 = arith.addi %parallel_loop3A_347, %parallel_loop3A_711 : i32
        %parallel_loop3A_713 = arith.index_cast %parallel_loop3A_712 : i32 to index
        %parallel_loop3A_714 = arith.constant 16 : index
        %parallel_loop3A_715 = tpu.vector_load %arg13[%parallel_loop3A_713, %parallel_loop3A_714] {strides = array<i32>} : memref<1024x32xf32, #tpu.memory_space<vmem>>, vector<16xf32>,
        tpu.vector_store %arg13[%parallel_loop3A_713, %parallel_loop3A_714], %parallel_loop3A_710 {strides = array<i32>} : memref<1024x32xf32, #tpu.memory_space<vmem>>, vector<16xf32>,
      } {sc.loop_unroll_factor = 1 : i64, sc.parallel_access}
      %ge3A = arith.constant 1 : i32
      %ge3A_262 = arith.cmpi sge, %scan3A_199, %ge3A : i32
      %convert_element_type3A_263 = arith.extui %ge3A_262 : i1 to i32
      %cond3A_264 = arith.constant 0 : i32
      %cond3A_265 = arith.cmpi ne, %convert_element_type3A_263, %cond3A_264 : i32
      scf.if %cond3A_265 {
        %add3A_330 = arith.constant 1 : i32
        %add3A_331 = arith.addi %scan3A_199, %add3A_330 : i32
        %rem3A_332 = arith.constant 2 : i32
        %rem3A_333 = arith.remsi %add3A_331, %rem3A_332 : i32
        %mul3A_334 = arith.constant 512 : i32
        %mul3A_335 = arith.muli %rem3A_333, %mul3A_334 : i32
        %add3A_336 = arith.constant 0 : i32
        %add3A_337 = arith.addi %mul3A_335, %add3A_336 : i32
        %dma_wait3A_338 = arith.constant 0 : i32
        %dma_wait3A_339 = arith.constant 0 : i32
        %dma_wait3A_340 = tpu.memref_slice %arg13[%add3A_337, %dma_wait3A_339] : memref<1024x32xf32, #tpu.memory_space<vmem>> -> memref<128x32xf32, #tpu.memory_space<vmem>>
        %dma_wait3A_341 = arith.constant 0 : i32
        %dma_wait3A_342 = tpu.memref_slice %arg10[%dma_wait3A_338, %dma_wait3A_341] : memref<52x128xi32, #tpu.memory_space<vmem>> -> memref<1x128xi32, #tpu.memory_space<vmem>>
        %dma_wait3A_343 = tpu.memref_squeeze %dma_wait3A_342 : memref<1x128xi32, #tpu.memory_space<vmem>> -> memref<128xi32, #tpu.memory_space<vmem>>
        %dma_wait3A_344 = arith.constant 0 : i32
        %dma_wait3A_345 = arith.constant 0 : i32
        %dma_wait3A_346 = tpu.memref_slice %arg14[%dma_wait3A_344, %dma_wait3A_345] : memref<20000x32xf32, #tpu.memory_space<vmem_shared>> -> memref<20000x32xf32, #tpu.memory_space<vmem_shared>>
        tpu.wait_indirect_dma semaphore(%arg16 : memref<!tpu.dma_semaphore, #tpu.memory_space<semaphore_mem>>) src(%dma_wait3A_340 : memref<128x32xf32, #tpu.memory_space<vmem>>) dst(%dma_wait3A_346 : memref<20000x32xf32, #tpu.memory_space<vmem_shared>>)
        %mul3A_347 = arith.constant 512 : i32
        %mul3A_348 = arith.muli %rem3A_333, %mul3A_347 : i32
        %add3A_349 = arith.constant 128 : i32
        %add3A_350 = arith.addi %mul3A_348, %add3A_349 : i32
        %dma_wait3A_351 = arith.constant 1 : i32
        %dma_wait3A_352 = arith.constant 0 : i32
        %dma_wait3A_353 = tpu.memref_slice %arg13[%add3A_350, %dma_wait3A_352] : memref<1024x32xf32, #tpu.memory_space<vmem>> -> memref<128x32xf32, #tpu.memory_space<vmem>>
        %dma_wait3A_354 = arith.constant 0 : i32
        %dma_wait3A_355 = tpu.memref_slice %arg10[%dma_wait3A_351, %dma_wait3A_354] : memref<52x128xi32, #tpu.memory_space<vmem>> -> memref<1x128xi32, #tpu.memory_space<vmem>>
        %dma_wait3A_356 = tpu.memref_squeeze %dma_wait3A_355 : memref<1x128xi32, #tpu.memory_space<vmem>> -> memref<128xi32, #tpu.memory_space<vmem>>
        %dma_wait3A_357 = arith.constant 0 : i32
        %dma_wait3A_358 = arith.constant 0 : i32
        %dma_wait3A_359 = tpu.memref_slice %arg14[%dma_wait3A_357, %dma_wait3A_358] : memref<20000x32xf32, #tpu.memory_space<vmem_shared>> -> memref<20000x32xf32, #tpu.memory_space<vmem_shared>>
        tpu.wait_indirect_dma semaphore(%arg16 : memref<!tpu.dma_semaphore, #tpu.memory_space<semaphore_mem>>) src(%dma_wait3A_353 : memref<128x32xf32, #tpu.memory_space<vmem>>) dst(%dma_wait3A_359 : memref<20000x32xf32, #tpu.memory_space<vmem_shared>>)
        %mul3A_360 = arith.constant 512 : i32
        %mul3A_361 = arith.muli %rem3A_333, %mul3A_360 : i32
        %add3A_362 = arith.constant 256 : i32
        %add3A_363 = arith.addi %mul3A_361, %add3A_362 : i32
        %dma_wait3A_364 = arith.constant 2 : i32
        %dma_wait3A_365 = arith.constant 0 : i32
        %dma_wait3A_366 = tpu.memref_slice %arg13[%add3A_363, %dma_wait3A_365] : memref<1024x32xf32, #tpu.memory_space<vmem>> -> memref<128x32xf32, #tpu.memory_space<vmem>>
        %dma_wait3A_367 = arith.constant 0 : i32
        %dma_wait3A_368 = tpu.memref_slice %arg10[%dma_wait3A_364, %dma_wait3A_367] : memref<52x128xi32, #tpu.memory_space<vmem>> -> memref<1x128xi32, #tpu.memory_space<vmem>>
        %dma_wait3A_369 = tpu.memref_squeeze %dma_wait3A_368 : memref<1x128xi32, #tpu.memory_space<vmem>> -> memref<128xi32, #tpu.memory_space<vmem>>
        %dma_wait3A_370 = arith.constant 0 : i32
        %dma_wait3A_371 = arith.constant 0 : i32
        %dma_wait3A_372 = tpu.memref_slice %arg14[%dma_wait3A_370, %dma_wait3A_371] : memref<20000x32xf32, #tpu.memory_space<vmem_shared>> -> memref<20000x32xf32, #tpu.memory_space<vmem_shared>>
        tpu.wait_indirect_dma semaphore(%arg16 : memref<!tpu.dma_semaphore, #tpu.memory_space<semaphore_mem>>) src(%dma_wait3A_366 : memref<128x32xf32, #tpu.memory_space<vmem>>) dst(%dma_wait3A_372 : memref<20000x32xf32, #tpu.memory_space<vmem_shared>>)
        %mul3A_373 = arith.constant 512 : i32
        %mul3A_374 = arith.muli %rem3A_333, %mul3A_373 : i32
        %add3A_375 = arith.constant 384 : i32
        %add3A_376 = arith.addi %mul3A_374, %add3A_375 : i32
        %dma_wait3A_377 = arith.constant 3 : i32
        %dma_wait3A_378 = arith.constant 0 : i32
        %dma_wait3A_379 = tpu.memref_slice %arg13[%add3A_376, %dma_wait3A_378] : memref<1024x32xf32, #tpu.memory_space<vmem>> -> memref<128x32xf32, #tpu.memory_space<vmem>>
        %dma_wait3A_380 = arith.constant 0 : i32
        %dma_wait3A_381 = tpu.memref_slice %arg10[%dma_wait3A_377, %dma_wait3A_380] : memref<52x128xi32, #tpu.memory_space<vmem>> -> memref<1x128xi32, #tpu.memory_space<vmem>>
        %dma_wait3A_382 = tpu.memref_squeeze %dma_wait3A_381 : memref<1x128xi32, #tpu.memory_space<vmem>> -> memref<128xi32, #tpu.memory_space<vmem>>
        %dma_wait3A_383 = arith.constant 0 : i32
        %dma_wait3A_384 = arith.constant 0 : i32
        %dma_wait3A_385 = tpu.memref_slice %arg14[%dma_wait3A_383, %dma_wait3A_384] : memref<20000x32xf32, #tpu.memory_space<vmem_shared>> -> memref<20000x32xf32, #tpu.memory_space<vmem_shared>>
        tpu.wait_indirect_dma semaphore(%arg16 : memref<!tpu.dma_semaphore, #tpu.memory_space<semaphore_mem>>) src(%dma_wait3A_379 : memref<128x32xf32, #tpu.memory_space<vmem>>) dst(%dma_wait3A_385 : memref<20000x32xf32, #tpu.memory_space<vmem_shared>>)
      } else {
      }
      %mul3A_266 = arith.constant 512 : i32
      %mul3A_267 = arith.muli %rem3A_203, %mul3A_266 : i32
      %add3A_268 = arith.constant 0 : i32
      %add3A_269 = arith.addi %mul3A_267, %add3A_268 : i32
      %mul3A_270 = arith.constant 4 : i32
      %mul3A_271 = arith.muli %scan3A_199, %mul3A_270 : i32
      %add3A_272 = arith.constant 0 : i32
      %add3A_273 = arith.addi %mul3A_271, %add3A_272 : i32
      %dma_start3A_274 = arith.constant 0 : i32
      %dma_start3A_275 = tpu.memref_slice %arg13[%add3A_269, %dma_start3A_274] : memref<1024x32xf32, #tpu.memory_space<vmem>> -> memref<128x32xf32, #tpu.memory_space<vmem>>
      %dma_start3A_276 = arith.constant 0 : i32
      %dma_start3A_277 = tpu.memref_slice %arg10[%add3A_273, %dma_start3A_276] : memref<52x128xi32, #tpu.memory_space<vmem>> -> memref<1x128xi32, #tpu.memory_space<vmem>>
      %dma_start3A_278 = tpu.memref_squeeze %dma_start3A_277 : memref<1x128xi32, #tpu.memory_space<vmem>> -> memref<128xi32, #tpu.memory_space<vmem>>
      %dma_start3A_279 = arith.constant 0 : i32
      %dma_start3A_280 = arith.constant 0 : i32
      %dma_start3A_281 = tpu.memref_slice %arg14[%dma_start3A_279, %dma_start3A_280] : memref<20000x32xf32, #tpu.memory_space<vmem_shared>> -> memref<20000x32xf32, #tpu.memory_space<vmem_shared>>
      tpu.enqueue_indirect_dma source(%dma_start3A_275 : memref<128x32xf32, #tpu.memory_space<vmem>>) target(%dma_start3A_281 : memref<20000x32xf32, #tpu.memory_space<vmem_shared>>) offsets(%dma_start3A_278 : memref<128xi32, #tpu.memory_space<vmem>>) semaphore(%arg16 : memref<!tpu.dma_semaphore, #tpu.memory_space<semaphore_mem>>) {add = true}
      %mul3A_282 = arith.constant 512 : i32
      %mul3A_283 = arith.muli %rem3A_203, %mul3A_282 : i32
      %add3A_284 = arith.constant 128 : i32
      %add3A_285 = arith.addi %mul3A_283, %add3A_284 : i32
      %mul3A_286 = arith.constant 4 : i32
      %mul3A_287 = arith.muli %scan3A_199, %mul3A_286 : i32
      %add3A_288 = arith.constant 1 : i32
      %add3A_289 = arith.addi %mul3A_287, %add3A_288 : i32
      %dma_start3A_290 = arith.constant 0 : i32
      %dma_start3A_291 = tpu.memref_slice %arg13[%add3A_285, %dma_start3A_290] : memref<1024x32xf32, #tpu.memory_space<vmem>> -> memref<128x32xf32, #tpu.memory_space<vmem>>
      %dma_start3A_292 = arith.constant 0 : i32
      %dma_start3A_293 = tpu.memref_slice %arg10[%add3A_289, %dma_start3A_292] : memref<52x128xi32, #tpu.memory_space<vmem>> -> memref<1x128xi32, #tpu.memory_space<vmem>>
      %dma_start3A_294 = tpu.memref_squeeze %dma_start3A_293 : memref<1x128xi32, #tpu.memory_space<vmem>> -> memref<128xi32, #tpu.memory_space<vmem>>
      %dma_start3A_295 = arith.constant 0 : i32
      %dma_start3A_296 = arith.constant 0 : i32
      %dma_start3A_297 = tpu.memref_slice %arg14[%dma_start3A_295, %dma_start3A_296] : memref<20000x32xf32, #tpu.memory_space<vmem_shared>> -> memref<20000x32xf32, #tpu.memory_space<vmem_shared>>
      tpu.enqueue_indirect_dma source(%dma_start3A_291 : memref<128x32xf32, #tpu.memory_space<vmem>>) target(%dma_start3A_297 : memref<20000x32xf32, #tpu.memory_space<vmem_shared>>) offsets(%dma_start3A_294 : memref<128xi32, #tpu.memory_space<vmem>>) semaphore(%arg16 : memref<!tpu.dma_semaphore, #tpu.memory_space<semaphore_mem>>) {add = true}
      %mul3A_298 = arith.constant 512 : i32
      %mul3A_299 = arith.muli %rem3A_203, %mul3A_298 : i32
      %add3A_300 = arith.constant 256 : i32
      %add3A_301 = arith.addi %mul3A_299, %add3A_300 : i32
      %mul3A_302 = arith.constant 4 : i32
      %mul3A_303 = arith.muli %scan3A_199, %mul3A_302 : i32
      %add3A_304 = arith.constant 2 : i32
      %add3A_305 = arith.addi %mul3A_303, %add3A_304 : i32
      %dma_start3A_306 = arith.constant 0 : i32
      %dma_start3A_307 = tpu.memref_slice %arg13[%add3A_301, %dma_start3A_306] : memref<1024x32xf32, #tpu.memory_space<vmem>> -> memref<128x32xf32, #tpu.memory_space<vmem>>
      %dma_start3A_308 = arith.constant 0 : i32
      %dma_start3A_309 = tpu.memref_slice %arg10[%add3A_305, %dma_start3A_308] : memref<52x128xi32, #tpu.memory_space<vmem>> -> memref<1x128xi32, #tpu.memory_space<vmem>>
      %dma_start3A_310 = tpu.memref_squeeze %dma_start3A_309 : memref<1x128xi32, #tpu.memory_space<vmem>> -> memref<128xi32, #tpu.memory_space<vmem>>
      %dma_start3A_311 = arith.constant 0 : i32
      %dma_start3A_312 = arith.constant 0 : i32
      %dma_start3A_313 = tpu.memref_slice %arg14[%dma_start3A_311, %dma_start3A_312] : memref<20000x32xf32, #tpu.memory_space<vmem_shared>> -> memref<20000x32xf32, #tpu.memory_space<vmem_shared>>
      tpu.enqueue_indirect_dma source(%dma_start3A_307 : memref<128x32xf32, #tpu.memory_space<vmem>>) target(%dma_start3A_313 : memref<20000x32xf32, #tpu.memory_space<vmem_shared>>) offsets(%dma_start3A_310 : memref<128xi32, #tpu.memory_space<vmem>>) semaphore(%arg16 : memref<!tpu.dma_semaphore, #tpu.memory_space<semaphore_mem>>) {add = true}
      %mul3A_314 = arith.constant 512 : i32
      %mul3A_315 = arith.muli %rem3A_203, %mul3A_314 : i32
      %add3A_316 = arith.constant 384 : i32
      %add3A_317 = arith.addi %mul3A_315, %add3A_316 : i32
      %mul3A_318 = arith.constant 4 : i32
      %mul3A_319 = arith.muli %scan3A_199, %mul3A_318 : i32
      %add3A_320 = arith.constant 3 : i32
      %add3A_321 = arith.addi %mul3A_319, %add3A_320 : i32
      %dma_start3A_322 = arith.constant 0 : i32
      %dma_start3A_323 = tpu.memref_slice %arg13[%add3A_317, %dma_start3A_322] : memref<1024x32xf32, #tpu.memory_space<vmem>> -> memref<128x32xf32, #tpu.memory_space<vmem>>
      %dma_start3A_324 = arith.constant 0 : i32
      %dma_start3A_325 = tpu.memref_slice %arg10[%add3A_321, %dma_start3A_324] : memref<52x128xi32, #tpu.memory_space<vmem>> -> memref<1x128xi32, #tpu.memory_space<vmem>>
      %dma_start3A_326 = tpu.memref_squeeze %dma_start3A_325 : memref<1x128xi32, #tpu.memory_space<vmem>> -> memref<128xi32, #tpu.memory_space<vmem>>
      %dma_start3A_327 = arith.constant 0 : i32
      %dma_start3A_328 = arith.constant 0 : i32
      %dma_start3A_329 = tpu.memref_slice %arg14[%dma_start3A_327, %dma_start3A_328] : memref<20000x32xf32, #tpu.memory_space<vmem_shared>> -> memref<20000x32xf32, #tpu.memory_space<vmem_shared>>
      tpu.enqueue_indirect_dma source(%dma_start3A_323 : memref<128x32xf32, #tpu.memory_space<vmem>>) target(%dma_start3A_329 : memref<20000x32xf32, #tpu.memory_space<vmem_shared>>) offsets(%dma_start3A_326 : memref<128xi32, #tpu.memory_space<vmem>>) semaphore(%arg16 : memref<!tpu.dma_semaphore, #tpu.memory_space<semaphore_mem>>) {add = true}
    }
    %scan3A_137 = arith.constant 13 : i32
    %rem3A = arith.constant 12 : i32
    %rem3A_138 = arith.constant 2 : i32
    %rem3A_139 = arith.remsi %rem3A, %rem3A_138 : i32
    %mul3A_140 = arith.constant 512 : i32
    %mul3A_141 = arith.muli %rem3A_139, %mul3A_140 : i32
    %add3A_142 = arith.constant 0 : i32
    %add3A_143 = arith.addi %mul3A_141, %add3A_142 : i32
    %dma_wait3A = arith.constant 0 : i32
    %dma_wait3A_144 = arith.constant 0 : i32
    %dma_wait3A_145 = tpu.memref_slice %arg13[%add3A_143, %dma_wait3A_144] : memref<1024x32xf32, #tpu.memory_space<vmem>> -> memref<128x32xf32, #tpu.memory_space<vmem>>
    %dma_wait3A_146 = arith.constant 0 : i32
    %dma_wait3A_147 = tpu.memref_slice %arg10[%dma_wait3A, %dma_wait3A_146] : memref<52x128xi32, #tpu.memory_space<vmem>> -> memref<1x128xi32, #tpu.memory_space<vmem>>
    %dma_wait3A_148 = tpu.memref_squeeze %dma_wait3A_147 : memref<1x128xi32, #tpu.memory_space<vmem>> -> memref<128xi32, #tpu.memory_space<vmem>>
    %dma_wait3A_149 = arith.constant 0 : i32
    %dma_wait3A_150 = arith.constant 0 : i32
    %dma_wait3A_151 = tpu.memref_slice %arg14[%dma_wait3A_149, %dma_wait3A_150] : memref<20000x32xf32, #tpu.memory_space<vmem_shared>> -> memref<20000x32xf32, #tpu.memory_space<vmem_shared>>
    tpu.wait_indirect_dma semaphore(%arg16 : memref<!tpu.dma_semaphore, #tpu.memory_space<semaphore_mem>>) src(%dma_wait3A_145 : memref<128x32xf32, #tpu.memory_space<vmem>>) dst(%dma_wait3A_151 : memref<20000x32xf32, #tpu.memory_space<vmem_shared>>)
    %mul3A_152 = arith.constant 512 : i32
    %mul3A_153 = arith.muli %rem3A_139, %mul3A_152 : i32
    %add3A_154 = arith.constant 128 : i32
    %add3A_155 = arith.addi %mul3A_153, %add3A_154 : i32
    %dma_wait3A_156 = arith.constant 1 : i32
    %dma_wait3A_157 = arith.constant 0 : i32
    %dma_wait3A_158 = tpu.memref_slice %arg13[%add3A_155, %dma_wait3A_157] : memref<1024x32xf32, #tpu.memory_space<vmem>> -> memref<128x32xf32, #tpu.memory_space<vmem>>
    %dma_wait3A_159 = arith.constant 0 : i32
    %dma_wait3A_160 = tpu.memref_slice %arg10[%dma_wait3A_156, %dma_wait3A_159] : memref<52x128xi32, #tpu.memory_space<vmem>> -> memref<1x128xi32, #tpu.memory_space<vmem>>
    %dma_wait3A_161 = tpu.memref_squeeze %dma_wait3A_160 : memref<1x128xi32, #tpu.memory_space<vmem>> -> memref<128xi32, #tpu.memory_space<vmem>>
    %dma_wait3A_162 = arith.constant 0 : i32
    %dma_wait3A_163 = arith.constant 0 : i32
    %dma_wait3A_164 = tpu.memref_slice %arg14[%dma_wait3A_162, %dma_wait3A_163] : memref<20000x32xf32, #tpu.memory_space<vmem_shared>> -> memref<20000x32xf32, #tpu.memory_space<vmem_shared>>
    tpu.wait_indirect_dma semaphore(%arg16 : memref<!tpu.dma_semaphore, #tpu.memory_space<semaphore_mem>>) src(%dma_wait3A_158 : memref<128x32xf32, #tpu.memory_space<vmem>>) dst(%dma_wait3A_164 : memref<20000x32xf32, #tpu.memory_space<vmem_shared>>)
    %mul3A_165 = arith.constant 512 : i32
    %mul3A_166 = arith.muli %rem3A_139, %mul3A_165 : i32
    %add3A_167 = arith.constant 256 : i32
    %add3A_168 = arith.addi %mul3A_166, %add3A_167 : i32
    %dma_wait3A_169 = arith.constant 2 : i32
    %dma_wait3A_170 = arith.constant 0 : i32
    %dma_wait3A_171 = tpu.memref_slice %arg13[%add3A_168, %dma_wait3A_170] : memref<1024x32xf32, #tpu.memory_space<vmem>> -> memref<128x32xf32, #tpu.memory_space<vmem>>
    %dma_wait3A_172 = arith.constant 0 : i32
    %dma_wait3A_173 = tpu.memref_slice %arg10[%dma_wait3A_169, %dma_wait3A_172] : memref<52x128xi32, #tpu.memory_space<vmem>> -> memref<1x128xi32, #tpu.memory_space<vmem>>
    %dma_wait3A_174 = tpu.memref_squeeze %dma_wait3A_173 : memref<1x128xi32, #tpu.memory_space<vmem>> -> memref<128xi32, #tpu.memory_space<vmem>>
    %dma_wait3A_175 = arith.constant 0 : i32
    %dma_wait3A_176 = arith.constant 0 : i32
    %dma_wait3A_177 = tpu.memref_slice %arg14[%dma_wait3A_175, %dma_wait3A_176] : memref<20000x32xf32, #tpu.memory_space<vmem_shared>> -> memref<20000x32xf32, #tpu.memory_space<vmem_shared>>
    tpu.wait_indirect_dma semaphore(%arg16 : memref<!tpu.dma_semaphore, #tpu.memory_space<semaphore_mem>>) src(%dma_wait3A_171 : memref<128x32xf32, #tpu.memory_space<vmem>>) dst(%dma_wait3A_177 : memref<20000x32xf32, #tpu.memory_space<vmem_shared>>)
    %mul3A_178 = arith.constant 512 : i32
    %mul3A_179 = arith.muli %rem3A_139, %mul3A_178 : i32
    %add3A_180 = arith.constant 384 : i32
    %add3A_181 = arith.addi %mul3A_179, %add3A_180 : i32
    %dma_wait3A_182 = arith.constant 3 : i32
    %dma_wait3A_183 = arith.constant 0 : i32
    %dma_wait3A_184 = tpu.memref_slice %arg13[%add3A_181, %dma_wait3A_183] : memref<1024x32xf32, #tpu.memory_space<vmem>> -> memref<128x32xf32, #tpu.memory_space<vmem>>
    %dma_wait3A_185 = arith.constant 0 : i32
    %dma_wait3A_186 = tpu.memref_slice %arg10[%dma_wait3A_182, %dma_wait3A_185] : memref<52x128xi32, #tpu.memory_space<vmem>> -> memref<1x128xi32, #tpu.memory_space<vmem>>
    %dma_wait3A_187 = tpu.memref_squeeze %dma_wait3A_186 : memref<1x128xi32, #tpu.memory_space<vmem>> -> memref<128xi32, #tpu.memory_space<vmem>>
    %dma_wait3A_188 = arith.constant 0 : i32
    %dma_wait3A_189 = arith.constant 0 : i32
    %dma_wait3A_190 = tpu.memref_slice %arg14[%dma_wait3A_188, %dma_wait3A_189] : memref<20000x32xf32, #tpu.memory_space<vmem_shared>> -> memref<20000x32xf32, #tpu.memory_space<vmem_shared>>
    tpu.wait_indirect_dma semaphore(%arg16 : memref<!tpu.dma_semaphore, #tpu.memory_space<semaphore_mem>>) src(%dma_wait3A_184 : memref<128x32xf32, #tpu.memory_space<vmem>>) dst(%dma_wait3A_190 : memref<20000x32xf32, #tpu.memory_space<vmem_shared>>)
    %barrier3A_191 = arith.constant 0 : index
    tpu.barrier barrier_id(%barrier3A_191)
    %mul3A_192 = arith.constant 625 : i32
    %mul3A_193 = arith.muli %arg1, %mul3A_192 : i32
    %add3A_194 = arith.constant 0 : i32
    %add3A_195 = arith.addi %add3A_194, %mul3A_193 : i32
    %mul3A_196 = arith.constant 625 : i32
    %mul3A_197 = arith.muli %arg1, %mul3A_196 : i32
    "tpu.region"() ({
      %run_scoped3A_199 = tpu.sem_alloc : memref<!tpu.dma_semaphore, #tpu.memory_space<semaphore_mem>>
      %dma_start3A_200 = arith.constant 128 : i32
      %dma_start3A_201 = tpu.memref_slice %arg8[%arg0, %mul3A_197, %dma_start3A_200] : memref<2x10000x160xf32, #tpu.memory_space<hbm>> -> memref<1x625x32xf32, #tpu.memory_space<hbm>>
      %dma_start3A_202 = tpu.memref_squeeze %dma_start3A_201 : memref<1x625x32xf32, #tpu.memory_space<hbm>> -> memref<625x32xf32, #tpu.memory_space<hbm>>
      %dma_start3A_203 = arith.constant 0 : i32
      %dma_start3A_204 = tpu.memref_slice %arg14[%add3A_195, %dma_start3A_203] : memref<20000x32xf32, #tpu.memory_space<vmem_shared>> -> memref<625x32xf32, #tpu.memory_space<vmem_shared>>
      tpu.enqueue_dma source(%dma_start3A_204 : memref<625x32xf32, #tpu.memory_space<vmem_shared>>) target(%dma_start3A_202 : memref<625x32xf32, #tpu.memory_space<hbm>>) target_semaphore(%run_scoped3A_199 : memref<!tpu.dma_semaphore, #tpu.memory_space<semaphore_mem>>)
      %dma_wait3A_205 = arith.constant 128 : i32
      %dma_wait3A_206 = tpu.memref_slice %arg8[%arg0, %mul3A_197, %dma_wait3A_205] : memref<2x10000x160xf32, #tpu.memory_space<hbm>> -> memref<1x625x32xf32, #tpu.memory_space<hbm>>
      %dma_wait3A_207 = tpu.memref_squeeze %dma_wait3A_206 : memref<1x625x32xf32, #tpu.memory_space<hbm>> -> memref<625x32xf32, #tpu.memory_space<hbm>>
      %dma_wait3A_208 = arith.constant 0 : i32
      %dma_wait3A_209 = tpu.memref_slice %arg14[%add3A_195, %dma_wait3A_208] : memref<20000x32xf32, #tpu.memory_space<vmem_shared>> -> memref<625x32xf32, #tpu.memory_space<vmem_shared>>
      tpu.wait_dma2 semaphore(%run_scoped3A_199 : memref<!tpu.dma_semaphore, #tpu.memory_space<semaphore_mem>>) src(%dma_wait3A_209 : memref<625x32xf32, #tpu.memory_space<vmem_shared>>) dst(%dma_wait3A_207 : memref<625x32xf32, #tpu.memory_space<hbm>>)
      tpu.yield
    }) : () -> ()
    %barrier3A_198 = arith.constant 0 : index
    tpu.barrier barrier_id(%barrier3A_198)
    return
  }
}

module attributes {stable_mosaic.version = 14 : i64} {
  func.func @_mm_body(%arg0: i32, %arg1: memref<10000x128xf32, #tpu.memory_space<vmem>>, %arg2: memref<10000x128xf32, #tpu.memory_space<vmem>>, %arg3: memref<128x160xf32, #tpu.memory_space<vmem>>, %arg4: memref<10000x128xbf16, #tpu.memory_space<vmem>>, %arg5: memref<10000x32xbf16, #tpu.memory_space<vmem>>) attributes {dimension_semantics = [#tpu.dimension_semantics<arbitrary>], iteration_bounds = array<i64: 2>, scalar_prefetch = 0 : i64, scratch_operands = 0 : i64, tpu.core_type = #tpu.core_type<tc>, window_params = [{pipeline_mode = #tpu.pipeline_mode<synchronous>, transform_indices = @transform_0, window_bounds = array<i64: 10000, 128>}, {pipeline_mode = #tpu.pipeline_mode<synchronous>, transform_indices = @transform_1, window_bounds = array<i64: 10000, 128>}, {pipeline_mode = #tpu.pipeline_mode<synchronous>, transform_indices = @transform_2, window_bounds = array<i64: 128, 160>}, {transform_indices = @transform_3, window_bounds = array<i64: 10000, 128>}, {transform_indices = @transform_4, window_bounds = array<i64: 10000, 32>}]} {
    %eq3A = arith.constant 0 : i32
    %eq3A_0 = arith.cmpi eq, %arg0, %eq3A : i32
    %get3A = arith.constant 0 : index
    %get3A_1 = arith.constant 0 : index
    %get3A_2 = vector.load %arg2[%get3A, %get3A_1] : memref<10000x128xf32, #tpu.memory_space<vmem>>, vector<10000x128xf32>
    %get3A_3 = arith.constant 0 : index
    %get3A_4 = arith.constant 0 : index
    %get3A_5 = vector.load %arg1[%get3A_3, %get3A_4] : memref<10000x128xf32, #tpu.memory_space<vmem>>, vector<10000x128xf32>
    %select_n3A = arith.select %eq3A_0, %get3A_2, %get3A_5 : vector<10000x128xf32>
    %get3A_6 = arith.constant 0 : index
    %get3A_7 = arith.constant 0 : index
    %get3A_8 = vector.load %arg3[%get3A_6, %get3A_7] : memref<128x160xf32, #tpu.memory_space<vmem>>, vector<128x128xf32>
    %dot_general3A = arith.constant dense<0.000000e+00> : vector<10000x128xf32>
    %dot_general3A_9 = tpu.matmul %select_n3A, %get3A_8, %dot_general3A {dimension_numbers = #tpu.dot_dimension_numbers<[1], [0], [0], [1], [0, 0, 1, 1], [], []>, transpose_lhs_hint = false} : vector<10000x128xf32>, vector<128x128xf32>, vector<10000x128xf32> -> vector<10000x128xf32>
    %convert_element_type3A = arith.truncf %dot_general3A_9 : vector<10000x128xf32> to vector<10000x128xbf16>
    %swap3A = arith.constant 0 : index
    %swap3A_10 = arith.constant 0 : index
    %swap3A_11 = vector.load %arg4[%swap3A, %swap3A_10] : memref<10000x128xbf16, #tpu.memory_space<vmem>>, vector<10000x128xbf16>
    tpu.vector_store %arg4[%swap3A, %swap3A_10], %convert_element_type3A {strides = array<i32>} : memref<10000x128xbf16, #tpu.memory_space<vmem>>, vector<10000x128xbf16>,
    %get3A_12 = arith.constant 0 : index
    %get3A_13 = arith.constant 128 : index
    %get3A_14 = vector.load %arg3[%get3A_12, %get3A_13] : memref<128x160xf32, #tpu.memory_space<vmem>>, vector<128x32xf32>
    %dot_general3A_15 = arith.constant dense<0.000000e+00> : vector<10000x32xf32>
    %dot_general3A_16 = tpu.matmul %select_n3A, %get3A_14, %dot_general3A_15 {dimension_numbers = #tpu.dot_dimension_numbers<[1], [0], [0], [1], [0, 0, 1, 1], [], []>, transpose_lhs_hint = false} : vector<10000x128xf32>, vector<128x32xf32>, vector<10000x32xf32> -> vector<10000x32xf32>
    %convert_element_type3A_17 = arith.truncf %dot_general3A_16 : vector<10000x32xf32> to vector<10000x32xbf16>
    %swap3A_18 = arith.constant 0 : index
    %swap3A_19 = arith.constant 0 : index
    %swap3A_20 = vector.load %arg5[%swap3A_18, %swap3A_19] : memref<10000x32xbf16, #tpu.memory_space<vmem>>, vector<10000x32xbf16>
    tpu.vector_store %arg5[%swap3A_18, %swap3A_19], %convert_element_type3A_17 {strides = array<i32>} : memref<10000x32xbf16, #tpu.memory_space<vmem>>, vector<10000x32xbf16>,
    return
  }
  func.func @transform_0(%arg0: i32) -> (i32, i32) {
    %c0_i32 = arith.constant 0 : i32
    %c0_i32_0 = arith.constant 0 : i32
    %c0_i32_1 = arith.constant 0 : i32
    return %c0_i32, %c0_i32_0 : i32, i32
  }
  func.func @transform_1(%arg0: i32) -> (i32, i32) {
    %c0_i32 = arith.constant 0 : i32
    %c0_i32_0 = arith.constant 0 : i32
    %c0_i32_1 = arith.constant 0 : i32
    return %c0_i32, %c0_i32_0 : i32, i32
  }
  func.func @transform_2(%arg0: i32) -> (i32, i32) {
    %c0_i32 = arith.constant 0 : i32
    %c0_i32_0 = arith.constant 0 : i32
    %c0_i32_1 = arith.constant 0 : i32
    return %c0_i32, %c0_i32_0 : i32, i32
  }
  func.func @transform_3(%arg0: i32) -> (i32, i32) {
    %c0_i32 = arith.constant 0 : i32
    %c0_i32_0 = arith.constant 0 : i32
    return %arg0, %c0_i32 : i32, i32
  }
  func.func @transform_4(%arg0: i32) -> (i32, i32) {
    %c0_i32 = arith.constant 0 : i32
    %c0_i32_0 = arith.constant 0 : i32
    return %arg0, %c0_i32 : i32, i32
  }
}

module attributes {stable_mosaic.version = 14 : i64} {
  func.func @_prep_body(%arg0: i32, %arg1: memref<5x100000xi32, #tpu.memory_space<vmem>>, %arg2: memref<5x100000xi32, #tpu.memory_space<vmem>>, %arg3: memref<5x100000xf32, #tpu.memory_space<vmem>>, %arg4: memref<1x5x832x128xi32, #tpu.memory_space<vmem>>, %arg5: memref<1x5x832x128xi32, #tpu.memory_space<vmem>>, %arg6: memref<5x106496xf32, #tpu.memory_space<vmem>>) attributes {dimension_semantics = [#tpu.dimension_semantics<arbitrary>], iteration_bounds = array<i64: 2>, scalar_prefetch = 0 : i64, scratch_operands = 0 : i64, tpu.core_type = #tpu.core_type<tc>, window_params = [{pipeline_mode = #tpu.pipeline_mode<synchronous>, transform_indices = @transform_0, window_bounds = array<i64: 5, 100000>}, {pipeline_mode = #tpu.pipeline_mode<synchronous>, transform_indices = @transform_1, window_bounds = array<i64: 5, 100000>}, {pipeline_mode = #tpu.pipeline_mode<synchronous>, transform_indices = @transform_2, window_bounds = array<i64: 5, 100000>}, {transform_indices = @transform_3, window_bounds = array<i64: 1, 5, 832, 128>}, {transform_indices = @transform_4, window_bounds = array<i64: 1, 5, 832, 128>}, {pipeline_mode = #tpu.pipeline_mode<synchronous>, transform_indices = @transform_5, window_bounds = array<i64: 5, 106496>}]} {
    %iota3A = tpu.iota {dimensions = array<i32: 1>} : vector<5x6496xi32>
    %jit3A = arith.constant 10000 : i32
    %eq3A = arith.constant 0 : i32
    %eq3A_0 = arith.cmpi eq, %jit3A, %eq3A : i32
    %jit3A_1 = arith.constant 1 : i32
    %select_n3A = arith.select %eq3A_0, %jit3A_1, %jit3A : i32
    %rem3A = vector.broadcast %select_n3A : i32 to vector<5x6496xi32>
    %rem3A_2 = arith.remsi %iota3A, %rem3A : vector<5x6496xi32>
    %ne3A = arith.constant 0 : i32
    %ne3A_3 = vector.broadcast %ne3A : i32 to vector<5x6496xi32>
    %ne3A_4 = arith.cmpi ne, %rem3A_2, %ne3A_3 : vector<5x6496xi32>
    %lt3A = arith.constant 0 : i32
    %lt3A_5 = vector.broadcast %lt3A : i32 to vector<5x6496xi32>
    %lt3A_6 = arith.cmpi slt, %rem3A_2, %lt3A_5 : vector<5x6496xi32>
    %lt3A_7 = arith.constant 0 : i32
    %lt3A_8 = arith.cmpi slt, %select_n3A, %lt3A_7 : i32
    %ne3A_9 = vector.broadcast %lt3A_8 : i1 to vector<5x6496xi1>
    %ne3A_10 = vector.broadcast %ne3A_9 : vector<5x6496xi1> to vector<5x6496xi1>
    %ne3A_11 = arith.xori %lt3A_6, %ne3A_10 : vector<5x6496xi1>
    %and3A = arith.andi %ne3A_11, %ne3A_4 : vector<5x6496xi1>
    %add3A = vector.broadcast %select_n3A : i32 to vector<5x6496xi32>
    %add3A_12 = arith.addi %rem3A_2, %add3A : vector<5x6496xi32>
    %select_n3A_13 = arith.select %and3A, %add3A_12, %rem3A_2 : vector<5x6496xi1>, vector<5x6496xi32>
    %get3A = arith.constant 0 : index
    %get3A_14 = arith.constant 0 : index
    %get3A_15 = vector.load %arg1[%get3A, %get3A_14] : memref<5x100000xi32, #tpu.memory_space<vmem>>, vector<5x100000xi32>
    %concatenate3A = tpu.concatenate %get3A_15, %select_n3A_13 in 1 : vector<5x100000xi32>, vector<5x6496xi32> -> vector<5x106496xi32>
    %get3A_16 = arith.constant 0 : index
    %get3A_17 = arith.constant 0 : index
    %get3A_18 = vector.load %arg2[%get3A_16, %get3A_17] : memref<5x100000xi32, #tpu.memory_space<vmem>>, vector<5x100000xi32>
    %concatenate3A_19 = tpu.concatenate %get3A_18, %select_n3A_13 in 1 : vector<5x100000xi32>, vector<5x6496xi32> -> vector<5x106496xi32>
    %iota3A_20 = tpu.iota {dimensions = array<i32: 0>} : vector<5x106496xi32>
    %eq3A_21 = arith.constant 0 : i32
    %eq3A_22 = arith.cmpi eq, %arg0, %eq3A_21 : i32
    %select_n3A_23 = arith.select %eq3A_22, %concatenate3A_19, %concatenate3A : vector<5x106496xi32>
    %eq3A_24 = arith.constant 0 : i32
    %eq3A_25 = arith.cmpi eq, %arg0, %eq3A_24 : i32
    %select_n3A_26 = arith.select %eq3A_25, %concatenate3A, %concatenate3A_19 : vector<5x106496xi32>
    %lt3A_27 = arith.constant 4 : i32
    %lt3A_28 = vector.broadcast %lt3A_27 : i32 to vector<5x106496xi32>
    %lt3A_29 = arith.cmpi slt, %iota3A_20, %lt3A_28 : vector<5x106496xi32>
    %mul3A = arith.constant 10000 : i32
    %mul3A_30 = arith.muli %arg0, %mul3A : i32
    %add3A_31 = vector.broadcast %mul3A_30 : i32 to vector<5x106496xi32>
    %add3A_32 = arith.addi %add3A_31, %select_n3A_23 : vector<5x106496xi32>
    %mul3A_33 = arith.constant 4 : i32
    %mul3A_34 = vector.broadcast %mul3A_33 : i32 to vector<5x106496xi32>
    %mul3A_35 = arith.muli %add3A_32, %mul3A_34 : vector<5x106496xi32>
    %add3A_36 = arith.addi %mul3A_35, %iota3A_20 : vector<5x106496xi32>
    %mul3A_37 = arith.constant 10000 : i32
    %mul3A_38 = arith.muli %arg0, %mul3A_37 : i32
    %add3A_39 = vector.broadcast %mul3A_38 : i32 to vector<5x106496xi32>
    %add3A_40 = arith.addi %add3A_39, %select_n3A_23 : vector<5x106496xi32>
    %select_n3A_41 = arith.select %lt3A_29, %add3A_36, %add3A_40 : vector<5x106496xi1>, vector<5x106496xi32>
    %lt3A_42 = arith.constant 2 : i32
    %lt3A_43 = vector.broadcast %lt3A_42 : i32 to vector<5x106496xi32>
    %lt3A_44 = arith.cmpi slt, %iota3A_20, %lt3A_43 : vector<5x106496xi32>
    %lt3A_45 = arith.constant 4 : i32
    %lt3A_46 = vector.broadcast %lt3A_45 : i32 to vector<5x106496xi32>
    %lt3A_47 = arith.cmpi slt, %iota3A_20, %lt3A_46 : vector<5x106496xi32>
    %sub3A = arith.constant 2 : i32
    %sub3A_48 = vector.broadcast %sub3A : i32 to vector<5x106496xi32>
    %sub3A_49 = arith.subi %iota3A_20, %sub3A_48 : vector<5x106496xi32>
    %jit3A_50 = arith.constant 0 : i32
    %broadcast_in_dim3A = vector.broadcast %jit3A_50 : i32 to vector<5x106496xi32>
    %select_n3A_51 = arith.select %lt3A_47, %sub3A_49, %broadcast_in_dim3A : vector<5x106496xi1>, vector<5x106496xi32>
    %select_n3A_52 = arith.select %lt3A_44, %iota3A_20, %select_n3A_51 : vector<5x106496xi1>, vector<5x106496xi32>
    %mul3A_53 = arith.constant 10000 : i32
    %mul3A_54 = vector.broadcast %mul3A_53 : i32 to vector<5x106496xi32>
    %mul3A_55 = arith.muli %select_n3A_52, %mul3A_54 : vector<5x106496xi32>
    %add3A_56 = arith.addi %mul3A_55, %select_n3A_26 : vector<5x106496xi32>
    %reshape3A = vector.shape_cast %select_n3A_41 : vector<5x106496xi32> to vector<5x832x128xi32>
    %broadcast_in_dim3A_57 = vector.shape_cast %reshape3A : vector<5x832x128xi32> to vector<1x5x832x128xi32>
    %swap3A = arith.constant 0 : index
    %swap3A_58 = arith.constant 0 : index
    %swap3A_59 = arith.constant 0 : index
    %swap3A_60 = arith.constant 0 : index
    %swap3A_61 = vector.load %arg4[%swap3A, %swap3A_58, %swap3A_59, %swap3A_60] : memref<1x5x832x128xi32, #tpu.memory_space<vmem>>, vector<1x5x832x128xi32>
    tpu.vector_store %arg4[%swap3A, %swap3A_58, %swap3A_59, %swap3A_60], %broadcast_in_dim3A_57 {strides = array<i32>} : memref<1x5x832x128xi32, #tpu.memory_space<vmem>>, vector<1x5x832x128xi32>,
    %reshape3A_62 = vector.shape_cast %add3A_56 : vector<5x106496xi32> to vector<5x832x128xi32>
    %broadcast_in_dim3A_63 = vector.shape_cast %reshape3A_62 : vector<5x832x128xi32> to vector<1x5x832x128xi32>
    %swap3A_64 = arith.constant 0 : index
    %swap3A_65 = arith.constant 0 : index
    %swap3A_66 = arith.constant 0 : index
    %swap3A_67 = arith.constant 0 : index
    %swap3A_68 = vector.load %arg5[%swap3A_64, %swap3A_65, %swap3A_66, %swap3A_67] : memref<1x5x832x128xi32, #tpu.memory_space<vmem>>, vector<1x5x832x128xi32>
    tpu.vector_store %arg5[%swap3A_64, %swap3A_65, %swap3A_66, %swap3A_67], %broadcast_in_dim3A_63 {strides = array<i32>} : memref<1x5x832x128xi32, #tpu.memory_space<vmem>>, vector<1x5x832x128xi32>,
    %get3A_69 = arith.constant 0 : index
    %get3A_70 = arith.constant 0 : index
    %get3A_71 = vector.load %arg3[%get3A_69, %get3A_70] : memref<5x100000xf32, #tpu.memory_space<vmem>>, vector<5x100000xf32>
    %broadcast_in_dim3A_72 = arith.constant 0.000000e+00 : f32
    %broadcast_in_dim3A_73 = vector.broadcast %broadcast_in_dim3A_72 : f32 to vector<5x6496xf32>
    %concatenate3A_74 = tpu.concatenate %get3A_71, %broadcast_in_dim3A_73 in 1 : vector<5x100000xf32>, vector<5x6496xf32> -> vector<5x106496xf32>
    %swap3A_75 = arith.constant 0 : index
    %swap3A_76 = arith.constant 0 : index
    %swap3A_77 = vector.load %arg6[%swap3A_75, %swap3A_76] : memref<5x106496xf32, #tpu.memory_space<vmem>>, vector<5x106496xf32>
    tpu.vector_store %arg6[%swap3A_75, %swap3A_76], %concatenate3A_74 {strides = array<i32>} : memref<5x106496xf32, #tpu.memory_space<vmem>>, vector<5x106496xf32>,
    return
  }
  func.func @transform_0(%arg0: i32) -> (i32, i32) {
    %c0_i32 = arith.constant 0 : i32
    %c0_i32_0 = arith.constant 0 : i32
    %c0_i32_1 = arith.constant 0 : i32
    return %c0_i32, %c0_i32_0 : i32, i32
  }
  func.func @transform_1(%arg0: i32) -> (i32, i32) {
    %c0_i32 = arith.constant 0 : i32
    %c0_i32_0 = arith.constant 0 : i32
    %c0_i32_1 = arith.constant 0 : i32
    return %c0_i32, %c0_i32_0 : i32, i32
  }
  func.func @transform_2(%arg0: i32) -> (i32, i32) {
    %c0_i32 = arith.constant 0 : i32
    %c0_i32_0 = arith.constant 0 : i32
    %c0_i32_1 = arith.constant 0 : i32
    return %c0_i32, %c0_i32_0 : i32, i32
  }
  func.func @transform_3(%arg0: i32) -> (i32, i32, i32, i32) {
    %c0_i32 = arith.constant 0 : i32
    %c0_i32_0 = arith.constant 0 : i32
    %c0_i32_1 = arith.constant 0 : i32
    %c0_i32_2 = arith.constant 0 : i32
    return %arg0, %c0_i32, %c0_i32_0, %c0_i32_1 : i32, i32, i32, i32
  }
  func.func @transform_4(%arg0: i32) -> (i32, i32, i32, i32) {
    %c0_i32 = arith.constant 0 : i32
    %c0_i32_0 = arith.constant 0 : i32
    %c0_i32_1 = arith.constant 0 : i32
    %c0_i32_2 = arith.constant 0 : i32
    return %arg0, %c0_i32, %c0_i32_0, %c0_i32_1 : i32, i32, i32, i32
  }
  func.func @transform_5(%arg0: i32) -> (i32, i32) {
    %c0_i32 = arith.constant 0 : i32
    %c0_i32_0 = arith.constant 0 : i32
    %c0_i32_1 = arith.constant 0 : i32
    return %c0_i32, %c0_i32_0 : i32, i32
  }
}

</mosaic_0001>

<sc_bundles>
// kernel: kernel.5.cloned.1.call-start
scs
__scs_entry_jumppad:
0x0: {  	(pc) =	sbr.rel $0x88, $3  }
0x1: {  	(tag) =	ssettag $0x0;
	lr =	simm.s32 $0x1  }
0x2: {  	[smem:$0x3F9B] =	sst lr;
	_ =	strace $0xD0000000  }
0x3: {  	_ = 	snop  }
0x4: {  	_ = 	snop  }
0x5: {  	_ = 	snop  }
0x6: {  	_ = 	snop  }
0x7: {  	_ = 	snop  }
__scs_overlays_trampoline_lowered:
0x8: {  	[smem:$0x3FAA] =	sst s0  }
0x9: {  	[smem:$0x3FAB] =	sst s1  }
0xa: {  	[smem:$0x3FAC] =	sst s2  }
0xb: {  	[smem:$0x3FAD] =	sst s3  }
0xc: {  	[smem:$0x3FAE] =	sst s4  }
0xd: {  	[smem:$0x3FAF] =	sst s5  }
0xe: {  	[smem:$0x3FB0] =	sst s6  }
0xf: {  	[smem:$0x3FB1] =	sst s7  }
0x10: {  	[smem:$0x3FB2] =	sst s8  }
0x11: {  	[smem:$0x3FB3] =	sst s9;
	s0 =	simm.s32 @!p0 $0x0  }
0x12: {  	s1 =	sld [smem:$0x3F99];
	s0 =	simm.s32 @p0 $0x1  }
0x13: {  	[smem:$0x3FB4] =	sst s0;
	s0 =	simm.s32 @!p1 $0x0  }
0x14: {  	s2 =	sld [smem:$0x3F98];
	s0 =	simm.s32 @p1 $0x1  }
0x15: {  	[smem:$0x3FB5] =	sst s0;
	s0 =	simm.s32 @!p2 $0x0  }
0x16: {  	s3 =	sld [smem:$0x3FDB];
	s0 =	simm.s32 @p2 $0x1  }
0x17: {  	s4 =	simm.s32 $0x1BF5;
	[smem:$0x3FB7] =	sst s0  }
0x18: {  	s0 =	sld [smem:$0x3F9A];
	_ =	swait.ge [sflag:s4], $0x0  }
0x19: {  	s7 =	sld [smem:$0x3F9B]  }
0x1a: {  	s8 =	sadd.s32 $0xFFFFE003, lr  }
0x1b: {  	s9 =	sadd.s32 $0xFFFFFEF7, lr;
	s5 =	simm.s32 $0xFFFFFFFF;
	p2 =	slt.u32 s8, $0xFFFFF086  }
0x1c: {  	p1 =	slt.u32 s9, $0xF7A;
	s5 =	simm.s32 @!p2 $0x0  }
0x1d: {  	s5 =	simm.s32 @p1 $0x1;
	p0 =	seq.s32 s7, s2  }
0x1e: {  	s7 =	smul.u32 @!p0 $0xF7A, s2;
	p2 =	seq.s32 @!p0 s5, $0x0  }
0x1f: {  	s9 =	smul.u32 $0xF7A, s1;
	s8 =	simm.s32 @!p0 $0x1BF5;
	p2 =	por !p2, p0  }
0x20: {  	[sflag:s8] =	ssyncset.s32 @!p0 $0xFFFFF086;
	s6 =	sadd.s32 @!p0 s3, s7;
	s7 =	simm.s32 @!p0 $0x108  }
0x21: {  	s3 =	sadd.s32 s3, s9;
	s6 =	sadd.s32 @!p0 $0x88, s6;
	s7 =	simm.s32 @p2 $0x1082  }
0x22: {  	[simem:s7], [sflag:s8] =	dma.local @!p0 [hbm:s6], $0xF7A  }
0x23: {  	s9 =	sor.u32 $0xD0000000, s2;
	s6 =	simm.s32 $0x108;
	_ =	swait.ge @!p0 [sflag:s8], $0x0  }
0x24: {  	s3 =	sadd.s32 $0x88, s3;
	s6 =	simm.s32 @!p1 $0x1082;
	[sflag:s4] =	ssyncset.s32 $0xFFFFF086  }
0x25: {  	[simem:s6], [sflag:s4] =	dma.local [hbm:s3], $0xF7A  }
0x26: {  	[smem:$0x3F9B] =	sst s1;
	(tag) =	ssettag s2;
	_ =	strace s9  }
0x27: {  	s1 =	sld [smem:$0x3FAB]  }
0x28: {  	s2 =	sld [smem:$0x3FAC]  }
0x29: {  	s4 =	sld [smem:$0x3FAE]  }
0x2a: {  	p0 =	seq.s32 s5, $0x0;
	s5 =	sld [smem:$0x3FAF]  }
0x2b: {  	s6 =	sld [smem:$0x3FB0]  }
0x2c: {  	s7 =	sld [smem:$0x3FB1]  }
0x2d: {  	s3 =	simm.s32 $0x108;
	s8 =	sld [smem:$0x3FB2]  }
0x2e: {  	s3 =	simm.s32 @!p0 $0x1082;
	s9 =	sld [smem:$0x3FB3]  }
0x2f: {  	lr =	sadd.s32 s0, s3;
	s0 =	sld [smem:$0x3FAA]  }
0x30: {  	s3 =	sld [smem:$0x3FAD]  }
0x31: {  	[smem:$0x3FB6] =	sst s10  }
0x32: {  	s10 =	sld [smem:$0x3FB4];
	_ =	sdelay $0x3  }
0x33: {  	p0 =	seq.s32 s10, $0x1;
	s10 =	sld [smem:$0x3FB6];
	_ =	sdelay $0x3  }
0x34: {  	[smem:$0x3FB6] =	sst s10  }
0x35: {  	s10 =	sld [smem:$0x3FB5];
	_ =	sdelay $0x3  }
0x36: {  	p1 =	seq.s32 s10, $0x1;
	s10 =	sld [smem:$0x3FB6];
	_ =	sdelay $0x3  }
0x37: {  	[smem:$0x3FB6] =	sst s10  }
0x38: {  	s10 =	sld [smem:$0x3FB7]  }
0x39: {  	_ = 	snop;
	(pc) =	sbr.ind lr, $3  }
0x3a: {  	_ = 	snop  }
0x3b: {  	_ = 	snop  }
0x3c: {  	p2 =	seq.s32 s10, $0x1;
	s10 =	sld [smem:$0x3FB6]  }
0x3d: {  	_ =	shalt  }
0x3e: {  	_ =	shalt  }
0x3f: {  	_ =	shalt  }
0x40: {  	_ =	shalt  }
0x41: {  	_ =	shalt  }
0x42: {  	_ =	shalt  }
0x43: {  	_ =	shalt  }
0x44: {  	_ =	shalt  }
0x45: {  	_ =	shalt  }
0x46: {  	_ =	shalt  }
0x47: {  	_ =	shalt  }
0x48: {  	_ =	shalt  }
0x49: {  	_ =	shalt  }
0x4a: {  	_ =	shalt  }
0x4b: {  	_ =	shalt  }
0x4c: {  	_ =	shalt  }
0x4d: {  	_ =	shalt  }
0x4e: {  	_ =	shalt  }
0x4f: {  	_ =	shalt  }
0x50: {  	_ =	shalt  }
0x51: {  	_ =	shalt  }
0x52: {  	_ =	shalt  }
0x53: {  	_ =	shalt  }
0x54: {  	_ =	shalt  }
0x55: {  	_ =	shalt  }
0x56: {  	_ =	shalt  }
0x57: {  	_ =	shalt  }
0x58: {  	_ =	shalt  }
0x59: {  	_ =	shalt  }
0x5a: {  	_ =	shalt  }
0x5b: {  	_ =	shalt  }
0x5c: {  	_ =	shalt  }
0x5d: {  	_ =	shalt  }
0x5e: {  	_ =	shalt  }
0x5f: {  	_ =	shalt  }
0x60: {  	_ =	shalt  }
0x61: {  	_ =	shalt  }
0x62: {  	_ =	shalt  }
0x63: {  	_ =	shalt  }
0x64: {  	_ =	shalt  }
0x65: {  	_ =	shalt  }
0x66: {  	_ =	shalt  }
0x67: {  	_ =	shalt  }
0x68: {  	_ =	shalt  }
0x69: {  	_ =	shalt  }
0x6a: {  	_ =	shalt  }
0x6b: {  	_ =	shalt  }
0x6c: {  	_ =	shalt  }
0x6d: {  	_ =	shalt  }
0x6e: {  	_ =	shalt  }
0x6f: {  	_ =	shalt  }
0x70: {  	_ =	shalt  }
0x71: {  	_ =	shalt  }
0x72: {  	_ =	shalt  }
0x73: {  	_ =	shalt  }
0x74: {  	_ =	shalt  }
0x75: {  	_ =	shalt  }
0x76: {  	_ =	shalt  }
0x77: {  	_ =	shalt  }
0x78: {  	_ =	shalt  }
0x79: {  	_ =	shalt  }
0x7a: {  	_ =	shalt  }
0x7b: {  	_ =	shalt  }
0x7c: {  	_ =	shalt  }
0x7d: {  	_ =	shalt  }
0x7e: {  	_ =	shalt  }
0x7f: {  	_ =	shalt  }
0x80: {  	_ =	shalt  }
0x81: {  	_ =	shalt  }
0x82: {  	_ =	shalt  }
0x83: {  	_ =	shalt  }
0x84: {  	_ =	shalt  }
0x85: {  	_ =	shalt  }
0x86: {  	_ =	shalt  }
0x87: {  	_ =	shalt  }
.Lfunc_end0:
.L_simem_size_0:
called_computation_lowered:
.L_overlay_start_0:
0x88: {  	s2 =	sld [smem:$0x3FD9]  }
0x89: {  	s3 =	sld [smem:$0x3FFE];
	_ =	sdelay $0x1  }
0x8a: {  	s1 =	srdreg.scid  }
0x8b: {  	s0 =	sand.u32 $0x1, s1  }
0x8c: {  	s14 =	sshll.u32 s0, $0xA;
	s2 =	sadd.s32 s3, s2  }
0x8d: {  	s2 =	sadd.s32 s2, s14  }
0x8e: {  	[smem:$0x3FC2] =	sst s2  }
0x8f: {  	_ = 	snop  }
0x90: {  	s2 =	sld [smem:$0x3FD0];
	_ =	sdelay $0x2  }
0x91: {  	s15 =	simm.s32 $0xA;
	s4 =	simm.s32 $0x10  }
0x92: {  	[smem:s4], [sflag:s15] =	dma.local [hbm:s2], $0x1  }
0x93: {  	_ =	swait.eq [sflag:s15], $0x1  }
0x94: {  	[sflag:s15] =	ssyncset.done $0x0  }
0x95: {  	s16 =	sld [smem:$0x10];
	[sflag:s15] =	ssyncadd.s32 $0xFFFFFFFF  }
0x96: {  	s17 =	sld [smem:$0x11];
	(tm) =	ssettm $0x1  }
0x97: {  	s18 =	sld [smem:$0x3FFB];
	_ =	sdelay $0x3  }
0x98: {  	_ =	strace s18  }
0x99: {  	s4 =	sld [smem:$0x3FFC];
	_ =	sdelay $0x3  }
0x9a: {  	_ =	strace s4  }
0x9b: {  	s4 =	sld [smem:$0x3FFD];
	_ =	sdelay $0x3  }
0x9c: {  	_ =	strace s4  }
0x9d: {  	_ =	strace $0x8FFFFFFF  }
0x9e: {  	s19 =	sld [smem:$0x3FDB];
	_ =	sdelay $0x1  }
0x9f: {  	s5 =	simm.s32 $_scs_section_size  }
0xa0: {  	s6 =	simm.s32 $_size__tile_overlayer_lowered;
	s7 =	simm.s32 $_tile_overlayer_lowered  }
0xa1: {  	s22 =	simm.s32 $0x1BFF;
	s21 =	sshll.u32 s7, $0x1;
	s4 =	sadd.s32 s5, s19  }
0xa2: {  	s8 =	simm.s32 $0x0;
	s20 =	sshll.u32 s6, $0x1;
	s6 =	sadd.s32 s21, s4  }
0xa3: {  	[timem:s8], [sflag:s22] =	dma.local [hbm:s6], s20  }
0xa4: {  	_ =	swait.ge [sflag:s22], s20  }
0xa5: {  	s5 =	ssub.s32 $0x0, s20;
	[sflag:s22] =	ssyncset.done $0x0  }
0xa6: {  	[sflag:s22] =	ssyncadd.s32 s5;
	_ =	sdelay $0x1  }
0xa7: {  	s23 =	simm.s32 $0x1B8B  }
0xa8: {  	_ =	swait.ge [sflag:s23], $0x1  }
0xa9: {  	[sflag:s23] =	ssyncset.done $0x0  }
0xaa: {  	s25 =	simm.s32 $0x1B8E;
	s24 =	sld [smem:$0x3FFE];
	[sflag:s23] =	ssyncadd.s32 $0xFFFFFFFF  }
0xab: {  	s26 =	simm.s32 $execute0_lowered;
	[smem:$0x3FD2] =	sst s25  }
0xac: {  	s6 =	sshll.u32 s26, $0x1;
	_ =	strace $0x80000046;
	[dreg:$0x1] =	wrdreg $0xFFFFFFFF  }
0xad: {  	s28 =	simm.s32 $_size_execute0_lowered;
	s4 =	sadd.s32 s4, s6;
	[dreg:$0x0] =	wrdreg $0x0  }
0xae: {  	s6 =	sshll.u32 s28, $0x1;
	[dreg:$0x2] =	wrdreg s4  }
0xaf: {  	[dreg:$0x3] =	wrdreg s6  }
0xb0: {  	[dreg:$0x4] =	wrdreg $0xC0  }
0xb1: {  	_ =	task [dreg:s8], $0x5FFFF  }
0xb2: {  	[dreg:$0x1] =	wrdreg $0xFFFFFFFF  }
0xb3: {  	[dreg:$0x0] =	wrdreg $0x60  }
0xb4: {  	[dreg:$0x2] =	wrdreg s17  }
0xb5: {  	[dreg:$0x3] =	wrdreg s24  }
0xb6: {  	[dreg:$0x4] =	wrdreg s16  }
0xb7: {  	[dreg:$0x5] =	wrdreg $0x12E000  }
0xb8: {  	[dreg:$0x6] =	wrdreg $0x9  }
0xb9: {  	_ =	task.clear_ibuf [dreg:s8], $0x7FFFF;
	_ =	strace $0x90000046  }
0xba: {  	s29 =	simm.s32 $0x9;
	_ =	strace $0x80000048  }
0xbb: {  	_ =	swait.ge [sflag:s29], $0x1  }
0xbc: {  	[sflag:s29] =	ssyncadd.s32 $0xFFFFFFFF  }
0xbd: {  	_ =	strace $0x90000048  }
0xbe: {  	_ =	sfence  }
0xbf: {  	s30 =	sld [smem:$0x0];
	_ =	sdelay $0x2  }
0xc0: {  	s31 =	sshll.u32 s1, $0xD;
	s1 =	sshrl.u32 s1, $0x2  }
0xc1: {  	s3 =	sand.u32 $0x4000, s31;
	s1 =	sadd.s32 s1, s30  }
0xc2: {  	s0 =	sor.u32 s3, s0;
	s1 =	sshll.u32 s1, $0x11  }
0xc3: {  	s0 =	sor.u32 s1, s0  }
0xc4: {  	s0 =	sadd.s32 $0x8F2B, s0  }
0xc5: {  	[sflag:s0] =	ssyncadd.remote.s32 $0x1  }
0xc6: {  	_ =	sfence.sel $0xFFFF  }
0xc7: {  	[dreg:$0x0] =	wrdreg $0xFFFFFFFF;
	(pc) =	sbr.abs _section_cstart, $3  }
0xc8: {  	[dreg:$0x1] =	wrdreg $0xFFFFFFFF  }
0xc9: {  	_ =	task.clear_ibuf [dreg:s8], $0x2FFFF;
	_ =	strace $0x9FFFFFFF  }
0xca: {  	(tm) =	ssettm $0x7FFFFFFF  }
0xcb: {  	_ =	shalt  }
tec
execute0_lowered:
.L_overlay_start_1:
0x0: {  	(tag) =	ssettag $0x1  }
0x1: {  	s1 =	rddreg [dreg:$0x0]  }
0x2: {  	s0 =	rddreg [dreg:$0x1]  }
0x3: {  	s12 =	rddreg [dreg:$0x2]  }
0x4: {  	s3 =	rddreg [dreg:$0x3];
	s14 =	simm.s32 $0x0;
	s2 =	srdreg.scid  }
0x5: {  	s11 =	stileid.u32;
	[smem:$0x7FF] =	sst s14;
	s2 =	sand.u32 $0x1, s2  }
0x6: {  	s6 =	sadd.s32 $0x1C00, s0;
	s5 =	smul.u32 $0x186A0, s11;
	s7 =	sadd.s32 $0xBA00, s0  }
0x7: {  	s8 =	sadd.s32 $0x2C200, s0;
	s9 =	sadd.s32 $0x3C600, s0;
	s16 =	smul.u32 $0x27100, s11  }
0x8: {  	s19 =	sshll.u32 s11, $0x6;
	s4 =	smul.u32 $0x186A00, s2;
	s15 =	ssub.s32 $0x2, s2  }
0x9: {  	_ =	strace $0x80000047;
	[dreg:$0x6] =	wrdreg s9;
	s10 =	sshrl.u32 s15, $0x1  }
0xa: {  	s18 =	sshrl.u32 s16, $0x2;
	s17 =	ssub.s32 s15, s10;
	s10 =	smul.u32 $0x1A00, s11  }
0xb: {  	s4 =	sadd.s32 s5, s4;
	s11 =	smul.u32 $0x13880, s11;
	s5 =	sadd.s32 s18, s3  }
0xc: {  	s15 =	sor.u32 $0x1C03, s19;
	s4 =	sshrl.u32 s4, $0x3;
	[dreg:$0x7] =	wrdreg s5  }
0xd: {  	s31 =	smax.u32 s17, $0x1;
	[dreg:$0x8] =	wrdreg s15;
	s0 =	sadd.s32 s4, s0  }
0xe: {  	s2 =	smul.u32 $0x82000, s2;
	[dreg:$0x13] =	wrdreg s31;
	s20 =	sadd.s32 $0x3DA00, s0  }
0xf: {  	s21 =	sshrl.u32 s11, $0x2;
	s23 =	sadd.s32 $0x3DA04, s0;
	[dreg:$0x9] =	wrdreg s20  }
0x10: {  	s5 =	sadd.s32 s21, s3;
	[dreg:$0xb] =	wrdreg s23  }
0x11: {  	s13 =	sadd.s32 s2, s10;
	s24 =	sadd.s32 $0x3DA08, s0;
	[dreg:$0xa] =	wrdreg s5  }
0x12: {  	s22 =	sadd.s32 $0x68000, s10;
	s25 =	sadd.s32 $0x3DA0C, s0;
	[dreg:$0xd] =	wrdreg s24  }
0x13: {  	s2 =	sadd.s32 s2, s22;
	s0 =	sadd.s32 $0x3DA10, s0;
	[dreg:$0xe] =	wrdreg s25  }
0x14: {  	s29 =	sshrl.u32 s22, $0x3;
	s5 =	sadd.s32 $0x4E200, s5;
	[dreg:$0x12] =	wrdreg s0  }
0x15: {  	s2 =	sshrl.u32 s2, $0x3;
	s30 =	sadd.s32 s8, s29;
	[dreg:$0xc] =	wrdreg s5  }
0x16: {  	s28 =	simm.s32 $0x80;
	s26 =	sadd.s32 s12, s2;
	[dreg:$0x11] =	wrdreg s30  }
0x17: {  	s22 =	simm.s32 $0x1;
	s2 =	sadd.s32 s7, s2;
	[dreg:$0xf] =	wrdreg s26  }
0x18: {  	s25 =	simm.s32 $0x3;
	s23 =	simm.s32 $0x2;
	[dreg:$0x10] =	wrdreg s2  }
.LBB2_1:
0x19: {  	[dreg:$0x5] =	wrdreg s14  }
0x1a: {  	s0 =	rddreg [dreg:$0x7]  }
0x1b: {  	s31 =	rddreg [dreg:$0x6];
	s2 =	sshrl.u32 s0, $0x3  }
0x1c: {  	[dreg:$0x15] =	wrdreg s2  }
0x1d: {  	[spmem:s2], [sflag:s15] =	dma.local [hbm:s31], $0x1388  }
0x1e: {  	_ =	swait.ge [sflag:s25], $0x1388  }
0x1f: {  	[sflag:s25] =	ssyncset.done $0x0  }
0x20: {  	[sflag:s25] =	ssyncadd.s32 $0xFFFFEC78  }
0x21: {  	p1 =	por $0x1, $0x1;
	s0 =	simm.s32 $0x0;
	[bflag:$0x0] =	sbarrier.arrive $0xFFFF  }
.LBB2_2:
0x22: {  	s2 =	sadd.s32 s13, s0  }
0x23: {  	s4 =	rddreg [dreg:$0x2];
	s2 =	sshrl.u32 s2, $0x3  }
0x24: {  	s9 =	simm.s32 $0x0;
	s4 =	sadd.s32 s4, s2  }
0x25: {  	[tilespmem:s9], [sflag:$0x3] =	stream.linear.gather [hbm4b:s4+s9], $0x1A00, $0x38;
	[tilespmem:$0x1CA40] =	vst v63  }
0x26: {  	_ =	swait.ge [sflag:s25], $0x1A00  }
0x27: {  	[sflag:s25] =	ssyncset.done $0x0  }
0x28: {  	s5 =	simm.s32 $0x1A00;
	s2 =	sadd.s32 s7, s2;
	[sflag:s25] =	ssyncadd.s32 $0xFFFFE600  }
0x29: {  	[tilespmem:s5], [sflag:$0x3] =	stream.linear.gather [hbm4b:s2+s9], $0x1A00, $0x38;
	[tilespmem:$0x1CA40] =	vst v63  }
0x2a: {  	s11 =	sadd.s32 s10, s0;
	_ =	swait.ge [sflag:s25], $0x1A00  }
0x2b: {  	s0 =	sshrl.u32 s11, $0x3;
	[sflag:s25] =	ssyncset.done $0x0  }
0x2c: {  	s24 =	simm.s32 $0x3400;
	s0 =	sadd.s32 s8, s0;
	[sflag:s25] =	ssyncadd.s32 $0xFFFFE600  }
0x2d: {  	[tilespmem:s24], [sflag:$0x3] =	stream.linear.gather [hbm4b:s0+s9], $0x1A00, $0x38;
	[tilespmem:$0x1CA40] =	vst v63  }
0x2e: {  	_ =	swait.ge [sflag:s25], $0x1A00  }
0x2f: {  	[sflag:s25] =	ssyncset.done $0x0  }
0x30: {  	s5 =	simm.s32 $0x4E00;
	[sflag:s25] =	ssyncadd.s32 $0xFFFFE600  }
0x31: {  	[tilespmem:s5], [sflag:$0x1] =	stream.indirect.gather [hbm4b:s1+s28], $0x10, s9, s28, $0xb8;
	[tilespmem:$0x1CA40] =	vst v63  }
0x32: {  	s12 =	simm.s32 $0x5600  }
0x33: {  	[tilespmem:s12], [sflag:$0x1] =	stream.indirect.gather [hbm4b:s1+s28], $0x10, s28, s28, $0xb8;
	[tilespmem:$0x1CA40] =	vst v63  }
0x34: {  	s14 =	simm.s32 $0x100;
	s15 =	simm.s32 $0x5E00  }
0x35: {  	[tilespmem:s15], [sflag:$0x1] =	stream.indirect.gather [hbm4b:s1+s28], $0x10, s14, s28, $0xb8;
	[tilespmem:$0x1CA40] =	vst v63  }
0x36: {  	s16 =	simm.s32 $0x180;
	s17 =	simm.s32 $0x6600  }
0x37: {  	[tilespmem:s17], [sflag:$0x1] =	stream.indirect.gather [hbm4b:s1+s28], $0x10, s16, s28, $0xb8;
	[tilespmem:$0x1CA40] =	vst v63  }
0x38: {  	s18 =	simm.s32 $0x200;
	s19 =	simm.s32 $0x6E00  }
0x39: {  	[tilespmem:s19], [sflag:$0x1] =	stream.indirect.gather [hbm4b:s1+s28], $0x10, s18, s28, $0xb8;
	[tilespmem:$0x1CA40] =	vst v63  }
0x3a: {  	s20 =	simm.s32 $0x280;
	s21 =	simm.s32 $0x7600  }
0x3b: {  	[tilespmem:s21], [sflag:$0x1] =	stream.indirect.gather [hbm4b:s1+s28], $0x10, s20, s28, $0xb8;
	[tilespmem:$0x1CA40] =	vst v63  }
0x3c: {  	s26 =	simm.s32 $0x300;
	s29 =	simm.s32 $0x7E00;
	s30 =	simm.s32 $0x380  }
0x3d: {  	[tilespmem:s29], [sflag:$0x1] =	stream.indirect.gather [hbm4b:s1+s28], $0x10, s26, s28, $0xb8;
	[tilespmem:$0x1CA40] =	vst v63  }
0x3e: {  	s31 =	simm.s32 $0x8600;
	p0 =	por p1, p1;
	p1 =	por $0x0, $0x0  }
0x3f: {  	[tilespmem:s31], [sflag:$0x1] =	stream.indirect.gather [hbm4b:s1+s28], $0x10, s30, s28, $0xb8;
	[tilespmem:$0x1CA40] =	vst v63  }
.LBB2_3:
0x40: {  	_ =	swait.ge [sflag:s22], $0x800;
	p2 =	sgt.u32 s9, $0xA  }
0x41: {  	[sflag:s22] =	ssyncset.done $0x0;
	s0 =	sadd.s32 @!p2 $0x2, s9  }
0x42: {  	[sflag:s22] =	ssyncadd.s32 $0xFFFFF800;
	s2 =	smul.u32 @!p2 $0xAB, s0  }
0x43: {  	_ =	swait.ge [sflag:s22], $0x800  }
0x44: {  	s4 =	smulhi.u32 $0xAAAAAAAB, s9;
	[sflag:s22] =	ssyncset.done $0x0;
	s2 =	sshrl.u32 @!p2 s2, $0x9  }
0x45: {  	[sflag:s22] =	ssyncadd.s32 $0xFFFFF800;
	s2 =	sand.u32 @!p2 $0x7F, s2  }
0x46: {  	s4 =	sshrl.u32 s4, $0x1;
	_ =	swait.ge [sflag:s22], $0x800;
	s2 =	smul.u32 @!p2 $0x3, s2  }
0x47: {  	s4 =	smul.u32 $0xFFFE8000, s4;
	[sflag:s22] =	ssyncset.done $0x0  }
0x48: {  	s12 =	simm.s32 @!p2 $0x80;
	[sflag:s22] =	ssyncadd.s32 $0xFFFFF800;
	s2 =	ssub.s32 @!p2 s0, s2  }
0x49: {  	s4 =	sshra.s32 s4, $0x2;
	_ =	swait.ge [sflag:s22], $0x800;
	s2 =	sand.u32 @!p2 $0xFF, s2  }
0x4a: {  	s0 =	sshll.u32 @!p2 s0, $0x9;
	[sflag:s22] =	ssyncset.done $0x0;
	s2 =	sshll.u32 @!p2 s2, $0xD  }
0x4b: {  	s0 =	sand.u32 @!p2 $0x3FFFFE00, s0;
	[sflag:s22] =	ssyncadd.s32 $0xFFFFF800;
	s11 =	sadd.s32 @!p2 $0x4E00, s2  }
0x4c: {  	[tilespmem:s11], [sflag:$0x1] =	stream.indirect.gather @!p2 [hbm4b:s1+s12], $0x10, s0, s12, $0xb8;
	[tilespmem:$0x1CA40] =	vst v63  }
0x4d: {  	s4 =	sadd.s32 s4, s5;
	s14 =	sor.u32 @!p2 $0x80, s0;
	s11 =	sadd.s32 @!p2 $0x5600, s2  }
0x4e: {  	[tilespmem:s11], [sflag:$0x1] =	stream.indirect.gather @!p2 [hbm4b:s1+s12], $0x10, s14, s12, $0xb8;
	[tilespmem:$0x1CA40] =	vst v63  }
0x4f: {  	v0 =	vmov s4;
	s11 =	sadd.s32 @!p2 $0x5E00, s2;
	s14 =	sor.u32 @!p2 $0x100, s0  }
0x50: {  	[tilespmem:s11], [sflag:$0x1] =	stream.indirect.gather @!p2 [hbm4b:s1+s12], $0x10, s14, s12, $0xb8;
	[tilespmem:$0x1CA40] =	vst v63  }
0x51: {  	s2 =	sadd.s32 @!p2 $0x6600, s2;
	s0 =	sor.u32 @!p2 $0x180, s0  }
0x52: {  	[tilespmem:s2], [sflag:$0x1] =	stream.indirect.gather @!p2 [hbm4b:s1+s12], $0x10, s0, s12, $0xb8;
	[tilespmem:$0x1CA40] =	vst v63  }
0x53: {  	s16 =	simm.s32 $0x0;
	v6 =	vld [tilespmem:s24+$0x0]  }
0x54: {  	v1 =	vld.idx.msk [tilespmem:v0+s16+$0x0 ss:$0x1], $0xffff;
	_ =	sdelay $0x3  }
0x55: {  	s0 =	simm.s32 $0x1;
	v2 =	vbroadcast v6, $0x0  }
0x56: {  	s0 =	simm.s32 @!p1 $0x0;
	v3 =	vunpack.i.l.bf16.f32 v1  }
0x57: {  	s0 =	sshll.u32 s0, $0xE;
	v1 =	vunpack.i.u.bf16.f32 v1;
	v3 =	vmul.f32 v3, v2  }
0x58: {  	s29 =	sor.u32 $0xAF00, s0;
	v1 =	vmul.f32 v1, v2  }
0x59: {  	[tilespmem:s29+$0xFFFFFF00] =	vst v3  }
0x5a: {  	[tilespmem:s29+$0xFFFFFF10] =	vst v1  }
0x5b: {  	v1 =	vld.idx.msk [tilespmem:v0+s16+$0x10 ss:$0x1], $0xffff;
	_ =	sdelay $0x3  }
0x5c: {  	v2 =	vbroadcast v6, $0x1  }
0x5d: {  	v3 =	vunpack.i.l.bf16.f32 v1  }
0x5e: {  	v1 =	vunpack.i.u.bf16.f32 v1;
	v3 =	vmul.f32 v3, v2  }
0x5f: {  	v1 =	vmul.f32 v1, v2  }
0x60: {  	[tilespmem:s29+$0xFFFFFF20] =	vst v3  }
0x61: {  	[tilespmem:s29+$0xFFFFFF30] =	vst v1  }
0x62: {  	v1 =	vld.idx.msk [tilespmem:v0+s16+$0x20 ss:$0x1], $0xffff;
	_ =	sdelay $0x3  }
0x63: {  	v2 =	vbroadcast v6, $0x2  }
0x64: {  	v3 =	vunpack.i.l.bf16.f32 v1  }
0x65: {  	s19 =	sadd.s32 $0x10, s24;
	v4 =	vunpack.i.u.bf16.f32 v1;
	v3 =	vmul.f32 v3, v2  }
0x66: {  	s15 =	simm.s32 $0x100;
	v1 =	vld [tilespmem:s19+$0x0];
	v2 =	vmul.f32 v4, v2  }
0x67: {  	v4 =	vld.idx.msk [tilespmem:v0+s15+$0x0 ss:$0x1], $0xffff;
	[tilespmem:s29+$0xFFFFFF40] =	vst v3  }
0x68: {  	[tilespmem:s29+$0xFFFFFF50] =	vst v2  }
0x69: {  	v2 =	vld.idx.msk [tilespmem:v0+s16+$0x30 ss:$0x1], $0xffff;
	_ =	sdelay $0x1  }
0x6a: {  	v3 =	vbroadcast v1, $0x0  }
0x6b: {  	v5 =	vunpack.i.l.bf16.f32 v4  }
0x6c: {  	v7 =	vbroadcast v6, $0x3;
	v4 =	vunpack.i.u.bf16.f32 v4;
	v5 =	vmul.f32 v5, v3  }
0x6d: {  	s12 =	sadd.s32 $0x200, s29;
	v3 =	vmul.f32 v4, v3;
	v4 =	vunpack.i.l.bf16.f32 v2  }
0x6e: {  	[tilespmem:s12+$0xFFFFFF00] =	vst v5;
	v2 =	vunpack.i.u.bf16.f32 v2;
	v4 =	vmul.f32 v4, v7  }
0x6f: {  	[tilespmem:s12+$0xFFFFFF10] =	vst v3;
	v2 =	vmul.f32 v2, v7  }
0x70: {  	v3 =	vld.idx.msk [tilespmem:v0+s15+$0x10 ss:$0x1], $0xffff;
	[tilespmem:s29+$0xFFFFFF60] =	vst v4  }
0x71: {  	[tilespmem:s29+$0xFFFFFF70] =	vst v2  }
0x72: {  	v2 =	vld.idx.msk [tilespmem:v0+s16+$0x40 ss:$0x1], $0xffff;
	_ =	sdelay $0x1  }
0x73: {  	v4 =	vbroadcast v1, $0x1  }
0x74: {  	v5 =	vunpack.i.l.bf16.f32 v3  }
0x75: {  	v7 =	vbroadcast v6, $0x4;
	v3 =	vunpack.i.u.bf16.f32 v3;
	v5 =	vmul.f32 v5, v4  }
0x76: {  	v3 =	vmul.f32 v3, v4;
	v4 =	vunpack.i.l.bf16.f32 v2  }
0x77: {  	[tilespmem:s12+$0xFFFFFF20] =	vst v5;
	v2 =	vunpack.i.u.bf16.f32 v2;
	v4 =	vmul.f32 v4, v7  }
0x78: {  	[tilespmem:s12+$0xFFFFFF30] =	vst v3;
	v2 =	vmul.f32 v2, v7  }
0x79: {  	v3 =	vld.idx.msk [tilespmem:v0+s15+$0x20 ss:$0x1], $0xffff;
	[tilespmem:s29+$0xFFFFFF80] =	vst v4  }
0x7a: {  	[tilespmem:s29+$0xFFFFFF90] =	vst v2  }
0x7b: {  	v4 =	vld.idx.msk [tilespmem:v0+s16+$0x50 ss:$0x1], $0xffff;
	_ =	sdelay $0x1  }
0x7c: {  	v5 =	vbroadcast v1, $0x2  }
0x7d: {  	v2 =	vunpack.i.l.bf16.f32 v3  }
0x7e: {  	s0 =	sadd.s32 $0x10, s19;
	v8 =	vbroadcast v6, $0x5;
	v3 =	vunpack.i.u.bf16.f32 v3;
	v7 =	vmul.f32 v2, v5  }
0x7f: {  	s26 =	simm.s32 $0x200;
	v2 =	vld [tilespmem:s0+$0x0];
	v3 =	vmul.f32 v3, v5;
	v5 =	vunpack.i.l.bf16.f32 v4  }
0x80: {  	v9 =	vld.idx.msk [tilespmem:v0+s26+$0x0 ss:$0x1], $0xffff;
	[tilespmem:s12+$0xFFFFFF40] =	vst v7;
	v4 =	vunpack.i.u.bf16.f32 v4;
	v5 =	vmul.f32 v5, v8  }
0x81: {  	[tilespmem:s12+$0xFFFFFF50] =	vst v3;
	v3 =	vmul.f32 v4, v8  }
0x82: {  	v4 =	vld.idx.msk [tilespmem:v0+s15+$0x30 ss:$0x1], $0xffff;
	[tilespmem:s29+$0xFFFFFFA0] =	vst v5  }
0x83: {  	[tilespmem:s29+$0xFFFFFFB0] =	vst v3  }
0x84: {  	v3 =	vbroadcast v2, $0x0;
	v5 =	vld.idx.msk [tilespmem:v0+s16+$0x60 ss:$0x1], $0xffff  }
0x85: {  	v7 =	vunpack.i.l.bf16.f32 v9  }
0x86: {  	v8 =	vunpack.i.u.bf16.f32 v9;
	v9 =	vbroadcast v1, $0x3;
	v7 =	vmul.f32 v7, v3  }
0x87: {  	s2 =	sadd.s32 $0x200, s12;
	v3 =	vmul.f32 v8, v3;
	v8 =	vunpack.i.l.bf16.f32 v4  }
0x88: {  	v4 =	vunpack.i.u.bf16.f32 v4;
	[tilespmem:s2+$0xFFFFFF00] =	vst v7;
	v7 =	vmul.f32 v8, v9;
	v8 =	vbroadcast v6, $0x6  }
0x89: {  	[tilespmem:s2+$0xFFFFFF10] =	vst v3;
	v3 =	vmul.f32 v4, v9;
	v4 =	vunpack.i.l.bf16.f32 v5  }
0x8a: {  	[tilespmem:s12+$0xFFFFFF60] =	vst v7;
	v5 =	vunpack.i.u.bf16.f32 v5;
	v7 =	vld.idx.msk [tilespmem:v0+s26+$0x10 ss:$0x1], $0xffff;
	v4 =	vmul.f32 v4, v8  }
0x8b: {  	[tilespmem:s12+$0xFFFFFF70] =	vst v3;
	v3 =	vmul.f32 v5, v8  }
0x8c: {  	[tilespmem:s29+$0xFFFFFFC0] =	vst v4;
	v4 =	vld.idx.msk [tilespmem:v0+s15+$0x40 ss:$0x1], $0xffff  }
0x8d: {  	[tilespmem:s29+$0xFFFFFFD0] =	vst v3  }
0x8e: {  	v5 =	vbroadcast v2, $0x1;
	v3 =	vld.idx.msk [tilespmem:v0+s16+$0x70 ss:$0x1], $0xffff  }
0x8f: {  	v8 =	vunpack.i.l.bf16.f32 v7  }
0x90: {  	v9 =	vbroadcast v1, $0x4;
	v7 =	vunpack.i.u.bf16.f32 v7;
	v8 =	vmul.f32 v8, v5  }
0x91: {  	v5 =	vmul.f32 v7, v5;
	v7 =	vunpack.i.l.bf16.f32 v4  }
0x92: {  	[tilespmem:s2+$0xFFFFFF20] =	vst v8;
	v4 =	vunpack.i.u.bf16.f32 v4;
	v8 =	vbroadcast v6, $0x7;
	v7 =	vmul.f32 v7, v9  }
0x93: {  	[tilespmem:s2+$0xFFFFFF30] =	vst v5;
	v4 =	vmul.f32 v4, v9;
	v5 =	vunpack.i.l.bf16.f32 v3  }
0x94: {  	v9 =	vld.idx.msk [tilespmem:v0+s26+$0x20 ss:$0x1], $0xffff;
	v3 =	vunpack.i.u.bf16.f32 v3;
	v5 =	vmul.f32 v5, v8;
	[tilespmem:s12+$0xFFFFFF80] =	vst v7  }
0x95: {  	v3 =	vmul.f32 v3, v8;
	[tilespmem:s12+$0xFFFFFF90] =	vst v4  }
0x96: {  	v4 =	vld.idx.msk [tilespmem:v0+s15+$0x50 ss:$0x1], $0xffff;
	[tilespmem:s29+$0xFFFFFFE0] =	vst v5  }
0x97: {  	[tilespmem:s29+$0xFFFFFFF0] =	vst v3  }
0x98: {  	v7 =	vbroadcast v2, $0x2;
	v5 =	vld.idx.msk [tilespmem:v0+s16+$0x80 ss:$0x1], $0xffff  }
0x99: {  	v3 =	vunpack.i.l.bf16.f32 v9  }
0x9a: {  	v10 =	vbroadcast v1, $0x5;
	s0 =	sadd.s32 $0x10, s0;
	v8 =	vunpack.i.u.bf16.f32 v9;
	v9 =	vmul.f32 v3, v7  }
0x9b: {  	s31 =	simm.s32 $0x300;
	v3 =	vld [tilespmem:s0+$0x0];
	v7 =	vmul.f32 v8, v7;
	v8 =	vunpack.i.l.bf16.f32 v4  }
0x9c: {  	v11 =	vld.idx.msk [tilespmem:v0+s31+$0x0 ss:$0x1], $0xffff;
	[tilespmem:s2+$0xFFFFFF40] =	vst v9;
	v4 =	vunpack.i.u.bf16.f32 v4;
	v9 =	vbroadcast v6, $0x8;
	v8 =	vmul.f32 v8, v10  }
0x9d: {  	[tilespmem:s2+$0xFFFFFF50] =	vst v7;
	v4 =	vmul.f32 v4, v10;
	v7 =	vunpack.i.l.bf16.f32 v5  }
0x9e: {  	v10 =	vld.idx.msk [tilespmem:v0+s26+$0x30 ss:$0x1], $0xffff;
	v5 =	vunpack.i.u.bf16.f32 v5;
	v7 =	vmul.f32 v7, v9;
	[tilespmem:s12+$0xFFFFFFA0] =	vst v8  }
0x9f: {  	[tilespmem:s12+$0xFFFFFFB0] =	vst v4;
	v4 =	vmul.f32 v5, v9  }
0xa0: {  	v5 =	vbroadcast v3, $0x0;
	v8 =	vld.idx.msk [tilespmem:v0+s15+$0x60 ss:$0x1], $0xffff;
	[tilespmem:s29+$0x0] =	vst v7  }
0xa1: {  	v7 =	vunpack.i.l.bf16.f32 v11;
	[tilespmem:s29+$0x10] =	vst v4  }
0xa2: {  	v9 =	vunpack.i.u.bf16.f32 v11;
	v11 =	vbroadcast v2, $0x3;
	v4 =	vmul.f32 v7, v5;
	v7 =	vld.idx.msk [tilespmem:v0+s16+$0x90 ss:$0x1], $0xffff  }
0xa3: {  	s30 =	sadd.s32 $0x200, s2;
	v5 =	vmul.f32 v9, v5;
	v9 =	vunpack.i.l.bf16.f32 v10  }
0xa4: {  	[tilespmem:s30+$0xFFFFFF00] =	vst v4;
	v4 =	vunpack.i.u.bf16.f32 v10;
	v9 =	vmul.f32 v9, v11;
	v10 =	vbroadcast v1, $0x6  }
0xa5: {  	[tilespmem:s30+$0xFFFFFF10] =	vst v5;
	v4 =	vmul.f32 v4, v11;
	v5 =	vunpack.i.l.bf16.f32 v8  }
0xa6: {  	v11 =	vld.idx.msk [tilespmem:v0+s31+$0x10 ss:$0x1], $0xffff;
	[tilespmem:s2+$0xFFFFFF60] =	vst v9;
	v8 =	vunpack.i.u.bf16.f32 v8;
	v9 =	vbroadcast v6, $0x9;
	v5 =	vmul.f32 v5, v10  }
0xa7: {  	[tilespmem:s2+$0xFFFFFF70] =	vst v4;
	v4 =	vmul.f32 v8, v10;
	v8 =	vunpack.i.l.bf16.f32 v7  }
0xa8: {  	[tilespmem:s12+$0xFFFFFFC0] =	vst v5;
	v5 =	vunpack.i.u.bf16.f32 v7;
	v7 =	vmul.f32 v8, v9;
	v8 =	vld.idx.msk [tilespmem:v0+s26+$0x40 ss:$0x1], $0xffff  }
0xa9: {  	[tilespmem:s12+$0xFFFFFFD0] =	vst v4;
	v4 =	vmul.f32 v5, v9  }
0xaa: {  	v5 =	vld.idx.msk [tilespmem:v0+s15+$0x70 ss:$0x1], $0xffff;
	[tilespmem:s29+$0x20] =	vst v7;
	v7 =	vbroadcast v3, $0x1  }
0xab: {  	[tilespmem:s29+$0x30] =	vst v4;
	v4 =	vunpack.i.l.bf16.f32 v11  }
0xac: {  	v10 =	vunpack.i.u.bf16.f32 v11;
	v11 =	vbroadcast v2, $0x4;
	v9 =	vld.idx.msk [tilespmem:v0+s16+$0xA0 ss:$0x1], $0xffff;
	v4 =	vmul.f32 v4, v7  }
0xad: {  	v7 =	vmul.f32 v10, v7;
	v10 =	vunpack.i.l.bf16.f32 v8  }
0xae: {  	[tilespmem:s30+$0xFFFFFF20] =	vst v4;
	v4 =	vunpack.i.u.bf16.f32 v8;
	v8 =	vmul.f32 v10, v11;
	v10 =	vbroadcast v1, $0x7  }
0xaf: {  	[tilespmem:s30+$0xFFFFFF30] =	vst v7;
	v7 =	vunpack.i.l.bf16.f32 v5;
	v4 =	vmul.f32 v4, v11  }
0xb0: {  	v5 =	vunpack.i.u.bf16.f32 v5;
	v11 =	vld.idx.msk [tilespmem:v0+s31+$0x20 ss:$0x1], $0xffff;
	[tilespmem:s2+$0xFFFFFF80] =	vst v8;
	v7 =	vmul.f32 v7, v10;
	v8 =	vbroadcast v6, $0xA  }
0xb1: {  	[tilespmem:s2+$0xFFFFFF90] =	vst v4;
	v4 =	vmul.f32 v5, v10;
	v5 =	vunpack.i.l.bf16.f32 v9  }
0xb2: {  	v10 =	vld.idx.msk [tilespmem:v0+s26+$0x50 ss:$0x1], $0xffff;
	[tilespmem:s12+$0xFFFFFFE0] =	vst v7;
	v7 =	vunpack.i.u.bf16.f32 v9;
	v5 =	vmul.f32 v5, v8  }
0xb3: {  	[tilespmem:s12+$0xFFFFFFF0] =	vst v4;
	v4 =	vmul.f32 v7, v8  }
0xb4: {  	v7 =	vld.idx.msk [tilespmem:v0+s15+$0x80 ss:$0x1], $0xffff;
	[tilespmem:s29+$0x40] =	vst v5;
	v5 =	vbroadcast v3, $0x2  }
0xb5: {  	[tilespmem:s29+$0x50] =	vst v4;
	v4 =	vunpack.i.l.bf16.f32 v11  }
0xb6: {  	s20 =	sadd.s32 $0x10, s0;
	v12 =	vbroadcast v2, $0x5;
	v9 =	vunpack.i.u.bf16.f32 v11;
	v8 =	vld.idx.msk [tilespmem:v0+s16+$0xB0 ss:$0x1], $0xffff;
	v11 =	vmul.f32 v4, v5  }
0xb7: {  	s4 =	simm.s32 $0x400;
	v4 =	vld [tilespmem:s20+$0x0];
	v5 =	vmul.f32 v9, v5;
	v9 =	vunpack.i.l.bf16.f32 v10  }
0xb8: {  	v13 =	vld.idx.msk [tilespmem:v0+s4+$0x0 ss:$0x1], $0xffff;
	v10 =	vunpack.i.u.bf16.f32 v10;
	[tilespmem:s30+$0xFFFFFF40] =	vst v11;
	v9 =	vmul.f32 v9, v12;
	v11 =	vbroadcast v1, $0x8  }
0xb9: {  	[tilespmem:s30+$0xFFFFFF50] =	vst v5;
	v5 =	vmul.f32 v10, v12;
	v10 =	vunpack.i.l.bf16.f32 v7  }
0xba: {  	v12 =	vld.idx.msk [tilespmem:v0+s31+$0x30 ss:$0x1], $0xffff;
	v7 =	vunpack.i.u.bf16.f32 v7;
	[tilespmem:s2+$0xFFFFFFA0] =	vst v9;
	v9 =	vmul.f32 v10, v11;
	v10 =	vbroadcast v6, $0xB  }
0xbb: {  	[tilespmem:s2+$0xFFFFFFB0] =	vst v5;
	v5 =	vmul.f32 v7, v11;
	v7 =	vunpack.i.l.bf16.f32 v8  }
0xbc: {  	v11 =	vbroadcast v4, $0x0;
	v14 =	vld.idx.msk [tilespmem:v0+s26+$0x60 ss:$0x1], $0xffff;
	v8 =	vunpack.i.u.bf16.f32 v8;
	[tilespmem:s12+$0x0] =	vst v9;
	v7 =	vmul.f32 v7, v10  }
0xbd: {  	v9 =	vunpack.i.l.bf16.f32 v13;
	[tilespmem:s12+$0x10] =	vst v5;
	v5 =	vmul.f32 v8, v10  }
0xbe: {  	v10 =	vbroadcast v3, $0x3;
	v8 =	vmul.f32 v9, v11;
	v9 =	vld.idx.msk [tilespmem:v0+s15+$0x90 ss:$0x1], $0xffff;
	[tilespmem:s29+$0x60] =	vst v7;
	v7 =	vunpack.i.u.bf16.f32 v13  }
0xbf: {  	s0 =	sadd.s32 $0x200, s30;
	[tilespmem:s29+$0x70] =	vst v5;
	v5 =	vmul.f32 v7, v11;
	v7 =	vunpack.i.l.bf16.f32 v12  }
0xc0: {  	[tilespmem:s0+$0xFFFFFF00] =	vst v8;
	v8 =	vld.idx.msk [tilespmem:v0+s16+$0xC0 ss:$0x1], $0xffff;
	v11 =	vunpack.i.u.bf16.f32 v12;
	v12 =	vbroadcast v2, $0x6;
	v7 =	vmul.f32 v7, v10  }
0xc1: {  	[tilespmem:s0+$0xFFFFFF10] =	vst v5;
	v5 =	vmul.f32 v11, v10;
	v10 =	vunpack.i.l.bf16.f32 v14  }
0xc2: {  	v11 =	vbroadcast v1, $0x9;
	[tilespmem:s30+$0xFFFFFF60] =	vst v7;
	v7 =	vunpack.i.u.bf16.f32 v14;
	v10 =	vmul.f32 v10, v12;
	v13 =	vld.idx.msk [tilespmem:v0+s4+$0x10 ss:$0x1], $0xffff  }
0xc3: {  	[tilespmem:s30+$0xFFFFFF70] =	vst v5;
	v5 =	vmul.f32 v7, v12;
	v7 =	vunpack.i.l.bf16.f32 v9  }
0xc4: {  	v9 =	vunpack.i.u.bf16.f32 v9;
	[tilespmem:s2+$0xFFFFFFC0] =	vst v10;
	v7 =	vmul.f32 v7, v11;
	v10 =	vbroadcast v6, $0xC;
	v12 =	vld.idx.msk [tilespmem:v0+s31+$0x40 ss:$0x1], $0xffff  }
0xc5: {  	[tilespmem:s2+$0xFFFFFFD0] =	vst v5;
	v5 =	vmul.f32 v9, v11;
	v9 =	vunpack.i.l.bf16.f32 v8  }
0xc6: {  	v11 =	vbroadcast v4, $0x1;
	[tilespmem:s12+$0x20] =	vst v7;
	v7 =	vunpack.i.u.bf16.f32 v8;
	v8 =	vmul.f32 v9, v10;
	v9 =	vld.idx.msk [tilespmem:v0+s26+$0x70 ss:$0x1], $0xffff  }
0xc7: {  	[tilespmem:s12+$0x30] =	vst v5;
	v5 =	vmul.f32 v7, v10;
	v7 =	vunpack.i.l.bf16.f32 v13  }
0xc8: {  	v10 =	vunpack.i.u.bf16.f32 v13;
	v13 =	vbroadcast v3, $0x4;
	[tilespmem:s29+$0x80] =	vst v8;
	v8 =	vld.idx.msk [tilespmem:v0+s15+$0xA0 ss:$0x1], $0xffff;
	v7 =	vmul.f32 v7, v11  }
0xc9: {  	v10 =	vmul.f32 v10, v11;
	[tilespmem:s29+$0x90] =	vst v5;
	v5 =	vunpack.i.l.bf16.f32 v12  }
0xca: {  	s19 =	sadd.s32 $0x10, s20;
	v14 =	vbroadcast v2, $0x7;
	v11 =	vld.idx.msk [tilespmem:v0+s16+$0xD0 ss:$0x1], $0xffff;
	[tilespmem:s0+$0xFFFFFF20] =	vst v7;
	v7 =	vunpack.i.u.bf16.f32 v12;
	v12 =	vmul.f32 v5, v13  }
0xcb: {  	s11 =	simm.s32 $0x500;
	v5 =	vld [tilespmem:s19+$0x0];
	[tilespmem:s0+$0xFFFFFF30] =	vst v10;
	v7 =	vmul.f32 v7, v13;
	v10 =	vunpack.i.l.bf16.f32 v9  }
0xcc: {  	v13 =	vld.idx.msk [tilespmem:v0+s11+$0x0 ss:$0x1], $0xffff;
	v9 =	vunpack.i.u.bf16.f32 v9;
	[tilespmem:s30+$0xFFFFFF80] =	vst v12;
	v10 =	vmul.f32 v10, v14;
	v12 =	vbroadcast v1, $0xA  }
0xcd: {  	v15 =	vld.idx.msk [tilespmem:v0+s4+$0x20 ss:$0x1], $0xffff;
	[tilespmem:s30+$0xFFFFFF90] =	vst v7;
	v7 =	vmul.f32 v9, v14;
	v9 =	vunpack.i.l.bf16.f32 v8  }
0xce: {  	v8 =	vunpack.i.u.bf16.f32 v8;
	[tilespmem:s2+$0xFFFFFFE0] =	vst v10;
	v9 =	vmul.f32 v9, v12;
	v10 =	vbroadcast v6, $0xD  }
0xcf: {  	v14 =	vld.idx.msk [tilespmem:v0+s31+$0x50 ss:$0x1], $0xffff;
	[tilespmem:s2+$0xFFFFFFF0] =	vst v7;
	v7 =	vmul.f32 v8, v12;
	v8 =	vunpack.i.l.bf16.f32 v11  }
0xd0: {  	v12 =	vbroadcast v5, $0x0;
	[tilespmem:s12+$0x40] =	vst v9;
	v9 =	vunpack.i.u.bf16.f32 v11;
	v8 =	vmul.f32 v8, v10  }
0xd1: {  	v17 =	vbroadcast v4, $0x2;
	v11 =	vld.idx.msk [tilespmem:v0+s26+$0x80 ss:$0x1], $0xffff;
	v16 =	vunpack.i.l.bf16.f32 v13;
	[tilespmem:s12+$0x50] =	vst v7;
	v7 =	vmul.f32 v9, v10  }
0xd2: {  	v9 =	vmul.f32 v16, v12;
	v10 =	vunpack.i.l.bf16.f32 v15;
	[tilespmem:s29+$0xA0] =	vst v8  }
0xd3: {  	s14 =	sadd.s32 $0x200, s0;
	v62 =	vbroadcast v3, $0x5;
	v15 =	vunpack.i.u.bf16.f32 v15;
	v8 =	vld.idx.msk [tilespmem:v0+s15+$0xB0 ss:$0x1], $0xffff;
	v10 =	vmul.f32 v10, v17;
	[tilespmem:s29+$0xB0] =	vst v7  }
0xd4: {  	[tilespmem:s14+$0xFFFFFF00] =	vst v9;
	v7 =	vmul.f32 v15, v17;
	v9 =	vunpack.i.l.bf16.f32 v14  }
0xd5: {  	v15 =	vld.idx.msk [tilespmem:v0+s16+$0xE0 ss:$0x1], $0xffff;
	[tilespmem:s0+$0xFFFFFF40] =	vst v10;
	v10 =	vunpack.i.u.bf16.f32 v14;
	v9 =	vmul.f32 v9, v62;
	v14 =	vbroadcast v2, $0x8  }
0xd6: {  	[tilespmem:s0+$0xFFFFFF50] =	vst v7;
	v7 =	vmul.f32 v10, v62;
	v10 =	vunpack.i.l.bf16.f32 v11  }
0xd7: {  	[tilespmem:s30+$0xFFFFFFA0] =	vst v9;
	v9 =	vunpack.i.u.bf16.f32 v11;
	v10 =	vmul.f32 v10, v14;
	v11 =	vbroadcast v1, $0xB  }
0xd8: {  	v63 =	vld.idx.msk [tilespmem:v0+s4+$0x30 ss:$0x1], $0xffff;
	[tilespmem:s30+$0xFFFFFFB0] =	vst v7;
	v7 =	vmul.f32 v9, v14;
	v9 =	vunpack.i.l.bf16.f32 v8  }
0xd9: {  	v8 =	vunpack.i.u.bf16.f32 v8;
	[tilespmem:s2+$0x0] =	vst v10;
	v9 =	vmul.f32 v9, v11;
	v10 =	vbroadcast v6, $0xE  }
0xda: {  	v14 =	vld.idx.msk [tilespmem:v0+s31+$0x60 ss:$0x1], $0xffff;
	[tilespmem:s2+$0x10] =	vst v7;
	v7 =	vmul.f32 v8, v11;
	v8 =	vunpack.i.l.bf16.f32 v15  }
0xdb: {  	[tilespmem:s12+$0x60] =	vst v9;
	v9 =	vunpack.i.u.bf16.f32 v15;
	v8 =	vmul.f32 v8, v10  }
0xdc: {  	v13 =	vunpack.i.u.bf16.f32 v13;
	v11 =	vld.idx.msk [tilespmem:v0+s26+$0x90 ss:$0x1], $0xffff;
	v15 =	vbroadcast v4, $0x3;
	[tilespmem:s12+$0x70] =	vst v7;
	v7 =	vmul.f32 v9, v10  }
0xdd: {  	v9 =	vmul.f32 v13, v12;
	v10 =	vunpack.i.l.bf16.f32 v63;
	[tilespmem:s29+$0xC0] =	vst v8  }
0xde: {  	v12 =	vunpack.i.u.bf16.f32 v63;
	v13 =	vbroadcast v3, $0x6;
	v8 =	vld.idx.msk [tilespmem:v0+s15+$0xC0 ss:$0x1], $0xffff;
	v10 =	vmul.f32 v10, v15;
	[tilespmem:s29+$0xD0] =	vst v7  }
0xdf: {  	[tilespmem:s14+$0xFFFFFF10] =	vst v9;
	v7 =	vmul.f32 v12, v15;
	v9 =	vunpack.i.l.bf16.f32 v14  }
0xe0: {  	v12 =	vld.idx.msk [tilespmem:v0+s16+$0xF0 ss:$0x1], $0xffff;
	[tilespmem:s0+$0xFFFFFF60] =	vst v10;
	v10 =	vunpack.i.u.bf16.f32 v14;
	v9 =	vmul.f32 v9, v13;
	v14 =	vbroadcast v2, $0x9  }
0xe1: {  	[tilespmem:s0+$0xFFFFFF70] =	vst v7;
	v7 =	vmul.f32 v10, v13;
	v10 =	vunpack.i.l.bf16.f32 v11  }
0xe2: {  	v13 =	vld.idx.msk [tilespmem:v0+s11+$0x10 ss:$0x1], $0xffff;
	[tilespmem:s30+$0xFFFFFFC0] =	vst v9;
	v9 =	vunpack.i.u.bf16.f32 v11;
	v10 =	vmul.f32 v10, v14;
	v11 =	vbroadcast v1, $0xC  }
0xe3: {  	[tilespmem:s30+$0xFFFFFFD0] =	vst v7;
	v7 =	vmul.f32 v9, v14;
	v9 =	vunpack.i.l.bf16.f32 v8  }
0xe4: {  	v6 =	vbroadcast v6, $0xF;
	v8 =	vunpack.i.u.bf16.f32 v8;
	[tilespmem:s2+$0x20] =	vst v10;
	v10 =	vmul.f32 v9, v11;
	v9 =	vld.idx.msk [tilespmem:v0+s4+$0x40 ss:$0x1], $0xffff  }
0xe5: {  	[tilespmem:s2+$0x30] =	vst v7;
	v7 =	vmul.f32 v8, v11;
	v8 =	vunpack.i.u.bf16.f32 v12  }
0xe6: {  	s21 =	sshll.u32 s9, $0xE;
	v12 =	vunpack.i.l.bf16.f32 v12;
	v11 =	vbroadcast v5, $0x1;
	[tilespmem:s12+$0x80] =	vst v10;
	v14 =	vmul.f32 v8, v6;
	v8 =	vld.idx.msk [tilespmem:v0+s31+$0x70 ss:$0x1], $0xffff  }
0xe7: {  	s16 =	sand.u32 $0x4000, s21;
	v10 =	vunpack.i.l.bf16.f32 v13;
	v6 =	vmul.f32 v12, v6;
	[tilespmem:s12+$0x90] =	vst v7  }
0xe8: {  	s18 =	sshll.u32 s9, $0xB;
	s20 =	simm.s32 $0x1800;
	s17 =	sor.u32 $0xAE00, s16;
	v13 =	vunpack.i.u.bf16.f32 v13;
	v7 =	vld.idx.msk [tilespmem:v0+s26+$0xA0 ss:$0x1], $0xffff;
	v12 =	vmul.f32 v10, v11;
	v10 =	vbroadcast v4, $0x4;
	[tilespmem:s29+$0xF0] =	vst v14  }
.LBB2_4:
0xe9: {  	p2 =	sne.s32 s20, $0x7C00;
	v11 =	vmul.f32 v13, v11;
	s19 =	sadd.s32 $0x10, s19;
	v13 =	vunpack.i.l.bf16.f32 v9;
	v14 =	vld.idx.msk [tilespmem:v0+s15+$0xD0 ss:$0x1], $0xffff;
	[tilespmem:s29+$0xE0] =	vst v6;
	s29 =	smov.u32 s12  }
0xea: {  	s21 =	sshra.s32 s20, $0x2;
	v9 =	vunpack.i.u.bf16.f32 v9;
	s12 =	smov.u32 s2;
	s2 =	smov.u32 s30;
	v6 =	vld [tilespmem:s19+$0x0];
	[tilespmem:s14+$0xFFFFFF20] =	vst v12;
	v12 =	vmul.f32 v13, v10;
	v13 =	vbroadcast v3, $0x7  }
0xeb: {  	s30 =	smov.u32 s0;
	s0 =	smov.u32 s14;
	v9 =	vmul.f32 v9, v10;
	v10 =	vunpack.i.l.bf16.f32 v8;
	v15 =	vld.idx.msk [tilespmem:v0+s21+$0x0 ss:$0x1], $0xffff;
	[tilespmem:s14+$0xFFFFFF30] =	vst v11  }
0xec: {  	v8 =	vunpack.i.u.bf16.f32 v8;
	v11 =	vld.idx.msk [tilespmem:v0+s11+$0x20 ss:$0x1], $0xffff;
	[tilespmem:s30+$0xFFFFFF80] =	vst v12;
	v10 =	vmul.f32 v10, v13;
	v12 =	vbroadcast v2, $0xA  }
0xed: {  	v8 =	vmul.f32 v8, v13;
	[tilespmem:s30+$0xFFFFFF90] =	vst v9;
	v9 =	vunpack.i.l.bf16.f32 v7  }
0xee: {  	v7 =	vunpack.i.u.bf16.f32 v7;
	v13 =	vld.idx.msk [tilespmem:v0+s4+$0x50 ss:$0x1], $0xffff;
	[tilespmem:s2+$0xFFFFFFE0] =	vst v10;
	v9 =	vmul.f32 v9, v12;
	v10 =	vbroadcast v1, $0xD  }
0xef: {  	v7 =	vmul.f32 v7, v12;
	[tilespmem:s2+$0xFFFFFFF0] =	vst v8;
	v8 =	vunpack.i.l.bf16.f32 v14  }
0xf0: {  	v12 =	vbroadcast v6, $0x0;
	v16 =	vld.idx.msk [tilespmem:v0+s31+$0x80 ss:$0x1], $0xffff;
	[tilespmem:s12+$0x40] =	vst v9;
	v9 =	vunpack.i.u.bf16.f32 v14;
	v8 =	vmul.f32 v8, v10  }
0xf1: {  	v17 =	vbroadcast v5, $0x2;
	v14 =	vunpack.i.l.bf16.f32 v15;
	[tilespmem:s12+$0x50] =	vst v7;
	v7 =	vmul.f32 v9, v10  }
0xf2: {  	v9 =	vmul.f32 v14, v12;
	v10 =	vunpack.i.l.bf16.f32 v11;
	v14 =	vld.idx.msk [tilespmem:v0+s26+$0xB0 ss:$0x1], $0xffff;
	[tilespmem:s29+$0xA0] =	vst v8  }
0xf3: {  	s14 =	sadd.s32 $0x200, s14;
	v8 =	vunpack.i.u.bf16.f32 v11;
	v10 =	vmul.f32 v10, v17;
	v11 =	vbroadcast v4, $0x5;
	[tilespmem:s29+$0xB0] =	vst v7  }
0xf4: {  	v7 =	vmul.f32 v8, v17;
	v8 =	vunpack.i.l.bf16.f32 v13;
	[tilespmem:s14+$0xFFFFFF00] =	vst v9;
	v9 =	vld.idx.msk [tilespmem:v0+s15+$0xE0 ss:$0x1], $0xffff  }
0xf5: {  	v8 =	vmul.f32 v8, v11;
	[tilespmem:s0+$0xFFFFFF40] =	vst v10;
	v10 =	vunpack.i.u.bf16.f32 v13;
	v13 =	vbroadcast v3, $0x8  }
0xf6: {  	[tilespmem:s0+$0xFFFFFF50] =	vst v7;
	v7 =	vmul.f32 v10, v11;
	v10 =	vunpack.i.l.bf16.f32 v16  }
0xf7: {  	v11 =	vld.idx.msk [tilespmem:v0+s11+$0x30 ss:$0x1], $0xffff;
	[tilespmem:s30+$0xFFFFFFA0] =	vst v8;
	v8 =	vunpack.i.u.bf16.f32 v16;
	v10 =	vmul.f32 v10, v13;
	v16 =	vbroadcast v2, $0xB  }
0xf8: {  	[tilespmem:s30+$0xFFFFFFB0] =	vst v7;
	v7 =	vmul.f32 v8, v13;
	v8 =	vunpack.i.l.bf16.f32 v14  }
0xf9: {  	v13 =	vld.idx.msk [tilespmem:v0+s4+$0x60 ss:$0x1], $0xffff;
	[tilespmem:s2+$0x0] =	vst v10;
	v10 =	vunpack.i.u.bf16.f32 v14;
	v8 =	vmul.f32 v8, v16;
	v14 =	vbroadcast v1, $0xE  }
0xfa: {  	[tilespmem:s2+$0x10] =	vst v7;
	v7 =	vmul.f32 v10, v16;
	v10 =	vunpack.i.l.bf16.f32 v9  }
0xfb: {  	v16 =	vld.idx.msk [tilespmem:v0+s31+$0x90 ss:$0x1], $0xffff;
	[tilespmem:s12+$0x60] =	vst v8;
	v8 =	vunpack.i.u.bf16.f32 v9;
	v9 =	vmul.f32 v10, v14  }
0xfc: {  	v10 =	vunpack.i.u.bf16.f32 v15;
	v15 =	vbroadcast v5, $0x3;
	[tilespmem:s12+$0x70] =	vst v7;
	v7 =	vmul.f32 v8, v14  }
0xfd: {  	v8 =	vmul.f32 v10, v12;
	v10 =	vunpack.i.l.bf16.f32 v11;
	v12 =	vld.idx.msk [tilespmem:v0+s26+$0xC0 ss:$0x1], $0xffff;
	[tilespmem:s29+$0xC0] =	vst v9  }
0xfe: {  	v9 =	vunpack.i.u.bf16.f32 v11;
	v10 =	vmul.f32 v10, v15;
	v11 =	vbroadcast v4, $0x6;
	[tilespmem:s29+$0xD0] =	vst v7  }
0xff: {  	v7 =	vmul.f32 v9, v15;
	[tilespmem:s14+$0xFFFFFF10] =	vst v8;
	v8 =	vunpack.i.l.bf16.f32 v13;
	v14 =	vld.idx.msk [tilespmem:v0+s15+$0xF0 ss:$0x1], $0xffff;
	s15 =	smov.u32 s26;
	s26 =	smov.u32 s31;
	s31 =	smov.u32 s4  }
0x100: {  	v9 =	vunpack.i.u.bf16.f32 v13;
	s4 =	smov.u32 s11;
	s11 =	smov.u32 s21;
	[tilespmem:s0+$0xFFFFFF60] =	vst v10;
	v8 =	vmul.f32 v8, v11;
	v10 =	vbroadcast v3, $0x9  }
0x101: {  	v13 =	vld.idx.msk [tilespmem:v0+s11+$0x10 ss:$0x1], $0xffff;
	[tilespmem:s0+$0xFFFFFF70] =	vst v7;
	v7 =	vmul.f32 v9, v11;
	v9 =	vunpack.i.l.bf16.f32 v16  }
0x102: {  	v15 =	vbroadcast v2, $0xC;
	[tilespmem:s30+$0xFFFFFFC0] =	vst v8;
	v8 =	vunpack.i.u.bf16.f32 v16;
	v11 =	vmul.f32 v9, v10  }
0x103: {  	v9 =	vld.idx.msk [tilespmem:v0+s4+$0x40 ss:$0x1], $0xffff;
	[tilespmem:s30+$0xFFFFFFD0] =	vst v7;
	v7 =	vmul.f32 v8, v10;
	v8 =	vunpack.i.l.bf16.f32 v12  }
.Ltmp0:
0x104: {  	v16 =	vbroadcast v1, $0xF;
	v1 =	vmovc v2;
	v2 =	vmovc v3;
	v10 =	vunpack.i.u.bf16.f32 v12;
	[tilespmem:s2+$0x20] =	vst v11;
	v12 =	vmul.f32 v8, v15;
	(pc) =	sbr.rel @p2 .LBB2_4-.Ltmp0, $4  }
0x105: {  	v3 =	vmovc v4;
	v10 =	vmul.f32 v10, v15;
	v8 =	vld.idx.msk [tilespmem:v0+s31+$0x70 ss:$0x1], $0xffff;
	[tilespmem:s2+$0x30] =	vst v7;
	v7 =	vunpack.i.u.bf16.f32 v14;
	v14 =	vunpack.i.l.bf16.f32 v14  }
0x106: {  	v4 =	vmovc v5;
	v5 =	vmov v6;
	v11 =	vbroadcast v6, $0x1;
	[tilespmem:s12+$0x80] =	vst v12;
	v15 =	vmul.f32 v7, v16  }
0x107: {  	v12 =	vunpack.i.l.bf16.f32 v13;
	v6 =	vmul.f32 v14, v16;
	v7 =	vld.idx.msk [tilespmem:v0+s26+$0xA0 ss:$0x1], $0xffff;
	[tilespmem:s12+$0x90] =	vst v10  }
0x108: {  	s20 =	sadd.s32 $0x400, s20;
	v13 =	vunpack.i.u.bf16.f32 v13;
	v12 =	vmul.f32 v12, v11;
	v10 =	vbroadcast v4, $0x4;
	[tilespmem:s29+$0xF0] =	vst v15  }
0x109: {  	_ = 	snop  }
0x10a: {  	v11 =	vmul.f32 v13, v11  }
0x10b: {  	[tilespmem:s14+$0xFFFFFF20] =	vst v12  }
0x10c: {  	[tilespmem:s14+$0xFFFFFF30] =	vst v11  }
0x10d: {  	v11 =	vld.idx.msk [tilespmem:v0+s11+$0x20 ss:$0x1], $0xffff;
	_ =	sdelay $0x3  }
0x10e: {  	v31 =	vbroadcast v5, $0x2  }
0x10f: {  	v32 =	vunpack.i.l.bf16.f32 v11  }
0x110: {  	v11 =	vunpack.i.u.bf16.f32 v11;
	v13 =	vmul.f32 v32, v31  }
0x111: {  	v11 =	vmul.f32 v11, v31  }
0x112: {  	[tilespmem:s14+$0xFFFFFF40] =	vst v13  }
0x113: {  	[tilespmem:s14+$0xFFFFFF50] =	vst v11  }
0x114: {  	v11 =	vld.idx.msk [tilespmem:v0+s11+$0x30 ss:$0x1], $0xffff;
	_ =	sdelay $0x3  }
0x115: {  	v33 =	vbroadcast v5, $0x3  }
0x116: {  	v34 =	vunpack.i.l.bf16.f32 v11  }
0x117: {  	v11 =	vunpack.i.u.bf16.f32 v11;
	v13 =	vmul.f32 v34, v33  }
0x118: {  	v11 =	vmul.f32 v11, v33  }
0x119: {  	[tilespmem:s14+$0xFFFFFF60] =	vst v13  }
0x11a: {  	[tilespmem:s14+$0xFFFFFF70] =	vst v11  }
0x11b: {  	v11 =	vld.idx.msk [tilespmem:v0+s11+$0x40 ss:$0x1], $0xffff;
	_ =	sdelay $0x2  }
0x11c: {  	v35 =	vunpack.i.l.bf16.f32 v9  }
0x11d: {  	v36 =	vunpack.i.u.bf16.f32 v9;
	v37 =	vbroadcast v5, $0x4;
	v12 =	vmul.f32 v35, v10  }
0x11e: {  	v9 =	vmul.f32 v36, v10;
	v38 =	vunpack.i.l.bf16.f32 v11  }
0x11f: {  	[tilespmem:s0+$0xFFFFFF80] =	vst v12;
	v11 =	vunpack.i.u.bf16.f32 v11;
	v10 =	vmul.f32 v38, v37  }
0x120: {  	[tilespmem:s0+$0xFFFFFF90] =	vst v9;
	v39 =	vmul.f32 v11, v37  }
0x121: {  	v40 =	vld.idx.msk [tilespmem:v0+s4+$0x50 ss:$0x1], $0xffff;
	[tilespmem:s14+$0xFFFFFF80] =	vst v10  }
0x122: {  	[tilespmem:s14+$0xFFFFFF90] =	vst v39  }
0x123: {  	v9 =	vld.idx.msk [tilespmem:v0+s11+$0x50 ss:$0x1], $0xffff;
	_ =	sdelay $0x1  }
0x124: {  	v41 =	vbroadcast v4, $0x5  }
0x125: {  	v42 =	vunpack.i.l.bf16.f32 v40  }
0x126: {  	v43 =	vbroadcast v5, $0x5;
	v12 =	vmul.f32 v42, v41;
	v11 =	vunpack.i.u.bf16.f32 v40  }
0x127: {  	v10 =	vmul.f32 v11, v41;
	v44 =	vunpack.i.l.bf16.f32 v9  }
0x128: {  	[tilespmem:s0+$0xFFFFFFA0] =	vst v12;
	v9 =	vunpack.i.u.bf16.f32 v9;
	v11 =	vmul.f32 v44, v43  }
0x129: {  	[tilespmem:s0+$0xFFFFFFB0] =	vst v10;
	v9 =	vmul.f32 v9, v43  }
0x12a: {  	v10 =	vld.idx.msk [tilespmem:v0+s4+$0x60 ss:$0x1], $0xffff;
	[tilespmem:s14+$0xFFFFFFA0] =	vst v11  }
0x12b: {  	[tilespmem:s14+$0xFFFFFFB0] =	vst v9  }
0x12c: {  	v9 =	vld.idx.msk [tilespmem:v0+s11+$0x60 ss:$0x1], $0xffff;
	_ =	sdelay $0x1  }
0x12d: {  	v45 =	vbroadcast v4, $0x6  }
0x12e: {  	v46 =	vunpack.i.l.bf16.f32 v10  }
0x12f: {  	v47 =	vbroadcast v5, $0x6;
	v10 =	vunpack.i.u.bf16.f32 v10;
	v12 =	vmul.f32 v46, v45  }
0x130: {  	v10 =	vmul.f32 v10, v45;
	v48 =	vunpack.i.l.bf16.f32 v9  }
0x131: {  	[tilespmem:s0+$0xFFFFFFC0] =	vst v12;
	v9 =	vunpack.i.u.bf16.f32 v9;
	v11 =	vmul.f32 v48, v47  }
0x132: {  	[tilespmem:s0+$0xFFFFFFD0] =	vst v10;
	v9 =	vmul.f32 v9, v47  }
0x133: {  	v10 =	vld.idx.msk [tilespmem:v0+s4+$0x70 ss:$0x1], $0xffff;
	[tilespmem:s14+$0xFFFFFFC0] =	vst v11  }
0x134: {  	[tilespmem:s14+$0xFFFFFFD0] =	vst v9  }
0x135: {  	v49 =	vbroadcast v3, $0x7;
	v11 =	vld.idx.msk [tilespmem:v0+s11+$0x70 ss:$0x1], $0xffff  }
0x136: {  	v51 =	vunpack.i.u.bf16.f32 v8  }
0x137: {  	v52 =	vbroadcast v4, $0x7;
	v50 =	vunpack.i.l.bf16.f32 v8;
	v8 =	vmul.f32 v51, v49  }
0x138: {  	v12 =	vmul.f32 v50, v49;
	v53 =	vunpack.i.l.bf16.f32 v10  }
0x139: {  	v54 =	vbroadcast v5, $0x7;
	[tilespmem:s30+$0xFFFFFFF0] =	vst v8;
	v10 =	vunpack.i.u.bf16.f32 v10;
	v9 =	vmul.f32 v53, v52  }
0x13a: {  	[tilespmem:s30+$0xFFFFFFE0] =	vst v12;
	v55 =	vmul.f32 v10, v52;
	v56 =	vunpack.i.l.bf16.f32 v11  }
0x13b: {  	v57 =	vld.idx.msk [tilespmem:v0+s31+$0x80 ss:$0x1], $0xffff;
	[tilespmem:s0+$0xFFFFFFE0] =	vst v9;
	v58 =	vunpack.i.u.bf16.f32 v11;
	v10 =	vmul.f32 v56, v54  }
0x13c: {  	[tilespmem:s0+$0xFFFFFFF0] =	vst v55;
	v59 =	vmul.f32 v58, v54  }
0x13d: {  	v60 =	vld.idx.msk [tilespmem:v0+s4+$0x80 ss:$0x1], $0xffff;
	[tilespmem:s14+$0xFFFFFFE0] =	vst v10  }
0x13e: {  	[tilespmem:s14+$0xFFFFFFF0] =	vst v59  }
0x13f: {  	v61 =	vbroadcast v3, $0x8;
	v10 =	vld.idx.msk [tilespmem:v0+s11+$0x80 ss:$0x1], $0xffff  }
0x140: {  	v63 =	vunpack.i.u.bf16.f32 v57  }
0x141: {  	v16 =	vbroadcast v4, $0x8;
	v62 =	vunpack.i.l.bf16.f32 v57;
	v8 =	vmul.f32 v63, v61  }
0x142: {  	v11 =	vmul.f32 v62, v61;
	v17 =	vunpack.i.l.bf16.f32 v60  }
0x143: {  	v19 =	vbroadcast v5, $0x8;
	[tilespmem:s30+$0x10] =	vst v8;
	v9 =	vunpack.i.u.bf16.f32 v60;
	v18 =	vmul.f32 v17, v16  }
0x144: {  	[tilespmem:s30+$0x0] =	vst v11;
	v20 =	vmul.f32 v9, v16;
	v21 =	vunpack.i.l.bf16.f32 v10  }
0x145: {  	v22 =	vld.idx.msk [tilespmem:v0+s31+$0x90 ss:$0x1], $0xffff;
	[tilespmem:s0+$0x0] =	vst v18;
	v10 =	vunpack.i.u.bf16.f32 v10;
	v9 =	vmul.f32 v21, v19  }
0x146: {  	[tilespmem:s0+$0x10] =	vst v20;
	v23 =	vmul.f32 v10, v19  }
0x147: {  	v24 =	vld.idx.msk [tilespmem:v0+s4+$0x90 ss:$0x1], $0xffff;
	[tilespmem:s14+$0x0] =	vst v9  }
0x148: {  	[tilespmem:s14+$0x10] =	vst v23  }
0x149: {  	v25 =	vbroadcast v3, $0x9;
	v9 =	vld.idx.msk [tilespmem:v0+s11+$0x90 ss:$0x1], $0xffff  }
0x14a: {  	v26 =	vunpack.i.l.bf16.f32 v22  }
0x14b: {  	v28 =	vbroadcast v4, $0x9;
	v27 =	vunpack.i.u.bf16.f32 v22;
	v11 =	vmul.f32 v26, v25  }
0x14c: {  	v8 =	vmul.f32 v27, v25;
	v29 =	vunpack.i.l.bf16.f32 v24  }
0x14d: {  	v31 =	vbroadcast v5, $0x9;
	[tilespmem:s30+$0x20] =	vst v11;
	v10 =	vunpack.i.u.bf16.f32 v24;
	v30 =	vmul.f32 v29, v28  }
0x14e: {  	[tilespmem:s30+$0x30] =	vst v8;
	v32 =	vmul.f32 v10, v28;
	v33 =	vunpack.i.l.bf16.f32 v9  }
0x14f: {  	v34 =	vld.idx.msk [tilespmem:v0+s31+$0xA0 ss:$0x1], $0xffff;
	[tilespmem:s0+$0x20] =	vst v30;
	v9 =	vunpack.i.u.bf16.f32 v9;
	v10 =	vmul.f32 v33, v31  }
0x150: {  	[tilespmem:s0+$0x30] =	vst v32;
	v35 =	vmul.f32 v9, v31  }
0x151: {  	v36 =	vbroadcast v2, $0xA;
	v11 =	vld.idx.msk [tilespmem:v0+s4+$0xA0 ss:$0x1], $0xffff;
	[tilespmem:s14+$0x20] =	vst v10  }
0x152: {  	v38 =	vunpack.i.u.bf16.f32 v7;
	[tilespmem:s14+$0x30] =	vst v35  }
0x153: {  	v37 =	vunpack.i.l.bf16.f32 v7;
	v40 =	vbroadcast v3, $0xA;
	v7 =	vmul.f32 v38, v36;
	v41 =	vld.idx.msk [tilespmem:v0+s11+$0xA0 ss:$0x1], $0xffff  }
0x154: {  	v39 =	vmul.f32 v37, v36;
	v43 =	vunpack.i.u.bf16.f32 v34  }
0x155: {  	[tilespmem:s2+$0x50] =	vst v7;
	v44 =	vbroadcast v4, $0xA;
	v42 =	vunpack.i.l.bf16.f32 v34;
	v45 =	vmul.f32 v43, v40  }
0x156: {  	[tilespmem:s2+$0x40] =	vst v39;
	v9 =	vmul.f32 v42, v40;
	v46 =	vunpack.i.l.bf16.f32 v11  }
0x157: {  	v49 =	vbroadcast v5, $0xA;
	v47 =	vld.idx.msk [tilespmem:v0+s26+$0xB0 ss:$0x1], $0xffff;
	v48 =	vunpack.i.u.bf16.f32 v11;
	[tilespmem:s30+$0x50] =	vst v45;
	v8 =	vmul.f32 v46, v44  }
0x158: {  	[tilespmem:s30+$0x40] =	vst v9;
	v50 =	vmul.f32 v48, v44;
	v51 =	vunpack.i.l.bf16.f32 v41  }
0x159: {  	v52 =	vld.idx.msk [tilespmem:v0+s31+$0xB0 ss:$0x1], $0xffff;
	[tilespmem:s0+$0x40] =	vst v8;
	v53 =	vunpack.i.u.bf16.f32 v41;
	v9 =	vmul.f32 v51, v49  }
0x15a: {  	[tilespmem:s0+$0x50] =	vst v50;
	v54 =	vmul.f32 v53, v49  }
0x15b: {  	v55 =	vbroadcast v2, $0xB;
	v56 =	vld.idx.msk [tilespmem:v0+s4+$0xB0 ss:$0x1], $0xffff;
	[tilespmem:s14+$0x40] =	vst v9  }
0x15c: {  	v58 =	vunpack.i.u.bf16.f32 v47;
	[tilespmem:s14+$0x50] =	vst v54  }
0x15d: {  	v57 =	vunpack.i.l.bf16.f32 v47;
	v7 =	vmul.f32 v58, v55;
	v59 =	vbroadcast v3, $0xB;
	v60 =	vld.idx.msk [tilespmem:v0+s11+$0xB0 ss:$0x1], $0xffff  }
0x15e: {  	v61 =	vunpack.i.l.bf16.f32 v52;
	v9 =	vmul.f32 v57, v55  }
0x15f: {  	v63 =	vbroadcast v4, $0xB;
	[tilespmem:s2+$0x70] =	vst v7;
	v62 =	vunpack.i.u.bf16.f32 v52;
	v8 =	vmul.f32 v61, v59  }
0x160: {  	v14 =	vmul.f32 v62, v59;
	v17 =	vunpack.i.u.bf16.f32 v56;
	[tilespmem:s2+$0x60] =	vst v9  }
0x161: {  	v18 =	vbroadcast v5, $0xB;
	v15 =	vunpack.i.l.bf16.f32 v56;
	[tilespmem:s30+$0x60] =	vst v8;
	v19 =	vmul.f32 v17, v63;
	v16 =	vld.idx.msk [tilespmem:v0+s26+$0xC0 ss:$0x1], $0xffff  }
0x162: {  	[tilespmem:s30+$0x70] =	vst v14;
	v9 =	vmul.f32 v15, v63;
	v20 =	vunpack.i.l.bf16.f32 v60  }
0x163: {  	v21 =	vld.idx.msk [tilespmem:v0+s31+$0xC0 ss:$0x1], $0xffff;
	[tilespmem:s0+$0x70] =	vst v19;
	v22 =	vunpack.i.u.bf16.f32 v60;
	v8 =	vmul.f32 v20, v18  }
0x164: {  	[tilespmem:s0+$0x60] =	vst v9;
	v23 =	vmul.f32 v22, v18  }
0x165: {  	v24 =	vbroadcast v2, $0xC;
	v25 =	vld.idx.msk [tilespmem:v0+s4+$0xC0 ss:$0x1], $0xffff;
	[tilespmem:s14+$0x60] =	vst v8  }
0x166: {  	v26 =	vunpack.i.l.bf16.f32 v16;
	[tilespmem:s14+$0x70] =	vst v23  }
0x167: {  	v28 =	vbroadcast v3, $0xC;
	v27 =	vunpack.i.u.bf16.f32 v16;
	v8 =	vmul.f32 v26, v24;
	v29 =	vld.idx.msk [tilespmem:v0+s11+$0xC0 ss:$0x1], $0xffff  }
0x168: {  	[tilespmem:s29+$0xE0] =	vst v6;
	v31 =	vunpack.i.l.bf16.f32 v21;
	v30 =	vmul.f32 v27, v24  }
0x169: {  	v32 =	vld.idx.msk [tilespmem:v0+s15+$0xD0 ss:$0x1], $0xffff;
	v34 =	vbroadcast v4, $0xC;
	v33 =	vunpack.i.u.bf16.f32 v21;
	v7 =	vmul.f32 v31, v28;
	[tilespmem:s2+$0x80] =	vst v8  }
0x16a: {  	v35 =	vmul.f32 v33, v28;
	v36 =	vunpack.i.l.bf16.f32 v25;
	[tilespmem:s2+$0x90] =	vst v30  }
0x16b: {  	v39 =	vbroadcast v5, $0xC;
	[tilespmem:s30+$0x80] =	vst v7;
	v38 =	vunpack.i.u.bf16.f32 v25;
	v8 =	vmul.f32 v36, v34;
	v37 =	vld.idx.msk [tilespmem:v0+s26+$0xD0 ss:$0x1], $0xffff  }
0x16c: {  	[tilespmem:s30+$0x90] =	vst v35;
	v40 =	vmul.f32 v38, v34;
	v41 =	vunpack.i.l.bf16.f32 v29  }
0x16d: {  	v42 =	vbroadcast v1, $0xD;
	v14 =	vld.idx.msk [tilespmem:v0+s31+$0xD0 ss:$0x1], $0xffff;
	[tilespmem:s0+$0x80] =	vst v8;
	v43 =	vunpack.i.u.bf16.f32 v29;
	v7 =	vmul.f32 v41, v39  }
0x16e: {  	v44 =	vunpack.i.l.bf16.f32 v32;
	[tilespmem:s0+$0x90] =	vst v40;
	v45 =	vmul.f32 v43, v39  }
0x16f: {  	v46 =	vunpack.i.u.bf16.f32 v32;
	v48 =	vbroadcast v2, $0xD;
	v47 =	vmul.f32 v44, v42;
	v49 =	vld.idx.msk [tilespmem:v0+s4+$0xD0 ss:$0x1], $0xffff;
	[tilespmem:s14+$0x80] =	vst v7  }
0x170: {  	v50 =	vmul.f32 v46, v42;
	v51 =	vunpack.i.l.bf16.f32 v37;
	[tilespmem:s14+$0x90] =	vst v45  }
0x171: {  	[tilespmem:s12+$0xA0] =	vst v47;
	v53 =	vbroadcast v3, $0xD;
	v52 =	vunpack.i.u.bf16.f32 v37;
	v8 =	vmul.f32 v51, v48;
	v54 =	vld.idx.msk [tilespmem:v0+s11+$0xD0 ss:$0x1], $0xffff  }
0x172: {  	[tilespmem:s12+$0xB0] =	vst v50;
	v57 =	vunpack.i.u.bf16.f32 v14;
	v6 =	vmul.f32 v52, v48  }
0x173: {  	v58 =	vbroadcast v4, $0xD;
	v56 =	vld.idx.msk [tilespmem:v0+s15+$0xE0 ss:$0x1], $0xffff;
	v55 =	vunpack.i.l.bf16.f32 v14;
	v59 =	vmul.f32 v57, v53;
	[tilespmem:s2+$0xA0] =	vst v8  }
0x174: {  	v7 =	vmul.f32 v55, v53;
	v60 =	vunpack.i.l.bf16.f32 v49;
	[tilespmem:s2+$0xB0] =	vst v6  }
0x175: {  	v63 =	vbroadcast v5, $0xD;
	[tilespmem:s30+$0xB0] =	vst v59;
	v62 =	vunpack.i.u.bf16.f32 v49;
	v8 =	vmul.f32 v60, v58;
	v61 =	vld.idx.msk [tilespmem:v0+s26+$0xE0 ss:$0x1], $0xffff  }
0x176: {  	[tilespmem:s30+$0xA0] =	vst v7;
	v16 =	vmul.f32 v62, v58;
	v17 =	vunpack.i.l.bf16.f32 v54  }
0x177: {  	v18 =	vbroadcast v1, $0xE;
	v19 =	vld.idx.msk [tilespmem:v0+s31+$0xE0 ss:$0x1], $0xffff;
	[tilespmem:s0+$0xA0] =	vst v8;
	v20 =	vunpack.i.u.bf16.f32 v54;
	v7 =	vmul.f32 v17, v63  }
0x178: {  	v21 =	vunpack.i.l.bf16.f32 v56;
	[tilespmem:s0+$0xB0] =	vst v16;
	v22 =	vmul.f32 v20, v63  }
0x179: {  	v23 =	vunpack.i.u.bf16.f32 v56;
	v10 =	vmul.f32 v21, v18;
	v24 =	vbroadcast v2, $0xE;
	v25 =	vld.idx.msk [tilespmem:v0+s4+$0xE0 ss:$0x1], $0xffff;
	[tilespmem:s14+$0xA0] =	vst v7  }
0x17a: {  	v26 =	vmul.f32 v23, v18;
	v27 =	vunpack.i.l.bf16.f32 v61;
	[tilespmem:s14+$0xB0] =	vst v22  }
0x17b: {  	[tilespmem:s12+$0xC0] =	vst v10;
	v29 =	vbroadcast v3, $0xE;
	v28 =	vunpack.i.u.bf16.f32 v61;
	v8 =	vmul.f32 v27, v24;
	v30 =	vld.idx.msk [tilespmem:v0+s11+$0xE0 ss:$0x1], $0xffff  }
0x17c: {  	[tilespmem:s12+$0xD0] =	vst v26;
	v31 =	vunpack.i.l.bf16.f32 v19;
	v6 =	vmul.f32 v28, v24  }
0x17d: {  	v34 =	vbroadcast v4, $0xE;
	v32 =	vld.idx.msk [tilespmem:v0+s15+$0xF0 ss:$0x1], $0xffff;
	v33 =	vunpack.i.u.bf16.f32 v19;
	v7 =	vmul.f32 v31, v29;
	[tilespmem:s2+$0xC0] =	vst v8  }
0x17e: {  	v35 =	vmul.f32 v33, v29;
	v36 =	vunpack.i.l.bf16.f32 v25;
	[tilespmem:s2+$0xD0] =	vst v6  }
0x17f: {  	v39 =	vbroadcast v5, $0xE;
	v38 =	vunpack.i.u.bf16.f32 v25;
	[tilespmem:s30+$0xC0] =	vst v7;
	v8 =	vmul.f32 v36, v34;
	v37 =	vld.idx.msk [tilespmem:v0+s26+$0xF0 ss:$0x1], $0xffff  }
0x180: {  	[tilespmem:s30+$0xD0] =	vst v35;
	v40 =	vmul.f32 v38, v34;
	v41 =	vunpack.i.l.bf16.f32 v30  }
0x181: {  	v42 =	vbroadcast v1, $0xF;
	v43 =	vld.idx.msk [tilespmem:v0+s31+$0xF0 ss:$0x1], $0xffff;
	[tilespmem:s0+$0xC0] =	vst v8;
	v44 =	vunpack.i.u.bf16.f32 v30;
	v7 =	vmul.f32 v41, v39  }
0x182: {  	v45 =	vunpack.i.u.bf16.f32 v32;
	[tilespmem:s0+$0xD0] =	vst v40;
	v46 =	vmul.f32 v44, v39  }
0x183: {  	v47 =	vunpack.i.l.bf16.f32 v32;
	v48 =	vbroadcast v2, $0xF;
	v10 =	vmul.f32 v45, v42;
	v49 =	vld.idx.msk [tilespmem:v0+s4+$0xF0 ss:$0x1], $0xffff;
	[tilespmem:s14+$0xC0] =	vst v7  }
0x184: {  	v1 =	vmul.f32 v47, v42;
	v50 =	vunpack.i.u.bf16.f32 v37;
	[tilespmem:s14+$0xD0] =	vst v46  }
0x185: {  	v52 =	vbroadcast v3, $0xF;
	[tilespmem:s12+$0xF0] =	vst v10;
	v51 =	vunpack.i.l.bf16.f32 v37;
	v7 =	vmul.f32 v50, v48;
	v53 =	vld.idx.msk [tilespmem:v0+s11+$0xF0 ss:$0x1], $0xffff  }
0x186: {  	[tilespmem:s12+$0xE0] =	vst v1;
	v55 =	vunpack.i.u.bf16.f32 v43;
	v54 =	vmul.f32 v51, v48  }
0x187: {  	v57 =	vbroadcast v4, $0xF;
	v56 =	vunpack.i.l.bf16.f32 v43;
	v2 =	vmul.f32 v55, v52;
	[tilespmem:s2+$0xF0] =	vst v7  }
0x188: {  	v58 =	vmul.f32 v56, v52;
	v59 =	vunpack.i.u.bf16.f32 v49;
	[tilespmem:s2+$0xE0] =	vst v54  }
0x189: {  	v61 =	vbroadcast v5, $0xF;
	v60 =	vunpack.i.l.bf16.f32 v49;
	[tilespmem:s30+$0xF0] =	vst v2;
	v3 =	vmul.f32 v59, v57  }
0x18a: {  	[tilespmem:s30+$0xE0] =	vst v58;
	v62 =	vmul.f32 v60, v57;
	v63 =	vunpack.i.u.bf16.f32 v53  }
0x18b: {  	[tilespmem:s0+$0xF0] =	vst v3;
	v0 =	vunpack.i.l.bf16.f32 v53;
	v2 =	vmul.f32 v63, v61  }
0x18c: {  	[tilespmem:s0+$0xE0] =	vst v62;
	v0 =	vmul.f32 v0, v61  }
0x18d: {  	p2 =	seq.s32 s9, $0x0;
	[tilespmem:s14+$0xF0] =	vst v2  }
0x18e: {  	s0 =	simm.s32 @!p2 $0x2;
	[tilespmem:s14+$0xE0] =	vst v0  }
0x18f: {  	_ =	swait.ge @!p2 [sflag:s0], $0x1000  }
0x190: {  	[sflag:s0] =	ssyncset.done @!p2 $0x0  }
0x191: {  	[sflag:s0] =	ssyncadd.s32 @!p2 $0xFFFFF000  }
0x192: {  	_ =	swait.ge @!p2 [sflag:s0], $0x1000  }
0x193: {  	[sflag:s0] =	ssyncset.done @!p2 $0x0  }
0x194: {  	[sflag:s0] =	ssyncadd.s32 @!p2 $0xFFFFF000  }
0x195: {  	_ =	swait.ge @!p2 [sflag:s0], $0x1000  }
0x196: {  	[sflag:s0] =	ssyncset.done @!p2 $0x0  }
0x197: {  	[sflag:s0] =	ssyncadd.s32 @!p2 $0xFFFFF000  }
0x198: {  	_ =	swait.ge @!p2 [sflag:s0], $0x1000  }
0x199: {  	s19 =	sshrl.u32 s18, $0x2;
	[sflag:s0] =	ssyncset.done @!p2 $0x0  }
0x19a: {  	s9 =	sadd.s32 $0x1, s9;
	s20 =	sadd.s32 $0x1A00, s19;
	[sflag:s0] =	ssyncadd.s32 @!p2 $0xFFFFF000  }
0x19b: {  	[spmem:s3] =	stream.indirect.scatter.add.f32 [tilespmem:s17], [sflag:$0x2], $0x20, s20, s28, $0xb8;
	[tilespmem:$0x1CA40] =	vst v63  }
0x19c: {  	s21 =	sadd.s32 $0xBE00, s16;
	s26 =	sadd.s32 $0x1A80, s19;
	p2 =	sne.s32 s9, $0xD  }
0x19d: {  	[spmem:s3] =	stream.indirect.scatter.add.f32 [tilespmem:s21], [sflag:$0x2], $0x20, s26, s28, $0xb8;
	[tilespmem:$0x1CA40] =	vst v63  }
.Ltmp1:
0x19e: {  	s29 =	sadd.s32 $0xCE00, s16;
	(pc) =	sbr.rel @p2 .LBB2_3-.Ltmp1, $4  }
0x19f: {  	p1 =	por !p1, !p1;
	s5 =	sadd.s32 $0x2000, s5;
	s30 =	sadd.s32 $0x1B00, s19  }
0x1a0: {  	[spmem:s3] =	stream.indirect.scatter.add.f32 [tilespmem:s29], [sflag:$0x2], $0x20, s30, s28, $0xb8;
	[tilespmem:$0x1CA40] =	vst v63  }
0x1a1: {  	s24 =	sadd.s32 $0x200, s24;
	s31 =	sadd.s32 $0xDE00, s16;
	s2 =	sadd.s32 $0x1B80, s19  }
0x1a2: {  	[spmem:s3] =	stream.indirect.scatter.add.f32 [tilespmem:s31], [sflag:$0x2], $0x20, s2, s28, $0xb8;
	[tilespmem:$0x1CA40] =	vst v63  }
0x1a3: {  	_ =	swait.ge [sflag:s23], $0x1000  }
0x1a4: {  	[sflag:s23] =	ssyncset.done $0x0  }
0x1a5: {  	[sflag:s23] =	ssyncadd.s32 $0xFFFFF000  }
0x1a6: {  	_ =	swait.ge [sflag:s23], $0x1000  }
0x1a7: {  	[sflag:s23] =	ssyncset.done $0x0  }
0x1a8: {  	[sflag:s23] =	ssyncadd.s32 $0xFFFFF000  }
0x1a9: {  	_ =	swait.ge [sflag:s23], $0x1000  }
.Ltmp2:
0x1aa: {  	[sflag:s23] =	ssyncset.done $0x0;
	(pc) =	sbr.rel @p0 .LBB2_2-.Ltmp2, $4  }
0x1ab: {  	[sflag:s23] =	ssyncadd.s32 $0xFFFFF000  }
0x1ac: {  	_ =	swait.ge [sflag:s23], $0x1000  }
0x1ad: {  	[sflag:s23] =	ssyncset.done $0x0  }
0x1ae: {  	s0 =	simm.s32 $0x1A000;
	p1 =	por $0x0, $0x0;
	[sflag:s23] =	ssyncadd.s32 $0xFFFFF000  }
0x1af: {  	[bflag:$0x0] =	sbarrier.arrive $0xFFFF  }
0x1b0: {  	s0 =	rddreg [dreg:$0xa]  }
0x1b1: {  	s2 =	rddreg [dreg:$0x8]  }
0x1b2: {  	s21 =	rddreg [dreg:$0x9];
	s9 =	sshrl.u32 s0, $0x3  }
0x1b3: {  	s4 =	simm.s32 $0x14;
	s5 =	simm.s32 $0x4;
	[dreg:$0x14] =	wrdreg s9  }
0x1b4: {  	[hbm:s21@s4], [sflag:s2] =	dma.strided [spmem:s9@s5], $0x9C4, s22, $0x4   }
0x1b5: {  	_ =	swait.ge [sflag:s25], $0x9C4  }
0x1b6: {  	s24 =	rddreg [dreg:$0xc]  }
0x1b7: {  	[sflag:s25] =	ssyncset.done $0x0;
	s29 =	rddreg [dreg:$0xb];
	s26 =	sshrl.u32 s24, $0x3  }
0x1b8: {  	[sflag:s25] =	ssyncadd.s32 $0xFFFFF63C;
	[dreg:$0x16] =	wrdreg s26  }
0x1b9: {  	[hbm:s29@s4], [sflag:s2] =	dma.strided [spmem:s26@s5], $0x9C4, s22, $0x4   }
0x1ba: {  	_ =	swait.ge [sflag:s25], $0x9C4  }
0x1bb: {  	[sflag:s25] =	ssyncset.done $0x0  }
0x1bc: {  	[sflag:s25] =	ssyncadd.s32 $0xFFFFF63C  }
0x1bd: {  	[bflag:$0x0] =	sbarrier.arrive $0xFFFF  }
0x1be: {  	s30 =	rddreg [dreg:$0x6]  }
0x1bf: {  	s31 =	rddreg [dreg:$0x15]  }
0x1c0: {  	[spmem:s31], [sflag:s2] =	dma.local [hbm:s30], $0x1388  }
0x1c1: {  	_ =	swait.ge [sflag:s25], $0x1388  }
0x1c2: {  	[sflag:s25] =	ssyncset.done $0x0  }
0x1c3: {  	[sflag:s25] =	ssyncadd.s32 $0xFFFFEC78  }
0x1c4: {  	p1 =	por $0x1, $0x1;
	s0 =	simm.s32 $0x34000;
	[bflag:$0x0] =	sbarrier.arrive $0xFFFF  }
.LBB2_8:
0x1c5: {  	s2 =	sadd.s32 s13, s0  }
0x1c6: {  	s4 =	rddreg [dreg:$0x2];
	s2 =	sshrl.u32 s2, $0x3  }
0x1c7: {  	s15 =	simm.s32 $0x0;
	s4 =	sadd.s32 s4, s2  }
0x1c8: {  	[tilespmem:s15], [sflag:$0x3] =	stream.linear.gather [hbm4b:s4+s15], $0x1A00, $0x38;
	[tilespmem:$0x1CA40] =	vst v63  }
0x1c9: {  	_ =	swait.ge [sflag:s25], $0x1A00  }
0x1ca: {  	[sflag:s25] =	ssyncset.done $0x0  }
0x1cb: {  	s5 =	simm.s32 $0x1A00;
	s2 =	sadd.s32 s7, s2;
	[sflag:s25] =	ssyncadd.s32 $0xFFFFE600  }
0x1cc: {  	[tilespmem:s5], [sflag:$0x3] =	stream.linear.gather [hbm4b:s2+s15], $0x1A00, $0x38;
	[tilespmem:$0x1CA40] =	vst v63  }
0x1cd: {  	s9 =	sadd.s32 s10, s0;
	_ =	swait.ge [sflag:s25], $0x1A00  }
0x1ce: {  	s0 =	sshrl.u32 s9, $0x3;
	[sflag:s25] =	ssyncset.done $0x0  }
0x1cf: {  	s0 =	sadd.s32 s8, s0;
	s5 =	simm.s32 $0x3400;
	[sflag:s25] =	ssyncadd.s32 $0xFFFFE600  }
0x1d0: {  	[tilespmem:s5], [sflag:$0x3] =	stream.linear.gather [hbm4b:s0+s15], $0x1A00, $0x38;
	[tilespmem:$0x1CA40] =	vst v63  }
0x1d1: {  	_ =	swait.ge [sflag:s25], $0x1A00  }
0x1d2: {  	[sflag:s25] =	ssyncset.done $0x0  }
0x1d3: {  	s24 =	simm.s32 $0x4E00;
	[sflag:s25] =	ssyncadd.s32 $0xFFFFE600  }
0x1d4: {  	[tilespmem:s24], [sflag:$0x1] =	stream.indirect.gather [hbm4b:s1+s28], $0x10, s15, s28, $0xb8;
	[tilespmem:$0x1CA40] =	vst v63  }
0x1d5: {  	s11 =	simm.s32 $0x5600  }
0x1d6: {  	[tilespmem:s11], [sflag:$0x1] =	stream.indirect.gather [hbm4b:s1+s28], $0x10, s28, s28, $0xb8;
	[tilespmem:$0x1CA40] =	vst v63  }
0x1d7: {  	s12 =	simm.s32 $0x100;
	s14 =	simm.s32 $0x5E00  }
0x1d8: {  	[tilespmem:s14], [sflag:$0x1] =	stream.indirect.gather [hbm4b:s1+s28], $0x10, s12, s28, $0xb8;
	[tilespmem:$0x1CA40] =	vst v63  }
0x1d9: {  	s16 =	simm.s32 $0x180;
	s17 =	simm.s32 $0x6600  }
0x1da: {  	[tilespmem:s17], [sflag:$0x1] =	stream.indirect.gather [hbm4b:s1+s28], $0x10, s16, s28, $0xb8;
	[tilespmem:$0x1CA40] =	vst v63  }
0x1db: {  	s18 =	simm.s32 $0x200;
	s19 =	simm.s32 $0x6E00  }
0x1dc: {  	[tilespmem:s19], [sflag:$0x1] =	stream.indirect.gather [hbm4b:s1+s28], $0x10, s18, s28, $0xb8;
	[tilespmem:$0x1CA40] =	vst v63  }
0x1dd: {  	s20 =	simm.s32 $0x280;
	s21 =	simm.s32 $0x7600  }
0x1de: {  	[tilespmem:s21], [sflag:$0x1] =	stream.indirect.gather [hbm4b:s1+s28], $0x10, s20, s28, $0xb8;
	[tilespmem:$0x1CA40] =	vst v63  }
0x1df: {  	s26 =	simm.s32 $0x300;
	s29 =	simm.s32 $0x7E00;
	s30 =	simm.s32 $0x380  }
0x1e0: {  	[tilespmem:s29], [sflag:$0x1] =	stream.indirect.gather [hbm4b:s1+s28], $0x10, s26, s28, $0xb8;
	[tilespmem:$0x1CA40] =	vst v63  }
0x1e1: {  	s31 =	simm.s32 $0x8600;
	p0 =	por p1, p1;
	p1 =	por $0x0, $0x0  }
0x1e2: {  	[tilespmem:s31], [sflag:$0x1] =	stream.indirect.gather [hbm4b:s1+s28], $0x10, s30, s28, $0xb8;
	[tilespmem:$0x1CA40] =	vst v63  }
.LBB2_9:
0x1e3: {  	_ =	swait.ge [sflag:s22], $0x800;
	p2 =	sgt.u32 s15, $0xA  }
0x1e4: {  	[sflag:s22] =	ssyncset.done $0x0;
	s0 =	sadd.s32 @!p2 $0x2, s15  }
0x1e5: {  	[sflag:s22] =	ssyncadd.s32 $0xFFFFF800;
	s2 =	smul.u32 @!p2 $0xAB, s0  }
0x1e6: {  	_ =	swait.ge [sflag:s22], $0x800  }
0x1e7: {  	s4 =	smulhi.u32 $0xAAAAAAAB, s15;
	[sflag:s22] =	ssyncset.done $0x0;
	s2 =	sshrl.u32 @!p2 s2, $0x9  }
0x1e8: {  	[sflag:s22] =	ssyncadd.s32 $0xFFFFF800;
	s2 =	sand.u32 @!p2 $0x7F, s2  }
0x1e9: {  	s4 =	sshrl.u32 s4, $0x1;
	_ =	swait.ge [sflag:s22], $0x800;
	s2 =	smul.u32 @!p2 $0x3, s2  }
0x1ea: {  	s4 =	smul.u32 $0xFFFE8000, s4;
	[sflag:s22] =	ssyncset.done $0x0  }
0x1eb: {  	s11 =	simm.s32 @!p2 $0x80;
	[sflag:s22] =	ssyncadd.s32 $0xFFFFF800;
	s2 =	ssub.s32 @!p2 s0, s2  }
0x1ec: {  	s4 =	sshra.s32 s4, $0x2;
	_ =	swait.ge [sflag:s22], $0x800;
	s2 =	sand.u32 @!p2 $0xFF, s2  }
0x1ed: {  	s0 =	sshll.u32 @!p2 s0, $0x9;
	[sflag:s22] =	ssyncset.done $0x0;
	s2 =	sshll.u32 @!p2 s2, $0xD  }
0x1ee: {  	s0 =	sand.u32 @!p2 $0x3FFFFE00, s0;
	[sflag:s22] =	ssyncadd.s32 $0xFFFFF800;
	s9 =	sadd.s32 @!p2 $0x4E00, s2  }
0x1ef: {  	[tilespmem:s9], [sflag:$0x1] =	stream.indirect.gather @!p2 [hbm4b:s1+s11], $0x10, s0, s11, $0xb8;
	[tilespmem:$0x1CA40] =	vst v63  }
0x1f0: {  	s4 =	sadd.s32 s4, s24;
	s12 =	sor.u32 @!p2 $0x80, s0;
	s9 =	sadd.s32 @!p2 $0x5600, s2  }
0x1f1: {  	[tilespmem:s9], [sflag:$0x1] =	stream.indirect.gather @!p2 [hbm4b:s1+s11], $0x10, s12, s11, $0xb8;
	[tilespmem:$0x1CA40] =	vst v63  }
0x1f2: {  	v0 =	vmov s4;
	s9 =	sadd.s32 @!p2 $0x5E00, s2;
	s12 =	sor.u32 @!p2 $0x100, s0  }
0x1f3: {  	[tilespmem:s9], [sflag:$0x1] =	stream.indirect.gather @!p2 [hbm4b:s1+s11], $0x10, s12, s11, $0xb8;
	[tilespmem:$0x1CA40] =	vst v63  }
0x1f4: {  	s2 =	sadd.s32 @!p2 $0x6600, s2;
	s0 =	sor.u32 @!p2 $0x180, s0  }
0x1f5: {  	[tilespmem:s2], [sflag:$0x1] =	stream.indirect.gather @!p2 [hbm4b:s1+s11], $0x10, s0, s11, $0xb8;
	[tilespmem:$0x1CA40] =	vst v63  }
0x1f6: {  	s16 =	simm.s32 $0x0;
	v6 =	vld [tilespmem:s5+$0x0]  }
0x1f7: {  	v1 =	vld.idx.msk [tilespmem:v0+s16+$0x0 ss:$0x1], $0xffff;
	_ =	sdelay $0x3  }
0x1f8: {  	s0 =	simm.s32 $0x1;
	v2 =	vbroadcast v6, $0x0  }
0x1f9: {  	s0 =	simm.s32 @!p1 $0x0;
	v3 =	vunpack.i.l.bf16.f32 v1  }
0x1fa: {  	s0 =	sshll.u32 s0, $0xE;
	v1 =	vunpack.i.u.bf16.f32 v1;
	v3 =	vmul.f32 v3, v2  }
0x1fb: {  	s29 =	sor.u32 $0xAF00, s0;
	v1 =	vmul.f32 v1, v2  }
0x1fc: {  	[tilespmem:s29+$0xFFFFFF00] =	vst v3  }
0x1fd: {  	[tilespmem:s29+$0xFFFFFF10] =	vst v1  }
0x1fe: {  	v1 =	vld.idx.msk [tilespmem:v0+s16+$0x10 ss:$0x1], $0xffff;
	_ =	sdelay $0x3  }
0x1ff: {  	v2 =	vbroadcast v6, $0x1  }
0x200: {  	v3 =	vunpack.i.l.bf16.f32 v1  }
0x201: {  	v1 =	vunpack.i.u.bf16.f32 v1;
	v3 =	vmul.f32 v3, v2  }
0x202: {  	v1 =	vmul.f32 v1, v2  }
0x203: {  	[tilespmem:s29+$0xFFFFFF20] =	vst v3  }
0x204: {  	[tilespmem:s29+$0xFFFFFF30] =	vst v1  }
0x205: {  	v1 =	vld.idx.msk [tilespmem:v0+s16+$0x20 ss:$0x1], $0xffff;
	_ =	sdelay $0x3  }
0x206: {  	v2 =	vbroadcast v6, $0x2  }
0x207: {  	v3 =	vunpack.i.l.bf16.f32 v1  }
0x208: {  	s19 =	sadd.s32 $0x10, s5;
	v4 =	vunpack.i.u.bf16.f32 v1;
	v3 =	vmul.f32 v3, v2  }
0x209: {  	s9 =	simm.s32 $0x100;
	v1 =	vld [tilespmem:s19+$0x0];
	v2 =	vmul.f32 v4, v2  }
0x20a: {  	v4 =	vld.idx.msk [tilespmem:v0+s9+$0x0 ss:$0x1], $0xffff;
	[tilespmem:s29+$0xFFFFFF40] =	vst v3  }
0x20b: {  	[tilespmem:s29+$0xFFFFFF50] =	vst v2  }
0x20c: {  	v2 =	vld.idx.msk [tilespmem:v0+s16+$0x30 ss:$0x1], $0xffff;
	_ =	sdelay $0x1  }
0x20d: {  	v3 =	vbroadcast v1, $0x0  }
0x20e: {  	v5 =	vunpack.i.l.bf16.f32 v4  }
0x20f: {  	v7 =	vbroadcast v6, $0x3;
	v4 =	vunpack.i.u.bf16.f32 v4;
	v5 =	vmul.f32 v5, v3  }
0x210: {  	s12 =	sadd.s32 $0x200, s29;
	v3 =	vmul.f32 v4, v3;
	v4 =	vunpack.i.l.bf16.f32 v2  }
0x211: {  	[tilespmem:s12+$0xFFFFFF00] =	vst v5;
	v2 =	vunpack.i.u.bf16.f32 v2;
	v4 =	vmul.f32 v4, v7  }
0x212: {  	[tilespmem:s12+$0xFFFFFF10] =	vst v3;
	v2 =	vmul.f32 v2, v7  }
0x213: {  	v3 =	vld.idx.msk [tilespmem:v0+s9+$0x10 ss:$0x1], $0xffff;
	[tilespmem:s29+$0xFFFFFF60] =	vst v4  }
0x214: {  	[tilespmem:s29+$0xFFFFFF70] =	vst v2  }
0x215: {  	v2 =	vld.idx.msk [tilespmem:v0+s16+$0x40 ss:$0x1], $0xffff;
	_ =	sdelay $0x1  }
0x216: {  	v4 =	vbroadcast v1, $0x1  }
0x217: {  	v5 =	vunpack.i.l.bf16.f32 v3  }
0x218: {  	v7 =	vbroadcast v6, $0x4;
	v3 =	vunpack.i.u.bf16.f32 v3;
	v5 =	vmul.f32 v5, v4  }
0x219: {  	v3 =	vmul.f32 v3, v4;
	v4 =	vunpack.i.l.bf16.f32 v2  }
0x21a: {  	[tilespmem:s12+$0xFFFFFF20] =	vst v5;
	v2 =	vunpack.i.u.bf16.f32 v2;
	v4 =	vmul.f32 v4, v7  }
0x21b: {  	[tilespmem:s12+$0xFFFFFF30] =	vst v3;
	v2 =	vmul.f32 v2, v7  }
0x21c: {  	v3 =	vld.idx.msk [tilespmem:v0+s9+$0x20 ss:$0x1], $0xffff;
	[tilespmem:s29+$0xFFFFFF80] =	vst v4  }
0x21d: {  	[tilespmem:s29+$0xFFFFFF90] =	vst v2  }
0x21e: {  	v4 =	vld.idx.msk [tilespmem:v0+s16+$0x50 ss:$0x1], $0xffff;
	_ =	sdelay $0x1  }
0x21f: {  	v5 =	vbroadcast v1, $0x2  }
0x220: {  	v2 =	vunpack.i.l.bf16.f32 v3  }
0x221: {  	s0 =	sadd.s32 $0x10, s19;
	v8 =	vbroadcast v6, $0x5;
	v3 =	vunpack.i.u.bf16.f32 v3;
	v7 =	vmul.f32 v2, v5  }
0x222: {  	s26 =	simm.s32 $0x200;
	v2 =	vld [tilespmem:s0+$0x0];
	v3 =	vmul.f32 v3, v5;
	v5 =	vunpack.i.l.bf16.f32 v4  }
0x223: {  	v9 =	vld.idx.msk [tilespmem:v0+s26+$0x0 ss:$0x1], $0xffff;
	[tilespmem:s12+$0xFFFFFF40] =	vst v7;
	v4 =	vunpack.i.u.bf16.f32 v4;
	v5 =	vmul.f32 v5, v8  }
0x224: {  	[tilespmem:s12+$0xFFFFFF50] =	vst v3;
	v3 =	vmul.f32 v4, v8  }
0x225: {  	v4 =	vld.idx.msk [tilespmem:v0+s9+$0x30 ss:$0x1], $0xffff;
	[tilespmem:s29+$0xFFFFFFA0] =	vst v5  }
0x226: {  	[tilespmem:s29+$0xFFFFFFB0] =	vst v3  }
0x227: {  	v3 =	vbroadcast v2, $0x0;
	v5 =	vld.idx.msk [tilespmem:v0+s16+$0x60 ss:$0x1], $0xffff  }
0x228: {  	v7 =	vunpack.i.l.bf16.f32 v9  }
0x229: {  	v8 =	vunpack.i.u.bf16.f32 v9;
	v9 =	vbroadcast v1, $0x3;
	v7 =	vmul.f32 v7, v3  }
0x22a: {  	s2 =	sadd.s32 $0x200, s12;
	v3 =	vmul.f32 v8, v3;
	v8 =	vunpack.i.l.bf16.f32 v4  }
0x22b: {  	v4 =	vunpack.i.u.bf16.f32 v4;
	[tilespmem:s2+$0xFFFFFF00] =	vst v7;
	v7 =	vmul.f32 v8, v9;
	v8 =	vbroadcast v6, $0x6  }
0x22c: {  	[tilespmem:s2+$0xFFFFFF10] =	vst v3;
	v3 =	vmul.f32 v4, v9;
	v4 =	vunpack.i.l.bf16.f32 v5  }
0x22d: {  	[tilespmem:s12+$0xFFFFFF60] =	vst v7;
	v5 =	vunpack.i.u.bf16.f32 v5;
	v7 =	vld.idx.msk [tilespmem:v0+s26+$0x10 ss:$0x1], $0xffff;
	v4 =	vmul.f32 v4, v8  }
0x22e: {  	[tilespmem:s12+$0xFFFFFF70] =	vst v3;
	v3 =	vmul.f32 v5, v8  }
0x22f: {  	[tilespmem:s29+$0xFFFFFFC0] =	vst v4;
	v4 =	vld.idx.msk [tilespmem:v0+s9+$0x40 ss:$0x1], $0xffff  }
0x230: {  	[tilespmem:s29+$0xFFFFFFD0] =	vst v3  }
0x231: {  	v5 =	vbroadcast v2, $0x1;
	v3 =	vld.idx.msk [tilespmem:v0+s16+$0x70 ss:$0x1], $0xffff  }
0x232: {  	v8 =	vunpack.i.l.bf16.f32 v7  }
0x233: {  	v9 =	vbroadcast v1, $0x4;
	v7 =	vunpack.i.u.bf16.f32 v7;
	v8 =	vmul.f32 v8, v5  }
0x234: {  	v5 =	vmul.f32 v7, v5;
	v7 =	vunpack.i.l.bf16.f32 v4  }
0x235: {  	[tilespmem:s2+$0xFFFFFF20] =	vst v8;
	v4 =	vunpack.i.u.bf16.f32 v4;
	v8 =	vbroadcast v6, $0x7;
	v7 =	vmul.f32 v7, v9  }
0x236: {  	[tilespmem:s2+$0xFFFFFF30] =	vst v5;
	v4 =	vmul.f32 v4, v9;
	v5 =	vunpack.i.l.bf16.f32 v3  }
0x237: {  	v9 =	vld.idx.msk [tilespmem:v0+s26+$0x20 ss:$0x1], $0xffff;
	v3 =	vunpack.i.u.bf16.f32 v3;
	v5 =	vmul.f32 v5, v8;
	[tilespmem:s12+$0xFFFFFF80] =	vst v7  }
0x238: {  	v3 =	vmul.f32 v3, v8;
	[tilespmem:s12+$0xFFFFFF90] =	vst v4  }
0x239: {  	v4 =	vld.idx.msk [tilespmem:v0+s9+$0x50 ss:$0x1], $0xffff;
	[tilespmem:s29+$0xFFFFFFE0] =	vst v5  }
0x23a: {  	[tilespmem:s29+$0xFFFFFFF0] =	vst v3  }
0x23b: {  	v7 =	vbroadcast v2, $0x2;
	v5 =	vld.idx.msk [tilespmem:v0+s16+$0x80 ss:$0x1], $0xffff  }
0x23c: {  	v3 =	vunpack.i.l.bf16.f32 v9  }
0x23d: {  	v10 =	vbroadcast v1, $0x5;
	s0 =	sadd.s32 $0x10, s0;
	v8 =	vunpack.i.u.bf16.f32 v9;
	v9 =	vmul.f32 v3, v7  }
0x23e: {  	s31 =	simm.s32 $0x300;
	v3 =	vld [tilespmem:s0+$0x0];
	v7 =	vmul.f32 v8, v7;
	v8 =	vunpack.i.l.bf16.f32 v4  }
0x23f: {  	v11 =	vld.idx.msk [tilespmem:v0+s31+$0x0 ss:$0x1], $0xffff;
	[tilespmem:s2+$0xFFFFFF40] =	vst v9;
	v4 =	vunpack.i.u.bf16.f32 v4;
	v9 =	vbroadcast v6, $0x8;
	v8 =	vmul.f32 v8, v10  }
0x240: {  	[tilespmem:s2+$0xFFFFFF50] =	vst v7;
	v4 =	vmul.f32 v4, v10;
	v7 =	vunpack.i.l.bf16.f32 v5  }
0x241: {  	v10 =	vld.idx.msk [tilespmem:v0+s26+$0x30 ss:$0x1], $0xffff;
	v5 =	vunpack.i.u.bf16.f32 v5;
	v7 =	vmul.f32 v7, v9;
	[tilespmem:s12+$0xFFFFFFA0] =	vst v8  }
0x242: {  	[tilespmem:s12+$0xFFFFFFB0] =	vst v4;
	v4 =	vmul.f32 v5, v9  }
0x243: {  	v5 =	vbroadcast v3, $0x0;
	v8 =	vld.idx.msk [tilespmem:v0+s9+$0x60 ss:$0x1], $0xffff;
	[tilespmem:s29+$0x0] =	vst v7  }
0x244: {  	v7 =	vunpack.i.l.bf16.f32 v11;
	[tilespmem:s29+$0x10] =	vst v4  }
0x245: {  	v9 =	vunpack.i.u.bf16.f32 v11;
	v11 =	vbroadcast v2, $0x3;
	v4 =	vmul.f32 v7, v5;
	v7 =	vld.idx.msk [tilespmem:v0+s16+$0x90 ss:$0x1], $0xffff  }
0x246: {  	s30 =	sadd.s32 $0x200, s2;
	v5 =	vmul.f32 v9, v5;
	v9 =	vunpack.i.l.bf16.f32 v10  }
0x247: {  	[tilespmem:s30+$0xFFFFFF00] =	vst v4;
	v4 =	vunpack.i.u.bf16.f32 v10;
	v9 =	vmul.f32 v9, v11;
	v10 =	vbroadcast v1, $0x6  }
0x248: {  	[tilespmem:s30+$0xFFFFFF10] =	vst v5;
	v4 =	vmul.f32 v4, v11;
	v5 =	vunpack.i.l.bf16.f32 v8  }
0x249: {  	v11 =	vld.idx.msk [tilespmem:v0+s31+$0x10 ss:$0x1], $0xffff;
	[tilespmem:s2+$0xFFFFFF60] =	vst v9;
	v8 =	vunpack.i.u.bf16.f32 v8;
	v9 =	vbroadcast v6, $0x9;
	v5 =	vmul.f32 v5, v10  }
0x24a: {  	[tilespmem:s2+$0xFFFFFF70] =	vst v4;
	v4 =	vmul.f32 v8, v10;
	v8 =	vunpack.i.l.bf16.f32 v7  }
0x24b: {  	[tilespmem:s12+$0xFFFFFFC0] =	vst v5;
	v5 =	vunpack.i.u.bf16.f32 v7;
	v7 =	vmul.f32 v8, v9;
	v8 =	vld.idx.msk [tilespmem:v0+s26+$0x40 ss:$0x1], $0xffff  }
0x24c: {  	[tilespmem:s12+$0xFFFFFFD0] =	vst v4;
	v4 =	vmul.f32 v5, v9  }
0x24d: {  	v5 =	vld.idx.msk [tilespmem:v0+s9+$0x70 ss:$0x1], $0xffff;
	[tilespmem:s29+$0x20] =	vst v7;
	v7 =	vbroadcast v3, $0x1  }
0x24e: {  	[tilespmem:s29+$0x30] =	vst v4;
	v4 =	vunpack.i.l.bf16.f32 v11  }
0x24f: {  	v10 =	vunpack.i.u.bf16.f32 v11;
	v11 =	vbroadcast v2, $0x4;
	v9 =	vld.idx.msk [tilespmem:v0+s16+$0xA0 ss:$0x1], $0xffff;
	v4 =	vmul.f32 v4, v7  }
0x250: {  	v7 =	vmul.f32 v10, v7;
	v10 =	vunpack.i.l.bf16.f32 v8  }
0x251: {  	[tilespmem:s30+$0xFFFFFF20] =	vst v4;
	v4 =	vunpack.i.u.bf16.f32 v8;
	v8 =	vmul.f32 v10, v11;
	v10 =	vbroadcast v1, $0x7  }
0x252: {  	[tilespmem:s30+$0xFFFFFF30] =	vst v7;
	v7 =	vunpack.i.l.bf16.f32 v5;
	v4 =	vmul.f32 v4, v11  }
0x253: {  	v5 =	vunpack.i.u.bf16.f32 v5;
	v11 =	vld.idx.msk [tilespmem:v0+s31+$0x20 ss:$0x1], $0xffff;
	[tilespmem:s2+$0xFFFFFF80] =	vst v8;
	v7 =	vmul.f32 v7, v10;
	v8 =	vbroadcast v6, $0xA  }
0x254: {  	[tilespmem:s2+$0xFFFFFF90] =	vst v4;
	v4 =	vmul.f32 v5, v10;
	v5 =	vunpack.i.l.bf16.f32 v9  }
0x255: {  	v10 =	vld.idx.msk [tilespmem:v0+s26+$0x50 ss:$0x1], $0xffff;
	[tilespmem:s12+$0xFFFFFFE0] =	vst v7;
	v7 =	vunpack.i.u.bf16.f32 v9;
	v5 =	vmul.f32 v5, v8  }
0x256: {  	[tilespmem:s12+$0xFFFFFFF0] =	vst v4;
	v4 =	vmul.f32 v7, v8  }
0x257: {  	v7 =	vld.idx.msk [tilespmem:v0+s9+$0x80 ss:$0x1], $0xffff;
	[tilespmem:s29+$0x40] =	vst v5;
	v5 =	vbroadcast v3, $0x2  }
0x258: {  	[tilespmem:s29+$0x50] =	vst v4;
	v4 =	vunpack.i.l.bf16.f32 v11  }
0x259: {  	s20 =	sadd.s32 $0x10, s0;
	v12 =	vbroadcast v2, $0x5;
	v9 =	vunpack.i.u.bf16.f32 v11;
	v8 =	vld.idx.msk [tilespmem:v0+s16+$0xB0 ss:$0x1], $0xffff;
	v11 =	vmul.f32 v4, v5  }
0x25a: {  	s4 =	simm.s32 $0x400;
	v4 =	vld [tilespmem:s20+$0x0];
	v5 =	vmul.f32 v9, v5;
	v9 =	vunpack.i.l.bf16.f32 v10  }
0x25b: {  	v13 =	vld.idx.msk [tilespmem:v0+s4+$0x0 ss:$0x1], $0xffff;
	v10 =	vunpack.i.u.bf16.f32 v10;
	[tilespmem:s30+$0xFFFFFF40] =	vst v11;
	v9 =	vmul.f32 v9, v12;
	v11 =	vbroadcast v1, $0x8  }
0x25c: {  	[tilespmem:s30+$0xFFFFFF50] =	vst v5;
	v5 =	vmul.f32 v10, v12;
	v10 =	vunpack.i.l.bf16.f32 v7  }
0x25d: {  	v12 =	vld.idx.msk [tilespmem:v0+s31+$0x30 ss:$0x1], $0xffff;
	v7 =	vunpack.i.u.bf16.f32 v7;
	[tilespmem:s2+$0xFFFFFFA0] =	vst v9;
	v9 =	vmul.f32 v10, v11;
	v10 =	vbroadcast v6, $0xB  }
0x25e: {  	[tilespmem:s2+$0xFFFFFFB0] =	vst v5;
	v5 =	vmul.f32 v7, v11;
	v7 =	vunpack.i.l.bf16.f32 v8  }
0x25f: {  	v11 =	vbroadcast v4, $0x0;
	v14 =	vld.idx.msk [tilespmem:v0+s26+$0x60 ss:$0x1], $0xffff;
	v8 =	vunpack.i.u.bf16.f32 v8;
	[tilespmem:s12+$0x0] =	vst v9;
	v7 =	vmul.f32 v7, v10  }
0x260: {  	v9 =	vunpack.i.l.bf16.f32 v13;
	[tilespmem:s12+$0x10] =	vst v5;
	v5 =	vmul.f32 v8, v10  }
0x261: {  	v10 =	vbroadcast v3, $0x3;
	v8 =	vmul.f32 v9, v11;
	v9 =	vld.idx.msk [tilespmem:v0+s9+$0x90 ss:$0x1], $0xffff;
	[tilespmem:s29+$0x60] =	vst v7;
	v7 =	vunpack.i.u.bf16.f32 v13  }
0x262: {  	s0 =	sadd.s32 $0x200, s30;
	[tilespmem:s29+$0x70] =	vst v5;
	v5 =	vmul.f32 v7, v11;
	v7 =	vunpack.i.l.bf16.f32 v12  }
0x263: {  	[tilespmem:s0+$0xFFFFFF00] =	vst v8;
	v8 =	vld.idx.msk [tilespmem:v0+s16+$0xC0 ss:$0x1], $0xffff;
	v11 =	vunpack.i.u.bf16.f32 v12;
	v12 =	vbroadcast v2, $0x6;
	v7 =	vmul.f32 v7, v10  }
0x264: {  	[tilespmem:s0+$0xFFFFFF10] =	vst v5;
	v5 =	vmul.f32 v11, v10;
	v10 =	vunpack.i.l.bf16.f32 v14  }
0x265: {  	v11 =	vbroadcast v1, $0x9;
	[tilespmem:s30+$0xFFFFFF60] =	vst v7;
	v7 =	vunpack.i.u.bf16.f32 v14;
	v10 =	vmul.f32 v10, v12;
	v13 =	vld.idx.msk [tilespmem:v0+s4+$0x10 ss:$0x1], $0xffff  }
0x266: {  	[tilespmem:s30+$0xFFFFFF70] =	vst v5;
	v5 =	vmul.f32 v7, v12;
	v7 =	vunpack.i.l.bf16.f32 v9  }
0x267: {  	v9 =	vunpack.i.u.bf16.f32 v9;
	[tilespmem:s2+$0xFFFFFFC0] =	vst v10;
	v7 =	vmul.f32 v7, v11;
	v10 =	vbroadcast v6, $0xC;
	v12 =	vld.idx.msk [tilespmem:v0+s31+$0x40 ss:$0x1], $0xffff  }
0x268: {  	[tilespmem:s2+$0xFFFFFFD0] =	vst v5;
	v5 =	vmul.f32 v9, v11;
	v9 =	vunpack.i.l.bf16.f32 v8  }
0x269: {  	v11 =	vbroadcast v4, $0x1;
	[tilespmem:s12+$0x20] =	vst v7;
	v7 =	vunpack.i.u.bf16.f32 v8;
	v8 =	vmul.f32 v9, v10;
	v9 =	vld.idx.msk [tilespmem:v0+s26+$0x70 ss:$0x1], $0xffff  }
0x26a: {  	[tilespmem:s12+$0x30] =	vst v5;
	v5 =	vmul.f32 v7, v10;
	v7 =	vunpack.i.l.bf16.f32 v13  }
0x26b: {  	v10 =	vunpack.i.u.bf16.f32 v13;
	v13 =	vbroadcast v3, $0x4;
	[tilespmem:s29+$0x80] =	vst v8;
	v8 =	vld.idx.msk [tilespmem:v0+s9+$0xA0 ss:$0x1], $0xffff;
	v7 =	vmul.f32 v7, v11  }
0x26c: {  	v10 =	vmul.f32 v10, v11;
	[tilespmem:s29+$0x90] =	vst v5;
	v5 =	vunpack.i.l.bf16.f32 v12  }
0x26d: {  	s19 =	sadd.s32 $0x10, s20;
	v14 =	vbroadcast v2, $0x7;
	v11 =	vld.idx.msk [tilespmem:v0+s16+$0xD0 ss:$0x1], $0xffff;
	[tilespmem:s0+$0xFFFFFF20] =	vst v7;
	v7 =	vunpack.i.u.bf16.f32 v12;
	v12 =	vmul.f32 v5, v13  }
0x26e: {  	s11 =	simm.s32 $0x500;
	v5 =	vld [tilespmem:s19+$0x0];
	[tilespmem:s0+$0xFFFFFF30] =	vst v10;
	v7 =	vmul.f32 v7, v13;
	v10 =	vunpack.i.l.bf16.f32 v9  }
0x26f: {  	v13 =	vld.idx.msk [tilespmem:v0+s11+$0x0 ss:$0x1], $0xffff;
	v9 =	vunpack.i.u.bf16.f32 v9;
	[tilespmem:s30+$0xFFFFFF80] =	vst v12;
	v10 =	vmul.f32 v10, v14;
	v12 =	vbroadcast v1, $0xA  }
0x270: {  	v15 =	vld.idx.msk [tilespmem:v0+s4+$0x20 ss:$0x1], $0xffff;
	[tilespmem:s30+$0xFFFFFF90] =	vst v7;
	v7 =	vmul.f32 v9, v14;
	v9 =	vunpack.i.l.bf16.f32 v8  }
0x271: {  	v8 =	vunpack.i.u.bf16.f32 v8;
	[tilespmem:s2+$0xFFFFFFE0] =	vst v10;
	v9 =	vmul.f32 v9, v12;
	v10 =	vbroadcast v6, $0xD  }
0x272: {  	v14 =	vld.idx.msk [tilespmem:v0+s31+$0x50 ss:$0x1], $0xffff;
	[tilespmem:s2+$0xFFFFFFF0] =	vst v7;
	v7 =	vmul.f32 v8, v12;
	v8 =	vunpack.i.l.bf16.f32 v11  }
0x273: {  	v12 =	vbroadcast v5, $0x0;
	[tilespmem:s12+$0x40] =	vst v9;
	v9 =	vunpack.i.u.bf16.f32 v11;
	v8 =	vmul.f32 v8, v10  }
0x274: {  	v17 =	vbroadcast v4, $0x2;
	v11 =	vld.idx.msk [tilespmem:v0+s26+$0x80 ss:$0x1], $0xffff;
	v16 =	vunpack.i.l.bf16.f32 v13;
	[tilespmem:s12+$0x50] =	vst v7;
	v7 =	vmul.f32 v9, v10  }
0x275: {  	v9 =	vmul.f32 v16, v12;
	v10 =	vunpack.i.l.bf16.f32 v15;
	[tilespmem:s29+$0xA0] =	vst v8  }
0x276: {  	s14 =	sadd.s32 $0x200, s0;
	v62 =	vbroadcast v3, $0x5;
	v15 =	vunpack.i.u.bf16.f32 v15;
	v8 =	vld.idx.msk [tilespmem:v0+s9+$0xB0 ss:$0x1], $0xffff;
	v10 =	vmul.f32 v10, v17;
	[tilespmem:s29+$0xB0] =	vst v7  }
0x277: {  	[tilespmem:s14+$0xFFFFFF00] =	vst v9;
	v7 =	vmul.f32 v15, v17;
	v9 =	vunpack.i.l.bf16.f32 v14  }
0x278: {  	v15 =	vld.idx.msk [tilespmem:v0+s16+$0xE0 ss:$0x1], $0xffff;
	[tilespmem:s0+$0xFFFFFF40] =	vst v10;
	v10 =	vunpack.i.u.bf16.f32 v14;
	v9 =	vmul.f32 v9, v62;
	v14 =	vbroadcast v2, $0x8  }
0x279: {  	[tilespmem:s0+$0xFFFFFF50] =	vst v7;
	v7 =	vmul.f32 v10, v62;
	v10 =	vunpack.i.l.bf16.f32 v11  }
0x27a: {  	[tilespmem:s30+$0xFFFFFFA0] =	vst v9;
	v9 =	vunpack.i.u.bf16.f32 v11;
	v10 =	vmul.f32 v10, v14;
	v11 =	vbroadcast v1, $0xB  }
0x27b: {  	v63 =	vld.idx.msk [tilespmem:v0+s4+$0x30 ss:$0x1], $0xffff;
	[tilespmem:s30+$0xFFFFFFB0] =	vst v7;
	v7 =	vmul.f32 v9, v14;
	v9 =	vunpack.i.l.bf16.f32 v8  }
0x27c: {  	v8 =	vunpack.i.u.bf16.f32 v8;
	[tilespmem:s2+$0x0] =	vst v10;
	v9 =	vmul.f32 v9, v11;
	v10 =	vbroadcast v6, $0xE  }
0x27d: {  	v14 =	vld.idx.msk [tilespmem:v0+s31+$0x60 ss:$0x1], $0xffff;
	[tilespmem:s2+$0x10] =	vst v7;
	v7 =	vmul.f32 v8, v11;
	v8 =	vunpack.i.l.bf16.f32 v15  }
0x27e: {  	[tilespmem:s12+$0x60] =	vst v9;
	v9 =	vunpack.i.u.bf16.f32 v15;
	v8 =	vmul.f32 v8, v10  }
0x27f: {  	v13 =	vunpack.i.u.bf16.f32 v13;
	v11 =	vld.idx.msk [tilespmem:v0+s26+$0x90 ss:$0x1], $0xffff;
	v15 =	vbroadcast v4, $0x3;
	[tilespmem:s12+$0x70] =	vst v7;
	v7 =	vmul.f32 v9, v10  }
0x280: {  	v9 =	vmul.f32 v13, v12;
	v10 =	vunpack.i.l.bf16.f32 v63;
	[tilespmem:s29+$0xC0] =	vst v8  }
0x281: {  	v12 =	vunpack.i.u.bf16.f32 v63;
	v13 =	vbroadcast v3, $0x6;
	v8 =	vld.idx.msk [tilespmem:v0+s9+$0xC0 ss:$0x1], $0xffff;
	v10 =	vmul.f32 v10, v15;
	[tilespmem:s29+$0xD0] =	vst v7  }
0x282: {  	[tilespmem:s14+$0xFFFFFF10] =	vst v9;
	v7 =	vmul.f32 v12, v15;
	v9 =	vunpack.i.l.bf16.f32 v14  }
0x283: {  	v12 =	vld.idx.msk [tilespmem:v0+s16+$0xF0 ss:$0x1], $0xffff;
	[tilespmem:s0+$0xFFFFFF60] =	vst v10;
	v10 =	vunpack.i.u.bf16.f32 v14;
	v9 =	vmul.f32 v9, v13;
	v14 =	vbroadcast v2, $0x9  }
0x284: {  	[tilespmem:s0+$0xFFFFFF70] =	vst v7;
	v7 =	vmul.f32 v10, v13;
	v10 =	vunpack.i.l.bf16.f32 v11  }
0x285: {  	v13 =	vld.idx.msk [tilespmem:v0+s11+$0x10 ss:$0x1], $0xffff;
	[tilespmem:s30+$0xFFFFFFC0] =	vst v9;
	v9 =	vunpack.i.u.bf16.f32 v11;
	v10 =	vmul.f32 v10, v14;
	v11 =	vbroadcast v1, $0xC  }
0x286: {  	[tilespmem:s30+$0xFFFFFFD0] =	vst v7;
	v7 =	vmul.f32 v9, v14;
	v9 =	vunpack.i.l.bf16.f32 v8  }
0x287: {  	v6 =	vbroadcast v6, $0xF;
	v8 =	vunpack.i.u.bf16.f32 v8;
	[tilespmem:s2+$0x20] =	vst v10;
	v10 =	vmul.f32 v9, v11;
	v9 =	vld.idx.msk [tilespmem:v0+s4+$0x40 ss:$0x1], $0xffff  }
0x288: {  	[tilespmem:s2+$0x30] =	vst v7;
	v7 =	vmul.f32 v8, v11;
	v8 =	vunpack.i.u.bf16.f32 v12  }
0x289: {  	s21 =	sshll.u32 s15, $0xE;
	v12 =	vunpack.i.l.bf16.f32 v12;
	v11 =	vbroadcast v5, $0x1;
	[tilespmem:s12+$0x80] =	vst v10;
	v14 =	vmul.f32 v8, v6;
	v8 =	vld.idx.msk [tilespmem:v0+s31+$0x70 ss:$0x1], $0xffff  }
0x28a: {  	s16 =	sand.u32 $0x4000, s21;
	v10 =	vunpack.i.l.bf16.f32 v13;
	v6 =	vmul.f32 v12, v6;
	[tilespmem:s12+$0x90] =	vst v7  }
0x28b: {  	s18 =	sshll.u32 s15, $0xB;
	s20 =	simm.s32 $0x1800;
	s17 =	sor.u32 $0xAE00, s16;
	v13 =	vunpack.i.u.bf16.f32 v13;
	v7 =	vld.idx.msk [tilespmem:v0+s26+$0xA0 ss:$0x1], $0xffff;
	v12 =	vmul.f32 v10, v11;
	v10 =	vbroadcast v4, $0x4;
	[tilespmem:s29+$0xF0] =	vst v14  }
.LBB2_10:
0x28c: {  	p2 =	sne.s32 s20, $0x7C00;
	v11 =	vmul.f32 v13, v11;
	s19 =	sadd.s32 $0x10, s19;
	v13 =	vunpack.i.l.bf16.f32 v9;
	v14 =	vld.idx.msk [tilespmem:v0+s9+$0xD0 ss:$0x1], $0xffff;
	[tilespmem:s29+$0xE0] =	vst v6;
	s29 =	smov.u32 s12  }
0x28d: {  	s21 =	sshra.s32 s20, $0x2;
	v9 =	vunpack.i.u.bf16.f32 v9;
	s12 =	smov.u32 s2;
	s2 =	smov.u32 s30;
	v6 =	vld [tilespmem:s19+$0x0];
	[tilespmem:s14+$0xFFFFFF20] =	vst v12;
	v12 =	vmul.f32 v13, v10;
	v13 =	vbroadcast v3, $0x7  }
0x28e: {  	s30 =	smov.u32 s0;
	s0 =	smov.u32 s14;
	v9 =	vmul.f32 v9, v10;
	v10 =	vunpack.i.l.bf16.f32 v8;
	v15 =	vld.idx.msk [tilespmem:v0+s21+$0x0 ss:$0x1], $0xffff;
	[tilespmem:s14+$0xFFFFFF30] =	vst v11  }
0x28f: {  	v8 =	vunpack.i.u.bf16.f32 v8;
	v11 =	vld.idx.msk [tilespmem:v0+s11+$0x20 ss:$0x1], $0xffff;
	[tilespmem:s30+$0xFFFFFF80] =	vst v12;
	v10 =	vmul.f32 v10, v13;
	v12 =	vbroadcast v2, $0xA  }
0x290: {  	v8 =	vmul.f32 v8, v13;
	[tilespmem:s30+$0xFFFFFF90] =	vst v9;
	v9 =	vunpack.i.l.bf16.f32 v7  }
0x291: {  	v7 =	vunpack.i.u.bf16.f32 v7;
	v13 =	vld.idx.msk [tilespmem:v0+s4+$0x50 ss:$0x1], $0xffff;
	[tilespmem:s2+$0xFFFFFFE0] =	vst v10;
	v9 =	vmul.f32 v9, v12;
	v10 =	vbroadcast v1, $0xD  }
0x292: {  	v7 =	vmul.f32 v7, v12;
	[tilespmem:s2+$0xFFFFFFF0] =	vst v8;
	v8 =	vunpack.i.l.bf16.f32 v14  }
0x293: {  	v12 =	vbroadcast v6, $0x0;
	v16 =	vld.idx.msk [tilespmem:v0+s31+$0x80 ss:$0x1], $0xffff;
	[tilespmem:s12+$0x40] =	vst v9;
	v9 =	vunpack.i.u.bf16.f32 v14;
	v8 =	vmul.f32 v8, v10  }
0x294: {  	v17 =	vbroadcast v5, $0x2;
	v14 =	vunpack.i.l.bf16.f32 v15;
	[tilespmem:s12+$0x50] =	vst v7;
	v7 =	vmul.f32 v9, v10  }
0x295: {  	v9 =	vmul.f32 v14, v12;
	v10 =	vunpack.i.l.bf16.f32 v11;
	v14 =	vld.idx.msk [tilespmem:v0+s26+$0xB0 ss:$0x1], $0xffff;
	[tilespmem:s29+$0xA0] =	vst v8  }
0x296: {  	s14 =	sadd.s32 $0x200, s14;
	v8 =	vunpack.i.u.bf16.f32 v11;
	v10 =	vmul.f32 v10, v17;
	v11 =	vbroadcast v4, $0x5;
	[tilespmem:s29+$0xB0] =	vst v7  }
0x297: {  	v7 =	vmul.f32 v8, v17;
	v8 =	vunpack.i.l.bf16.f32 v13;
	[tilespmem:s14+$0xFFFFFF00] =	vst v9;
	v9 =	vld.idx.msk [tilespmem:v0+s9+$0xE0 ss:$0x1], $0xffff  }
0x298: {  	v8 =	vmul.f32 v8, v11;
	[tilespmem:s0+$0xFFFFFF40] =	vst v10;
	v10 =	vunpack.i.u.bf16.f32 v13;
	v13 =	vbroadcast v3, $0x8  }
0x299: {  	[tilespmem:s0+$0xFFFFFF50] =	vst v7;
	v7 =	vmul.f32 v10, v11;
	v10 =	vunpack.i.l.bf16.f32 v16  }
0x29a: {  	v11 =	vld.idx.msk [tilespmem:v0+s11+$0x30 ss:$0x1], $0xffff;
	[tilespmem:s30+$0xFFFFFFA0] =	vst v8;
	v8 =	vunpack.i.u.bf16.f32 v16;
	v10 =	vmul.f32 v10, v13;
	v16 =	vbroadcast v2, $0xB  }
0x29b: {  	[tilespmem:s30+$0xFFFFFFB0] =	vst v7;
	v7 =	vmul.f32 v8, v13;
	v8 =	vunpack.i.l.bf16.f32 v14  }
0x29c: {  	v13 =	vld.idx.msk [tilespmem:v0+s4+$0x60 ss:$0x1], $0xffff;
	[tilespmem:s2+$0x0] =	vst v10;
	v10 =	vunpack.i.u.bf16.f32 v14;
	v8 =	vmul.f32 v8, v16;
	v14 =	vbroadcast v1, $0xE  }
0x29d: {  	[tilespmem:s2+$0x10] =	vst v7;
	v7 =	vmul.f32 v10, v16;
	v10 =	vunpack.i.l.bf16.f32 v9  }
0x29e: {  	v16 =	vld.idx.msk [tilespmem:v0+s31+$0x90 ss:$0x1], $0xffff;
	[tilespmem:s12+$0x60] =	vst v8;
	v8 =	vunpack.i.u.bf16.f32 v9;
	v9 =	vmul.f32 v10, v14  }
0x29f: {  	v10 =	vunpack.i.u.bf16.f32 v15;
	v15 =	vbroadcast v5, $0x3;
	[tilespmem:s12+$0x70] =	vst v7;
	v7 =	vmul.f32 v8, v14  }
0x2a0: {  	v8 =	vmul.f32 v10, v12;
	v10 =	vunpack.i.l.bf16.f32 v11;
	v12 =	vld.idx.msk [tilespmem:v0+s26+$0xC0 ss:$0x1], $0xffff;
	[tilespmem:s29+$0xC0] =	vst v9  }
0x2a1: {  	v9 =	vunpack.i.u.bf16.f32 v11;
	v10 =	vmul.f32 v10, v15;
	v11 =	vbroadcast v4, $0x6;
	[tilespmem:s29+$0xD0] =	vst v7  }
0x2a2: {  	v7 =	vmul.f32 v9, v15;
	[tilespmem:s14+$0xFFFFFF10] =	vst v8;
	v8 =	vunpack.i.l.bf16.f32 v13;
	v14 =	vld.idx.msk [tilespmem:v0+s9+$0xF0 ss:$0x1], $0xffff;
	s9 =	smov.u32 s26;
	s26 =	smov.u32 s31;
	s31 =	smov.u32 s4  }
0x2a3: {  	v9 =	vunpack.i.u.bf16.f32 v13;
	s4 =	smov.u32 s11;
	s11 =	smov.u32 s21;
	[tilespmem:s0+$0xFFFFFF60] =	vst v10;
	v8 =	vmul.f32 v8, v11;
	v10 =	vbroadcast v3, $0x9  }
0x2a4: {  	v13 =	vld.idx.msk [tilespmem:v0+s11+$0x10 ss:$0x1], $0xffff;
	[tilespmem:s0+$0xFFFFFF70] =	vst v7;
	v7 =	vmul.f32 v9, v11;
	v9 =	vunpack.i.l.bf16.f32 v16  }
0x2a5: {  	v15 =	vbroadcast v2, $0xC;
	[tilespmem:s30+$0xFFFFFFC0] =	vst v8;
	v8 =	vunpack.i.u.bf16.f32 v16;
	v11 =	vmul.f32 v9, v10  }
0x2a6: {  	v9 =	vld.idx.msk [tilespmem:v0+s4+$0x40 ss:$0x1], $0xffff;
	[tilespmem:s30+$0xFFFFFFD0] =	vst v7;
	v7 =	vmul.f32 v8, v10;
	v8 =	vunpack.i.l.bf16.f32 v12  }
.Ltmp3:
0x2a7: {  	v16 =	vbroadcast v1, $0xF;
	v1 =	vmovc v2;
	v2 =	vmovc v3;
	v10 =	vunpack.i.u.bf16.f32 v12;
	[tilespmem:s2+$0x20] =	vst v11;
	v12 =	vmul.f32 v8, v15;
	(pc) =	sbr.rel @p2 .LBB2_10-.Ltmp3, $4  }
0x2a8: {  	v3 =	vmovc v4;
	v10 =	vmul.f32 v10, v15;
	v8 =	vld.idx.msk [tilespmem:v0+s31+$0x70 ss:$0x1], $0xffff;
	[tilespmem:s2+$0x30] =	vst v7;
	v7 =	vunpack.i.u.bf16.f32 v14;
	v14 =	vunpack.i.l.bf16.f32 v14  }
0x2a9: {  	v4 =	vmovc v5;
	v5 =	vmov v6;
	v11 =	vbroadcast v6, $0x1;
	[tilespmem:s12+$0x80] =	vst v12;
	v15 =	vmul.f32 v7, v16  }
0x2aa: {  	v12 =	vunpack.i.l.bf16.f32 v13;
	v6 =	vmul.f32 v14, v16;
	v7 =	vld.idx.msk [tilespmem:v0+s26+$0xA0 ss:$0x1], $0xffff;
	[tilespmem:s12+$0x90] =	vst v10  }
0x2ab: {  	s20 =	sadd.s32 $0x400, s20;
	v13 =	vunpack.i.u.bf16.f32 v13;
	v12 =	vmul.f32 v12, v11;
	v10 =	vbroadcast v4, $0x4;
	[tilespmem:s29+$0xF0] =	vst v15  }
0x2ac: {  	_ = 	snop  }
0x2ad: {  	v11 =	vmul.f32 v13, v11  }
0x2ae: {  	[tilespmem:s14+$0xFFFFFF20] =	vst v12  }
0x2af: {  	[tilespmem:s14+$0xFFFFFF30] =	vst v11  }
0x2b0: {  	v11 =	vld.idx.msk [tilespmem:v0+s11+$0x20 ss:$0x1], $0xffff;
	_ =	sdelay $0x3  }
0x2b1: {  	v31 =	vbroadcast v5, $0x2  }
0x2b2: {  	v32 =	vunpack.i.l.bf16.f32 v11  }
0x2b3: {  	v11 =	vunpack.i.u.bf16.f32 v11;
	v13 =	vmul.f32 v32, v31  }
0x2b4: {  	v11 =	vmul.f32 v11, v31  }
0x2b5: {  	[tilespmem:s14+$0xFFFFFF40] =	vst v13  }
0x2b6: {  	[tilespmem:s14+$0xFFFFFF50] =	vst v11  }
0x2b7: {  	v11 =	vld.idx.msk [tilespmem:v0+s11+$0x30 ss:$0x1], $0xffff;
	_ =	sdelay $0x3  }
0x2b8: {  	v33 =	vbroadcast v5, $0x3  }
0x2b9: {  	v34 =	vunpack.i.l.bf16.f32 v11  }
0x2ba: {  	v11 =	vunpack.i.u.bf16.f32 v11;
	v13 =	vmul.f32 v34, v33  }
0x2bb: {  	v11 =	vmul.f32 v11, v33  }
0x2bc: {  	[tilespmem:s14+$0xFFFFFF60] =	vst v13  }
0x2bd: {  	[tilespmem:s14+$0xFFFFFF70] =	vst v11  }
0x2be: {  	v11 =	vld.idx.msk [tilespmem:v0+s11+$0x40 ss:$0x1], $0xffff;
	_ =	sdelay $0x2  }
0x2bf: {  	v35 =	vunpack.i.l.bf16.f32 v9  }
0x2c0: {  	v36 =	vunpack.i.u.bf16.f32 v9;
	v37 =	vbroadcast v5, $0x4;
	v12 =	vmul.f32 v35, v10  }
0x2c1: {  	v9 =	vmul.f32 v36, v10;
	v38 =	vunpack.i.l.bf16.f32 v11  }
0x2c2: {  	[tilespmem:s0+$0xFFFFFF80] =	vst v12;
	v11 =	vunpack.i.u.bf16.f32 v11;
	v10 =	vmul.f32 v38, v37  }
0x2c3: {  	[tilespmem:s0+$0xFFFFFF90] =	vst v9;
	v39 =	vmul.f32 v11, v37  }
0x2c4: {  	v40 =	vld.idx.msk [tilespmem:v0+s4+$0x50 ss:$0x1], $0xffff;
	[tilespmem:s14+$0xFFFFFF80] =	vst v10  }
0x2c5: {  	[tilespmem:s14+$0xFFFFFF90] =	vst v39  }
0x2c6: {  	v9 =	vld.idx.msk [tilespmem:v0+s11+$0x50 ss:$0x1], $0xffff;
	_ =	sdelay $0x1  }
0x2c7: {  	v41 =	vbroadcast v4, $0x5  }
0x2c8: {  	v42 =	vunpack.i.l.bf16.f32 v40  }
0x2c9: {  	v43 =	vbroadcast v5, $0x5;
	v12 =	vmul.f32 v42, v41;
	v11 =	vunpack.i.u.bf16.f32 v40  }
0x2ca: {  	v10 =	vmul.f32 v11, v41;
	v44 =	vunpack.i.l.bf16.f32 v9  }
0x2cb: {  	[tilespmem:s0+$0xFFFFFFA0] =	vst v12;
	v9 =	vunpack.i.u.bf16.f32 v9;
	v11 =	vmul.f32 v44, v43  }
0x2cc: {  	[tilespmem:s0+$0xFFFFFFB0] =	vst v10;
	v9 =	vmul.f32 v9, v43  }
0x2cd: {  	v10 =	vld.idx.msk [tilespmem:v0+s4+$0x60 ss:$0x1], $0xffff;
	[tilespmem:s14+$0xFFFFFFA0] =	vst v11  }
0x2ce: {  	[tilespmem:s14+$0xFFFFFFB0] =	vst v9  }
0x2cf: {  	v9 =	vld.idx.msk [tilespmem:v0+s11+$0x60 ss:$0x1], $0xffff;
	_ =	sdelay $0x1  }
0x2d0: {  	v45 =	vbroadcast v4, $0x6  }
0x2d1: {  	v46 =	vunpack.i.l.bf16.f32 v10  }
0x2d2: {  	v47 =	vbroadcast v5, $0x6;
	v10 =	vunpack.i.u.bf16.f32 v10;
	v12 =	vmul.f32 v46, v45  }
0x2d3: {  	v10 =	vmul.f32 v10, v45;
	v48 =	vunpack.i.l.bf16.f32 v9  }
0x2d4: {  	[tilespmem:s0+$0xFFFFFFC0] =	vst v12;
	v9 =	vunpack.i.u.bf16.f32 v9;
	v11 =	vmul.f32 v48, v47  }
0x2d5: {  	[tilespmem:s0+$0xFFFFFFD0] =	vst v10;
	v9 =	vmul.f32 v9, v47  }
0x2d6: {  	v10 =	vld.idx.msk [tilespmem:v0+s4+$0x70 ss:$0x1], $0xffff;
	[tilespmem:s14+$0xFFFFFFC0] =	vst v11  }
0x2d7: {  	[tilespmem:s14+$0xFFFFFFD0] =	vst v9  }
0x2d8: {  	v49 =	vbroadcast v3, $0x7;
	v11 =	vld.idx.msk [tilespmem:v0+s11+$0x70 ss:$0x1], $0xffff  }
0x2d9: {  	v51 =	vunpack.i.u.bf16.f32 v8  }
0x2da: {  	v52 =	vbroadcast v4, $0x7;
	v50 =	vunpack.i.l.bf16.f32 v8;
	v8 =	vmul.f32 v51, v49  }
0x2db: {  	v12 =	vmul.f32 v50, v49;
	v53 =	vunpack.i.l.bf16.f32 v10  }
0x2dc: {  	v54 =	vbroadcast v5, $0x7;
	[tilespmem:s30+$0xFFFFFFF0] =	vst v8;
	v10 =	vunpack.i.u.bf16.f32 v10;
	v9 =	vmul.f32 v53, v52  }
0x2dd: {  	[tilespmem:s30+$0xFFFFFFE0] =	vst v12;
	v55 =	vmul.f32 v10, v52;
	v56 =	vunpack.i.l.bf16.f32 v11  }
0x2de: {  	v57 =	vld.idx.msk [tilespmem:v0+s31+$0x80 ss:$0x1], $0xffff;
	[tilespmem:s0+$0xFFFFFFE0] =	vst v9;
	v58 =	vunpack.i.u.bf16.f32 v11;
	v10 =	vmul.f32 v56, v54  }
0x2df: {  	[tilespmem:s0+$0xFFFFFFF0] =	vst v55;
	v59 =	vmul.f32 v58, v54  }
0x2e0: {  	v60 =	vld.idx.msk [tilespmem:v0+s4+$0x80 ss:$0x1], $0xffff;
	[tilespmem:s14+$0xFFFFFFE0] =	vst v10  }
0x2e1: {  	[tilespmem:s14+$0xFFFFFFF0] =	vst v59  }
0x2e2: {  	v61 =	vbroadcast v3, $0x8;
	v10 =	vld.idx.msk [tilespmem:v0+s11+$0x80 ss:$0x1], $0xffff  }
0x2e3: {  	v63 =	vunpack.i.u.bf16.f32 v57  }
0x2e4: {  	v16 =	vbroadcast v4, $0x8;
	v62 =	vunpack.i.l.bf16.f32 v57;
	v8 =	vmul.f32 v63, v61  }
0x2e5: {  	v11 =	vmul.f32 v62, v61;
	v17 =	vunpack.i.l.bf16.f32 v60  }
0x2e6: {  	v19 =	vbroadcast v5, $0x8;
	[tilespmem:s30+$0x10] =	vst v8;
	v9 =	vunpack.i.u.bf16.f32 v60;
	v18 =	vmul.f32 v17, v16  }
0x2e7: {  	[tilespmem:s30+$0x0] =	vst v11;
	v20 =	vmul.f32 v9, v16;
	v21 =	vunpack.i.l.bf16.f32 v10  }
0x2e8: {  	v22 =	vld.idx.msk [tilespmem:v0+s31+$0x90 ss:$0x1], $0xffff;
	[tilespmem:s0+$0x0] =	vst v18;
	v10 =	vunpack.i.u.bf16.f32 v10;
	v9 =	vmul.f32 v21, v19  }
0x2e9: {  	[tilespmem:s0+$0x10] =	vst v20;
	v23 =	vmul.f32 v10, v19  }
0x2ea: {  	v24 =	vld.idx.msk [tilespmem:v0+s4+$0x90 ss:$0x1], $0xffff;
	[tilespmem:s14+$0x0] =	vst v9  }
0x2eb: {  	[tilespmem:s14+$0x10] =	vst v23  }
0x2ec: {  	v25 =	vbroadcast v3, $0x9;
	v9 =	vld.idx.msk [tilespmem:v0+s11+$0x90 ss:$0x1], $0xffff  }
0x2ed: {  	v26 =	vunpack.i.l.bf16.f32 v22  }
0x2ee: {  	v28 =	vbroadcast v4, $0x9;
	v27 =	vunpack.i.u.bf16.f32 v22;
	v11 =	vmul.f32 v26, v25  }
0x2ef: {  	v8 =	vmul.f32 v27, v25;
	v29 =	vunpack.i.l.bf16.f32 v24  }
0x2f0: {  	v31 =	vbroadcast v5, $0x9;
	[tilespmem:s30+$0x20] =	vst v11;
	v10 =	vunpack.i.u.bf16.f32 v24;
	v30 =	vmul.f32 v29, v28  }
0x2f1: {  	[tilespmem:s30+$0x30] =	vst v8;
	v32 =	vmul.f32 v10, v28;
	v33 =	vunpack.i.l.bf16.f32 v9  }
0x2f2: {  	v34 =	vld.idx.msk [tilespmem:v0+s31+$0xA0 ss:$0x1], $0xffff;
	[tilespmem:s0+$0x20] =	vst v30;
	v9 =	vunpack.i.u.bf16.f32 v9;
	v10 =	vmul.f32 v33, v31  }
0x2f3: {  	[tilespmem:s0+$0x30] =	vst v32;
	v35 =	vmul.f32 v9, v31  }
0x2f4: {  	v36 =	vbroadcast v2, $0xA;
	v11 =	vld.idx.msk [tilespmem:v0+s4+$0xA0 ss:$0x1], $0xffff;
	[tilespmem:s14+$0x20] =	vst v10  }
0x2f5: {  	v38 =	vunpack.i.u.bf16.f32 v7;
	[tilespmem:s14+$0x30] =	vst v35  }
0x2f6: {  	v37 =	vunpack.i.l.bf16.f32 v7;
	v40 =	vbroadcast v3, $0xA;
	v7 =	vmul.f32 v38, v36;
	v41 =	vld.idx.msk [tilespmem:v0+s11+$0xA0 ss:$0x1], $0xffff  }
0x2f7: {  	v39 =	vmul.f32 v37, v36;
	v43 =	vunpack.i.u.bf16.f32 v34  }
0x2f8: {  	[tilespmem:s2+$0x50] =	vst v7;
	v44 =	vbroadcast v4, $0xA;
	v42 =	vunpack.i.l.bf16.f32 v34;
	v45 =	vmul.f32 v43, v40  }
0x2f9: {  	[tilespmem:s2+$0x40] =	vst v39;
	v9 =	vmul.f32 v42, v40;
	v46 =	vunpack.i.l.bf16.f32 v11  }
0x2fa: {  	v49 =	vbroadcast v5, $0xA;
	v47 =	vld.idx.msk [tilespmem:v0+s26+$0xB0 ss:$0x1], $0xffff;
	v48 =	vunpack.i.u.bf16.f32 v11;
	[tilespmem:s30+$0x50] =	vst v45;
	v8 =	vmul.f32 v46, v44  }
0x2fb: {  	[tilespmem:s30+$0x40] =	vst v9;
	v50 =	vmul.f32 v48, v44;
	v51 =	vunpack.i.l.bf16.f32 v41  }
0x2fc: {  	v52 =	vld.idx.msk [tilespmem:v0+s31+$0xB0 ss:$0x1], $0xffff;
	[tilespmem:s0+$0x40] =	vst v8;
	v53 =	vunpack.i.u.bf16.f32 v41;
	v9 =	vmul.f32 v51, v49  }
0x2fd: {  	[tilespmem:s0+$0x50] =	vst v50;
	v54 =	vmul.f32 v53, v49  }
0x2fe: {  	v55 =	vbroadcast v2, $0xB;
	v56 =	vld.idx.msk [tilespmem:v0+s4+$0xB0 ss:$0x1], $0xffff;
	[tilespmem:s14+$0x40] =	vst v9  }
0x2ff: {  	v58 =	vunpack.i.u.bf16.f32 v47;
	[tilespmem:s14+$0x50] =	vst v54  }
0x300: {  	v57 =	vunpack.i.l.bf16.f32 v47;
	v7 =	vmul.f32 v58, v55;
	v59 =	vbroadcast v3, $0xB;
	v60 =	vld.idx.msk [tilespmem:v0+s11+$0xB0 ss:$0x1], $0xffff  }
0x301: {  	v61 =	vunpack.i.l.bf16.f32 v52;
	v9 =	vmul.f32 v57, v55  }
0x302: {  	v63 =	vbroadcast v4, $0xB;
	[tilespmem:s2+$0x70] =	vst v7;
	v62 =	vunpack.i.u.bf16.f32 v52;
	v8 =	vmul.f32 v61, v59  }
0x303: {  	v14 =	vmul.f32 v62, v59;
	v17 =	vunpack.i.u.bf16.f32 v56;
	[tilespmem:s2+$0x60] =	vst v9  }
0x304: {  	v18 =	vbroadcast v5, $0xB;
	v15 =	vunpack.i.l.bf16.f32 v56;
	[tilespmem:s30+$0x60] =	vst v8;
	v19 =	vmul.f32 v17, v63;
	v16 =	vld.idx.msk [tilespmem:v0+s26+$0xC0 ss:$0x1], $0xffff  }
0x305: {  	[tilespmem:s30+$0x70] =	vst v14;
	v9 =	vmul.f32 v15, v63;
	v20 =	vunpack.i.l.bf16.f32 v60  }
0x306: {  	v21 =	vld.idx.msk [tilespmem:v0+s31+$0xC0 ss:$0x1], $0xffff;
	[tilespmem:s0+$0x70] =	vst v19;
	v22 =	vunpack.i.u.bf16.f32 v60;
	v8 =	vmul.f32 v20, v18  }
0x307: {  	[tilespmem:s0+$0x60] =	vst v9;
	v23 =	vmul.f32 v22, v18  }
0x308: {  	v24 =	vbroadcast v2, $0xC;
	v25 =	vld.idx.msk [tilespmem:v0+s4+$0xC0 ss:$0x1], $0xffff;
	[tilespmem:s14+$0x60] =	vst v8  }
0x309: {  	v26 =	vunpack.i.l.bf16.f32 v16;
	[tilespmem:s14+$0x70] =	vst v23  }
0x30a: {  	v28 =	vbroadcast v3, $0xC;
	v27 =	vunpack.i.u.bf16.f32 v16;
	v8 =	vmul.f32 v26, v24;
	v29 =	vld.idx.msk [tilespmem:v0+s11+$0xC0 ss:$0x1], $0xffff  }
0x30b: {  	[tilespmem:s29+$0xE0] =	vst v6;
	v31 =	vunpack.i.l.bf16.f32 v21;
	v30 =	vmul.f32 v27, v24  }
0x30c: {  	v32 =	vld.idx.msk [tilespmem:v0+s9+$0xD0 ss:$0x1], $0xffff;
	v34 =	vbroadcast v4, $0xC;
	v33 =	vunpack.i.u.bf16.f32 v21;
	v7 =	vmul.f32 v31, v28;
	[tilespmem:s2+$0x80] =	vst v8  }
0x30d: {  	v35 =	vmul.f32 v33, v28;
	v36 =	vunpack.i.l.bf16.f32 v25;
	[tilespmem:s2+$0x90] =	vst v30  }
0x30e: {  	v39 =	vbroadcast v5, $0xC;
	[tilespmem:s30+$0x80] =	vst v7;
	v38 =	vunpack.i.u.bf16.f32 v25;
	v8 =	vmul.f32 v36, v34;
	v37 =	vld.idx.msk [tilespmem:v0+s26+$0xD0 ss:$0x1], $0xffff  }
0x30f: {  	[tilespmem:s30+$0x90] =	vst v35;
	v40 =	vmul.f32 v38, v34;
	v41 =	vunpack.i.l.bf16.f32 v29  }
0x310: {  	v42 =	vbroadcast v1, $0xD;
	v14 =	vld.idx.msk [tilespmem:v0+s31+$0xD0 ss:$0x1], $0xffff;
	[tilespmem:s0+$0x80] =	vst v8;
	v43 =	vunpack.i.u.bf16.f32 v29;
	v7 =	vmul.f32 v41, v39  }
0x311: {  	v44 =	vunpack.i.l.bf16.f32 v32;
	[tilespmem:s0+$0x90] =	vst v40;
	v45 =	vmul.f32 v43, v39  }
0x312: {  	v46 =	vunpack.i.u.bf16.f32 v32;
	v48 =	vbroadcast v2, $0xD;
	v47 =	vmul.f32 v44, v42;
	v49 =	vld.idx.msk [tilespmem:v0+s4+$0xD0 ss:$0x1], $0xffff;
	[tilespmem:s14+$0x80] =	vst v7  }
0x313: {  	v50 =	vmul.f32 v46, v42;
	v51 =	vunpack.i.l.bf16.f32 v37;
	[tilespmem:s14+$0x90] =	vst v45  }
0x314: {  	[tilespmem:s12+$0xA0] =	vst v47;
	v53 =	vbroadcast v3, $0xD;
	v52 =	vunpack.i.u.bf16.f32 v37;
	v8 =	vmul.f32 v51, v48;
	v54 =	vld.idx.msk [tilespmem:v0+s11+$0xD0 ss:$0x1], $0xffff  }
0x315: {  	[tilespmem:s12+$0xB0] =	vst v50;
	v57 =	vunpack.i.u.bf16.f32 v14;
	v6 =	vmul.f32 v52, v48  }
0x316: {  	v58 =	vbroadcast v4, $0xD;
	v56 =	vld.idx.msk [tilespmem:v0+s9+$0xE0 ss:$0x1], $0xffff;
	v55 =	vunpack.i.l.bf16.f32 v14;
	v59 =	vmul.f32 v57, v53;
	[tilespmem:s2+$0xA0] =	vst v8  }
0x317: {  	v7 =	vmul.f32 v55, v53;
	v60 =	vunpack.i.l.bf16.f32 v49;
	[tilespmem:s2+$0xB0] =	vst v6  }
0x318: {  	v63 =	vbroadcast v5, $0xD;
	[tilespmem:s30+$0xB0] =	vst v59;
	v62 =	vunpack.i.u.bf16.f32 v49;
	v8 =	vmul.f32 v60, v58;
	v61 =	vld.idx.msk [tilespmem:v0+s26+$0xE0 ss:$0x1], $0xffff  }
0x319: {  	[tilespmem:s30+$0xA0] =	vst v7;
	v16 =	vmul.f32 v62, v58;
	v17 =	vunpack.i.l.bf16.f32 v54  }
0x31a: {  	v18 =	vbroadcast v1, $0xE;
	v19 =	vld.idx.msk [tilespmem:v0+s31+$0xE0 ss:$0x1], $0xffff;
	[tilespmem:s0+$0xA0] =	vst v8;
	v20 =	vunpack.i.u.bf16.f32 v54;
	v7 =	vmul.f32 v17, v63  }
0x31b: {  	v21 =	vunpack.i.l.bf16.f32 v56;
	[tilespmem:s0+$0xB0] =	vst v16;
	v22 =	vmul.f32 v20, v63  }
0x31c: {  	v23 =	vunpack.i.u.bf16.f32 v56;
	v10 =	vmul.f32 v21, v18;
	v24 =	vbroadcast v2, $0xE;
	v25 =	vld.idx.msk [tilespmem:v0+s4+$0xE0 ss:$0x1], $0xffff;
	[tilespmem:s14+$0xA0] =	vst v7  }
0x31d: {  	v26 =	vmul.f32 v23, v18;
	v27 =	vunpack.i.l.bf16.f32 v61;
	[tilespmem:s14+$0xB0] =	vst v22  }
0x31e: {  	[tilespmem:s12+$0xC0] =	vst v10;
	v29 =	vbroadcast v3, $0xE;
	v28 =	vunpack.i.u.bf16.f32 v61;
	v8 =	vmul.f32 v27, v24;
	v30 =	vld.idx.msk [tilespmem:v0+s11+$0xE0 ss:$0x1], $0xffff  }
0x31f: {  	[tilespmem:s12+$0xD0] =	vst v26;
	v31 =	vunpack.i.l.bf16.f32 v19;
	v6 =	vmul.f32 v28, v24  }
0x320: {  	v34 =	vbroadcast v4, $0xE;
	v32 =	vld.idx.msk [tilespmem:v0+s9+$0xF0 ss:$0x1], $0xffff;
	v33 =	vunpack.i.u.bf16.f32 v19;
	v7 =	vmul.f32 v31, v29;
	[tilespmem:s2+$0xC0] =	vst v8  }
0x321: {  	v35 =	vmul.f32 v33, v29;
	v36 =	vunpack.i.l.bf16.f32 v25;
	[tilespmem:s2+$0xD0] =	vst v6  }
0x322: {  	v39 =	vbroadcast v5, $0xE;
	v38 =	vunpack.i.u.bf16.f32 v25;
	[tilespmem:s30+$0xC0] =	vst v7;
	v8 =	vmul.f32 v36, v34;
	v37 =	vld.idx.msk [tilespmem:v0+s26+$0xF0 ss:$0x1], $0xffff  }
0x323: {  	[tilespmem:s30+$0xD0] =	vst v35;
	v40 =	vmul.f32 v38, v34;
	v41 =	vunpack.i.l.bf16.f32 v30  }
0x324: {  	v42 =	vbroadcast v1, $0xF;
	v43 =	vld.idx.msk [tilespmem:v0+s31+$0xF0 ss:$0x1], $0xffff;
	[tilespmem:s0+$0xC0] =	vst v8;
	v44 =	vunpack.i.u.bf16.f32 v30;
	v7 =	vmul.f32 v41, v39  }
0x325: {  	v45 =	vunpack.i.u.bf16.f32 v32;
	[tilespmem:s0+$0xD0] =	vst v40;
	v46 =	vmul.f32 v44, v39  }
0x326: {  	v47 =	vunpack.i.l.bf16.f32 v32;
	v48 =	vbroadcast v2, $0xF;
	v10 =	vmul.f32 v45, v42;
	v49 =	vld.idx.msk [tilespmem:v0+s4+$0xF0 ss:$0x1], $0xffff;
	[tilespmem:s14+$0xC0] =	vst v7  }
0x327: {  	v1 =	vmul.f32 v47, v42;
	v50 =	vunpack.i.u.bf16.f32 v37;
	[tilespmem:s14+$0xD0] =	vst v46  }
0x328: {  	v52 =	vbroadcast v3, $0xF;
	[tilespmem:s12+$0xF0] =	vst v10;
	v51 =	vunpack.i.l.bf16.f32 v37;
	v7 =	vmul.f32 v50, v48;
	v53 =	vld.idx.msk [tilespmem:v0+s11+$0xF0 ss:$0x1], $0xffff  }
0x329: {  	[tilespmem:s12+$0xE0] =	vst v1;
	v55 =	vunpack.i.u.bf16.f32 v43;
	v54 =	vmul.f32 v51, v48  }
0x32a: {  	v57 =	vbroadcast v4, $0xF;
	v56 =	vunpack.i.l.bf16.f32 v43;
	v2 =	vmul.f32 v55, v52;
	[tilespmem:s2+$0xF0] =	vst v7  }
0x32b: {  	v58 =	vmul.f32 v56, v52;
	v59 =	vunpack.i.u.bf16.f32 v49;
	[tilespmem:s2+$0xE0] =	vst v54  }
0x32c: {  	v61 =	vbroadcast v5, $0xF;
	v60 =	vunpack.i.l.bf16.f32 v49;
	[tilespmem:s30+$0xF0] =	vst v2;
	v3 =	vmul.f32 v59, v57  }
0x32d: {  	[tilespmem:s30+$0xE0] =	vst v58;
	v62 =	vmul.f32 v60, v57;
	v63 =	vunpack.i.u.bf16.f32 v53  }
0x32e: {  	[tilespmem:s0+$0xF0] =	vst v3;
	v0 =	vunpack.i.l.bf16.f32 v53;
	v2 =	vmul.f32 v63, v61  }
0x32f: {  	[tilespmem:s0+$0xE0] =	vst v62;
	v0 =	vmul.f32 v0, v61  }
0x330: {  	p2 =	seq.s32 s15, $0x0;
	[tilespmem:s14+$0xF0] =	vst v2  }
0x331: {  	s0 =	simm.s32 @!p2 $0x2;
	[tilespmem:s14+$0xE0] =	vst v0  }
0x332: {  	_ =	swait.ge @!p2 [sflag:s0], $0x1000  }
0x333: {  	[sflag:s0] =	ssyncset.done @!p2 $0x0  }
0x334: {  	[sflag:s0] =	ssyncadd.s32 @!p2 $0xFFFFF000  }
0x335: {  	_ =	swait.ge @!p2 [sflag:s0], $0x1000  }
0x336: {  	[sflag:s0] =	ssyncset.done @!p2 $0x0  }
0x337: {  	[sflag:s0] =	ssyncadd.s32 @!p2 $0xFFFFF000  }
0x338: {  	_ =	swait.ge @!p2 [sflag:s0], $0x1000  }
0x339: {  	[sflag:s0] =	ssyncset.done @!p2 $0x0  }
0x33a: {  	[sflag:s0] =	ssyncadd.s32 @!p2 $0xFFFFF000  }
0x33b: {  	_ =	swait.ge @!p2 [sflag:s0], $0x1000  }
0x33c: {  	s19 =	sshrl.u32 s18, $0x2;
	[sflag:s0] =	ssyncset.done @!p2 $0x0  }
0x33d: {  	s15 =	sadd.s32 $0x1, s15;
	s20 =	sadd.s32 $0x1A00, s19;
	[sflag:s0] =	ssyncadd.s32 @!p2 $0xFFFFF000  }
0x33e: {  	[spmem:s3] =	stream.indirect.scatter.add.f32 [tilespmem:s17], [sflag:$0x2], $0x20, s20, s28, $0xb8;
	[tilespmem:$0x1CA40] =	vst v63  }
0x33f: {  	s21 =	sadd.s32 $0xBE00, s16;
	s26 =	sadd.s32 $0x1A80, s19;
	p2 =	sne.s32 s15, $0xD  }
0x340: {  	[spmem:s3] =	stream.indirect.scatter.add.f32 [tilespmem:s21], [sflag:$0x2], $0x20, s26, s28, $0xb8;
	[tilespmem:$0x1CA40] =	vst v63  }
.Ltmp4:
0x341: {  	s29 =	sadd.s32 $0xCE00, s16;
	(pc) =	sbr.rel @p2 .LBB2_9-.Ltmp4, $4  }
0x342: {  	p1 =	por !p1, !p1;
	s24 =	sadd.s32 $0x2000, s24;
	s30 =	sadd.s32 $0x1B00, s19  }
0x343: {  	[spmem:s3] =	stream.indirect.scatter.add.f32 [tilespmem:s29], [sflag:$0x2], $0x20, s30, s28, $0xb8;
	[tilespmem:$0x1CA40] =	vst v63  }
0x344: {  	s5 =	sadd.s32 $0x200, s5;
	s31 =	sadd.s32 $0xDE00, s16;
	s2 =	sadd.s32 $0x1B80, s19  }
0x345: {  	[spmem:s3] =	stream.indirect.scatter.add.f32 [tilespmem:s31], [sflag:$0x2], $0x20, s2, s28, $0xb8;
	[tilespmem:$0x1CA40] =	vst v63  }
0x346: {  	_ =	swait.ge [sflag:s23], $0x1000  }
0x347: {  	[sflag:s23] =	ssyncset.done $0x0  }
0x348: {  	[sflag:s23] =	ssyncadd.s32 $0xFFFFF000  }
0x349: {  	_ =	swait.ge [sflag:s23], $0x1000  }
0x34a: {  	[sflag:s23] =	ssyncset.done $0x0  }
0x34b: {  	[sflag:s23] =	ssyncadd.s32 $0xFFFFF000  }
0x34c: {  	_ =	swait.ge [sflag:s23], $0x1000  }
.Ltmp5:
0x34d: {  	[sflag:s23] =	ssyncset.done $0x0;
	(pc) =	sbr.rel @p0 .LBB2_8-.Ltmp5, $4  }
0x34e: {  	[sflag:s23] =	ssyncadd.s32 $0xFFFFF000  }
0x34f: {  	_ =	swait.ge [sflag:s23], $0x1000  }
0x350: {  	[sflag:s23] =	ssyncset.done $0x0  }
0x351: {  	s0 =	simm.s32 $0x4E000;
	p1 =	por $0x0, $0x0;
	[sflag:s23] =	ssyncadd.s32 $0xFFFFF000  }
0x352: {  	[bflag:$0x0] =	sbarrier.arrive $0xFFFF  }
0x353: {  	s2 =	rddreg [dreg:$0x8]  }
0x354: {  	s0 =	rddreg [dreg:$0xd]  }
0x355: {  	s4 =	simm.s32 $0x14;
	s5 =	simm.s32 $0x4;
	s9 =	rddreg [dreg:$0x14]  }
0x356: {  	[hbm:s0@s4], [sflag:s2] =	dma.strided [spmem:s9@s5], $0x9C4, s22, $0x4   }
0x357: {  	_ =	swait.ge [sflag:s25], $0x9C4  }
0x358: {  	[sflag:s25] =	ssyncset.done $0x0;
	s30 =	rddreg [dreg:$0xe]  }
0x359: {  	s11 =	rddreg [dreg:$0x16];
	[sflag:s25] =	ssyncadd.s32 $0xFFFFF63C  }
0x35a: {  	[hbm:s30@s4], [sflag:s2] =	dma.strided [spmem:s11@s5], $0x9C4, s22, $0x4   }
0x35b: {  	_ =	swait.ge [sflag:s25], $0x9C4  }
0x35c: {  	[sflag:s25] =	ssyncset.done $0x0  }
0x35d: {  	[sflag:s25] =	ssyncadd.s32 $0xFFFFF63C  }
0x35e: {  	[bflag:$0x0] =	sbarrier.arrive $0xFFFF  }
0x35f: {  	s31 =	rddreg [dreg:$0x6]  }
0x360: {  	[spmem:s9], [sflag:s2] =	dma.local [hbm:s31], $0x9C4  }
0x361: {  	_ =	swait.ge [sflag:s25], $0x9C4  }
0x362: {  	[sflag:s25] =	ssyncset.done $0x0  }
0x363: {  	[sflag:s25] =	ssyncadd.s32 $0xFFFFF63C  }
0x364: {  	[bflag:$0x0] =	sbarrier.arrive $0xFFFF  }
0x365: {  	s9 =	simm.s32 $0x0;
	s2 =	rddreg [dreg:$0xf]  }
0x366: {  	[tilespmem:s9], [sflag:$0x3] =	stream.linear.gather [hbm4b:s2+s9], $0x1A00, $0x38;
	[tilespmem:$0x1CA40] =	vst v63  }
0x367: {  	_ =	swait.ge [sflag:s25], $0x1A00  }
0x368: {  	[sflag:s25] =	ssyncset.done $0x0  }
0x369: {  	s5 =	simm.s32 $0x1A00;
	s4 =	rddreg [dreg:$0x10];
	[sflag:s25] =	ssyncadd.s32 $0xFFFFE600  }
0x36a: {  	[tilespmem:s5], [sflag:$0x3] =	stream.linear.gather [hbm4b:s4+s9], $0x1A00, $0x38;
	[tilespmem:$0x1CA40] =	vst v63  }
0x36b: {  	_ =	swait.ge [sflag:s25], $0x1A00  }
0x36c: {  	[sflag:s25] =	ssyncset.done $0x0  }
0x36d: {  	s5 =	simm.s32 $0x3400;
	s11 =	rddreg [dreg:$0x11];
	[sflag:s25] =	ssyncadd.s32 $0xFFFFE600  }
0x36e: {  	[tilespmem:s5], [sflag:$0x3] =	stream.linear.gather [hbm4b:s11+s9], $0x1A00, $0x38;
	[tilespmem:$0x1CA40] =	vst v63  }
0x36f: {  	_ =	swait.ge [sflag:s25], $0x1A00  }
0x370: {  	[sflag:s25] =	ssyncset.done $0x0  }
0x371: {  	s15 =	simm.s32 $0x4E00;
	[sflag:s25] =	ssyncadd.s32 $0xFFFFE600  }
0x372: {  	[tilespmem:s15], [sflag:$0x1] =	stream.indirect.gather [hbm4b:s6+s28], $0x10, s9, s28, $0xb8;
	[tilespmem:$0x1CA40] =	vst v63  }
0x373: {  	s12 =	simm.s32 $0x5600  }
0x374: {  	[tilespmem:s12], [sflag:$0x1] =	stream.indirect.gather [hbm4b:s6+s28], $0x10, s28, s28, $0xb8;
	[tilespmem:$0x1CA40] =	vst v63  }
0x375: {  	s14 =	simm.s32 $0x100;
	s16 =	simm.s32 $0x5E00  }
0x376: {  	[tilespmem:s16], [sflag:$0x1] =	stream.indirect.gather [hbm4b:s6+s28], $0x10, s14, s28, $0xb8;
	[tilespmem:$0x1CA40] =	vst v63  }
0x377: {  	s17 =	simm.s32 $0x180;
	s18 =	simm.s32 $0x6600  }
0x378: {  	[tilespmem:s18], [sflag:$0x1] =	stream.indirect.gather [hbm4b:s6+s28], $0x10, s17, s28, $0xb8;
	[tilespmem:$0x1CA40] =	vst v63  }
0x379: {  	s19 =	simm.s32 $0x200;
	s20 =	simm.s32 $0x6E00  }
0x37a: {  	[tilespmem:s20], [sflag:$0x1] =	stream.indirect.gather [hbm4b:s6+s28], $0x10, s19, s28, $0xb8;
	[tilespmem:$0x1CA40] =	vst v63  }
0x37b: {  	s21 =	simm.s32 $0x280;
	s24 =	simm.s32 $0x7600  }
0x37c: {  	[tilespmem:s24], [sflag:$0x1] =	stream.indirect.gather [hbm4b:s6+s28], $0x10, s21, s28, $0xb8;
	[tilespmem:$0x1CA40] =	vst v63  }
0x37d: {  	s26 =	simm.s32 $0x300;
	s29 =	simm.s32 $0x7E00  }
0x37e: {  	[tilespmem:s29], [sflag:$0x1] =	stream.indirect.gather [hbm4b:s6+s28], $0x10, s26, s28, $0xb8;
	[tilespmem:$0x1CA40] =	vst v63  }
0x37f: {  	p0 =	por $0x0, $0x0;
	s30 =	simm.s32 $0x380;
	s31 =	simm.s32 $0x8600  }
0x380: {  	[tilespmem:s31], [sflag:$0x1] =	stream.indirect.gather [hbm4b:s6+s28], $0x10, s30, s28, $0xb8;
	[tilespmem:$0x1CA40] =	vst v63  }
.LBB2_14:
0x381: {  	_ =	swait.ge [sflag:s22], $0x800;
	p1 =	sgt.u32 s9, $0xA  }
0x382: {  	[sflag:s22] =	ssyncset.done $0x0;
	s0 =	sadd.s32 @!p1 $0x2, s9  }
0x383: {  	[sflag:s22] =	ssyncadd.s32 $0xFFFFF800;
	s2 =	smul.u32 @!p1 $0xAB, s0  }
0x384: {  	_ =	swait.ge [sflag:s22], $0x800  }
0x385: {  	s4 =	smulhi.u32 $0xAAAAAAAB, s9;
	[sflag:s22] =	ssyncset.done $0x0;
	s2 =	sshrl.u32 @!p1 s2, $0x9  }
0x386: {  	[sflag:s22] =	ssyncadd.s32 $0xFFFFF800;
	s2 =	sand.u32 @!p1 $0x7F, s2  }
0x387: {  	s4 =	sshrl.u32 s4, $0x1;
	_ =	swait.ge [sflag:s22], $0x800;
	s2 =	smul.u32 @!p1 $0x3, s2  }
0x388: {  	s4 =	smul.u32 $0xFFFE8000, s4;
	[sflag:s22] =	ssyncset.done $0x0  }
0x389: {  	s12 =	simm.s32 @!p1 $0x80;
	[sflag:s22] =	ssyncadd.s32 $0xFFFFF800;
	s2 =	ssub.s32 @!p1 s0, s2  }
0x38a: {  	s4 =	sshra.s32 s4, $0x2;
	_ =	swait.ge [sflag:s22], $0x800;
	s2 =	sand.u32 @!p1 $0xFF, s2  }
0x38b: {  	s0 =	sshll.u32 @!p1 s0, $0x9;
	[sflag:s22] =	ssyncset.done $0x0;
	s2 =	sshll.u32 @!p1 s2, $0xD  }
0x38c: {  	s0 =	sand.u32 @!p1 $0x3FFFFE00, s0;
	[sflag:s22] =	ssyncadd.s32 $0xFFFFF800;
	s11 =	sadd.s32 @!p1 $0x4E00, s2  }
0x38d: {  	[tilespmem:s11], [sflag:$0x1] =	stream.indirect.gather @!p1 [hbm4b:s6+s12], $0x10, s0, s12, $0xb8;
	[tilespmem:$0x1CA40] =	vst v63  }
0x38e: {  	s4 =	sadd.s32 s4, s15;
	s14 =	sor.u32 @!p1 $0x80, s0;
	s11 =	sadd.s32 @!p1 $0x5600, s2  }
0x38f: {  	[tilespmem:s11], [sflag:$0x1] =	stream.indirect.gather @!p1 [hbm4b:s6+s12], $0x10, s14, s12, $0xb8;
	[tilespmem:$0x1CA40] =	vst v63  }
0x390: {  	v0 =	vmov s4;
	s11 =	sadd.s32 @!p1 $0x5E00, s2;
	s14 =	sor.u32 @!p1 $0x100, s0  }
0x391: {  	[tilespmem:s11], [sflag:$0x1] =	stream.indirect.gather @!p1 [hbm4b:s6+s12], $0x10, s14, s12, $0xb8;
	[tilespmem:$0x1CA40] =	vst v63  }
0x392: {  	s2 =	sadd.s32 @!p1 $0x6600, s2;
	s0 =	sor.u32 @!p1 $0x180, s0  }
0x393: {  	[tilespmem:s2], [sflag:$0x1] =	stream.indirect.gather @!p1 [hbm4b:s6+s12], $0x10, s0, s12, $0xb8;
	[tilespmem:$0x1CA40] =	vst v63  }
0x394: {  	s16 =	simm.s32 $0x0;
	v6 =	vld [tilespmem:s5+$0x0]  }
0x395: {  	v1 =	vld.idx.msk [tilespmem:v0+s16+$0x0 ss:$0x1], $0xffff;
	_ =	sdelay $0x3  }
0x396: {  	s0 =	simm.s32 $0x1;
	v2 =	vbroadcast v6, $0x0  }
0x397: {  	s0 =	simm.s32 @!p0 $0x0;
	v3 =	vunpack.i.l.bf16.f32 v1  }
0x398: {  	s0 =	sshll.u32 s0, $0xE;
	v1 =	vunpack.i.u.bf16.f32 v1;
	v3 =	vmul.f32 v3, v2  }
0x399: {  	s29 =	sor.u32 $0xAF00, s0;
	v1 =	vmul.f32 v1, v2  }
0x39a: {  	[tilespmem:s29+$0xFFFFFF00] =	vst v3  }
0x39b: {  	[tilespmem:s29+$0xFFFFFF10] =	vst v1  }
0x39c: {  	v1 =	vld.idx.msk [tilespmem:v0+s16+$0x10 ss:$0x1], $0xffff;
	_ =	sdelay $0x3  }
0x39d: {  	v2 =	vbroadcast v6, $0x1  }
0x39e: {  	v3 =	vunpack.i.l.bf16.f32 v1  }
0x39f: {  	v1 =	vunpack.i.u.bf16.f32 v1;
	v3 =	vmul.f32 v3, v2  }
0x3a0: {  	v1 =	vmul.f32 v1, v2  }
0x3a1: {  	[tilespmem:s29+$0xFFFFFF20] =	vst v3  }
0x3a2: {  	[tilespmem:s29+$0xFFFFFF30] =	vst v1  }
0x3a3: {  	v1 =	vld.idx.msk [tilespmem:v0+s16+$0x20 ss:$0x1], $0xffff;
	_ =	sdelay $0x3  }
0x3a4: {  	v2 =	vbroadcast v6, $0x2  }
0x3a5: {  	v3 =	vunpack.i.l.bf16.f32 v1  }
0x3a6: {  	s19 =	sadd.s32 $0x10, s5;
	v4 =	vunpack.i.u.bf16.f32 v1;
	v3 =	vmul.f32 v3, v2  }
0x3a7: {  	s24 =	simm.s32 $0x100;
	v1 =	vld [tilespmem:s19+$0x0];
	v2 =	vmul.f32 v4, v2  }
0x3a8: {  	v4 =	vld.idx.msk [tilespmem:v0+s24+$0x0 ss:$0x1], $0xffff;
	[tilespmem:s29+$0xFFFFFF40] =	vst v3  }
0x3a9: {  	[tilespmem:s29+$0xFFFFFF50] =	vst v2  }
0x3aa: {  	v2 =	vld.idx.msk [tilespmem:v0+s16+$0x30 ss:$0x1], $0xffff;
	_ =	sdelay $0x1  }
0x3ab: {  	v3 =	vbroadcast v1, $0x0  }
0x3ac: {  	v5 =	vunpack.i.l.bf16.f32 v4  }
0x3ad: {  	v7 =	vbroadcast v6, $0x3;
	v4 =	vunpack.i.u.bf16.f32 v4;
	v5 =	vmul.f32 v5, v3  }
0x3ae: {  	s12 =	sadd.s32 $0x200, s29;
	v3 =	vmul.f32 v4, v3;
	v4 =	vunpack.i.l.bf16.f32 v2  }
0x3af: {  	[tilespmem:s12+$0xFFFFFF00] =	vst v5;
	v2 =	vunpack.i.u.bf16.f32 v2;
	v4 =	vmul.f32 v4, v7  }
0x3b0: {  	[tilespmem:s12+$0xFFFFFF10] =	vst v3;
	v2 =	vmul.f32 v2, v7  }
0x3b1: {  	v3 =	vld.idx.msk [tilespmem:v0+s24+$0x10 ss:$0x1], $0xffff;
	[tilespmem:s29+$0xFFFFFF60] =	vst v4  }
0x3b2: {  	[tilespmem:s29+$0xFFFFFF70] =	vst v2  }
0x3b3: {  	v2 =	vld.idx.msk [tilespmem:v0+s16+$0x40 ss:$0x1], $0xffff;
	_ =	sdelay $0x1  }
0x3b4: {  	v4 =	vbroadcast v1, $0x1  }
0x3b5: {  	v5 =	vunpack.i.l.bf16.f32 v3  }
0x3b6: {  	v7 =	vbroadcast v6, $0x4;
	v3 =	vunpack.i.u.bf16.f32 v3;
	v5 =	vmul.f32 v5, v4  }
0x3b7: {  	v3 =	vmul.f32 v3, v4;
	v4 =	vunpack.i.l.bf16.f32 v2  }
0x3b8: {  	[tilespmem:s12+$0xFFFFFF20] =	vst v5;
	v2 =	vunpack.i.u.bf16.f32 v2;
	v4 =	vmul.f32 v4, v7  }
0x3b9: {  	[tilespmem:s12+$0xFFFFFF30] =	vst v3;
	v2 =	vmul.f32 v2, v7  }
0x3ba: {  	v3 =	vld.idx.msk [tilespmem:v0+s24+$0x20 ss:$0x1], $0xffff;
	[tilespmem:s29+$0xFFFFFF80] =	vst v4  }
0x3bb: {  	[tilespmem:s29+$0xFFFFFF90] =	vst v2  }
0x3bc: {  	v4 =	vld.idx.msk [tilespmem:v0+s16+$0x50 ss:$0x1], $0xffff;
	_ =	sdelay $0x1  }
0x3bd: {  	v5 =	vbroadcast v1, $0x2  }
0x3be: {  	v2 =	vunpack.i.l.bf16.f32 v3  }
0x3bf: {  	s0 =	sadd.s32 $0x10, s19;
	v8 =	vbroadcast v6, $0x5;
	v3 =	vunpack.i.u.bf16.f32 v3;
	v7 =	vmul.f32 v2, v5  }
0x3c0: {  	s26 =	simm.s32 $0x200;
	v2 =	vld [tilespmem:s0+$0x0];
	v3 =	vmul.f32 v3, v5;
	v5 =	vunpack.i.l.bf16.f32 v4  }
0x3c1: {  	v9 =	vld.idx.msk [tilespmem:v0+s26+$0x0 ss:$0x1], $0xffff;
	[tilespmem:s12+$0xFFFFFF40] =	vst v7;
	v4 =	vunpack.i.u.bf16.f32 v4;
	v5 =	vmul.f32 v5, v8  }
0x3c2: {  	[tilespmem:s12+$0xFFFFFF50] =	vst v3;
	v3 =	vmul.f32 v4, v8  }
0x3c3: {  	v4 =	vld.idx.msk [tilespmem:v0+s24+$0x30 ss:$0x1], $0xffff;
	[tilespmem:s29+$0xFFFFFFA0] =	vst v5  }
0x3c4: {  	[tilespmem:s29+$0xFFFFFFB0] =	vst v3  }
0x3c5: {  	v3 =	vbroadcast v2, $0x0;
	v5 =	vld.idx.msk [tilespmem:v0+s16+$0x60 ss:$0x1], $0xffff  }
0x3c6: {  	v7 =	vunpack.i.l.bf16.f32 v9  }
0x3c7: {  	v8 =	vunpack.i.u.bf16.f32 v9;
	v9 =	vbroadcast v1, $0x3;
	v7 =	vmul.f32 v7, v3  }
0x3c8: {  	s2 =	sadd.s32 $0x200, s12;
	v3 =	vmul.f32 v8, v3;
	v8 =	vunpack.i.l.bf16.f32 v4  }
0x3c9: {  	v4 =	vunpack.i.u.bf16.f32 v4;
	[tilespmem:s2+$0xFFFFFF00] =	vst v7;
	v7 =	vmul.f32 v8, v9;
	v8 =	vbroadcast v6, $0x6  }
0x3ca: {  	[tilespmem:s2+$0xFFFFFF10] =	vst v3;
	v3 =	vmul.f32 v4, v9;
	v4 =	vunpack.i.l.bf16.f32 v5  }
0x3cb: {  	[tilespmem:s12+$0xFFFFFF60] =	vst v7;
	v5 =	vunpack.i.u.bf16.f32 v5;
	v7 =	vld.idx.msk [tilespmem:v0+s26+$0x10 ss:$0x1], $0xffff;
	v4 =	vmul.f32 v4, v8  }
0x3cc: {  	[tilespmem:s12+$0xFFFFFF70] =	vst v3;
	v3 =	vmul.f32 v5, v8  }
0x3cd: {  	[tilespmem:s29+$0xFFFFFFC0] =	vst v4;
	v4 =	vld.idx.msk [tilespmem:v0+s24+$0x40 ss:$0x1], $0xffff  }
0x3ce: {  	[tilespmem:s29+$0xFFFFFFD0] =	vst v3  }
0x3cf: {  	v5 =	vbroadcast v2, $0x1;
	v3 =	vld.idx.msk [tilespmem:v0+s16+$0x70 ss:$0x1], $0xffff  }
0x3d0: {  	v8 =	vunpack.i.l.bf16.f32 v7  }
0x3d1: {  	v9 =	vbroadcast v1, $0x4;
	v7 =	vunpack.i.u.bf16.f32 v7;
	v8 =	vmul.f32 v8, v5  }
0x3d2: {  	v5 =	vmul.f32 v7, v5;
	v7 =	vunpack.i.l.bf16.f32 v4  }
0x3d3: {  	[tilespmem:s2+$0xFFFFFF20] =	vst v8;
	v4 =	vunpack.i.u.bf16.f32 v4;
	v8 =	vbroadcast v6, $0x7;
	v7 =	vmul.f32 v7, v9  }
0x3d4: {  	[tilespmem:s2+$0xFFFFFF30] =	vst v5;
	v4 =	vmul.f32 v4, v9;
	v5 =	vunpack.i.l.bf16.f32 v3  }
0x3d5: {  	v9 =	vld.idx.msk [tilespmem:v0+s26+$0x20 ss:$0x1], $0xffff;
	v3 =	vunpack.i.u.bf16.f32 v3;
	v5 =	vmul.f32 v5, v8;
	[tilespmem:s12+$0xFFFFFF80] =	vst v7  }
0x3d6: {  	v3 =	vmul.f32 v3, v8;
	[tilespmem:s12+$0xFFFFFF90] =	vst v4  }
0x3d7: {  	v4 =	vld.idx.msk [tilespmem:v0+s24+$0x50 ss:$0x1], $0xffff;
	[tilespmem:s29+$0xFFFFFFE0] =	vst v5  }
0x3d8: {  	[tilespmem:s29+$0xFFFFFFF0] =	vst v3  }
0x3d9: {  	v7 =	vbroadcast v2, $0x2;
	v5 =	vld.idx.msk [tilespmem:v0+s16+$0x80 ss:$0x1], $0xffff  }
0x3da: {  	v3 =	vunpack.i.l.bf16.f32 v9  }
0x3db: {  	v10 =	vbroadcast v1, $0x5;
	s0 =	sadd.s32 $0x10, s0;
	v8 =	vunpack.i.u.bf16.f32 v9;
	v9 =	vmul.f32 v3, v7  }
0x3dc: {  	s31 =	simm.s32 $0x300;
	v3 =	vld [tilespmem:s0+$0x0];
	v7 =	vmul.f32 v8, v7;
	v8 =	vunpack.i.l.bf16.f32 v4  }
0x3dd: {  	v11 =	vld.idx.msk [tilespmem:v0+s31+$0x0 ss:$0x1], $0xffff;
	[tilespmem:s2+$0xFFFFFF40] =	vst v9;
	v4 =	vunpack.i.u.bf16.f32 v4;
	v9 =	vbroadcast v6, $0x8;
	v8 =	vmul.f32 v8, v10  }
0x3de: {  	[tilespmem:s2+$0xFFFFFF50] =	vst v7;
	v4 =	vmul.f32 v4, v10;
	v7 =	vunpack.i.l.bf16.f32 v5  }
0x3df: {  	v10 =	vld.idx.msk [tilespmem:v0+s26+$0x30 ss:$0x1], $0xffff;
	v5 =	vunpack.i.u.bf16.f32 v5;
	v7 =	vmul.f32 v7, v9;
	[tilespmem:s12+$0xFFFFFFA0] =	vst v8  }
0x3e0: {  	[tilespmem:s12+$0xFFFFFFB0] =	vst v4;
	v4 =	vmul.f32 v5, v9  }
0x3e1: {  	v5 =	vbroadcast v3, $0x0;
	v8 =	vld.idx.msk [tilespmem:v0+s24+$0x60 ss:$0x1], $0xffff;
	[tilespmem:s29+$0x0] =	vst v7  }
0x3e2: {  	v7 =	vunpack.i.l.bf16.f32 v11;
	[tilespmem:s29+$0x10] =	vst v4  }
0x3e3: {  	v9 =	vunpack.i.u.bf16.f32 v11;
	v11 =	vbroadcast v2, $0x3;
	v4 =	vmul.f32 v7, v5;
	v7 =	vld.idx.msk [tilespmem:v0+s16+$0x90 ss:$0x1], $0xffff  }
0x3e4: {  	s30 =	sadd.s32 $0x200, s2;
	v5 =	vmul.f32 v9, v5;
	v9 =	vunpack.i.l.bf16.f32 v10  }
0x3e5: {  	[tilespmem:s30+$0xFFFFFF00] =	vst v4;
	v4 =	vunpack.i.u.bf16.f32 v10;
	v9 =	vmul.f32 v9, v11;
	v10 =	vbroadcast v1, $0x6  }
0x3e6: {  	[tilespmem:s30+$0xFFFFFF10] =	vst v5;
	v4 =	vmul.f32 v4, v11;
	v5 =	vunpack.i.l.bf16.f32 v8  }
0x3e7: {  	v11 =	vld.idx.msk [tilespmem:v0+s31+$0x10 ss:$0x1], $0xffff;
	[tilespmem:s2+$0xFFFFFF60] =	vst v9;
	v8 =	vunpack.i.u.bf16.f32 v8;
	v9 =	vbroadcast v6, $0x9;
	v5 =	vmul.f32 v5, v10  }
0x3e8: {  	[tilespmem:s2+$0xFFFFFF70] =	vst v4;
	v4 =	vmul.f32 v8, v10;
	v8 =	vunpack.i.l.bf16.f32 v7  }
0x3e9: {  	[tilespmem:s12+$0xFFFFFFC0] =	vst v5;
	v5 =	vunpack.i.u.bf16.f32 v7;
	v7 =	vmul.f32 v8, v9;
	v8 =	vld.idx.msk [tilespmem:v0+s26+$0x40 ss:$0x1], $0xffff  }
0x3ea: {  	[tilespmem:s12+$0xFFFFFFD0] =	vst v4;
	v4 =	vmul.f32 v5, v9  }
0x3eb: {  	v5 =	vld.idx.msk [tilespmem:v0+s24+$0x70 ss:$0x1], $0xffff;
	[tilespmem:s29+$0x20] =	vst v7;
	v7 =	vbroadcast v3, $0x1  }
0x3ec: {  	[tilespmem:s29+$0x30] =	vst v4;
	v4 =	vunpack.i.l.bf16.f32 v11  }
0x3ed: {  	v10 =	vunpack.i.u.bf16.f32 v11;
	v11 =	vbroadcast v2, $0x4;
	v9 =	vld.idx.msk [tilespmem:v0+s16+$0xA0 ss:$0x1], $0xffff;
	v4 =	vmul.f32 v4, v7  }
0x3ee: {  	v7 =	vmul.f32 v10, v7;
	v10 =	vunpack.i.l.bf16.f32 v8  }
0x3ef: {  	[tilespmem:s30+$0xFFFFFF20] =	vst v4;
	v4 =	vunpack.i.u.bf16.f32 v8;
	v8 =	vmul.f32 v10, v11;
	v10 =	vbroadcast v1, $0x7  }
0x3f0: {  	[tilespmem:s30+$0xFFFFFF30] =	vst v7;
	v7 =	vunpack.i.l.bf16.f32 v5;
	v4 =	vmul.f32 v4, v11  }
0x3f1: {  	v5 =	vunpack.i.u.bf16.f32 v5;
	v11 =	vld.idx.msk [tilespmem:v0+s31+$0x20 ss:$0x1], $0xffff;
	[tilespmem:s2+$0xFFFFFF80] =	vst v8;
	v7 =	vmul.f32 v7, v10;
	v8 =	vbroadcast v6, $0xA  }
0x3f2: {  	[tilespmem:s2+$0xFFFFFF90] =	vst v4;
	v4 =	vmul.f32 v5, v10;
	v5 =	vunpack.i.l.bf16.f32 v9  }
0x3f3: {  	v10 =	vld.idx.msk [tilespmem:v0+s26+$0x50 ss:$0x1], $0xffff;
	[tilespmem:s12+$0xFFFFFFE0] =	vst v7;
	v7 =	vunpack.i.u.bf16.f32 v9;
	v5 =	vmul.f32 v5, v8  }
0x3f4: {  	[tilespmem:s12+$0xFFFFFFF0] =	vst v4;
	v4 =	vmul.f32 v7, v8  }
0x3f5: {  	v7 =	vld.idx.msk [tilespmem:v0+s24+$0x80 ss:$0x1], $0xffff;
	[tilespmem:s29+$0x40] =	vst v5;
	v5 =	vbroadcast v3, $0x2  }
0x3f6: {  	[tilespmem:s29+$0x50] =	vst v4;
	v4 =	vunpack.i.l.bf16.f32 v11  }
0x3f7: {  	s20 =	sadd.s32 $0x10, s0;
	v12 =	vbroadcast v2, $0x5;
	v9 =	vunpack.i.u.bf16.f32 v11;
	v8 =	vld.idx.msk [tilespmem:v0+s16+$0xB0 ss:$0x1], $0xffff;
	v11 =	vmul.f32 v4, v5  }
0x3f8: {  	s4 =	simm.s32 $0x400;
	v4 =	vld [tilespmem:s20+$0x0];
	v5 =	vmul.f32 v9, v5;
	v9 =	vunpack.i.l.bf16.f32 v10  }
0x3f9: {  	v13 =	vld.idx.msk [tilespmem:v0+s4+$0x0 ss:$0x1], $0xffff;
	v10 =	vunpack.i.u.bf16.f32 v10;
	[tilespmem:s30+$0xFFFFFF40] =	vst v11;
	v9 =	vmul.f32 v9, v12;
	v11 =	vbroadcast v1, $0x8  }
0x3fa: {  	[tilespmem:s30+$0xFFFFFF50] =	vst v5;
	v5 =	vmul.f32 v10, v12;
	v10 =	vunpack.i.l.bf16.f32 v7  }
0x3fb: {  	v12 =	vld.idx.msk [tilespmem:v0+s31+$0x30 ss:$0x1], $0xffff;
	v7 =	vunpack.i.u.bf16.f32 v7;
	[tilespmem:s2+$0xFFFFFFA0] =	vst v9;
	v9 =	vmul.f32 v10, v11;
	v10 =	vbroadcast v6, $0xB  }
0x3fc: {  	[tilespmem:s2+$0xFFFFFFB0] =	vst v5;
	v5 =	vmul.f32 v7, v11;
	v7 =	vunpack.i.l.bf16.f32 v8  }
0x3fd: {  	v11 =	vbroadcast v4, $0x0;
	v14 =	vld.idx.msk [tilespmem:v0+s26+$0x60 ss:$0x1], $0xffff;
	v8 =	vunpack.i.u.bf16.f32 v8;
	[tilespmem:s12+$0x0] =	vst v9;
	v7 =	vmul.f32 v7, v10  }
0x3fe: {  	v9 =	vunpack.i.l.bf16.f32 v13;
	[tilespmem:s12+$0x10] =	vst v5;
	v5 =	vmul.f32 v8, v10  }
0x3ff: {  	v10 =	vbroadcast v3, $0x3;
	v8 =	vmul.f32 v9, v11;
	v9 =	vld.idx.msk [tilespmem:v0+s24+$0x90 ss:$0x1], $0xffff;
	[tilespmem:s29+$0x60] =	vst v7;
	v7 =	vunpack.i.u.bf16.f32 v13  }
0x400: {  	s0 =	sadd.s32 $0x200, s30;
	[tilespmem:s29+$0x70] =	vst v5;
	v5 =	vmul.f32 v7, v11;
	v7 =	vunpack.i.l.bf16.f32 v12  }
0x401: {  	[tilespmem:s0+$0xFFFFFF00] =	vst v8;
	v8 =	vld.idx.msk [tilespmem:v0+s16+$0xC0 ss:$0x1], $0xffff;
	v11 =	vunpack.i.u.bf16.f32 v12;
	v12 =	vbroadcast v2, $0x6;
	v7 =	vmul.f32 v7, v10  }
0x402: {  	[tilespmem:s0+$0xFFFFFF10] =	vst v5;
	v5 =	vmul.f32 v11, v10;
	v10 =	vunpack.i.l.bf16.f32 v14  }
0x403: {  	v11 =	vbroadcast v1, $0x9;
	[tilespmem:s30+$0xFFFFFF60] =	vst v7;
	v7 =	vunpack.i.u.bf16.f32 v14;
	v10 =	vmul.f32 v10, v12;
	v13 =	vld.idx.msk [tilespmem:v0+s4+$0x10 ss:$0x1], $0xffff  }
0x404: {  	[tilespmem:s30+$0xFFFFFF70] =	vst v5;
	v5 =	vmul.f32 v7, v12;
	v7 =	vunpack.i.l.bf16.f32 v9  }
0x405: {  	v9 =	vunpack.i.u.bf16.f32 v9;
	[tilespmem:s2+$0xFFFFFFC0] =	vst v10;
	v7 =	vmul.f32 v7, v11;
	v10 =	vbroadcast v6, $0xC;
	v12 =	vld.idx.msk [tilespmem:v0+s31+$0x40 ss:$0x1], $0xffff  }
0x406: {  	[tilespmem:s2+$0xFFFFFFD0] =	vst v5;
	v5 =	vmul.f32 v9, v11;
	v9 =	vunpack.i.l.bf16.f32 v8  }
0x407: {  	v11 =	vbroadcast v4, $0x1;
	[tilespmem:s12+$0x20] =	vst v7;
	v7 =	vunpack.i.u.bf16.f32 v8;
	v8 =	vmul.f32 v9, v10;
	v9 =	vld.idx.msk [tilespmem:v0+s26+$0x70 ss:$0x1], $0xffff  }
0x408: {  	[tilespmem:s12+$0x30] =	vst v5;
	v5 =	vmul.f32 v7, v10;
	v7 =	vunpack.i.l.bf16.f32 v13  }
0x409: {  	v10 =	vunpack.i.u.bf16.f32 v13;
	v13 =	vbroadcast v3, $0x4;
	[tilespmem:s29+$0x80] =	vst v8;
	v8 =	vld.idx.msk [tilespmem:v0+s24+$0xA0 ss:$0x1], $0xffff;
	v7 =	vmul.f32 v7, v11  }
0x40a: {  	v10 =	vmul.f32 v10, v11;
	[tilespmem:s29+$0x90] =	vst v5;
	v5 =	vunpack.i.l.bf16.f32 v12  }
0x40b: {  	s19 =	sadd.s32 $0x10, s20;
	v14 =	vbroadcast v2, $0x7;
	v11 =	vld.idx.msk [tilespmem:v0+s16+$0xD0 ss:$0x1], $0xffff;
	[tilespmem:s0+$0xFFFFFF20] =	vst v7;
	v7 =	vunpack.i.u.bf16.f32 v12;
	v12 =	vmul.f32 v5, v13  }
0x40c: {  	s11 =	simm.s32 $0x500;
	v5 =	vld [tilespmem:s19+$0x0];
	[tilespmem:s0+$0xFFFFFF30] =	vst v10;
	v7 =	vmul.f32 v7, v13;
	v10 =	vunpack.i.l.bf16.f32 v9  }
0x40d: {  	v13 =	vld.idx.msk [tilespmem:v0+s11+$0x0 ss:$0x1], $0xffff;
	v9 =	vunpack.i.u.bf16.f32 v9;
	[tilespmem:s30+$0xFFFFFF80] =	vst v12;
	v10 =	vmul.f32 v10, v14;
	v12 =	vbroadcast v1, $0xA  }
0x40e: {  	v15 =	vld.idx.msk [tilespmem:v0+s4+$0x20 ss:$0x1], $0xffff;
	[tilespmem:s30+$0xFFFFFF90] =	vst v7;
	v7 =	vmul.f32 v9, v14;
	v9 =	vunpack.i.l.bf16.f32 v8  }
0x40f: {  	v8 =	vunpack.i.u.bf16.f32 v8;
	[tilespmem:s2+$0xFFFFFFE0] =	vst v10;
	v9 =	vmul.f32 v9, v12;
	v10 =	vbroadcast v6, $0xD  }
0x410: {  	v14 =	vld.idx.msk [tilespmem:v0+s31+$0x50 ss:$0x1], $0xffff;
	[tilespmem:s2+$0xFFFFFFF0] =	vst v7;
	v7 =	vmul.f32 v8, v12;
	v8 =	vunpack.i.l.bf16.f32 v11  }
0x411: {  	v12 =	vbroadcast v5, $0x0;
	[tilespmem:s12+$0x40] =	vst v9;
	v9 =	vunpack.i.u.bf16.f32 v11;
	v8 =	vmul.f32 v8, v10  }
0x412: {  	v17 =	vbroadcast v4, $0x2;
	v11 =	vld.idx.msk [tilespmem:v0+s26+$0x80 ss:$0x1], $0xffff;
	v16 =	vunpack.i.l.bf16.f32 v13;
	[tilespmem:s12+$0x50] =	vst v7;
	v7 =	vmul.f32 v9, v10  }
0x413: {  	v9 =	vmul.f32 v16, v12;
	v10 =	vunpack.i.l.bf16.f32 v15;
	[tilespmem:s29+$0xA0] =	vst v8  }
0x414: {  	s14 =	sadd.s32 $0x200, s0;
	v62 =	vbroadcast v3, $0x5;
	v15 =	vunpack.i.u.bf16.f32 v15;
	v8 =	vld.idx.msk [tilespmem:v0+s24+$0xB0 ss:$0x1], $0xffff;
	v10 =	vmul.f32 v10, v17;
	[tilespmem:s29+$0xB0] =	vst v7  }
0x415: {  	[tilespmem:s14+$0xFFFFFF00] =	vst v9;
	v7 =	vmul.f32 v15, v17;
	v9 =	vunpack.i.l.bf16.f32 v14  }
0x416: {  	v15 =	vld.idx.msk [tilespmem:v0+s16+$0xE0 ss:$0x1], $0xffff;
	[tilespmem:s0+$0xFFFFFF40] =	vst v10;
	v10 =	vunpack.i.u.bf16.f32 v14;
	v9 =	vmul.f32 v9, v62;
	v14 =	vbroadcast v2, $0x8  }
0x417: {  	[tilespmem:s0+$0xFFFFFF50] =	vst v7;
	v7 =	vmul.f32 v10, v62;
	v10 =	vunpack.i.l.bf16.f32 v11  }
0x418: {  	[tilespmem:s30+$0xFFFFFFA0] =	vst v9;
	v9 =	vunpack.i.u.bf16.f32 v11;
	v10 =	vmul.f32 v10, v14;
	v11 =	vbroadcast v1, $0xB  }
0x419: {  	v63 =	vld.idx.msk [tilespmem:v0+s4+$0x30 ss:$0x1], $0xffff;
	[tilespmem:s30+$0xFFFFFFB0] =	vst v7;
	v7 =	vmul.f32 v9, v14;
	v9 =	vunpack.i.l.bf16.f32 v8  }
0x41a: {  	v8 =	vunpack.i.u.bf16.f32 v8;
	[tilespmem:s2+$0x0] =	vst v10;
	v9 =	vmul.f32 v9, v11;
	v10 =	vbroadcast v6, $0xE  }
0x41b: {  	v14 =	vld.idx.msk [tilespmem:v0+s31+$0x60 ss:$0x1], $0xffff;
	[tilespmem:s2+$0x10] =	vst v7;
	v7 =	vmul.f32 v8, v11;
	v8 =	vunpack.i.l.bf16.f32 v15  }
0x41c: {  	[tilespmem:s12+$0x60] =	vst v9;
	v9 =	vunpack.i.u.bf16.f32 v15;
	v8 =	vmul.f32 v8, v10  }
0x41d: {  	v13 =	vunpack.i.u.bf16.f32 v13;
	v11 =	vld.idx.msk [tilespmem:v0+s26+$0x90 ss:$0x1], $0xffff;
	v15 =	vbroadcast v4, $0x3;
	[tilespmem:s12+$0x70] =	vst v7;
	v7 =	vmul.f32 v9, v10  }
0x41e: {  	v9 =	vmul.f32 v13, v12;
	v10 =	vunpack.i.l.bf16.f32 v63;
	[tilespmem:s29+$0xC0] =	vst v8  }
0x41f: {  	v12 =	vunpack.i.u.bf16.f32 v63;
	v13 =	vbroadcast v3, $0x6;
	v8 =	vld.idx.msk [tilespmem:v0+s24+$0xC0 ss:$0x1], $0xffff;
	v10 =	vmul.f32 v10, v15;
	[tilespmem:s29+$0xD0] =	vst v7  }
0x420: {  	[tilespmem:s14+$0xFFFFFF10] =	vst v9;
	v7 =	vmul.f32 v12, v15;
	v9 =	vunpack.i.l.bf16.f32 v14  }
0x421: {  	v12 =	vld.idx.msk [tilespmem:v0+s16+$0xF0 ss:$0x1], $0xffff;
	[tilespmem:s0+$0xFFFFFF60] =	vst v10;
	v10 =	vunpack.i.u.bf16.f32 v14;
	v9 =	vmul.f32 v9, v13;
	v14 =	vbroadcast v2, $0x9  }
0x422: {  	[tilespmem:s0+$0xFFFFFF70] =	vst v7;
	v7 =	vmul.f32 v10, v13;
	v10 =	vunpack.i.l.bf16.f32 v11  }
0x423: {  	v13 =	vld.idx.msk [tilespmem:v0+s11+$0x10 ss:$0x1], $0xffff;
	[tilespmem:s30+$0xFFFFFFC0] =	vst v9;
	v9 =	vunpack.i.u.bf16.f32 v11;
	v10 =	vmul.f32 v10, v14;
	v11 =	vbroadcast v1, $0xC  }
0x424: {  	[tilespmem:s30+$0xFFFFFFD0] =	vst v7;
	v7 =	vmul.f32 v9, v14;
	v9 =	vunpack.i.l.bf16.f32 v8  }
0x425: {  	v6 =	vbroadcast v6, $0xF;
	v8 =	vunpack.i.u.bf16.f32 v8;
	[tilespmem:s2+$0x20] =	vst v10;
	v10 =	vmul.f32 v9, v11;
	v9 =	vld.idx.msk [tilespmem:v0+s4+$0x40 ss:$0x1], $0xffff  }
0x426: {  	[tilespmem:s2+$0x30] =	vst v7;
	v7 =	vmul.f32 v8, v11;
	v8 =	vunpack.i.u.bf16.f32 v12  }
0x427: {  	s21 =	sshll.u32 s9, $0xE;
	v12 =	vunpack.i.l.bf16.f32 v12;
	v11 =	vbroadcast v5, $0x1;
	[tilespmem:s12+$0x80] =	vst v10;
	v14 =	vmul.f32 v8, v6;
	v8 =	vld.idx.msk [tilespmem:v0+s31+$0x70 ss:$0x1], $0xffff  }
0x428: {  	s16 =	sand.u32 $0x4000, s21;
	v10 =	vunpack.i.l.bf16.f32 v13;
	v6 =	vmul.f32 v12, v6;
	[tilespmem:s12+$0x90] =	vst v7  }
0x429: {  	s18 =	sshll.u32 s9, $0xB;
	s20 =	simm.s32 $0x1800;
	s17 =	sor.u32 $0xAE00, s16;
	v13 =	vunpack.i.u.bf16.f32 v13;
	v7 =	vld.idx.msk [tilespmem:v0+s26+$0xA0 ss:$0x1], $0xffff;
	v12 =	vmul.f32 v10, v11;
	v10 =	vbroadcast v4, $0x4;
	[tilespmem:s29+$0xF0] =	vst v14  }
.LBB2_15:
0x42a: {  	p1 =	sne.s32 s20, $0x7C00;
	v11 =	vmul.f32 v13, v11;
	s19 =	sadd.s32 $0x10, s19;
	v13 =	vunpack.i.l.bf16.f32 v9;
	v14 =	vld.idx.msk [tilespmem:v0+s24+$0xD0 ss:$0x1], $0xffff;
	[tilespmem:s29+$0xE0] =	vst v6;
	s29 =	smov.u32 s12  }
0x42b: {  	s21 =	sshra.s32 s20, $0x2;
	v9 =	vunpack.i.u.bf16.f32 v9;
	s12 =	smov.u32 s2;
	s2 =	smov.u32 s30;
	v6 =	vld [tilespmem:s19+$0x0];
	[tilespmem:s14+$0xFFFFFF20] =	vst v12;
	v12 =	vmul.f32 v13, v10;
	v13 =	vbroadcast v3, $0x7  }
0x42c: {  	s30 =	smov.u32 s0;
	s0 =	smov.u32 s14;
	v9 =	vmul.f32 v9, v10;
	v10 =	vunpack.i.l.bf16.f32 v8;
	v15 =	vld.idx.msk [tilespmem:v0+s21+$0x0 ss:$0x1], $0xffff;
	[tilespmem:s14+$0xFFFFFF30] =	vst v11  }
0x42d: {  	v8 =	vunpack.i.u.bf16.f32 v8;
	v11 =	vld.idx.msk [tilespmem:v0+s11+$0x20 ss:$0x1], $0xffff;
	[tilespmem:s30+$0xFFFFFF80] =	vst v12;
	v10 =	vmul.f32 v10, v13;
	v12 =	vbroadcast v2, $0xA  }
0x42e: {  	v8 =	vmul.f32 v8, v13;
	[tilespmem:s30+$0xFFFFFF90] =	vst v9;
	v9 =	vunpack.i.l.bf16.f32 v7  }
0x42f: {  	v7 =	vunpack.i.u.bf16.f32 v7;
	v13 =	vld.idx.msk [tilespmem:v0+s4+$0x50 ss:$0x1], $0xffff;
	[tilespmem:s2+$0xFFFFFFE0] =	vst v10;
	v9 =	vmul.f32 v9, v12;
	v10 =	vbroadcast v1, $0xD  }
0x430: {  	v7 =	vmul.f32 v7, v12;
	[tilespmem:s2+$0xFFFFFFF0] =	vst v8;
	v8 =	vunpack.i.l.bf16.f32 v14  }
0x431: {  	v12 =	vbroadcast v6, $0x0;
	v16 =	vld.idx.msk [tilespmem:v0+s31+$0x80 ss:$0x1], $0xffff;
	[tilespmem:s12+$0x40] =	vst v9;
	v9 =	vunpack.i.u.bf16.f32 v14;
	v8 =	vmul.f32 v8, v10  }
0x432: {  	v17 =	vbroadcast v5, $0x2;
	v14 =	vunpack.i.l.bf16.f32 v15;
	[tilespmem:s12+$0x50] =	vst v7;
	v7 =	vmul.f32 v9, v10  }
0x433: {  	v9 =	vmul.f32 v14, v12;
	v10 =	vunpack.i.l.bf16.f32 v11;
	v14 =	vld.idx.msk [tilespmem:v0+s26+$0xB0 ss:$0x1], $0xffff;
	[tilespmem:s29+$0xA0] =	vst v8  }
0x434: {  	s14 =	sadd.s32 $0x200, s14;
	v8 =	vunpack.i.u.bf16.f32 v11;
	v10 =	vmul.f32 v10, v17;
	v11 =	vbroadcast v4, $0x5;
	[tilespmem:s29+$0xB0] =	vst v7  }
0x435: {  	v7 =	vmul.f32 v8, v17;
	v8 =	vunpack.i.l.bf16.f32 v13;
	[tilespmem:s14+$0xFFFFFF00] =	vst v9;
	v9 =	vld.idx.msk [tilespmem:v0+s24+$0xE0 ss:$0x1], $0xffff  }
0x436: {  	v8 =	vmul.f32 v8, v11;
	[tilespmem:s0+$0xFFFFFF40] =	vst v10;
	v10 =	vunpack.i.u.bf16.f32 v13;
	v13 =	vbroadcast v3, $0x8  }
0x437: {  	[tilespmem:s0+$0xFFFFFF50] =	vst v7;
	v7 =	vmul.f32 v10, v11;
	v10 =	vunpack.i.l.bf16.f32 v16  }
0x438: {  	v11 =	vld.idx.msk [tilespmem:v0+s11+$0x30 ss:$0x1], $0xffff;
	[tilespmem:s30+$0xFFFFFFA0] =	vst v8;
	v8 =	vunpack.i.u.bf16.f32 v16;
	v10 =	vmul.f32 v10, v13;
	v16 =	vbroadcast v2, $0xB  }
0x439: {  	[tilespmem:s30+$0xFFFFFFB0] =	vst v7;
	v7 =	vmul.f32 v8, v13;
	v8 =	vunpack.i.l.bf16.f32 v14  }
0x43a: {  	v13 =	vld.idx.msk [tilespmem:v0+s4+$0x60 ss:$0x1], $0xffff;
	[tilespmem:s2+$0x0] =	vst v10;
	v10 =	vunpack.i.u.bf16.f32 v14;
	v8 =	vmul.f32 v8, v16;
	v14 =	vbroadcast v1, $0xE  }
0x43b: {  	[tilespmem:s2+$0x10] =	vst v7;
	v7 =	vmul.f32 v10, v16;
	v10 =	vunpack.i.l.bf16.f32 v9  }
0x43c: {  	v16 =	vld.idx.msk [tilespmem:v0+s31+$0x90 ss:$0x1], $0xffff;
	[tilespmem:s12+$0x60] =	vst v8;
	v8 =	vunpack.i.u.bf16.f32 v9;
	v9 =	vmul.f32 v10, v14  }
0x43d: {  	v10 =	vunpack.i.u.bf16.f32 v15;
	v15 =	vbroadcast v5, $0x3;
	[tilespmem:s12+$0x70] =	vst v7;
	v7 =	vmul.f32 v8, v14  }
0x43e: {  	v8 =	vmul.f32 v10, v12;
	v10 =	vunpack.i.l.bf16.f32 v11;
	v12 =	vld.idx.msk [tilespmem:v0+s26+$0xC0 ss:$0x1], $0xffff;
	[tilespmem:s29+$0xC0] =	vst v9  }
0x43f: {  	v9 =	vunpack.i.u.bf16.f32 v11;
	v10 =	vmul.f32 v10, v15;
	v11 =	vbroadcast v4, $0x6;
	[tilespmem:s29+$0xD0] =	vst v7  }
0x440: {  	v7 =	vmul.f32 v9, v15;
	[tilespmem:s14+$0xFFFFFF10] =	vst v8;
	v8 =	vunpack.i.l.bf16.f32 v13;
	v14 =	vld.idx.msk [tilespmem:v0+s24+$0xF0 ss:$0x1], $0xffff;
	s24 =	smov.u32 s26;
	s26 =	smov.u32 s31;
	s31 =	smov.u32 s4  }
0x441: {  	v9 =	vunpack.i.u.bf16.f32 v13;
	s4 =	smov.u32 s11;
	s11 =	smov.u32 s21;
	[tilespmem:s0+$0xFFFFFF60] =	vst v10;
	v8 =	vmul.f32 v8, v11;
	v10 =	vbroadcast v3, $0x9  }
0x442: {  	v13 =	vld.idx.msk [tilespmem:v0+s11+$0x10 ss:$0x1], $0xffff;
	[tilespmem:s0+$0xFFFFFF70] =	vst v7;
	v7 =	vmul.f32 v9, v11;
	v9 =	vunpack.i.l.bf16.f32 v16  }
0x443: {  	v15 =	vbroadcast v2, $0xC;
	[tilespmem:s30+$0xFFFFFFC0] =	vst v8;
	v8 =	vunpack.i.u.bf16.f32 v16;
	v11 =	vmul.f32 v9, v10  }
0x444: {  	v9 =	vld.idx.msk [tilespmem:v0+s4+$0x40 ss:$0x1], $0xffff;
	[tilespmem:s30+$0xFFFFFFD0] =	vst v7;
	v7 =	vmul.f32 v8, v10;
	v8 =	vunpack.i.l.bf16.f32 v12  }
.Ltmp6:
0x445: {  	v16 =	vbroadcast v1, $0xF;
	v1 =	vmovc v2;
	v2 =	vmovc v3;
	v10 =	vunpack.i.u.bf16.f32 v12;
	[tilespmem:s2+$0x20] =	vst v11;
	v12 =	vmul.f32 v8, v15;
	(pc) =	sbr.rel @p1 .LBB2_15-.Ltmp6, $4  }
0x446: {  	v3 =	vmovc v4;
	v10 =	vmul.f32 v10, v15;
	v8 =	vld.idx.msk [tilespmem:v0+s31+$0x70 ss:$0x1], $0xffff;
	[tilespmem:s2+$0x30] =	vst v7;
	v7 =	vunpack.i.u.bf16.f32 v14;
	v14 =	vunpack.i.l.bf16.f32 v14  }
0x447: {  	v4 =	vmovc v5;
	v5 =	vmov v6;
	v11 =	vbroadcast v6, $0x1;
	[tilespmem:s12+$0x80] =	vst v12;
	v15 =	vmul.f32 v7, v16  }
0x448: {  	v12 =	vunpack.i.l.bf16.f32 v13;
	v6 =	vmul.f32 v14, v16;
	v7 =	vld.idx.msk [tilespmem:v0+s26+$0xA0 ss:$0x1], $0xffff;
	[tilespmem:s12+$0x90] =	vst v10  }
0x449: {  	s20 =	sadd.s32 $0x400, s20;
	v13 =	vunpack.i.u.bf16.f32 v13;
	v12 =	vmul.f32 v12, v11;
	v10 =	vbroadcast v4, $0x4;
	[tilespmem:s29+$0xF0] =	vst v15  }
0x44a: {  	_ = 	snop  }
0x44b: {  	v11 =	vmul.f32 v13, v11  }
0x44c: {  	[tilespmem:s14+$0xFFFFFF20] =	vst v12  }
0x44d: {  	[tilespmem:s14+$0xFFFFFF30] =	vst v11  }
0x44e: {  	v11 =	vld.idx.msk [tilespmem:v0+s11+$0x20 ss:$0x1], $0xffff;
	_ =	sdelay $0x3  }
0x44f: {  	v31 =	vbroadcast v5, $0x2  }
0x450: {  	v32 =	vunpack.i.l.bf16.f32 v11  }
0x451: {  	v11 =	vunpack.i.u.bf16.f32 v11;
	v13 =	vmul.f32 v32, v31  }
0x452: {  	v11 =	vmul.f32 v11, v31  }
0x453: {  	[tilespmem:s14+$0xFFFFFF40] =	vst v13  }
0x454: {  	[tilespmem:s14+$0xFFFFFF50] =	vst v11  }
0x455: {  	v11 =	vld.idx.msk [tilespmem:v0+s11+$0x30 ss:$0x1], $0xffff;
	_ =	sdelay $0x3  }
0x456: {  	v33 =	vbroadcast v5, $0x3  }
0x457: {  	v34 =	vunpack.i.l.bf16.f32 v11  }
0x458: {  	v11 =	vunpack.i.u.bf16.f32 v11;
	v13 =	vmul.f32 v34, v33  }
0x459: {  	v11 =	vmul.f32 v11, v33  }
0x45a: {  	[tilespmem:s14+$0xFFFFFF60] =	vst v13  }
0x45b: {  	[tilespmem:s14+$0xFFFFFF70] =	vst v11  }
0x45c: {  	v11 =	vld.idx.msk [tilespmem:v0+s11+$0x40 ss:$0x1], $0xffff;
	_ =	sdelay $0x2  }
0x45d: {  	v35 =	vunpack.i.l.bf16.f32 v9  }
0x45e: {  	v36 =	vunpack.i.u.bf16.f32 v9;
	v37 =	vbroadcast v5, $0x4;
	v12 =	vmul.f32 v35, v10  }
0x45f: {  	v9 =	vmul.f32 v36, v10;
	v38 =	vunpack.i.l.bf16.f32 v11  }
0x460: {  	[tilespmem:s0+$0xFFFFFF80] =	vst v12;
	v11 =	vunpack.i.u.bf16.f32 v11;
	v10 =	vmul.f32 v38, v37  }
0x461: {  	[tilespmem:s0+$0xFFFFFF90] =	vst v9;
	v39 =	vmul.f32 v11, v37  }
0x462: {  	v40 =	vld.idx.msk [tilespmem:v0+s4+$0x50 ss:$0x1], $0xffff;
	[tilespmem:s14+$0xFFFFFF80] =	vst v10  }
0x463: {  	[tilespmem:s14+$0xFFFFFF90] =	vst v39  }
0x464: {  	v9 =	vld.idx.msk [tilespmem:v0+s11+$0x50 ss:$0x1], $0xffff;
	_ =	sdelay $0x1  }
0x465: {  	v41 =	vbroadcast v4, $0x5  }
0x466: {  	v42 =	vunpack.i.l.bf16.f32 v40  }
0x467: {  	v43 =	vbroadcast v5, $0x5;
	v12 =	vmul.f32 v42, v41;
	v11 =	vunpack.i.u.bf16.f32 v40  }
0x468: {  	v10 =	vmul.f32 v11, v41;
	v44 =	vunpack.i.l.bf16.f32 v9  }
0x469: {  	[tilespmem:s0+$0xFFFFFFA0] =	vst v12;
	v9 =	vunpack.i.u.bf16.f32 v9;
	v11 =	vmul.f32 v44, v43  }
0x46a: {  	[tilespmem:s0+$0xFFFFFFB0] =	vst v10;
	v9 =	vmul.f32 v9, v43  }
0x46b: {  	v10 =	vld.idx.msk [tilespmem:v0+s4+$0x60 ss:$0x1], $0xffff;
	[tilespmem:s14+$0xFFFFFFA0] =	vst v11  }
0x46c: {  	[tilespmem:s14+$0xFFFFFFB0] =	vst v9  }
0x46d: {  	v9 =	vld.idx.msk [tilespmem:v0+s11+$0x60 ss:$0x1], $0xffff;
	_ =	sdelay $0x1  }
0x46e: {  	v45 =	vbroadcast v4, $0x6  }
0x46f: {  	v46 =	vunpack.i.l.bf16.f32 v10  }
0x470: {  	v47 =	vbroadcast v5, $0x6;
	v10 =	vunpack.i.u.bf16.f32 v10;
	v12 =	vmul.f32 v46, v45  }
0x471: {  	v10 =	vmul.f32 v10, v45;
	v48 =	vunpack.i.l.bf16.f32 v9  }
0x472: {  	[tilespmem:s0+$0xFFFFFFC0] =	vst v12;
	v9 =	vunpack.i.u.bf16.f32 v9;
	v11 =	vmul.f32 v48, v47  }
0x473: {  	[tilespmem:s0+$0xFFFFFFD0] =	vst v10;
	v9 =	vmul.f32 v9, v47  }
0x474: {  	v10 =	vld.idx.msk [tilespmem:v0+s4+$0x70 ss:$0x1], $0xffff;
	[tilespmem:s14+$0xFFFFFFC0] =	vst v11  }
0x475: {  	[tilespmem:s14+$0xFFFFFFD0] =	vst v9  }
0x476: {  	v49 =	vbroadcast v3, $0x7;
	v11 =	vld.idx.msk [tilespmem:v0+s11+$0x70 ss:$0x1], $0xffff  }
0x477: {  	v51 =	vunpack.i.u.bf16.f32 v8  }
0x478: {  	v52 =	vbroadcast v4, $0x7;
	v50 =	vunpack.i.l.bf16.f32 v8;
	v8 =	vmul.f32 v51, v49  }
0x479: {  	v12 =	vmul.f32 v50, v49;
	v53 =	vunpack.i.l.bf16.f32 v10  }
0x47a: {  	v54 =	vbroadcast v5, $0x7;
	[tilespmem:s30+$0xFFFFFFF0] =	vst v8;
	v10 =	vunpack.i.u.bf16.f32 v10;
	v9 =	vmul.f32 v53, v52  }
0x47b: {  	[tilespmem:s30+$0xFFFFFFE0] =	vst v12;
	v55 =	vmul.f32 v10, v52;
	v56 =	vunpack.i.l.bf16.f32 v11  }
0x47c: {  	v57 =	vld.idx.msk [tilespmem:v0+s31+$0x80 ss:$0x1], $0xffff;
	[tilespmem:s0+$0xFFFFFFE0] =	vst v9;
	v58 =	vunpack.i.u.bf16.f32 v11;
	v10 =	vmul.f32 v56, v54  }
0x47d: {  	[tilespmem:s0+$0xFFFFFFF0] =	vst v55;
	v59 =	vmul.f32 v58, v54  }
0x47e: {  	v60 =	vld.idx.msk [tilespmem:v0+s4+$0x80 ss:$0x1], $0xffff;
	[tilespmem:s14+$0xFFFFFFE0] =	vst v10  }
0x47f: {  	[tilespmem:s14+$0xFFFFFFF0] =	vst v59  }
0x480: {  	v61 =	vbroadcast v3, $0x8;
	v10 =	vld.idx.msk [tilespmem:v0+s11+$0x80 ss:$0x1], $0xffff  }
0x481: {  	v63 =	vunpack.i.u.bf16.f32 v57  }
0x482: {  	v16 =	vbroadcast v4, $0x8;
	v62 =	vunpack.i.l.bf16.f32 v57;
	v8 =	vmul.f32 v63, v61  }
0x483: {  	v11 =	vmul.f32 v62, v61;
	v17 =	vunpack.i.l.bf16.f32 v60  }
0x484: {  	v19 =	vbroadcast v5, $0x8;
	[tilespmem:s30+$0x10] =	vst v8;
	v9 =	vunpack.i.u.bf16.f32 v60;
	v18 =	vmul.f32 v17, v16  }
0x485: {  	[tilespmem:s30+$0x0] =	vst v11;
	v20 =	vmul.f32 v9, v16;
	v21 =	vunpack.i.l.bf16.f32 v10  }
0x486: {  	v22 =	vld.idx.msk [tilespmem:v0+s31+$0x90 ss:$0x1], $0xffff;
	[tilespmem:s0+$0x0] =	vst v18;
	v10 =	vunpack.i.u.bf16.f32 v10;
	v9 =	vmul.f32 v21, v19  }
0x487: {  	[tilespmem:s0+$0x10] =	vst v20;
	v23 =	vmul.f32 v10, v19  }
0x488: {  	v24 =	vld.idx.msk [tilespmem:v0+s4+$0x90 ss:$0x1], $0xffff;
	[tilespmem:s14+$0x0] =	vst v9  }
0x489: {  	[tilespmem:s14+$0x10] =	vst v23  }
0x48a: {  	v25 =	vbroadcast v3, $0x9;
	v9 =	vld.idx.msk [tilespmem:v0+s11+$0x90 ss:$0x1], $0xffff  }
0x48b: {  	v26 =	vunpack.i.l.bf16.f32 v22  }
0x48c: {  	v28 =	vbroadcast v4, $0x9;
	v27 =	vunpack.i.u.bf16.f32 v22;
	v11 =	vmul.f32 v26, v25  }
0x48d: {  	v8 =	vmul.f32 v27, v25;
	v29 =	vunpack.i.l.bf16.f32 v24  }
0x48e: {  	v31 =	vbroadcast v5, $0x9;
	[tilespmem:s30+$0x20] =	vst v11;
	v10 =	vunpack.i.u.bf16.f32 v24;
	v30 =	vmul.f32 v29, v28  }
0x48f: {  	[tilespmem:s30+$0x30] =	vst v8;
	v32 =	vmul.f32 v10, v28;
	v33 =	vunpack.i.l.bf16.f32 v9  }
0x490: {  	v34 =	vld.idx.msk [tilespmem:v0+s31+$0xA0 ss:$0x1], $0xffff;
	[tilespmem:s0+$0x20] =	vst v30;
	v9 =	vunpack.i.u.bf16.f32 v9;
	v10 =	vmul.f32 v33, v31  }
0x491: {  	[tilespmem:s0+$0x30] =	vst v32;
	v35 =	vmul.f32 v9, v31  }
0x492: {  	v36 =	vbroadcast v2, $0xA;
	v11 =	vld.idx.msk [tilespmem:v0+s4+$0xA0 ss:$0x1], $0xffff;
	[tilespmem:s14+$0x20] =	vst v10  }
0x493: {  	v38 =	vunpack.i.u.bf16.f32 v7;
	[tilespmem:s14+$0x30] =	vst v35  }
0x494: {  	v37 =	vunpack.i.l.bf16.f32 v7;
	v40 =	vbroadcast v3, $0xA;
	v7 =	vmul.f32 v38, v36;
	v41 =	vld.idx.msk [tilespmem:v0+s11+$0xA0 ss:$0x1], $0xffff  }
0x495: {  	v39 =	vmul.f32 v37, v36;
	v43 =	vunpack.i.u.bf16.f32 v34  }
0x496: {  	[tilespmem:s2+$0x50] =	vst v7;
	v44 =	vbroadcast v4, $0xA;
	v42 =	vunpack.i.l.bf16.f32 v34;
	v45 =	vmul.f32 v43, v40  }
0x497: {  	[tilespmem:s2+$0x40] =	vst v39;
	v9 =	vmul.f32 v42, v40;
	v46 =	vunpack.i.l.bf16.f32 v11  }
0x498: {  	v49 =	vbroadcast v5, $0xA;
	v47 =	vld.idx.msk [tilespmem:v0+s26+$0xB0 ss:$0x1], $0xffff;
	v48 =	vunpack.i.u.bf16.f32 v11;
	[tilespmem:s30+$0x50] =	vst v45;
	v8 =	vmul.f32 v46, v44  }
0x499: {  	[tilespmem:s30+$0x40] =	vst v9;
	v50 =	vmul.f32 v48, v44;
	v51 =	vunpack.i.l.bf16.f32 v41  }
0x49a: {  	v52 =	vld.idx.msk [tilespmem:v0+s31+$0xB0 ss:$0x1], $0xffff;
	[tilespmem:s0+$0x40] =	vst v8;
	v53 =	vunpack.i.u.bf16.f32 v41;
	v9 =	vmul.f32 v51, v49  }
0x49b: {  	[tilespmem:s0+$0x50] =	vst v50;
	v54 =	vmul.f32 v53, v49  }
0x49c: {  	v55 =	vbroadcast v2, $0xB;
	v56 =	vld.idx.msk [tilespmem:v0+s4+$0xB0 ss:$0x1], $0xffff;
	[tilespmem:s14+$0x40] =	vst v9  }
0x49d: {  	v58 =	vunpack.i.u.bf16.f32 v47;
	[tilespmem:s14+$0x50] =	vst v54  }
0x49e: {  	v57 =	vunpack.i.l.bf16.f32 v47;
	v7 =	vmul.f32 v58, v55;
	v59 =	vbroadcast v3, $0xB;
	v60 =	vld.idx.msk [tilespmem:v0+s11+$0xB0 ss:$0x1], $0xffff  }
0x49f: {  	v61 =	vunpack.i.l.bf16.f32 v52;
	v9 =	vmul.f32 v57, v55  }
0x4a0: {  	v63 =	vbroadcast v4, $0xB;
	[tilespmem:s2+$0x70] =	vst v7;
	v62 =	vunpack.i.u.bf16.f32 v52;
	v8 =	vmul.f32 v61, v59  }
0x4a1: {  	v14 =	vmul.f32 v62, v59;
	v17 =	vunpack.i.u.bf16.f32 v56;
	[tilespmem:s2+$0x60] =	vst v9  }
0x4a2: {  	v18 =	vbroadcast v5, $0xB;
	v15 =	vunpack.i.l.bf16.f32 v56;
	[tilespmem:s30+$0x60] =	vst v8;
	v19 =	vmul.f32 v17, v63;
	v16 =	vld.idx.msk [tilespmem:v0+s26+$0xC0 ss:$0x1], $0xffff  }
0x4a3: {  	[tilespmem:s30+$0x70] =	vst v14;
	v9 =	vmul.f32 v15, v63;
	v20 =	vunpack.i.l.bf16.f32 v60  }
0x4a4: {  	v21 =	vld.idx.msk [tilespmem:v0+s31+$0xC0 ss:$0x1], $0xffff;
	[tilespmem:s0+$0x70] =	vst v19;
	v22 =	vunpack.i.u.bf16.f32 v60;
	v8 =	vmul.f32 v20, v18  }
0x4a5: {  	[tilespmem:s0+$0x60] =	vst v9;
	v23 =	vmul.f32 v22, v18  }
0x4a6: {  	v24 =	vbroadcast v2, $0xC;
	v25 =	vld.idx.msk [tilespmem:v0+s4+$0xC0 ss:$0x1], $0xffff;
	[tilespmem:s14+$0x60] =	vst v8  }
0x4a7: {  	v26 =	vunpack.i.l.bf16.f32 v16;
	[tilespmem:s14+$0x70] =	vst v23  }
0x4a8: {  	v28 =	vbroadcast v3, $0xC;
	v27 =	vunpack.i.u.bf16.f32 v16;
	v8 =	vmul.f32 v26, v24;
	v29 =	vld.idx.msk [tilespmem:v0+s11+$0xC0 ss:$0x1], $0xffff  }
0x4a9: {  	[tilespmem:s29+$0xE0] =	vst v6;
	v31 =	vunpack.i.l.bf16.f32 v21;
	v30 =	vmul.f32 v27, v24  }
0x4aa: {  	v32 =	vld.idx.msk [tilespmem:v0+s24+$0xD0 ss:$0x1], $0xffff;
	v34 =	vbroadcast v4, $0xC;
	v33 =	vunpack.i.u.bf16.f32 v21;
	v7 =	vmul.f32 v31, v28;
	[tilespmem:s2+$0x80] =	vst v8  }
0x4ab: {  	v35 =	vmul.f32 v33, v28;
	v36 =	vunpack.i.l.bf16.f32 v25;
	[tilespmem:s2+$0x90] =	vst v30  }
0x4ac: {  	v39 =	vbroadcast v5, $0xC;
	[tilespmem:s30+$0x80] =	vst v7;
	v38 =	vunpack.i.u.bf16.f32 v25;
	v8 =	vmul.f32 v36, v34;
	v37 =	vld.idx.msk [tilespmem:v0+s26+$0xD0 ss:$0x1], $0xffff  }
0x4ad: {  	[tilespmem:s30+$0x90] =	vst v35;
	v40 =	vmul.f32 v38, v34;
	v41 =	vunpack.i.l.bf16.f32 v29  }
0x4ae: {  	v42 =	vbroadcast v1, $0xD;
	v14 =	vld.idx.msk [tilespmem:v0+s31+$0xD0 ss:$0x1], $0xffff;
	[tilespmem:s0+$0x80] =	vst v8;
	v43 =	vunpack.i.u.bf16.f32 v29;
	v7 =	vmul.f32 v41, v39  }
0x4af: {  	v44 =	vunpack.i.l.bf16.f32 v32;
	[tilespmem:s0+$0x90] =	vst v40;
	v45 =	vmul.f32 v43, v39  }
0x4b0: {  	v46 =	vunpack.i.u.bf16.f32 v32;
	v48 =	vbroadcast v2, $0xD;
	v47 =	vmul.f32 v44, v42;
	v49 =	vld.idx.msk [tilespmem:v0+s4+$0xD0 ss:$0x1], $0xffff;
	[tilespmem:s14+$0x80] =	vst v7  }
0x4b1: {  	v50 =	vmul.f32 v46, v42;
	v51 =	vunpack.i.l.bf16.f32 v37;
	[tilespmem:s14+$0x90] =	vst v45  }
0x4b2: {  	[tilespmem:s12+$0xA0] =	vst v47;
	v53 =	vbroadcast v3, $0xD;
	v52 =	vunpack.i.u.bf16.f32 v37;
	v8 =	vmul.f32 v51, v48;
	v54 =	vld.idx.msk [tilespmem:v0+s11+$0xD0 ss:$0x1], $0xffff  }
0x4b3: {  	[tilespmem:s12+$0xB0] =	vst v50;
	v57 =	vunpack.i.u.bf16.f32 v14;
	v6 =	vmul.f32 v52, v48  }
0x4b4: {  	v58 =	vbroadcast v4, $0xD;
	v56 =	vld.idx.msk [tilespmem:v0+s24+$0xE0 ss:$0x1], $0xffff;
	v55 =	vunpack.i.l.bf16.f32 v14;
	v59 =	vmul.f32 v57, v53;
	[tilespmem:s2+$0xA0] =	vst v8  }
0x4b5: {  	v7 =	vmul.f32 v55, v53;
	v60 =	vunpack.i.l.bf16.f32 v49;
	[tilespmem:s2+$0xB0] =	vst v6  }
0x4b6: {  	v63 =	vbroadcast v5, $0xD;
	[tilespmem:s30+$0xB0] =	vst v59;
	v62 =	vunpack.i.u.bf16.f32 v49;
	v8 =	vmul.f32 v60, v58;
	v61 =	vld.idx.msk [tilespmem:v0+s26+$0xE0 ss:$0x1], $0xffff  }
0x4b7: {  	[tilespmem:s30+$0xA0] =	vst v7;
	v16 =	vmul.f32 v62, v58;
	v17 =	vunpack.i.l.bf16.f32 v54  }
0x4b8: {  	v18 =	vbroadcast v1, $0xE;
	v19 =	vld.idx.msk [tilespmem:v0+s31+$0xE0 ss:$0x1], $0xffff;
	[tilespmem:s0+$0xA0] =	vst v8;
	v20 =	vunpack.i.u.bf16.f32 v54;
	v7 =	vmul.f32 v17, v63  }
0x4b9: {  	v21 =	vunpack.i.l.bf16.f32 v56;
	[tilespmem:s0+$0xB0] =	vst v16;
	v22 =	vmul.f32 v20, v63  }
0x4ba: {  	v23 =	vunpack.i.u.bf16.f32 v56;
	v10 =	vmul.f32 v21, v18;
	v24 =	vbroadcast v2, $0xE;
	v25 =	vld.idx.msk [tilespmem:v0+s4+$0xE0 ss:$0x1], $0xffff;
	[tilespmem:s14+$0xA0] =	vst v7  }
0x4bb: {  	v26 =	vmul.f32 v23, v18;
	v27 =	vunpack.i.l.bf16.f32 v61;
	[tilespmem:s14+$0xB0] =	vst v22  }
0x4bc: {  	[tilespmem:s12+$0xC0] =	vst v10;
	v29 =	vbroadcast v3, $0xE;
	v28 =	vunpack.i.u.bf16.f32 v61;
	v8 =	vmul.f32 v27, v24;
	v30 =	vld.idx.msk [tilespmem:v0+s11+$0xE0 ss:$0x1], $0xffff  }
0x4bd: {  	[tilespmem:s12+$0xD0] =	vst v26;
	v31 =	vunpack.i.l.bf16.f32 v19;
	v6 =	vmul.f32 v28, v24  }
0x4be: {  	v34 =	vbroadcast v4, $0xE;
	v32 =	vld.idx.msk [tilespmem:v0+s24+$0xF0 ss:$0x1], $0xffff;
	v33 =	vunpack.i.u.bf16.f32 v19;
	v7 =	vmul.f32 v31, v29;
	[tilespmem:s2+$0xC0] =	vst v8  }
0x4bf: {  	v35 =	vmul.f32 v33, v29;
	v36 =	vunpack.i.l.bf16.f32 v25;
	[tilespmem:s2+$0xD0] =	vst v6  }
0x4c0: {  	v39 =	vbroadcast v5, $0xE;
	v38 =	vunpack.i.u.bf16.f32 v25;
	[tilespmem:s30+$0xC0] =	vst v7;
	v8 =	vmul.f32 v36, v34;
	v37 =	vld.idx.msk [tilespmem:v0+s26+$0xF0 ss:$0x1], $0xffff  }
0x4c1: {  	[tilespmem:s30+$0xD0] =	vst v35;
	v40 =	vmul.f32 v38, v34;
	v41 =	vunpack.i.l.bf16.f32 v30  }
0x4c2: {  	v42 =	vbroadcast v1, $0xF;
	v43 =	vld.idx.msk [tilespmem:v0+s31+$0xF0 ss:$0x1], $0xffff;
	[tilespmem:s0+$0xC0] =	vst v8;
	v44 =	vunpack.i.u.bf16.f32 v30;
	v7 =	vmul.f32 v41, v39  }
0x4c3: {  	v45 =	vunpack.i.u.bf16.f32 v32;
	[tilespmem:s0+$0xD0] =	vst v40;
	v46 =	vmul.f32 v44, v39  }
0x4c4: {  	v47 =	vunpack.i.l.bf16.f32 v32;
	v48 =	vbroadcast v2, $0xF;
	v10 =	vmul.f32 v45, v42;
	v49 =	vld.idx.msk [tilespmem:v0+s4+$0xF0 ss:$0x1], $0xffff;
	[tilespmem:s14+$0xC0] =	vst v7  }
0x4c5: {  	v1 =	vmul.f32 v47, v42;
	v50 =	vunpack.i.u.bf16.f32 v37;
	[tilespmem:s14+$0xD0] =	vst v46  }
0x4c6: {  	v52 =	vbroadcast v3, $0xF;
	[tilespmem:s12+$0xF0] =	vst v10;
	v51 =	vunpack.i.l.bf16.f32 v37;
	v7 =	vmul.f32 v50, v48;
	v53 =	vld.idx.msk [tilespmem:v0+s11+$0xF0 ss:$0x1], $0xffff  }
0x4c7: {  	[tilespmem:s12+$0xE0] =	vst v1;
	v55 =	vunpack.i.u.bf16.f32 v43;
	v54 =	vmul.f32 v51, v48  }
0x4c8: {  	v57 =	vbroadcast v4, $0xF;
	v56 =	vunpack.i.l.bf16.f32 v43;
	v2 =	vmul.f32 v55, v52;
	[tilespmem:s2+$0xF0] =	vst v7  }
0x4c9: {  	v58 =	vmul.f32 v56, v52;
	v59 =	vunpack.i.u.bf16.f32 v49;
	[tilespmem:s2+$0xE0] =	vst v54  }
0x4ca: {  	v61 =	vbroadcast v5, $0xF;
	v60 =	vunpack.i.l.bf16.f32 v49;
	[tilespmem:s30+$0xF0] =	vst v2;
	v3 =	vmul.f32 v59, v57  }
0x4cb: {  	[tilespmem:s30+$0xE0] =	vst v58;
	v62 =	vmul.f32 v60, v57;
	v63 =	vunpack.i.u.bf16.f32 v53  }
0x4cc: {  	[tilespmem:s0+$0xF0] =	vst v3;
	v0 =	vunpack.i.l.bf16.f32 v53;
	v2 =	vmul.f32 v63, v61  }
0x4cd: {  	[tilespmem:s0+$0xE0] =	vst v62;
	v0 =	vmul.f32 v0, v61  }
0x4ce: {  	p1 =	seq.s32 s9, $0x0;
	[tilespmem:s14+$0xF0] =	vst v2  }
0x4cf: {  	s0 =	simm.s32 @!p1 $0x2;
	[tilespmem:s14+$0xE0] =	vst v0  }
0x4d0: {  	_ =	swait.ge @!p1 [sflag:s0], $0x1000  }
0x4d1: {  	[sflag:s0] =	ssyncset.done @!p1 $0x0  }
0x4d2: {  	[sflag:s0] =	ssyncadd.s32 @!p1 $0xFFFFF000  }
0x4d3: {  	_ =	swait.ge @!p1 [sflag:s0], $0x1000  }
0x4d4: {  	[sflag:s0] =	ssyncset.done @!p1 $0x0  }
0x4d5: {  	[sflag:s0] =	ssyncadd.s32 @!p1 $0xFFFFF000  }
0x4d6: {  	_ =	swait.ge @!p1 [sflag:s0], $0x1000  }
0x4d7: {  	[sflag:s0] =	ssyncset.done @!p1 $0x0  }
0x4d8: {  	[sflag:s0] =	ssyncadd.s32 @!p1 $0xFFFFF000  }
0x4d9: {  	_ =	swait.ge @!p1 [sflag:s0], $0x1000  }
0x4da: {  	s20 =	sshrl.u32 s18, $0x2;
	[sflag:s0] =	ssyncset.done @!p1 $0x0  }
0x4db: {  	s9 =	sadd.s32 $0x1, s9;
	s21 =	sadd.s32 $0x1A00, s20;
	[sflag:s0] =	ssyncadd.s32 @!p1 $0xFFFFF000  }
0x4dc: {  	[spmem:s3] =	stream.indirect.scatter.add.f32 [tilespmem:s17], [sflag:$0x2], $0x20, s21, s28, $0xb8;
	[tilespmem:$0x1CA40] =	vst v63  }
0x4dd: {  	s24 =	sadd.s32 $0xBE00, s16;
	s26 =	sadd.s32 $0x1A80, s20;
	p1 =	sne.s32 s9, $0xD  }
0x4de: {  	[spmem:s3] =	stream.indirect.scatter.add.f32 [tilespmem:s24], [sflag:$0x2], $0x20, s26, s28, $0xb8;
	[tilespmem:$0x1CA40] =	vst v63  }
.Ltmp7:
0x4df: {  	s29 =	sadd.s32 $0xCE00, s16;
	(pc) =	sbr.rel @p1 .LBB2_14-.Ltmp7, $4  }
0x4e0: {  	p0 =	por !p0, !p0;
	s15 =	sadd.s32 $0x2000, s15;
	s30 =	sadd.s32 $0x1B00, s20  }
0x4e1: {  	[spmem:s3] =	stream.indirect.scatter.add.f32 [tilespmem:s29], [sflag:$0x2], $0x20, s30, s28, $0xb8;
	[tilespmem:$0x1CA40] =	vst v63  }
0x4e2: {  	s5 =	sadd.s32 $0x200, s5;
	s31 =	sadd.s32 $0xDE00, s16;
	s2 =	sadd.s32 $0x1B80, s20  }
0x4e3: {  	[spmem:s3] =	stream.indirect.scatter.add.f32 [tilespmem:s31], [sflag:$0x2], $0x20, s2, s28, $0xb8;
	[tilespmem:$0x1CA40] =	vst v63  }
0x4e4: {  	_ =	swait.ge [sflag:s23], $0x1000  }
0x4e5: {  	[sflag:s23] =	ssyncset.done $0x0  }
0x4e6: {  	[sflag:s23] =	ssyncadd.s32 $0xFFFFF000  }
0x4e7: {  	_ =	swait.ge [sflag:s23], $0x1000  }
0x4e8: {  	[sflag:s23] =	ssyncset.done $0x0  }
0x4e9: {  	[sflag:s23] =	ssyncadd.s32 $0xFFFFF000  }
0x4ea: {  	_ =	swait.ge [sflag:s23], $0x1000  }
0x4eb: {  	[sflag:s23] =	ssyncset.done $0x0  }
0x4ec: {  	[sflag:s23] =	ssyncadd.s32 $0xFFFFF000  }
0x4ed: {  	_ =	swait.ge [sflag:s23], $0x1000  }
0x4ee: {  	[sflag:s23] =	ssyncset.done $0x0  }
0x4ef: {  	[sflag:s23] =	ssyncadd.s32 $0xFFFFF000  }
0x4f0: {  	[bflag:$0x0] =	sbarrier.arrive $0xFFFF  }
0x4f1: {  	s15 =	rddreg [dreg:$0x8]  }
0x4f2: {  	s0 =	rddreg [dreg:$0x12]  }
0x4f3: {  	s2 =	simm.s32 $0x14;
	s4 =	simm.s32 $0x4;
	s5 =	rddreg [dreg:$0x14]  }
0x4f4: {  	[hbm:s0@s2], [sflag:s15] =	dma.strided [spmem:s5@s4], $0x9C4, s22, $0x4   }
0x4f5: {  	_ =	swait.ge [sflag:s25], $0x9C4  }
0x4f6: {  	s14 =	rddreg [dreg:$0x5]  }
0x4f7: {  	s31 =	rddreg [dreg:$0x13];
	s14 =	sadd.s32 $0x1, s14  }
0x4f8: {  	p0 =	sne.s32 s14, s31  }
.Ltmp8:
0x4f9: {  	_ = 	snop;
	(pc) =	sbr.rel @p0 .LBB2_1-.Ltmp8, $3  }
0x4fa: {  	[sflag:s25] =	ssyncset.done $0x0  }
0x4fb: {  	[sflag:s25] =	ssyncadd.s32 $0xFFFFF63C  }
0x4fc: {  	[bflag:$0x0] =	sbarrier.arrive $0xFFFF;
	_ =	sdelay $0x1  }
0x4fd: {  	_ =	sfence.sel $0x180000  }
0x4fe: {  	[bflag:$0x0] =	sbarrier.arrive $0xFFFF  }
0x4ff: {  	_ =	strace $0x90000047  }
0x500: {  	s0 =	stileid.u32;
	[bflag:$0x2] =	sbarrier.arrive $0xFFFF  }
0x501: {  	p0 =	sne.s32 s0, $0x0;
	s0 =	rddreg [dreg:$0x4]  }
0x502: {  	s0 =	sadd.s32 @!p0 $0x100000, s0  }
0x503: {  	[sflag:s0] =	ssyncadd.tile.s32 @!p0 $0x1;
	_ =	shalt  }
.Lfunc_end2:
_tile_overlayer_lowered:
.L_overlay_start_2:
0x504: {  	(tag) =	ssettag $0x2  }
0x505: {  	s0 =	rddreg [dreg:$0x0];
	s2 =	stileid.u32  }
0x506: {  	s1 =	rddreg [dreg:$0x1];
	p0 =	sne.s32 s2, $0x0  }
0x507: {  	s3 =	rddreg [dreg:$0x2];
	[bflag:$0x3] =	sbarrier.arrive $0xFFFF;
	s2 =	simm.s32 @!p0 $0x1C03  }
0x508: {  	[timem:s3], [sflag:s2] =	dma.local @!p0 [hbm:s0], s1  }
0x509: {  	s0 =	simm.s32 @!p0 $0x3  }
0x50a: {  	_ =	swait.ge @!p0 [sflag:s0], s1  }
0x50b: {  	s1 =	ssub.s32 @!p0 $0x0, s1;
	[sflag:s0] =	ssyncset.done @!p0 $0x0  }
0x50c: {  	[sflag:s0] =	ssyncadd.s32 @!p0 s1  }
0x50d: {  	[bflag:$0x3] =	sbarrier.arrive $0xFFFF  }
0x50e: {  	_ =	shalt  }

</sc_bundles>
